<compile_context>
chip_gen: v7x
topology: tpu7x:2x2x1
jax: 0.10.2.dev20260603
libtpu: 0.0.44.dev20260713+nightly
codegen_flags: <defaults>
</compile_context>

<pallas_src>
import functools

import jax
import jax.numpy as jnp
from jax import lax
from jax.experimental import pallas as pl
from jax.experimental.pallas import tpu as pltpu
from jax.experimental.pallas import tpu_sc as plsc

N_NODES = 10000
N_EDGES = 320000
D_IN = 128
D_OUT = 16

NC = 2
NS = 16
NW = NC * NS
EPW = N_EDGES // NW
CHUNK = 80
NCHUNK = EPW // CHUNK
BLOCKS = ((0, 32), (32, 32), (64, 32), (96, NCHUNK - 96))
IBUF = 32
ROWS_MAIN = 632
ROWS_LAST = N_NODES - (NS - 1) * ROWS_MAIN


def _seg_sum_partials(ei, x, d):
    mesh = plsc.VectorSubcoreMesh(core_axis_name="c", subcore_axis_name="s")

    @functools.partial(
        pl.kernel,
        out_type=jax.ShapeDtypeStruct((NC, N_NODES, d), jnp.float32),
        mesh=mesh,
        scratch_types=[
            pltpu.VMEM((IBUF, CHUNK), jnp.int32),
            pltpu.VMEM((IBUF, CHUNK), jnp.int32),
            pltpu.VMEM((IBUF, CHUNK), jnp.int32),
            pltpu.VMEM((IBUF, CHUNK), jnp.int32),
            pltpu.VMEM((CHUNK, d), jnp.float32),
            pltpu.VMEM((CHUNK, d), jnp.float32),
            pltpu.VMEM((CHUNK, d), jnp.float32),
            pltpu.VMEM_SHARED((N_NODES, d), jnp.float32),
            pltpu.SemaphoreType.DMA,
            pltpu.SemaphoreType.DMA,
            pltpu.SemaphoreType.DMA,
            pltpu.SemaphoreType.DMA,
            pltpu.SemaphoreType.DMA,
            pltpu.SemaphoreType.DMA,
            pltpu.SemaphoreType.DMA,
        ],
    )
    def body(ei_hbm, x_hbm, out_hbm, sidx_a, didx_a, sidx_b, didx_b,
             rows_0, rows_1, rows_2, acc, gs_0, gs_1, gs_2, ss_0, ss_1, ss_2,
             isem):
        rows = (rows_0, rows_1, rows_2)
        gsem = (gs_0, gs_1, gs_2)
        ssem = (ss_0, ss_1, ss_2)
        sets = ((sidx_a, didx_a), (sidx_b, didx_b))
        cid = lax.axis_index("c")
        sid = lax.axis_index("s")
        wid = sid * NC + cid

        base = sid * ROWS_MAIN


        def block_of(g):
            for bi, (start, cnt) in enumerate(BLOCKS):
                if start <= g < start + cnt:
                    return bi, start
            raise AssertionError(g)

        def load_idx(bi, sync):
            start, cnt = BLOCKS[bi]
            s, dd = sets[bi % 2]
            copies = ((ei_hbm.at[0, wid, pl.ds(start, cnt)], s.at[pl.ds(0, cnt)]),
                      (ei_hbm.at[1, wid, pl.ds(start, cnt)], dd.at[pl.ds(0, cnt)]))
            for hsrc, vdst in copies:
                if sync:
                    pltpu.sync_copy(hsrc, vdst)
                else:
                    pltpu.async_copy(hsrc, vdst, isem)

        def wait_idx(bi):
            start, cnt = BLOCKS[bi]
            s, dd = sets[bi % 2]
            pltpu.make_async_copy(ei_hbm.at[0, wid, pl.ds(start, cnt)],
                                  s.at[pl.ds(0, cnt)], isem).wait()
            pltpu.make_async_copy(ei_hbm.at[1, wid, pl.ds(start, cnt)],
                                  dd.at[pl.ds(0, cnt)], isem).wait()

        def issue_gather(g):
            bi, start = block_of(g)
            s = sets[bi % 2][0]
            pltpu.async_copy(x_hbm.at[s.at[g - start]], rows[g % 3],
                             gsem[g % 3])

        def chunk_static(g, wait_prev_scatter, gather_g):
            bi, start = block_of(g)
            s, dd = sets[bi % 2]
            b = g % 3
            pltpu.make_async_copy(x_hbm.at[s.at[g - start]], rows[b],
                                  gsem[b]).wait()
            pltpu.async_copy(rows[b], acc.at[dd.at[g - start]], ssem[b],
                             add=True)
            if gather_g is not None:
                if wait_prev_scatter:
                    nb = (b + 2) % 3
                    pltpu.make_async_copy(rows[nb], acc.at[dd.at[0]],
                                          ssem[nb]).wait()
                issue_gather(gather_g)

        load_idx(0, sync=True)
        load_idx(1, sync=False)
        issue_gather(0)
        issue_gather(1)

        def zrow(i, carry):
            for j in range(d // 16):
                rows_2[i, pl.ds(j * 16, 16)] = jnp.zeros((16,), jnp.float32)
            return carry

        lax.fori_loop(0, CHUNK, zrow, 0)

        def zfill(nfull, tail):
            for k in range(nfull):
                pltpu.async_copy(rows_2, acc.at[pl.ds(base + k * CHUNK, CHUNK)],
                                 ss_0)
            pltpu.async_copy(rows_2.at[pl.ds(0, tail)],
                             acc.at[pl.ds(base + nfull * CHUNK, tail)], ss_0)
            for k in range(nfull):
                pltpu.make_async_copy(rows_2, acc.at[pl.ds(base, CHUNK)],
                                      ss_0).wait()
            pltpu.make_async_copy(rows_2.at[pl.ds(0, tail)],
                                  acc.at[pl.ds(base, tail)], ss_0).wait()

        @pl.when(sid < NS - 1)
        def _():
            zfill(ROWS_MAIN // CHUNK, ROWS_MAIN % CHUNK)

        @pl.when(sid == NS - 1)
        def _():
            zfill(ROWS_LAST // CHUNK, ROWS_LAST % CHUNK)

        plsc.subcore_barrier()

        for bi, (g0, cnt) in enumerate(BLOCKS):
            s, dd = sets[bi % 2]
            c0 = g0 % 3
            last = bi + 1 >= len(BLOCKS)

            chunk_static(g0, g0 >= 1, g0 + 2)
            chunk_static(g0 + 1, True, g0 + 3)
            if 1 <= bi < len(BLOCKS) - 1:
                load_idx(bi + 1, sync=False)

            def step(i, carry, s=s, dd=dd, c0=c0):
                for b in range(3):
                    nb = (b + 2) % 3

                    @pl.when(lax.rem(i + c0, 3) == b)
                    def _():
                        pltpu.make_async_copy(x_hbm.at[s.at[i]], rows[b],
                                              gsem[b]).wait()
                        pltpu.async_copy(rows[b], acc.at[dd.at[i]], ssem[b],
                                         add=True)
                        pltpu.make_async_copy(rows[nb], acc.at[dd.at[i]],
                                              ssem[nb]).wait()
                        pltpu.async_copy(x_hbm.at[s.at[i + 2]], rows[nb],
                                         gsem[nb])

                return carry

            lax.fori_loop(2, cnt - 2, step, 0)

            if not last:
                wait_idx(bi + 1)
                chunk_static(g0 + cnt - 2, True, g0 + cnt)
                chunk_static(g0 + cnt - 1, True, g0 + cnt + 1)
            else:
                chunk_static(g0 + cnt - 2, True, None)
                chunk_static(g0 + cnt - 1, False, None)

        for b in range(3):
            pltpu.make_async_copy(rows[b], acc.at[didx_a.at[0]],
                                  ssem[b]).wait()

        plsc.subcore_barrier()

        @pl.when(sid < NS - 1)
        def _():
            pltpu.sync_copy(acc.at[pl.ds(base, ROWS_MAIN)],
                            out_hbm.at[cid, pl.ds(base, ROWS_MAIN)])

        @pl.when(sid == NS - 1)
        def _():
            pltpu.sync_copy(acc.at[pl.ds(base, ROWS_LAST)],
                            out_hbm.at[cid, pl.ds(base, ROWS_LAST)])

    return body(ei, x)


def _dense_mid(parts, W1, b1):
    R = 10000

    def body(a_ref, w1_ref, b1_ref, o_ref):
        a = a_ref[0] + a_ref[1]
        h = jnp.dot(a, w1_ref[...], preferred_element_type=jnp.float32)
        o_ref[...] = jnp.maximum(h + b1_ref[...], 0.0)

    return pl.pallas_call(
        body,
        grid=(N_NODES // R,),
        in_specs=[
            pl.BlockSpec((NC, R, D_IN), lambda i: (0, i, 0)),
            pl.BlockSpec((D_IN, D_IN), lambda i: (0, 0)),
            pl.BlockSpec((1, D_IN), lambda i: (0, 0)),
        ],
        out_specs=pl.BlockSpec((R, D_IN), lambda i: (i, 0)),
        out_shape=jax.ShapeDtypeStruct((N_NODES, D_IN), jnp.float32),
    )(parts, W1, b1.reshape(1, D_IN))


def _final_logsoftmax(parts2, W2, b2):
    R = 10000

    def body(a_ref, w2_ref, b2_ref, o_ref):
        a = a_ref[0] + a_ref[1]
        v = jnp.dot(a, w2_ref[...], preferred_element_type=jnp.float32)
        v = v + b2_ref[...]
        m = jnp.max(v, axis=1, keepdims=True)
        e = jnp.exp(v - m)
        s = jnp.sum(e, axis=1, keepdims=True)
        o_ref[...] = (v - m) - jnp.log(s)

    return pl.pallas_call(
        body,
        grid=(N_NODES // R,),
        in_specs=[
            pl.BlockSpec((NC, R, D_IN), lambda i: (0, i, 0)),
            pl.BlockSpec((D_IN, D_OUT), lambda i: (0, 0)),
            pl.BlockSpec((1, D_OUT), lambda i: (0, 0)),
        ],
        out_specs=pl.BlockSpec((R, D_OUT), lambda i: (i, 0)),
        out_shape=jax.ShapeDtypeStruct((N_NODES, D_OUT), jnp.float32),
    )(parts2, W2, b2.reshape(1, D_OUT))


def kernel(x, edge_index, W1, b1, W2, b2):
    ei = edge_index.astype(jnp.int32).reshape(2, NW, NCHUNK, CHUNK)
    parts1 = _seg_sum_partials(ei, x, D_IN)
    h = _dense_mid(parts1, W1, b1)
    parts2 = _seg_sum_partials(ei, h, D_IN)
    return _final_logsoftmax(parts2, W2, b2)

# --- scband reference (transcript-rebuilt; emitter-appended) ---
"""Pipeline reference for scband-gcn-41772851920952 (READ-ONLY COPY).

The authoritative reference and input builder live on the scoring server;
editing this copy changes nothing except your own understanding.
"""

import jax, jax.numpy as jnp
import numpy as np

N_NODES = 10000
N_EDGES = 320000
D_IN = 128
D_HID = 128
D_OUT = 16


def setup_inputs(seed: int = 0) -> dict:
    key = jax.random.key(seed)
    k_x, k_ei, k_w1, k_w2 = jax.random.split(key, 4)
    x = jax.random.normal(k_x, (N_NODES, D_IN), dtype=jnp.float32)
    edge_index = jax.random.randint(k_ei, (2, N_EDGES), 0, N_NODES, dtype=jnp.int64)
    # xavier_uniform init for weights, zeros for bias (matches reset_parameters)
    lim1 = float(np.sqrt(6.0 / (D_IN + D_HID)))
    W1 = jax.random.uniform(k_w1, (D_IN, D_HID), minval=-lim1, maxval=lim1, dtype=jnp.float32)
    b1 = jnp.zeros((D_HID,), dtype=jnp.float32)
    lim2 = float(np.sqrt(6.0 / (D_HID + D_OUT)))
    W2 = jax.random.uniform(k_w2, (D_HID, D_OUT), minval=-lim2, maxval=lim2, dtype=jnp.float32)
    b2 = jnp.zeros((D_OUT,), dtype=jnp.float32)
    return {"x": x, "edge_index": edge_index, "W1": W1, "b1": b1, "W2": W2, "b2": b2}


def _gcn_ghost_conv(x, src, dst, W, b, num_nodes):
    # message: gather source features per edge, transform by weight
    x_j = jnp.take(x, src, axis=0)            # gather [E, d_in]
    msg = jnp.matmul(x_j, W)                  # per-edge matmul [E, d_out]
    # aggregate: scatter-add messages at destination nodes
    aggr = jax.ops.segment_sum(msg, dst, num_segments=num_nodes)
    # update: add bias
    return aggr + b


def reference(x, edge_index, W1, b1, W2, b2):
    src = edge_index[0]
    dst = edge_index[1]
    n = x.shape[0]
    h = _gcn_ghost_conv(x, src, dst, W1, b1, n)
    h = jax.nn.relu(h)
    # F.dropout with training=False (eval mode) is identity
    out = _gcn_ghost_conv(h, src, dst, W2, b2, n)
    return jax.nn.log_softmax(out, axis=1)

if __name__ == "__main__":
    import jax
    _d = setup_inputs()
    print(jax.jit(kernel)(*tuple(_d.values())))

</pallas_src>

<mosaic_0001>
#map = affine_map<(d0, d1) -> (0, 0, 0, 0)>
#map1 = affine_map<(d0, d1) -> (0, 0)>
#map2 = affine_map<(d0, d1) -> (0, 0, 0)>
module attributes {stable_mosaic.version = 14 : i64} {
  func.func @body(%arg0: i32, %arg1: i32, %arg2: memref<2x32x125x80xi32, #tpu.memory_space<hbm>>, %arg3: memref<10000x128xf32, #tpu.memory_space<hbm>>, %arg4: memref<2x10000x128xf32, #tpu.memory_space<hbm>>, %arg5: memref<32x80xi32, #tpu.memory_space<vmem>>, %arg6: memref<32x80xi32, #tpu.memory_space<vmem>>, %arg7: memref<32x80xi32, #tpu.memory_space<vmem>>, %arg8: memref<32x80xi32, #tpu.memory_space<vmem>>, %arg9: memref<80x128xf32, #tpu.memory_space<vmem>>, %arg10: memref<80x128xf32, #tpu.memory_space<vmem>>, %arg11: memref<80x128xf32, #tpu.memory_space<vmem>>, %arg12: memref<10000x128xf32, #tpu.memory_space<vmem_shared>>, %arg13: memref<!tpu.dma_semaphore, #tpu.memory_space<semaphore_mem>>, %arg14: memref<!tpu.dma_semaphore, #tpu.memory_space<semaphore_mem>>, %arg15: memref<!tpu.dma_semaphore, #tpu.memory_space<semaphore_mem>>, %arg16: memref<!tpu.dma_semaphore, #tpu.memory_space<semaphore_mem>>, %arg17: memref<!tpu.dma_semaphore, #tpu.memory_space<semaphore_mem>>, %arg18: memref<!tpu.dma_semaphore, #tpu.memory_space<semaphore_mem>>, %arg19: memref<!tpu.dma_semaphore, #tpu.memory_space<semaphore_mem>>) attributes {dimension_semantics = [#tpu.dimension_semantics<core_parallel>, #tpu.dimension_semantics<subcore_parallel>], iteration_bounds = array<i64: 2, 16>, scalar_prefetch = 0 : i64, scratch_operands = 15 : i64, tpu.core_type = #tpu.core_type<sc_vector_subcore>, window_params = [{transform_indices = #map}, {transform_indices = #map1}, {transform_indices = #map2}]} {
    %mul3A = arith.constant 2 : i32
    %mul3A_0 = arith.muli %arg1, %mul3A : i32
    %add3A = arith.addi %mul3A_0, %arg0 : i32
    %mul3A_1 = arith.constant 632 : i32
    %mul3A_2 = arith.muli %arg1, %mul3A_1 : i32
    %run_scoped3A = arith.constant 0 : i32
    "tpu.region"() ({
      %run_scoped3A_676 = tpu.sem_alloc : memref<!tpu.dma_semaphore, #tpu.memory_space<semaphore_mem>>
      %dma_start3A_677 = arith.constant 0 : i32
      %dma_start3A_678 = arith.constant 0 : i32
      %dma_start3A_679 = tpu.memref_slice %arg5[%dma_start3A_677, %dma_start3A_678] : memref<32x80xi32, #tpu.memory_space<vmem>> -> memref<32x80xi32, #tpu.memory_space<vmem>>
      %dma_start3A_680 = arith.constant 0 : i32
      %dma_start3A_681 = arith.constant 0 : i32
      %dma_start3A_682 = tpu.memref_slice %arg2[%run_scoped3A, %add3A, %dma_start3A_680, %dma_start3A_681] : memref<2x32x125x80xi32, #tpu.memory_space<hbm>> -> memref<1x1x32x80xi32, #tpu.memory_space<hbm>>
      %dma_start3A_683 = tpu.memref_squeeze %dma_start3A_682 : memref<1x1x32x80xi32, #tpu.memory_space<hbm>> -> memref<32x80xi32, #tpu.memory_space<hbm>>
      %dma_start3A_684 = arith.constant 0 : i32
      %dma_start3A_685 = arith.constant 0 : i32
      %dma_start3A_686 = tpu.memref_slice %arg5[%dma_start3A_684, %dma_start3A_685] : memref<32x80xi32, #tpu.memory_space<vmem>> -> memref<32x80xi32, #tpu.memory_space<vmem>>
      %dma_start3A_687 = arith.constant 0 : i32
      %dma_start3A_688 = arith.constant 0 : i32
      %dma_start3A_689 = tpu.memref_slice %arg2[%run_scoped3A, %add3A, %dma_start3A_687, %dma_start3A_688] : memref<2x32x125x80xi32, #tpu.memory_space<hbm>> -> memref<1x1x32x80xi32, #tpu.memory_space<hbm>>
      %dma_start3A_690 = tpu.memref_squeeze %dma_start3A_689 : memref<1x1x32x80xi32, #tpu.memory_space<hbm>> -> memref<32x80xi32, #tpu.memory_space<hbm>>
      tpu.enqueue_dma source(%dma_start3A_690 : memref<32x80xi32, #tpu.memory_space<hbm>>) target(%dma_start3A_686 : memref<32x80xi32, #tpu.memory_space<vmem>>) target_semaphore(%run_scoped3A_676 : memref<!tpu.dma_semaphore, #tpu.memory_space<semaphore_mem>>)
      %dma_wait3A_691 = arith.constant 0 : i32
      %dma_wait3A_692 = arith.constant 0 : i32
      %dma_wait3A_693 = tpu.memref_slice %arg5[%dma_wait3A_691, %dma_wait3A_692] : memref<32x80xi32, #tpu.memory_space<vmem>> -> memref<32x80xi32, #tpu.memory_space<vmem>>
      %dma_wait3A_694 = arith.constant 0 : i32
      %dma_wait3A_695 = arith.constant 0 : i32
      %dma_wait3A_696 = tpu.memref_slice %arg2[%run_scoped3A, %add3A, %dma_wait3A_694, %dma_wait3A_695] : memref<2x32x125x80xi32, #tpu.memory_space<hbm>> -> memref<1x1x32x80xi32, #tpu.memory_space<hbm>>
      %dma_wait3A_697 = tpu.memref_squeeze %dma_wait3A_696 : memref<1x1x32x80xi32, #tpu.memory_space<hbm>> -> memref<32x80xi32, #tpu.memory_space<hbm>>
      %dma_wait3A_698 = arith.constant 0 : i32
      %dma_wait3A_699 = arith.constant 0 : i32
      %dma_wait3A_700 = tpu.memref_slice %arg5[%dma_wait3A_698, %dma_wait3A_699] : memref<32x80xi32, #tpu.memory_space<vmem>> -> memref<32x80xi32, #tpu.memory_space<vmem>>
      %dma_wait3A_701 = arith.constant 0 : i32
      %dma_wait3A_702 = arith.constant 0 : i32
      %dma_wait3A_703 = tpu.memref_slice %arg2[%run_scoped3A, %add3A, %dma_wait3A_701, %dma_wait3A_702] : memref<2x32x125x80xi32, #tpu.memory_space<hbm>> -> memref<1x1x32x80xi32, #tpu.memory_space<hbm>>
      %dma_wait3A_704 = tpu.memref_squeeze %dma_wait3A_703 : memref<1x1x32x80xi32, #tpu.memory_space<hbm>> -> memref<32x80xi32, #tpu.memory_space<hbm>>
      tpu.wait_dma2 semaphore(%run_scoped3A_676 : memref<!tpu.dma_semaphore, #tpu.memory_space<semaphore_mem>>) src(%dma_wait3A_704 : memref<32x80xi32, #tpu.memory_space<hbm>>) dst(%dma_wait3A_700 : memref<32x80xi32, #tpu.memory_space<vmem>>)
      tpu.yield
    }) : () -> ()
    %run_scoped3A_3 = arith.constant 1 : i32
    "tpu.region"() ({
      %run_scoped3A_676 = tpu.sem_alloc : memref<!tpu.dma_semaphore, #tpu.memory_space<semaphore_mem>>
      %dma_start3A_677 = arith.constant 0 : i32
      %dma_start3A_678 = arith.constant 0 : i32
      %dma_start3A_679 = tpu.memref_slice %arg6[%dma_start3A_677, %dma_start3A_678] : memref<32x80xi32, #tpu.memory_space<vmem>> -> memref<32x80xi32, #tpu.memory_space<vmem>>
      %dma_start3A_680 = arith.constant 0 : i32
      %dma_start3A_681 = arith.constant 0 : i32
      %dma_start3A_682 = tpu.memref_slice %arg2[%run_scoped3A_3, %add3A, %dma_start3A_680, %dma_start3A_681] : memref<2x32x125x80xi32, #tpu.memory_space<hbm>> -> memref<1x1x32x80xi32, #tpu.memory_space<hbm>>
      %dma_start3A_683 = tpu.memref_squeeze %dma_start3A_682 : memref<1x1x32x80xi32, #tpu.memory_space<hbm>> -> memref<32x80xi32, #tpu.memory_space<hbm>>
      %dma_start3A_684 = arith.constant 0 : i32
      %dma_start3A_685 = arith.constant 0 : i32
      %dma_start3A_686 = tpu.memref_slice %arg6[%dma_start3A_684, %dma_start3A_685] : memref<32x80xi32, #tpu.memory_space<vmem>> -> memref<32x80xi32, #tpu.memory_space<vmem>>
      %dma_start3A_687 = arith.constant 0 : i32
      %dma_start3A_688 = arith.constant 0 : i32
      %dma_start3A_689 = tpu.memref_slice %arg2[%run_scoped3A_3, %add3A, %dma_start3A_687, %dma_start3A_688] : memref<2x32x125x80xi32, #tpu.memory_space<hbm>> -> memref<1x1x32x80xi32, #tpu.memory_space<hbm>>
      %dma_start3A_690 = tpu.memref_squeeze %dma_start3A_689 : memref<1x1x32x80xi32, #tpu.memory_space<hbm>> -> memref<32x80xi32, #tpu.memory_space<hbm>>
      tpu.enqueue_dma source(%dma_start3A_690 : memref<32x80xi32, #tpu.memory_space<hbm>>) target(%dma_start3A_686 : memref<32x80xi32, #tpu.memory_space<vmem>>) target_semaphore(%run_scoped3A_676 : memref<!tpu.dma_semaphore, #tpu.memory_space<semaphore_mem>>)
      %dma_wait3A_691 = arith.constant 0 : i32
      %dma_wait3A_692 = arith.constant 0 : i32
      %dma_wait3A_693 = tpu.memref_slice %arg6[%dma_wait3A_691, %dma_wait3A_692] : memref<32x80xi32, #tpu.memory_space<vmem>> -> memref<32x80xi32, #tpu.memory_space<vmem>>
      %dma_wait3A_694 = arith.constant 0 : i32
      %dma_wait3A_695 = arith.constant 0 : i32
      %dma_wait3A_696 = tpu.memref_slice %arg2[%run_scoped3A_3, %add3A, %dma_wait3A_694, %dma_wait3A_695] : memref<2x32x125x80xi32, #tpu.memory_space<hbm>> -> memref<1x1x32x80xi32, #tpu.memory_space<hbm>>
      %dma_wait3A_697 = tpu.memref_squeeze %dma_wait3A_696 : memref<1x1x32x80xi32, #tpu.memory_space<hbm>> -> memref<32x80xi32, #tpu.memory_space<hbm>>
      %dma_wait3A_698 = arith.constant 0 : i32
      %dma_wait3A_699 = arith.constant 0 : i32
      %dma_wait3A_700 = tpu.memref_slice %arg6[%dma_wait3A_698, %dma_wait3A_699] : memref<32x80xi32, #tpu.memory_space<vmem>> -> memref<32x80xi32, #tpu.memory_space<vmem>>
      %dma_wait3A_701 = arith.constant 0 : i32
      %dma_wait3A_702 = arith.constant 0 : i32
      %dma_wait3A_703 = tpu.memref_slice %arg2[%run_scoped3A_3, %add3A, %dma_wait3A_701, %dma_wait3A_702] : memref<2x32x125x80xi32, #tpu.memory_space<hbm>> -> memref<1x1x32x80xi32, #tpu.memory_space<hbm>>
      %dma_wait3A_704 = tpu.memref_squeeze %dma_wait3A_703 : memref<1x1x32x80xi32, #tpu.memory_space<hbm>> -> memref<32x80xi32, #tpu.memory_space<hbm>>
      tpu.wait_dma2 semaphore(%run_scoped3A_676 : memref<!tpu.dma_semaphore, #tpu.memory_space<semaphore_mem>>) src(%dma_wait3A_704 : memref<32x80xi32, #tpu.memory_space<hbm>>) dst(%dma_wait3A_700 : memref<32x80xi32, #tpu.memory_space<vmem>>)
      tpu.yield
    }) : () -> ()
    %dma_start3A = arith.constant 0 : i32
    %dma_start3A_4 = arith.constant 0 : i32
    %dma_start3A_5 = arith.constant 0 : i32
    %dma_start3A_6 = tpu.memref_slice %arg7[%dma_start3A_4, %dma_start3A_5] : memref<32x80xi32, #tpu.memory_space<vmem>> -> memref<32x80xi32, #tpu.memory_space<vmem>>
    %dma_start3A_7 = arith.constant 32 : i32
    %dma_start3A_8 = arith.constant 0 : i32
    %dma_start3A_9 = tpu.memref_slice %arg2[%dma_start3A, %add3A, %dma_start3A_7, %dma_start3A_8] : memref<2x32x125x80xi32, #tpu.memory_space<hbm>> -> memref<1x1x32x80xi32, #tpu.memory_space<hbm>>
    %dma_start3A_10 = tpu.memref_squeeze %dma_start3A_9 : memref<1x1x32x80xi32, #tpu.memory_space<hbm>> -> memref<32x80xi32, #tpu.memory_space<hbm>>
    %dma_start3A_11 = arith.constant 0 : i32
    %dma_start3A_12 = arith.constant 0 : i32
    %dma_start3A_13 = tpu.memref_slice %arg7[%dma_start3A_11, %dma_start3A_12] : memref<32x80xi32, #tpu.memory_space<vmem>> -> memref<32x80xi32, #tpu.memory_space<vmem>>
    %dma_start3A_14 = arith.constant 32 : i32
    %dma_start3A_15 = arith.constant 0 : i32
    %dma_start3A_16 = tpu.memref_slice %arg2[%dma_start3A, %add3A, %dma_start3A_14, %dma_start3A_15] : memref<2x32x125x80xi32, #tpu.memory_space<hbm>> -> memref<1x1x32x80xi32, #tpu.memory_space<hbm>>
    %dma_start3A_17 = tpu.memref_squeeze %dma_start3A_16 : memref<1x1x32x80xi32, #tpu.memory_space<hbm>> -> memref<32x80xi32, #tpu.memory_space<hbm>>
    tpu.enqueue_dma source(%dma_start3A_17 : memref<32x80xi32, #tpu.memory_space<hbm>>) target(%dma_start3A_13 : memref<32x80xi32, #tpu.memory_space<vmem>>) target_semaphore(%arg19 : memref<!tpu.dma_semaphore, #tpu.memory_space<semaphore_mem>>)
    %dma_start3A_18 = arith.constant 1 : i32
    %dma_start3A_19 = arith.constant 0 : i32
    %dma_start3A_20 = arith.constant 0 : i32
    %dma_start3A_21 = tpu.memref_slice %arg8[%dma_start3A_19, %dma_start3A_20] : memref<32x80xi32, #tpu.memory_space<vmem>> -> memref<32x80xi32, #tpu.memory_space<vmem>>
    %dma_start3A_22 = arith.constant 32 : i32
    %dma_start3A_23 = arith.constant 0 : i32
    %dma_start3A_24 = tpu.memref_slice %arg2[%dma_start3A_18, %add3A, %dma_start3A_22, %dma_start3A_23] : memref<2x32x125x80xi32, #tpu.memory_space<hbm>> -> memref<1x1x32x80xi32, #tpu.memory_space<hbm>>
    %dma_start3A_25 = tpu.memref_squeeze %dma_start3A_24 : memref<1x1x32x80xi32, #tpu.memory_space<hbm>> -> memref<32x80xi32, #tpu.memory_space<hbm>>
    %dma_start3A_26 = arith.constant 0 : i32
    %dma_start3A_27 = arith.constant 0 : i32
    %dma_start3A_28 = tpu.memref_slice %arg8[%dma_start3A_26, %dma_start3A_27] : memref<32x80xi32, #tpu.memory_space<vmem>> -> memref<32x80xi32, #tpu.memory_space<vmem>>
    %dma_start3A_29 = arith.constant 32 : i32
    %dma_start3A_30 = arith.constant 0 : i32
    %dma_start3A_31 = tpu.memref_slice %arg2[%dma_start3A_18, %add3A, %dma_start3A_29, %dma_start3A_30] : memref<2x32x125x80xi32, #tpu.memory_space<hbm>> -> memref<1x1x32x80xi32, #tpu.memory_space<hbm>>
    %dma_start3A_32 = tpu.memref_squeeze %dma_start3A_31 : memref<1x1x32x80xi32, #tpu.memory_space<hbm>> -> memref<32x80xi32, #tpu.memory_space<hbm>>
    tpu.enqueue_dma source(%dma_start3A_32 : memref<32x80xi32, #tpu.memory_space<hbm>>) target(%dma_start3A_28 : memref<32x80xi32, #tpu.memory_space<vmem>>) target_semaphore(%arg19 : memref<!tpu.dma_semaphore, #tpu.memory_space<semaphore_mem>>)
    %dma_start3A_33 = arith.constant 0 : i32
    %dma_start3A_34 = arith.constant 0 : i32
    %dma_start3A_35 = tpu.memref_slice %arg5[%dma_start3A_33, %dma_start3A_34] : memref<32x80xi32, #tpu.memory_space<vmem>> -> memref<1x80xi32, #tpu.memory_space<vmem>>
    %dma_start3A_36 = tpu.memref_squeeze %dma_start3A_35 : memref<1x80xi32, #tpu.memory_space<vmem>> -> memref<80xi32, #tpu.memory_space<vmem>>
    %dma_start3A_37 = arith.constant 0 : i32
    %dma_start3A_38 = arith.constant 0 : i32
    %dma_start3A_39 = tpu.memref_slice %arg3[%dma_start3A_37, %dma_start3A_38] : memref<10000x128xf32, #tpu.memory_space<hbm>> -> memref<10000x128xf32, #tpu.memory_space<hbm>>
    tpu.enqueue_indirect_dma source(%dma_start3A_39 : memref<10000x128xf32, #tpu.memory_space<hbm>>) target(%arg9 : memref<80x128xf32, #tpu.memory_space<vmem>>) offsets(%dma_start3A_36 : memref<80xi32, #tpu.memory_space<vmem>>) semaphore(%arg13 : memref<!tpu.dma_semaphore, #tpu.memory_space<semaphore_mem>>)
    %dma_start3A_40 = arith.constant 1 : i32
    %dma_start3A_41 = arith.constant 0 : i32
    %dma_start3A_42 = tpu.memref_slice %arg5[%dma_start3A_40, %dma_start3A_41] : memref<32x80xi32, #tpu.memory_space<vmem>> -> memref<1x80xi32, #tpu.memory_space<vmem>>
    %dma_start3A_43 = tpu.memref_squeeze %dma_start3A_42 : memref<1x80xi32, #tpu.memory_space<vmem>> -> memref<80xi32, #tpu.memory_space<vmem>>
    %dma_start3A_44 = arith.constant 0 : i32
    %dma_start3A_45 = arith.constant 0 : i32
    %dma_start3A_46 = tpu.memref_slice %arg3[%dma_start3A_44, %dma_start3A_45] : memref<10000x128xf32, #tpu.memory_space<hbm>> -> memref<10000x128xf32, #tpu.memory_space<hbm>>
    tpu.enqueue_indirect_dma source(%dma_start3A_46 : memref<10000x128xf32, #tpu.memory_space<hbm>>) target(%arg10 : memref<80x128xf32, #tpu.memory_space<vmem>>) offsets(%dma_start3A_43 : memref<80xi32, #tpu.memory_space<vmem>>) semaphore(%arg14 : memref<!tpu.dma_semaphore, #tpu.memory_space<semaphore_mem>>)
    %scan3A = arith.constant 0 : i32
    %scan3A_47 = arith.constant 0 : i32
    %scan3A_48 = arith.constant 80 : i32
    %scan3A_49 = arith.addi %scan3A_47, %scan3A_48 : i32
    %scan3A_50 = arith.constant 1 : i32
    scf.for %scan3A_676 = %scan3A_47 to %scan3A_49 step %scan3A_50  : i32 {
      %broadcast_in_dim3A = arith.constant 0.000000e+00 : f32
      %broadcast_in_dim3A_677 = vector.broadcast %broadcast_in_dim3A : f32 to vector<16xf32>
      %swap3A = arith.index_cast %scan3A_676 : i32 to index
      %swap3A_678 = arith.constant 0 : index
      %swap3A_679 = tpu.vector_load %arg11[%swap3A, %swap3A_678] {strides = array<i32>} : memref<80x128xf32, #tpu.memory_space<vmem>>, vector<1x16xf32>,
      %swap3A_680 = vector.shape_cast %swap3A_679 : vector<1x16xf32> to vector<16xf32>
      %swap3A_681 = vector.shape_cast %broadcast_in_dim3A_677 : vector<16xf32> to vector<1x16xf32>
      tpu.vector_store %arg11[%swap3A, %swap3A_678], %swap3A_681 {strides = array<i32>} : memref<80x128xf32, #tpu.memory_space<vmem>>, vector<1x16xf32>,
      %broadcast_in_dim3A_682 = arith.constant 0.000000e+00 : f32
      %broadcast_in_dim3A_683 = vector.broadcast %broadcast_in_dim3A_682 : f32 to vector<16xf32>
      %swap3A_684 = arith.index_cast %scan3A_676 : i32 to index
      %swap3A_685 = arith.constant 16 : index
      %swap3A_686 = tpu.vector_load %arg11[%swap3A_684, %swap3A_685] {strides = array<i32>} : memref<80x128xf32, #tpu.memory_space<vmem>>, vector<1x16xf32>,
      %swap3A_687 = vector.shape_cast %swap3A_686 : vector<1x16xf32> to vector<16xf32>
      %swap3A_688 = vector.shape_cast %broadcast_in_dim3A_683 : vector<16xf32> to vector<1x16xf32>
      tpu.vector_store %arg11[%swap3A_684, %swap3A_685], %swap3A_688 {strides = array<i32>} : memref<80x128xf32, #tpu.memory_space<vmem>>, vector<1x16xf32>,
      %broadcast_in_dim3A_689 = arith.constant 0.000000e+00 : f32
      %broadcast_in_dim3A_690 = vector.broadcast %broadcast_in_dim3A_689 : f32 to vector<16xf32>
      %swap3A_691 = arith.index_cast %scan3A_676 : i32 to index
      %swap3A_692 = arith.constant 32 : index
      %swap3A_693 = tpu.vector_load %arg11[%swap3A_691, %swap3A_692] {strides = array<i32>} : memref<80x128xf32, #tpu.memory_space<vmem>>, vector<1x16xf32>,
      %swap3A_694 = vector.shape_cast %swap3A_693 : vector<1x16xf32> to vector<16xf32>
      %swap3A_695 = vector.shape_cast %broadcast_in_dim3A_690 : vector<16xf32> to vector<1x16xf32>
      tpu.vector_store %arg11[%swap3A_691, %swap3A_692], %swap3A_695 {strides = array<i32>} : memref<80x128xf32, #tpu.memory_space<vmem>>, vector<1x16xf32>,
      %broadcast_in_dim3A_696 = arith.constant 0.000000e+00 : f32
      %broadcast_in_dim3A_697 = vector.broadcast %broadcast_in_dim3A_696 : f32 to vector<16xf32>
      %swap3A_698 = arith.index_cast %scan3A_676 : i32 to index
      %swap3A_699 = arith.constant 48 : index
      %swap3A_700 = tpu.vector_load %arg11[%swap3A_698, %swap3A_699] {strides = array<i32>} : memref<80x128xf32, #tpu.memory_space<vmem>>, vector<1x16xf32>,
      %swap3A_701 = vector.shape_cast %swap3A_700 : vector<1x16xf32> to vector<16xf32>
      %swap3A_702 = vector.shape_cast %broadcast_in_dim3A_697 : vector<16xf32> to vector<1x16xf32>
      tpu.vector_store %arg11[%swap3A_698, %swap3A_699], %swap3A_702 {strides = array<i32>} : memref<80x128xf32, #tpu.memory_space<vmem>>, vector<1x16xf32>,
      %broadcast_in_dim3A_703 = arith.constant 0.000000e+00 : f32
      %broadcast_in_dim3A_704 = vector.broadcast %broadcast_in_dim3A_703 : f32 to vector<16xf32>
      %swap3A_705 = arith.index_cast %scan3A_676 : i32 to index
      %swap3A_706 = arith.constant 64 : index
      %swap3A_707 = tpu.vector_load %arg11[%swap3A_705, %swap3A_706] {strides = array<i32>} : memref<80x128xf32, #tpu.memory_space<vmem>>, vector<1x16xf32>,
      %swap3A_708 = vector.shape_cast %swap3A_707 : vector<1x16xf32> to vector<16xf32>
      %swap3A_709 = vector.shape_cast %broadcast_in_dim3A_704 : vector<16xf32> to vector<1x16xf32>
      tpu.vector_store %arg11[%swap3A_705, %swap3A_706], %swap3A_709 {strides = array<i32>} : memref<80x128xf32, #tpu.memory_space<vmem>>, vector<1x16xf32>,
      %broadcast_in_dim3A_710 = arith.constant 0.000000e+00 : f32
      %broadcast_in_dim3A_711 = vector.broadcast %broadcast_in_dim3A_710 : f32 to vector<16xf32>
      %swap3A_712 = arith.index_cast %scan3A_676 : i32 to index
      %swap3A_713 = arith.constant 80 : index
      %swap3A_714 = tpu.vector_load %arg11[%swap3A_712, %swap3A_713] {strides = array<i32>} : memref<80x128xf32, #tpu.memory_space<vmem>>, vector<1x16xf32>,
      %swap3A_715 = vector.shape_cast %swap3A_714 : vector<1x16xf32> to vector<16xf32>
      %swap3A_716 = vector.shape_cast %broadcast_in_dim3A_711 : vector<16xf32> to vector<1x16xf32>
      tpu.vector_store %arg11[%swap3A_712, %swap3A_713], %swap3A_716 {strides = array<i32>} : memref<80x128xf32, #tpu.memory_space<vmem>>, vector<1x16xf32>,
      %broadcast_in_dim3A_717 = arith.constant 0.000000e+00 : f32
      %broadcast_in_dim3A_718 = vector.broadcast %broadcast_in_dim3A_717 : f32 to vector<16xf32>
      %swap3A_719 = arith.index_cast %scan3A_676 : i32 to index
      %swap3A_720 = arith.constant 96 : index
      %swap3A_721 = tpu.vector_load %arg11[%swap3A_719, %swap3A_720] {strides = array<i32>} : memref<80x128xf32, #tpu.memory_space<vmem>>, vector<1x16xf32>,
      %swap3A_722 = vector.shape_cast %swap3A_721 : vector<1x16xf32> to vector<16xf32>
      %swap3A_723 = vector.shape_cast %broadcast_in_dim3A_718 : vector<16xf32> to vector<1x16xf32>
      tpu.vector_store %arg11[%swap3A_719, %swap3A_720], %swap3A_723 {strides = array<i32>} : memref<80x128xf32, #tpu.memory_space<vmem>>, vector<1x16xf32>,
      %broadcast_in_dim3A_724 = arith.constant 0.000000e+00 : f32
      %broadcast_in_dim3A_725 = vector.broadcast %broadcast_in_dim3A_724 : f32 to vector<16xf32>
      %swap3A_726 = arith.index_cast %scan3A_676 : i32 to index
      %swap3A_727 = arith.constant 112 : index
      %swap3A_728 = tpu.vector_load %arg11[%swap3A_726, %swap3A_727] {strides = array<i32>} : memref<80x128xf32, #tpu.memory_space<vmem>>, vector<1x16xf32>,
      %swap3A_729 = vector.shape_cast %swap3A_728 : vector<1x16xf32> to vector<16xf32>
      %swap3A_730 = vector.shape_cast %broadcast_in_dim3A_725 : vector<16xf32> to vector<1x16xf32>
      tpu.vector_store %arg11[%swap3A_726, %swap3A_727], %swap3A_730 {strides = array<i32>} : memref<80x128xf32, #tpu.memory_space<vmem>>, vector<1x16xf32>,
    }
    %scan3A_51 = arith.constant 80 : i32
    %lt3A = arith.constant 15 : i32
    %lt3A_52 = arith.cmpi slt, %arg1, %lt3A : i32
    %convert_element_type3A = arith.extui %lt3A_52 : i1 to i32
    %cond3A = arith.constant 0 : i32
    %cond3A_53 = arith.cmpi ne, %convert_element_type3A, %cond3A : i32
    scf.if %cond3A_53 {
      %add3A_676 = arith.constant 0 : i32
      %add3A_677 = arith.addi %mul3A_2, %add3A_676 : i32
      %dma_start3A_678 = arith.constant 0 : i32
      %dma_start3A_679 = tpu.memref_slice %arg12[%add3A_677, %dma_start3A_678] : memref<10000x128xf32, #tpu.memory_space<vmem_shared>> -> memref<80x128xf32, #tpu.memory_space<vmem_shared>>
      %dma_start3A_680 = arith.constant 0 : i32
      %dma_start3A_681 = tpu.memref_slice %arg12[%add3A_677, %dma_start3A_680] : memref<10000x128xf32, #tpu.memory_space<vmem_shared>> -> memref<80x128xf32, #tpu.memory_space<vmem_shared>>
      tpu.enqueue_dma source(%arg11 : memref<80x128xf32, #tpu.memory_space<vmem>>) target(%dma_start3A_681 : memref<80x128xf32, #tpu.memory_space<vmem_shared>>) target_semaphore(%arg16 : memref<!tpu.dma_semaphore, #tpu.memory_space<semaphore_mem>>)
      %add3A_682 = arith.constant 80 : i32
      %add3A_683 = arith.addi %mul3A_2, %add3A_682 : i32
      %dma_start3A_684 = arith.constant 0 : i32
      %dma_start3A_685 = tpu.memref_slice %arg12[%add3A_683, %dma_start3A_684] : memref<10000x128xf32, #tpu.memory_space<vmem_shared>> -> memref<80x128xf32, #tpu.memory_space<vmem_shared>>
      %dma_start3A_686 = arith.constant 0 : i32
      %dma_start3A_687 = tpu.memref_slice %arg12[%add3A_683, %dma_start3A_686] : memref<10000x128xf32, #tpu.memory_space<vmem_shared>> -> memref<80x128xf32, #tpu.memory_space<vmem_shared>>
      tpu.enqueue_dma source(%arg11 : memref<80x128xf32, #tpu.memory_space<vmem>>) target(%dma_start3A_687 : memref<80x128xf32, #tpu.memory_space<vmem_shared>>) target_semaphore(%arg16 : memref<!tpu.dma_semaphore, #tpu.memory_space<semaphore_mem>>)
      %add3A_688 = arith.constant 160 : i32
      %add3A_689 = arith.addi %mul3A_2, %add3A_688 : i32
      %dma_start3A_690 = arith.constant 0 : i32
      %dma_start3A_691 = tpu.memref_slice %arg12[%add3A_689, %dma_start3A_690] : memref<10000x128xf32, #tpu.memory_space<vmem_shared>> -> memref<80x128xf32, #tpu.memory_space<vmem_shared>>
      %dma_start3A_692 = arith.constant 0 : i32
      %dma_start3A_693 = tpu.memref_slice %arg12[%add3A_689, %dma_start3A_692] : memref<10000x128xf32, #tpu.memory_space<vmem_shared>> -> memref<80x128xf32, #tpu.memory_space<vmem_shared>>
      tpu.enqueue_dma source(%arg11 : memref<80x128xf32, #tpu.memory_space<vmem>>) target(%dma_start3A_693 : memref<80x128xf32, #tpu.memory_space<vmem_shared>>) target_semaphore(%arg16 : memref<!tpu.dma_semaphore, #tpu.memory_space<semaphore_mem>>)
      %add3A_694 = arith.constant 240 : i32
      %add3A_695 = arith.addi %mul3A_2, %add3A_694 : i32
      %dma_start3A_696 = arith.constant 0 : i32
      %dma_start3A_697 = tpu.memref_slice %arg12[%add3A_695, %dma_start3A_696] : memref<10000x128xf32, #tpu.memory_space<vmem_shared>> -> memref<80x128xf32, #tpu.memory_space<vmem_shared>>
      %dma_start3A_698 = arith.constant 0 : i32
      %dma_start3A_699 = tpu.memref_slice %arg12[%add3A_695, %dma_start3A_698] : memref<10000x128xf32, #tpu.memory_space<vmem_shared>> -> memref<80x128xf32, #tpu.memory_space<vmem_shared>>
      tpu.enqueue_dma source(%arg11 : memref<80x128xf32, #tpu.memory_space<vmem>>) target(%dma_start3A_699 : memref<80x128xf32, #tpu.memory_space<vmem_shared>>) target_semaphore(%arg16 : memref<!tpu.dma_semaphore, #tpu.memory_space<semaphore_mem>>)
      %add3A_700 = arith.constant 320 : i32
      %add3A_701 = arith.addi %mul3A_2, %add3A_700 : i32
      %dma_start3A_702 = arith.constant 0 : i32
      %dma_start3A_703 = tpu.memref_slice %arg12[%add3A_701, %dma_start3A_702] : memref<10000x128xf32, #tpu.memory_space<vmem_shared>> -> memref<80x128xf32, #tpu.memory_space<vmem_shared>>
      %dma_start3A_704 = arith.constant 0 : i32
      %dma_start3A_705 = tpu.memref_slice %arg12[%add3A_701, %dma_start3A_704] : memref<10000x128xf32, #tpu.memory_space<vmem_shared>> -> memref<80x128xf32, #tpu.memory_space<vmem_shared>>
      tpu.enqueue_dma source(%arg11 : memref<80x128xf32, #tpu.memory_space<vmem>>) target(%dma_start3A_705 : memref<80x128xf32, #tpu.memory_space<vmem_shared>>) target_semaphore(%arg16 : memref<!tpu.dma_semaphore, #tpu.memory_space<semaphore_mem>>)
      %add3A_706 = arith.constant 400 : i32
      %add3A_707 = arith.addi %mul3A_2, %add3A_706 : i32
      %dma_start3A_708 = arith.constant 0 : i32
      %dma_start3A_709 = tpu.memref_slice %arg12[%add3A_707, %dma_start3A_708] : memref<10000x128xf32, #tpu.memory_space<vmem_shared>> -> memref<80x128xf32, #tpu.memory_space<vmem_shared>>
      %dma_start3A_710 = arith.constant 0 : i32
      %dma_start3A_711 = tpu.memref_slice %arg12[%add3A_707, %dma_start3A_710] : memref<10000x128xf32, #tpu.memory_space<vmem_shared>> -> memref<80x128xf32, #tpu.memory_space<vmem_shared>>
      tpu.enqueue_dma source(%arg11 : memref<80x128xf32, #tpu.memory_space<vmem>>) target(%dma_start3A_711 : memref<80x128xf32, #tpu.memory_space<vmem_shared>>) target_semaphore(%arg16 : memref<!tpu.dma_semaphore, #tpu.memory_space<semaphore_mem>>)
      %add3A_712 = arith.constant 480 : i32
      %add3A_713 = arith.addi %mul3A_2, %add3A_712 : i32
      %dma_start3A_714 = arith.constant 0 : i32
      %dma_start3A_715 = tpu.memref_slice %arg12[%add3A_713, %dma_start3A_714] : memref<10000x128xf32, #tpu.memory_space<vmem_shared>> -> memref<80x128xf32, #tpu.memory_space<vmem_shared>>
      %dma_start3A_716 = arith.constant 0 : i32
      %dma_start3A_717 = tpu.memref_slice %arg12[%add3A_713, %dma_start3A_716] : memref<10000x128xf32, #tpu.memory_space<vmem_shared>> -> memref<80x128xf32, #tpu.memory_space<vmem_shared>>
      tpu.enqueue_dma source(%arg11 : memref<80x128xf32, #tpu.memory_space<vmem>>) target(%dma_start3A_717 : memref<80x128xf32, #tpu.memory_space<vmem_shared>>) target_semaphore(%arg16 : memref<!tpu.dma_semaphore, #tpu.memory_space<semaphore_mem>>)
      %add3A_718 = arith.constant 560 : i32
      %add3A_719 = arith.addi %mul3A_2, %add3A_718 : i32
      %dma_start3A_720 = arith.constant 0 : i32
      %dma_start3A_721 = arith.constant 0 : i32
      %dma_start3A_722 = tpu.memref_slice %arg11[%dma_start3A_720, %dma_start3A_721] : memref<80x128xf32, #tpu.memory_space<vmem>> -> memref<72x128xf32, #tpu.memory_space<vmem>>
      %dma_start3A_723 = arith.constant 0 : i32
      %dma_start3A_724 = tpu.memref_slice %arg12[%add3A_719, %dma_start3A_723] : memref<10000x128xf32, #tpu.memory_space<vmem_shared>> -> memref<72x128xf32, #tpu.memory_space<vmem_shared>>
      %dma_start3A_725 = arith.constant 0 : i32
      %dma_start3A_726 = tpu.memref_slice %arg12[%add3A_719, %dma_start3A_725] : memref<10000x128xf32, #tpu.memory_space<vmem_shared>> -> memref<72x128xf32, #tpu.memory_space<vmem_shared>>
      %dma_start3A_727 = arith.constant 0 : i32
      %dma_start3A_728 = arith.constant 0 : i32
      %dma_start3A_729 = tpu.memref_slice %arg11[%dma_start3A_727, %dma_start3A_728] : memref<80x128xf32, #tpu.memory_space<vmem>> -> memref<72x128xf32, #tpu.memory_space<vmem>>
      tpu.enqueue_dma source(%dma_start3A_729 : memref<72x128xf32, #tpu.memory_space<vmem>>) target(%dma_start3A_726 : memref<72x128xf32, #tpu.memory_space<vmem_shared>>) target_semaphore(%arg16 : memref<!tpu.dma_semaphore, #tpu.memory_space<semaphore_mem>>)
      %dma_wait3A_730 = arith.constant 0 : i32
      %dma_wait3A_731 = tpu.memref_slice %arg12[%mul3A_2, %dma_wait3A_730] : memref<10000x128xf32, #tpu.memory_space<vmem_shared>> -> memref<80x128xf32, #tpu.memory_space<vmem_shared>>
      %dma_wait3A_732 = arith.constant 0 : i32
      %dma_wait3A_733 = tpu.memref_slice %arg12[%mul3A_2, %dma_wait3A_732] : memref<10000x128xf32, #tpu.memory_space<vmem_shared>> -> memref<80x128xf32, #tpu.memory_space<vmem_shared>>
      tpu.wait_dma2 semaphore(%arg16 : memref<!tpu.dma_semaphore, #tpu.memory_space<semaphore_mem>>) src(%arg11 : memref<80x128xf32, #tpu.memory_space<vmem>>) dst(%dma_wait3A_733 : memref<80x128xf32, #tpu.memory_space<vmem_shared>>)
      %dma_wait3A_734 = arith.constant 0 : i32
      %dma_wait3A_735 = tpu.memref_slice %arg12[%mul3A_2, %dma_wait3A_734] : memref<10000x128xf32, #tpu.memory_space<vmem_shared>> -> memref<80x128xf32, #tpu.memory_space<vmem_shared>>
      %dma_wait3A_736 = arith.constant 0 : i32
      %dma_wait3A_737 = tpu.memref_slice %arg12[%mul3A_2, %dma_wait3A_736] : memref<10000x128xf32, #tpu.memory_space<vmem_shared>> -> memref<80x128xf32, #tpu.memory_space<vmem_shared>>
      tpu.wait_dma2 semaphore(%arg16 : memref<!tpu.dma_semaphore, #tpu.memory_space<semaphore_mem>>) src(%arg11 : memref<80x128xf32, #tpu.memory_space<vmem>>) dst(%dma_wait3A_737 : memref<80x128xf32, #tpu.memory_space<vmem_shared>>)
      %dma_wait3A_738 = arith.constant 0 : i32
      %dma_wait3A_739 = tpu.memref_slice %arg12[%mul3A_2, %dma_wait3A_738] : memref<10000x128xf32, #tpu.memory_space<vmem_shared>> -> memref<80x128xf32, #tpu.memory_space<vmem_shared>>
      %dma_wait3A_740 = arith.constant 0 : i32
      %dma_wait3A_741 = tpu.memref_slice %arg12[%mul3A_2, %dma_wait3A_740] : memref<10000x128xf32, #tpu.memory_space<vmem_shared>> -> memref<80x128xf32, #tpu.memory_space<vmem_shared>>
      tpu.wait_dma2 semaphore(%arg16 : memref<!tpu.dma_semaphore, #tpu.memory_space<semaphore_mem>>) src(%arg11 : memref<80x128xf32, #tpu.memory_space<vmem>>) dst(%dma_wait3A_741 : memref<80x128xf32, #tpu.memory_space<vmem_shared>>)
      %dma_wait3A_742 = arith.constant 0 : i32
      %dma_wait3A_743 = tpu.memref_slice %arg12[%mul3A_2, %dma_wait3A_742] : memref<10000x128xf32, #tpu.memory_space<vmem_shared>> -> memref<80x128xf32, #tpu.memory_space<vmem_shared>>
      %dma_wait3A_744 = arith.constant 0 : i32
      %dma_wait3A_745 = tpu.memref_slice %arg12[%mul3A_2, %dma_wait3A_744] : memref<10000x128xf32, #tpu.memory_space<vmem_shared>> -> memref<80x128xf32, #tpu.memory_space<vmem_shared>>
      tpu.wait_dma2 semaphore(%arg16 : memref<!tpu.dma_semaphore, #tpu.memory_space<semaphore_mem>>) src(%arg11 : memref<80x128xf32, #tpu.memory_space<vmem>>) dst(%dma_wait3A_745 : memref<80x128xf32, #tpu.memory_space<vmem_shared>>)
      %dma_wait3A_746 = arith.constant 0 : i32
      %dma_wait3A_747 = tpu.memref_slice %arg12[%mul3A_2, %dma_wait3A_746] : memref<10000x128xf32, #tpu.memory_space<vmem_shared>> -> memref<80x128xf32, #tpu.memory_space<vmem_shared>>
      %dma_wait3A_748 = arith.constant 0 : i32
      %dma_wait3A_749 = tpu.memref_slice %arg12[%mul3A_2, %dma_wait3A_748] : memref<10000x128xf32, #tpu.memory_space<vmem_shared>> -> memref<80x128xf32, #tpu.memory_space<vmem_shared>>
      tpu.wait_dma2 semaphore(%arg16 : memref<!tpu.dma_semaphore, #tpu.memory_space<semaphore_mem>>) src(%arg11 : memref<80x128xf32, #tpu.memory_space<vmem>>) dst(%dma_wait3A_749 : memref<80x128xf32, #tpu.memory_space<vmem_shared>>)
      %dma_wait3A_750 = arith.constant 0 : i32
      %dma_wait3A_751 = tpu.memref_slice %arg12[%mul3A_2, %dma_wait3A_750] : memref<10000x128xf32, #tpu.memory_space<vmem_shared>> -> memref<80x128xf32, #tpu.memory_space<vmem_shared>>
      %dma_wait3A_752 = arith.constant 0 : i32
      %dma_wait3A_753 = tpu.memref_slice %arg12[%mul3A_2, %dma_wait3A_752] : memref<10000x128xf32, #tpu.memory_space<vmem_shared>> -> memref<80x128xf32, #tpu.memory_space<vmem_shared>>
      tpu.wait_dma2 semaphore(%arg16 : memref<!tpu.dma_semaphore, #tpu.memory_space<semaphore_mem>>) src(%arg11 : memref<80x128xf32, #tpu.memory_space<vmem>>) dst(%dma_wait3A_753 : memref<80x128xf32, #tpu.memory_space<vmem_shared>>)
      %dma_wait3A_754 = arith.constant 0 : i32
      %dma_wait3A_755 = tpu.memref_slice %arg12[%mul3A_2, %dma_wait3A_754] : memref<10000x128xf32, #tpu.memory_space<vmem_shared>> -> memref<80x128xf32, #tpu.memory_space<vmem_shared>>
      %dma_wait3A_756 = arith.constant 0 : i32
      %dma_wait3A_757 = tpu.memref_slice %arg12[%mul3A_2, %dma_wait3A_756] : memref<10000x128xf32, #tpu.memory_space<vmem_shared>> -> memref<80x128xf32, #tpu.memory_space<vmem_shared>>
      tpu.wait_dma2 semaphore(%arg16 : memref<!tpu.dma_semaphore, #tpu.memory_space<semaphore_mem>>) src(%arg11 : memref<80x128xf32, #tpu.memory_space<vmem>>) dst(%dma_wait3A_757 : memref<80x128xf32, #tpu.memory_space<vmem_shared>>)
      %dma_wait3A_758 = arith.constant 0 : i32
      %dma_wait3A_759 = arith.constant 0 : i32
      %dma_wait3A_760 = tpu.memref_slice %arg11[%dma_wait3A_758, %dma_wait3A_759] : memref<80x128xf32, #tpu.memory_space<vmem>> -> memref<72x128xf32, #tpu.memory_space<vmem>>
      %dma_wait3A_761 = arith.constant 0 : i32
      %dma_wait3A_762 = tpu.memref_slice %arg12[%mul3A_2, %dma_wait3A_761] : memref<10000x128xf32, #tpu.memory_space<vmem_shared>> -> memref<72x128xf32, #tpu.memory_space<vmem_shared>>
      %dma_wait3A_763 = arith.constant 0 : i32
      %dma_wait3A_764 = tpu.memref_slice %arg12[%mul3A_2, %dma_wait3A_763] : memref<10000x128xf32, #tpu.memory_space<vmem_shared>> -> memref<72x128xf32, #tpu.memory_space<vmem_shared>>
      %dma_wait3A_765 = arith.constant 0 : i32
      %dma_wait3A_766 = arith.constant 0 : i32
      %dma_wait3A_767 = tpu.memref_slice %arg11[%dma_wait3A_765, %dma_wait3A_766] : memref<80x128xf32, #tpu.memory_space<vmem>> -> memref<72x128xf32, #tpu.memory_space<vmem>>
      tpu.wait_dma2 semaphore(%arg16 : memref<!tpu.dma_semaphore, #tpu.memory_space<semaphore_mem>>) src(%dma_wait3A_767 : memref<72x128xf32, #tpu.memory_space<vmem>>) dst(%dma_wait3A_764 : memref<72x128xf32, #tpu.memory_space<vmem_shared>>)
    } else {
    }
    %eq3A = arith.constant 15 : i32
    %eq3A_54 = arith.cmpi eq, %arg1, %eq3A : i32
    %convert_element_type3A_55 = arith.extui %eq3A_54 : i1 to i32
    %cond3A_56 = arith.constant 0 : i32
    %cond3A_57 = arith.cmpi ne, %convert_element_type3A_55, %cond3A_56 : i32
    scf.if %cond3A_57 {
      %add3A_676 = arith.constant 0 : i32
      %add3A_677 = arith.addi %mul3A_2, %add3A_676 : i32
      %dma_start3A_678 = arith.constant 0 : i32
      %dma_start3A_679 = tpu.memref_slice %arg12[%add3A_677, %dma_start3A_678] : memref<10000x128xf32, #tpu.memory_space<vmem_shared>> -> memref<80x128xf32, #tpu.memory_space<vmem_shared>>
      %dma_start3A_680 = arith.constant 0 : i32
      %dma_start3A_681 = tpu.memref_slice %arg12[%add3A_677, %dma_start3A_680] : memref<10000x128xf32, #tpu.memory_space<vmem_shared>> -> memref<80x128xf32, #tpu.memory_space<vmem_shared>>
      tpu.enqueue_dma source(%arg11 : memref<80x128xf32, #tpu.memory_space<vmem>>) target(%dma_start3A_681 : memref<80x128xf32, #tpu.memory_space<vmem_shared>>) target_semaphore(%arg16 : memref<!tpu.dma_semaphore, #tpu.memory_space<semaphore_mem>>)
      %add3A_682 = arith.constant 80 : i32
      %add3A_683 = arith.addi %mul3A_2, %add3A_682 : i32
      %dma_start3A_684 = arith.constant 0 : i32
      %dma_start3A_685 = tpu.memref_slice %arg12[%add3A_683, %dma_start3A_684] : memref<10000x128xf32, #tpu.memory_space<vmem_shared>> -> memref<80x128xf32, #tpu.memory_space<vmem_shared>>
      %dma_start3A_686 = arith.constant 0 : i32
      %dma_start3A_687 = tpu.memref_slice %arg12[%add3A_683, %dma_start3A_686] : memref<10000x128xf32, #tpu.memory_space<vmem_shared>> -> memref<80x128xf32, #tpu.memory_space<vmem_shared>>
      tpu.enqueue_dma source(%arg11 : memref<80x128xf32, #tpu.memory_space<vmem>>) target(%dma_start3A_687 : memref<80x128xf32, #tpu.memory_space<vmem_shared>>) target_semaphore(%arg16 : memref<!tpu.dma_semaphore, #tpu.memory_space<semaphore_mem>>)
      %add3A_688 = arith.constant 160 : i32
      %add3A_689 = arith.addi %mul3A_2, %add3A_688 : i32
      %dma_start3A_690 = arith.constant 0 : i32
      %dma_start3A_691 = tpu.memref_slice %arg12[%add3A_689, %dma_start3A_690] : memref<10000x128xf32, #tpu.memory_space<vmem_shared>> -> memref<80x128xf32, #tpu.memory_space<vmem_shared>>
      %dma_start3A_692 = arith.constant 0 : i32
      %dma_start3A_693 = tpu.memref_slice %arg12[%add3A_689, %dma_start3A_692] : memref<10000x128xf32, #tpu.memory_space<vmem_shared>> -> memref<80x128xf32, #tpu.memory_space<vmem_shared>>
      tpu.enqueue_dma source(%arg11 : memref<80x128xf32, #tpu.memory_space<vmem>>) target(%dma_start3A_693 : memref<80x128xf32, #tpu.memory_space<vmem_shared>>) target_semaphore(%arg16 : memref<!tpu.dma_semaphore, #tpu.memory_space<semaphore_mem>>)
      %add3A_694 = arith.constant 240 : i32
      %add3A_695 = arith.addi %mul3A_2, %add3A_694 : i32
      %dma_start3A_696 = arith.constant 0 : i32
      %dma_start3A_697 = tpu.memref_slice %arg12[%add3A_695, %dma_start3A_696] : memref<10000x128xf32, #tpu.memory_space<vmem_shared>> -> memref<80x128xf32, #tpu.memory_space<vmem_shared>>
      %dma_start3A_698 = arith.constant 0 : i32
      %dma_start3A_699 = tpu.memref_slice %arg12[%add3A_695, %dma_start3A_698] : memref<10000x128xf32, #tpu.memory_space<vmem_shared>> -> memref<80x128xf32, #tpu.memory_space<vmem_shared>>
      tpu.enqueue_dma source(%arg11 : memref<80x128xf32, #tpu.memory_space<vmem>>) target(%dma_start3A_699 : memref<80x128xf32, #tpu.memory_space<vmem_shared>>) target_semaphore(%arg16 : memref<!tpu.dma_semaphore, #tpu.memory_space<semaphore_mem>>)
      %add3A_700 = arith.constant 320 : i32
      %add3A_701 = arith.addi %mul3A_2, %add3A_700 : i32
      %dma_start3A_702 = arith.constant 0 : i32
      %dma_start3A_703 = tpu.memref_slice %arg12[%add3A_701, %dma_start3A_702] : memref<10000x128xf32, #tpu.memory_space<vmem_shared>> -> memref<80x128xf32, #tpu.memory_space<vmem_shared>>
      %dma_start3A_704 = arith.constant 0 : i32
      %dma_start3A_705 = tpu.memref_slice %arg12[%add3A_701, %dma_start3A_704] : memref<10000x128xf32, #tpu.memory_space<vmem_shared>> -> memref<80x128xf32, #tpu.memory_space<vmem_shared>>
      tpu.enqueue_dma source(%arg11 : memref<80x128xf32, #tpu.memory_space<vmem>>) target(%dma_start3A_705 : memref<80x128xf32, #tpu.memory_space<vmem_shared>>) target_semaphore(%arg16 : memref<!tpu.dma_semaphore, #tpu.memory_space<semaphore_mem>>)
      %add3A_706 = arith.constant 400 : i32
      %add3A_707 = arith.addi %mul3A_2, %add3A_706 : i32
      %dma_start3A_708 = arith.constant 0 : i32
      %dma_start3A_709 = tpu.memref_slice %arg12[%add3A_707, %dma_start3A_708] : memref<10000x128xf32, #tpu.memory_space<vmem_shared>> -> memref<80x128xf32, #tpu.memory_space<vmem_shared>>
      %dma_start3A_710 = arith.constant 0 : i32
      %dma_start3A_711 = tpu.memref_slice %arg12[%add3A_707, %dma_start3A_710] : memref<10000x128xf32, #tpu.memory_space<vmem_shared>> -> memref<80x128xf32, #tpu.memory_space<vmem_shared>>
      tpu.enqueue_dma source(%arg11 : memref<80x128xf32, #tpu.memory_space<vmem>>) target(%dma_start3A_711 : memref<80x128xf32, #tpu.memory_space<vmem_shared>>) target_semaphore(%arg16 : memref<!tpu.dma_semaphore, #tpu.memory_space<semaphore_mem>>)
      %add3A_712 = arith.constant 480 : i32
      %add3A_713 = arith.addi %mul3A_2, %add3A_712 : i32
      %dma_start3A_714 = arith.constant 0 : i32
      %dma_start3A_715 = arith.constant 0 : i32
      %dma_start3A_716 = tpu.memref_slice %arg11[%dma_start3A_714, %dma_start3A_715] : memref<80x128xf32, #tpu.memory_space<vmem>> -> memref<40x128xf32, #tpu.memory_space<vmem>>
      %dma_start3A_717 = arith.constant 0 : i32
      %dma_start3A_718 = tpu.memref_slice %arg12[%add3A_713, %dma_start3A_717] : memref<10000x128xf32, #tpu.memory_space<vmem_shared>> -> memref<40x128xf32, #tpu.memory_space<vmem_shared>>
      %dma_start3A_719 = arith.constant 0 : i32
      %dma_start3A_720 = tpu.memref_slice %arg12[%add3A_713, %dma_start3A_719] : memref<10000x128xf32, #tpu.memory_space<vmem_shared>> -> memref<40x128xf32, #tpu.memory_space<vmem_shared>>
      %dma_start3A_721 = arith.constant 0 : i32
      %dma_start3A_722 = arith.constant 0 : i32
      %dma_start3A_723 = tpu.memref_slice %arg11[%dma_start3A_721, %dma_start3A_722] : memref<80x128xf32, #tpu.memory_space<vmem>> -> memref<40x128xf32, #tpu.memory_space<vmem>>
      tpu.enqueue_dma source(%dma_start3A_723 : memref<40x128xf32, #tpu.memory_space<vmem>>) target(%dma_start3A_720 : memref<40x128xf32, #tpu.memory_space<vmem_shared>>) target_semaphore(%arg16 : memref<!tpu.dma_semaphore, #tpu.memory_space<semaphore_mem>>)
      %dma_wait3A_724 = arith.constant 0 : i32
      %dma_wait3A_725 = tpu.memref_slice %arg12[%mul3A_2, %dma_wait3A_724] : memref<10000x128xf32, #tpu.memory_space<vmem_shared>> -> memref<80x128xf32, #tpu.memory_space<vmem_shared>>
      %dma_wait3A_726 = arith.constant 0 : i32
      %dma_wait3A_727 = tpu.memref_slice %arg12[%mul3A_2, %dma_wait3A_726] : memref<10000x128xf32, #tpu.memory_space<vmem_shared>> -> memref<80x128xf32, #tpu.memory_space<vmem_shared>>
      tpu.wait_dma2 semaphore(%arg16 : memref<!tpu.dma_semaphore, #tpu.memory_space<semaphore_mem>>) src(%arg11 : memref<80x128xf32, #tpu.memory_space<vmem>>) dst(%dma_wait3A_727 : memref<80x128xf32, #tpu.memory_space<vmem_shared>>)
      %dma_wait3A_728 = arith.constant 0 : i32
      %dma_wait3A_729 = tpu.memref_slice %arg12[%mul3A_2, %dma_wait3A_728] : memref<10000x128xf32, #tpu.memory_space<vmem_shared>> -> memref<80x128xf32, #tpu.memory_space<vmem_shared>>
      %dma_wait3A_730 = arith.constant 0 : i32
      %dma_wait3A_731 = tpu.memref_slice %arg12[%mul3A_2, %dma_wait3A_730] : memref<10000x128xf32, #tpu.memory_space<vmem_shared>> -> memref<80x128xf32, #tpu.memory_space<vmem_shared>>
      tpu.wait_dma2 semaphore(%arg16 : memref<!tpu.dma_semaphore, #tpu.memory_space<semaphore_mem>>) src(%arg11 : memref<80x128xf32, #tpu.memory_space<vmem>>) dst(%dma_wait3A_731 : memref<80x128xf32, #tpu.memory_space<vmem_shared>>)
      %dma_wait3A_732 = arith.constant 0 : i32
      %dma_wait3A_733 = tpu.memref_slice %arg12[%mul3A_2, %dma_wait3A_732] : memref<10000x128xf32, #tpu.memory_space<vmem_shared>> -> memref<80x128xf32, #tpu.memory_space<vmem_shared>>
      %dma_wait3A_734 = arith.constant 0 : i32
      %dma_wait3A_735 = tpu.memref_slice %arg12[%mul3A_2, %dma_wait3A_734] : memref<10000x128xf32, #tpu.memory_space<vmem_shared>> -> memref<80x128xf32, #tpu.memory_space<vmem_shared>>
      tpu.wait_dma2 semaphore(%arg16 : memref<!tpu.dma_semaphore, #tpu.memory_space<semaphore_mem>>) src(%arg11 : memref<80x128xf32, #tpu.memory_space<vmem>>) dst(%dma_wait3A_735 : memref<80x128xf32, #tpu.memory_space<vmem_shared>>)
      %dma_wait3A_736 = arith.constant 0 : i32
      %dma_wait3A_737 = tpu.memref_slice %arg12[%mul3A_2, %dma_wait3A_736] : memref<10000x128xf32, #tpu.memory_space<vmem_shared>> -> memref<80x128xf32, #tpu.memory_space<vmem_shared>>
      %dma_wait3A_738 = arith.constant 0 : i32
      %dma_wait3A_739 = tpu.memref_slice %arg12[%mul3A_2, %dma_wait3A_738] : memref<10000x128xf32, #tpu.memory_space<vmem_shared>> -> memref<80x128xf32, #tpu.memory_space<vmem_shared>>
      tpu.wait_dma2 semaphore(%arg16 : memref<!tpu.dma_semaphore, #tpu.memory_space<semaphore_mem>>) src(%arg11 : memref<80x128xf32, #tpu.memory_space<vmem>>) dst(%dma_wait3A_739 : memref<80x128xf32, #tpu.memory_space<vmem_shared>>)
      %dma_wait3A_740 = arith.constant 0 : i32
      %dma_wait3A_741 = tpu.memref_slice %arg12[%mul3A_2, %dma_wait3A_740] : memref<10000x128xf32, #tpu.memory_space<vmem_shared>> -> memref<80x128xf32, #tpu.memory_space<vmem_shared>>
      %dma_wait3A_742 = arith.constant 0 : i32
      %dma_wait3A_743 = tpu.memref_slice %arg12[%mul3A_2, %dma_wait3A_742] : memref<10000x128xf32, #tpu.memory_space<vmem_shared>> -> memref<80x128xf32, #tpu.memory_space<vmem_shared>>
      tpu.wait_dma2 semaphore(%arg16 : memref<!tpu.dma_semaphore, #tpu.memory_space<semaphore_mem>>) src(%arg11 : memref<80x128xf32, #tpu.memory_space<vmem>>) dst(%dma_wait3A_743 : memref<80x128xf32, #tpu.memory_space<vmem_shared>>)
      %dma_wait3A_744 = arith.constant 0 : i32
      %dma_wait3A_745 = tpu.memref_slice %arg12[%mul3A_2, %dma_wait3A_744] : memref<10000x128xf32, #tpu.memory_space<vmem_shared>> -> memref<80x128xf32, #tpu.memory_space<vmem_shared>>
      %dma_wait3A_746 = arith.constant 0 : i32
      %dma_wait3A_747 = tpu.memref_slice %arg12[%mul3A_2, %dma_wait3A_746] : memref<10000x128xf32, #tpu.memory_space<vmem_shared>> -> memref<80x128xf32, #tpu.memory_space<vmem_shared>>
      tpu.wait_dma2 semaphore(%arg16 : memref<!tpu.dma_semaphore, #tpu.memory_space<semaphore_mem>>) src(%arg11 : memref<80x128xf32, #tpu.memory_space<vmem>>) dst(%dma_wait3A_747 : memref<80x128xf32, #tpu.memory_space<vmem_shared>>)
      %dma_wait3A_748 = arith.constant 0 : i32
      %dma_wait3A_749 = arith.constant 0 : i32
      %dma_wait3A_750 = tpu.memref_slice %arg11[%dma_wait3A_748, %dma_wait3A_749] : memref<80x128xf32, #tpu.memory_space<vmem>> -> memref<40x128xf32, #tpu.memory_space<vmem>>
      %dma_wait3A_751 = arith.constant 0 : i32
      %dma_wait3A_752 = tpu.memref_slice %arg12[%mul3A_2, %dma_wait3A_751] : memref<10000x128xf32, #tpu.memory_space<vmem_shared>> -> memref<40x128xf32, #tpu.memory_space<vmem_shared>>
      %dma_wait3A_753 = arith.constant 0 : i32
      %dma_wait3A_754 = tpu.memref_slice %arg12[%mul3A_2, %dma_wait3A_753] : memref<10000x128xf32, #tpu.memory_space<vmem_shared>> -> memref<40x128xf32, #tpu.memory_space<vmem_shared>>
      %dma_wait3A_755 = arith.constant 0 : i32
      %dma_wait3A_756 = arith.constant 0 : i32
      %dma_wait3A_757 = tpu.memref_slice %arg11[%dma_wait3A_755, %dma_wait3A_756] : memref<80x128xf32, #tpu.memory_space<vmem>> -> memref<40x128xf32, #tpu.memory_space<vmem>>
      tpu.wait_dma2 semaphore(%arg16 : memref<!tpu.dma_semaphore, #tpu.memory_space<semaphore_mem>>) src(%dma_wait3A_757 : memref<40x128xf32, #tpu.memory_space<vmem>>) dst(%dma_wait3A_754 : memref<40x128xf32, #tpu.memory_space<vmem_shared>>)
    } else {
    }
    %barrier3A = arith.constant 0 : index
    tpu.barrier barrier_id(%barrier3A)
    %dma_wait3A = arith.constant 0 : i32
    %dma_wait3A_58 = arith.constant 0 : i32
    %dma_wait3A_59 = tpu.memref_slice %arg5[%dma_wait3A, %dma_wait3A_58] : memref<32x80xi32, #tpu.memory_space<vmem>> -> memref<1x80xi32, #tpu.memory_space<vmem>>
    %dma_wait3A_60 = tpu.memref_squeeze %dma_wait3A_59 : memref<1x80xi32, #tpu.memory_space<vmem>> -> memref<80xi32, #tpu.memory_space<vmem>>
    %dma_wait3A_61 = arith.constant 0 : i32
    %dma_wait3A_62 = arith.constant 0 : i32
    %dma_wait3A_63 = tpu.memref_slice %arg3[%dma_wait3A_61, %dma_wait3A_62] : memref<10000x128xf32, #tpu.memory_space<hbm>> -> memref<10000x128xf32, #tpu.memory_space<hbm>>
    tpu.wait_indirect_dma semaphore(%arg13 : memref<!tpu.dma_semaphore, #tpu.memory_space<semaphore_mem>>) src(%dma_wait3A_63 : memref<10000x128xf32, #tpu.memory_space<hbm>>) dst(%arg9 : memref<80x128xf32, #tpu.memory_space<vmem>>)
    %dma_start3A_64 = arith.constant 0 : i32
    %dma_start3A_65 = arith.constant 0 : i32
    %dma_start3A_66 = tpu.memref_slice %arg6[%dma_start3A_64, %dma_start3A_65] : memref<32x80xi32, #tpu.memory_space<vmem>> -> memref<1x80xi32, #tpu.memory_space<vmem>>
    %dma_start3A_67 = tpu.memref_squeeze %dma_start3A_66 : memref<1x80xi32, #tpu.memory_space<vmem>> -> memref<80xi32, #tpu.memory_space<vmem>>
    %dma_start3A_68 = arith.constant 0 : i32
    %dma_start3A_69 = arith.constant 0 : i32
    %dma_start3A_70 = tpu.memref_slice %arg12[%dma_start3A_68, %dma_start3A_69] : memref<10000x128xf32, #tpu.memory_space<vmem_shared>> -> memref<10000x128xf32, #tpu.memory_space<vmem_shared>>
    tpu.enqueue_indirect_dma source(%arg9 : memref<80x128xf32, #tpu.memory_space<vmem>>) target(%dma_start3A_70 : memref<10000x128xf32, #tpu.memory_space<vmem_shared>>) offsets(%dma_start3A_67 : memref<80xi32, #tpu.memory_space<vmem>>) semaphore(%arg16 : memref<!tpu.dma_semaphore, #tpu.memory_space<semaphore_mem>>) {add = true}
    %dma_start3A_71 = arith.constant 2 : i32
    %dma_start3A_72 = arith.constant 0 : i32
    %dma_start3A_73 = tpu.memref_slice %arg5[%dma_start3A_71, %dma_start3A_72] : memref<32x80xi32, #tpu.memory_space<vmem>> -> memref<1x80xi32, #tpu.memory_space<vmem>>
    %dma_start3A_74 = tpu.memref_squeeze %dma_start3A_73 : memref<1x80xi32, #tpu.memory_space<vmem>> -> memref<80xi32, #tpu.memory_space<vmem>>
    %dma_start3A_75 = arith.constant 0 : i32
    %dma_start3A_76 = arith.constant 0 : i32
    %dma_start3A_77 = tpu.memref_slice %arg3[%dma_start3A_75, %dma_start3A_76] : memref<10000x128xf32, #tpu.memory_space<hbm>> -> memref<10000x128xf32, #tpu.memory_space<hbm>>
    tpu.enqueue_indirect_dma source(%dma_start3A_77 : memref<10000x128xf32, #tpu.memory_space<hbm>>) target(%arg11 : memref<80x128xf32, #tpu.memory_space<vmem>>) offsets(%dma_start3A_74 : memref<80xi32, #tpu.memory_space<vmem>>) semaphore(%arg15 : memref<!tpu.dma_semaphore, #tpu.memory_space<semaphore_mem>>)
    %dma_wait3A_78 = arith.constant 1 : i32
    %dma_wait3A_79 = arith.constant 0 : i32
    %dma_wait3A_80 = tpu.memref_slice %arg5[%dma_wait3A_78, %dma_wait3A_79] : memref<32x80xi32, #tpu.memory_space<vmem>> -> memref<1x80xi32, #tpu.memory_space<vmem>>
    %dma_wait3A_81 = tpu.memref_squeeze %dma_wait3A_80 : memref<1x80xi32, #tpu.memory_space<vmem>> -> memref<80xi32, #tpu.memory_space<vmem>>
    %dma_wait3A_82 = arith.constant 0 : i32
    %dma_wait3A_83 = arith.constant 0 : i32
    %dma_wait3A_84 = tpu.memref_slice %arg3[%dma_wait3A_82, %dma_wait3A_83] : memref<10000x128xf32, #tpu.memory_space<hbm>> -> memref<10000x128xf32, #tpu.memory_space<hbm>>
    tpu.wait_indirect_dma semaphore(%arg14 : memref<!tpu.dma_semaphore, #tpu.memory_space<semaphore_mem>>) src(%dma_wait3A_84 : memref<10000x128xf32, #tpu.memory_space<hbm>>) dst(%arg10 : memref<80x128xf32, #tpu.memory_space<vmem>>)
    %dma_start3A_85 = arith.constant 1 : i32
    %dma_start3A_86 = arith.constant 0 : i32
    %dma_start3A_87 = tpu.memref_slice %arg6[%dma_start3A_85, %dma_start3A_86] : memref<32x80xi32, #tpu.memory_space<vmem>> -> memref<1x80xi32, #tpu.memory_space<vmem>>
    %dma_start3A_88 = tpu.memref_squeeze %dma_start3A_87 : memref<1x80xi32, #tpu.memory_space<vmem>> -> memref<80xi32, #tpu.memory_space<vmem>>
    %dma_start3A_89 = arith.constant 0 : i32
    %dma_start3A_90 = arith.constant 0 : i32
    %dma_start3A_91 = tpu.memref_slice %arg12[%dma_start3A_89, %dma_start3A_90] : memref<10000x128xf32, #tpu.memory_space<vmem_shared>> -> memref<10000x128xf32, #tpu.memory_space<vmem_shared>>
    tpu.enqueue_indirect_dma source(%arg10 : memref<80x128xf32, #tpu.memory_space<vmem>>) target(%dma_start3A_91 : memref<10000x128xf32, #tpu.memory_space<vmem_shared>>) offsets(%dma_start3A_88 : memref<80xi32, #tpu.memory_space<vmem>>) semaphore(%arg17 : memref<!tpu.dma_semaphore, #tpu.memory_space<semaphore_mem>>) {add = true}
    %dma_wait3A_92 = arith.constant 0 : i32
    %dma_wait3A_93 = arith.constant 0 : i32
    %dma_wait3A_94 = tpu.memref_slice %arg6[%dma_wait3A_92, %dma_wait3A_93] : memref<32x80xi32, #tpu.memory_space<vmem>> -> memref<1x80xi32, #tpu.memory_space<vmem>>
    %dma_wait3A_95 = tpu.memref_squeeze %dma_wait3A_94 : memref<1x80xi32, #tpu.memory_space<vmem>> -> memref<80xi32, #tpu.memory_space<vmem>>
    %dma_wait3A_96 = arith.constant 0 : i32
    %dma_wait3A_97 = arith.constant 0 : i32
    %dma_wait3A_98 = tpu.memref_slice %arg12[%dma_wait3A_96, %dma_wait3A_97] : memref<10000x128xf32, #tpu.memory_space<vmem_shared>> -> memref<10000x128xf32, #tpu.memory_space<vmem_shared>>
    tpu.wait_indirect_dma semaphore(%arg16 : memref<!tpu.dma_semaphore, #tpu.memory_space<semaphore_mem>>) src(%arg9 : memref<80x128xf32, #tpu.memory_space<vmem>>) dst(%dma_wait3A_98 : memref<10000x128xf32, #tpu.memory_space<vmem_shared>>)
    %dma_start3A_99 = arith.constant 3 : i32
    %dma_start3A_100 = arith.constant 0 : i32
    %dma_start3A_101 = tpu.memref_slice %arg5[%dma_start3A_99, %dma_start3A_100] : memref<32x80xi32, #tpu.memory_space<vmem>> -> memref<1x80xi32, #tpu.memory_space<vmem>>
    %dma_start3A_102 = tpu.memref_squeeze %dma_start3A_101 : memref<1x80xi32, #tpu.memory_space<vmem>> -> memref<80xi32, #tpu.memory_space<vmem>>
    %dma_start3A_103 = arith.constant 0 : i32
    %dma_start3A_104 = arith.constant 0 : i32
    %dma_start3A_105 = tpu.memref_slice %arg3[%dma_start3A_103, %dma_start3A_104] : memref<10000x128xf32, #tpu.memory_space<hbm>> -> memref<10000x128xf32, #tpu.memory_space<hbm>>
    tpu.enqueue_indirect_dma source(%dma_start3A_105 : memref<10000x128xf32, #tpu.memory_space<hbm>>) target(%arg9 : memref<80x128xf32, #tpu.memory_space<vmem>>) offsets(%dma_start3A_102 : memref<80xi32, #tpu.memory_space<vmem>>) semaphore(%arg13 : memref<!tpu.dma_semaphore, #tpu.memory_space<semaphore_mem>>)
    %scan3A_106 = arith.constant 0 : i32
    %scan3A_107 = arith.constant 2 : i32
    %scan3A_108 = arith.constant 28 : i32
    %scan3A_109 = arith.addi %scan3A_107, %scan3A_108 : i32
    %scan3A_110 = arith.constant 1 : i32
    scf.for %scan3A_676 = %scan3A_107 to %scan3A_109 step %scan3A_110  : i32 {
      %add3A_677 = arith.constant 0 : i32
      %add3A_678 = arith.addi %scan3A_676, %add3A_677 : i32
      %rem3A = arith.constant 3 : i32
      %rem3A_679 = arith.remsi %add3A_678, %rem3A : i32
      %eq3A_680 = arith.constant 0 : i32
      %eq3A_681 = arith.cmpi eq, %rem3A_679, %eq3A_680 : i32
      %convert_element_type3A_682 = arith.extui %eq3A_681 : i1 to i32
      %cond3A_683 = arith.constant 0 : i32
      %cond3A_684 = arith.cmpi ne, %convert_element_type3A_682, %cond3A_683 : i32
      scf.if %cond3A_684 {
        %dma_wait3A_703 = arith.constant 0 : i32
        %dma_wait3A_704 = tpu.memref_slice %arg5[%scan3A_676, %dma_wait3A_703] : memref<32x80xi32, #tpu.memory_space<vmem>> -> memref<1x80xi32, #tpu.memory_space<vmem>>
        %dma_wait3A_705 = tpu.memref_squeeze %dma_wait3A_704 : memref<1x80xi32, #tpu.memory_space<vmem>> -> memref<80xi32, #tpu.memory_space<vmem>>
        %dma_wait3A_706 = arith.constant 0 : i32
        %dma_wait3A_707 = arith.constant 0 : i32
        %dma_wait3A_708 = tpu.memref_slice %arg3[%dma_wait3A_706, %dma_wait3A_707] : memref<10000x128xf32, #tpu.memory_space<hbm>> -> memref<10000x128xf32, #tpu.memory_space<hbm>>
        tpu.wait_indirect_dma semaphore(%arg13 : memref<!tpu.dma_semaphore, #tpu.memory_space<semaphore_mem>>) src(%dma_wait3A_708 : memref<10000x128xf32, #tpu.memory_space<hbm>>) dst(%arg9 : memref<80x128xf32, #tpu.memory_space<vmem>>)
        %dma_start3A_709 = arith.constant 0 : i32
        %dma_start3A_710 = tpu.memref_slice %arg6[%scan3A_676, %dma_start3A_709] : memref<32x80xi32, #tpu.memory_space<vmem>> -> memref<1x80xi32, #tpu.memory_space<vmem>>
        %dma_start3A_711 = tpu.memref_squeeze %dma_start3A_710 : memref<1x80xi32, #tpu.memory_space<vmem>> -> memref<80xi32, #tpu.memory_space<vmem>>
        %dma_start3A_712 = arith.constant 0 : i32
        %dma_start3A_713 = arith.constant 0 : i32
        %dma_start3A_714 = tpu.memref_slice %arg12[%dma_start3A_712, %dma_start3A_713] : memref<10000x128xf32, #tpu.memory_space<vmem_shared>> -> memref<10000x128xf32, #tpu.memory_space<vmem_shared>>
        tpu.enqueue_indirect_dma source(%arg9 : memref<80x128xf32, #tpu.memory_space<vmem>>) target(%dma_start3A_714 : memref<10000x128xf32, #tpu.memory_space<vmem_shared>>) offsets(%dma_start3A_711 : memref<80xi32, #tpu.memory_space<vmem>>) semaphore(%arg16 : memref<!tpu.dma_semaphore, #tpu.memory_space<semaphore_mem>>) {add = true}
        %dma_wait3A_715 = arith.constant 0 : i32
        %dma_wait3A_716 = tpu.memref_slice %arg6[%scan3A_676, %dma_wait3A_715] : memref<32x80xi32, #tpu.memory_space<vmem>> -> memref<1x80xi32, #tpu.memory_space<vmem>>
        %dma_wait3A_717 = tpu.memref_squeeze %dma_wait3A_716 : memref<1x80xi32, #tpu.memory_space<vmem>> -> memref<80xi32, #tpu.memory_space<vmem>>
        %dma_wait3A_718 = arith.constant 0 : i32
        %dma_wait3A_719 = arith.constant 0 : i32
        %dma_wait3A_720 = tpu.memref_slice %arg12[%dma_wait3A_718, %dma_wait3A_719] : memref<10000x128xf32, #tpu.memory_space<vmem_shared>> -> memref<10000x128xf32, #tpu.memory_space<vmem_shared>>
        tpu.wait_indirect_dma semaphore(%arg18 : memref<!tpu.dma_semaphore, #tpu.memory_space<semaphore_mem>>) src(%arg11 : memref<80x128xf32, #tpu.memory_space<vmem>>) dst(%dma_wait3A_720 : memref<10000x128xf32, #tpu.memory_space<vmem_shared>>)
        %add3A_721 = arith.constant 2 : i32
        %add3A_722 = arith.addi %scan3A_676, %add3A_721 : i32
        %dma_start3A_723 = arith.constant 0 : i32
        %dma_start3A_724 = tpu.memref_slice %arg5[%add3A_722, %dma_start3A_723] : memref<32x80xi32, #tpu.memory_space<vmem>> -> memref<1x80xi32, #tpu.memory_space<vmem>>
        %dma_start3A_725 = tpu.memref_squeeze %dma_start3A_724 : memref<1x80xi32, #tpu.memory_space<vmem>> -> memref<80xi32, #tpu.memory_space<vmem>>
        %dma_start3A_726 = arith.constant 0 : i32
        %dma_start3A_727 = arith.constant 0 : i32
        %dma_start3A_728 = tpu.memref_slice %arg3[%dma_start3A_726, %dma_start3A_727] : memref<10000x128xf32, #tpu.memory_space<hbm>> -> memref<10000x128xf32, #tpu.memory_space<hbm>>
        tpu.enqueue_indirect_dma source(%dma_start3A_728 : memref<10000x128xf32, #tpu.memory_space<hbm>>) target(%arg11 : memref<80x128xf32, #tpu.memory_space<vmem>>) offsets(%dma_start3A_725 : memref<80xi32, #tpu.memory_space<vmem>>) semaphore(%arg15 : memref<!tpu.dma_semaphore, #tpu.memory_space<semaphore_mem>>)
      } else {
      }
      %add3A_685 = arith.constant 0 : i32
      %add3A_686 = arith.addi %scan3A_676, %add3A_685 : i32
      %rem3A_687 = arith.constant 3 : i32
      %rem3A_688 = arith.remsi %add3A_686, %rem3A_687 : i32
      %eq3A_689 = arith.constant 1 : i32
      %eq3A_690 = arith.cmpi eq, %rem3A_688, %eq3A_689 : i32
      %convert_element_type3A_691 = arith.extui %eq3A_690 : i1 to i32
      %cond3A_692 = arith.constant 0 : i32
      %cond3A_693 = arith.cmpi ne, %convert_element_type3A_691, %cond3A_692 : i32
      scf.if %cond3A_693 {
        %dma_wait3A_703 = arith.constant 0 : i32
        %dma_wait3A_704 = tpu.memref_slice %arg5[%scan3A_676, %dma_wait3A_703] : memref<32x80xi32, #tpu.memory_space<vmem>> -> memref<1x80xi32, #tpu.memory_space<vmem>>
        %dma_wait3A_705 = tpu.memref_squeeze %dma_wait3A_704 : memref<1x80xi32, #tpu.memory_space<vmem>> -> memref<80xi32, #tpu.memory_space<vmem>>
        %dma_wait3A_706 = arith.constant 0 : i32
        %dma_wait3A_707 = arith.constant 0 : i32
        %dma_wait3A_708 = tpu.memref_slice %arg3[%dma_wait3A_706, %dma_wait3A_707] : memref<10000x128xf32, #tpu.memory_space<hbm>> -> memref<10000x128xf32, #tpu.memory_space<hbm>>
        tpu.wait_indirect_dma semaphore(%arg14 : memref<!tpu.dma_semaphore, #tpu.memory_space<semaphore_mem>>) src(%dma_wait3A_708 : memref<10000x128xf32, #tpu.memory_space<hbm>>) dst(%arg10 : memref<80x128xf32, #tpu.memory_space<vmem>>)
        %dma_start3A_709 = arith.constant 0 : i32
        %dma_start3A_710 = tpu.memref_slice %arg6[%scan3A_676, %dma_start3A_709] : memref<32x80xi32, #tpu.memory_space<vmem>> -> memref<1x80xi32, #tpu.memory_space<vmem>>
        %dma_start3A_711 = tpu.memref_squeeze %dma_start3A_710 : memref<1x80xi32, #tpu.memory_space<vmem>> -> memref<80xi32, #tpu.memory_space<vmem>>
        %dma_start3A_712 = arith.constant 0 : i32
        %dma_start3A_713 = arith.constant 0 : i32
        %dma_start3A_714 = tpu.memref_slice %arg12[%dma_start3A_712, %dma_start3A_713] : memref<10000x128xf32, #tpu.memory_space<vmem_shared>> -> memref<10000x128xf32, #tpu.memory_space<vmem_shared>>
        tpu.enqueue_indirect_dma source(%arg10 : memref<80x128xf32, #tpu.memory_space<vmem>>) target(%dma_start3A_714 : memref<10000x128xf32, #tpu.memory_space<vmem_shared>>) offsets(%dma_start3A_711 : memref<80xi32, #tpu.memory_space<vmem>>) semaphore(%arg17 : memref<!tpu.dma_semaphore, #tpu.memory_space<semaphore_mem>>) {add = true}
        %dma_wait3A_715 = arith.constant 0 : i32
        %dma_wait3A_716 = tpu.memref_slice %arg6[%scan3A_676, %dma_wait3A_715] : memref<32x80xi32, #tpu.memory_space<vmem>> -> memref<1x80xi32, #tpu.memory_space<vmem>>
        %dma_wait3A_717 = tpu.memref_squeeze %dma_wait3A_716 : memref<1x80xi32, #tpu.memory_space<vmem>> -> memref<80xi32, #tpu.memory_space<vmem>>
        %dma_wait3A_718 = arith.constant 0 : i32
        %dma_wait3A_719 = arith.constant 0 : i32
        %dma_wait3A_720 = tpu.memref_slice %arg12[%dma_wait3A_718, %dma_wait3A_719] : memref<10000x128xf32, #tpu.memory_space<vmem_shared>> -> memref<10000x128xf32, #tpu.memory_space<vmem_shared>>
        tpu.wait_indirect_dma semaphore(%arg16 : memref<!tpu.dma_semaphore, #tpu.memory_space<semaphore_mem>>) src(%arg9 : memref<80x128xf32, #tpu.memory_space<vmem>>) dst(%dma_wait3A_720 : memref<10000x128xf32, #tpu.memory_space<vmem_shared>>)
        %add3A_721 = arith.constant 2 : i32
        %add3A_722 = arith.addi %scan3A_676, %add3A_721 : i32
        %dma_start3A_723 = arith.constant 0 : i32
        %dma_start3A_724 = tpu.memref_slice %arg5[%add3A_722, %dma_start3A_723] : memref<32x80xi32, #tpu.memory_space<vmem>> -> memref<1x80xi32, #tpu.memory_space<vmem>>
        %dma_start3A_725 = tpu.memref_squeeze %dma_start3A_724 : memref<1x80xi32, #tpu.memory_space<vmem>> -> memref<80xi32, #tpu.memory_space<vmem>>
        %dma_start3A_726 = arith.constant 0 : i32
        %dma_start3A_727 = arith.constant 0 : i32
        %dma_start3A_728 = tpu.memref_slice %arg3[%dma_start3A_726, %dma_start3A_727] : memref<10000x128xf32, #tpu.memory_space<hbm>> -> memref<10000x128xf32, #tpu.memory_space<hbm>>
        tpu.enqueue_indirect_dma source(%dma_start3A_728 : memref<10000x128xf32, #tpu.memory_space<hbm>>) target(%arg9 : memref<80x128xf32, #tpu.memory_space<vmem>>) offsets(%dma_start3A_725 : memref<80xi32, #tpu.memory_space<vmem>>) semaphore(%arg13 : memref<!tpu.dma_semaphore, #tpu.memory_space<semaphore_mem>>)
      } else {
      }
      %add3A_694 = arith.constant 0 : i32
      %add3A_695 = arith.addi %scan3A_676, %add3A_694 : i32
      %rem3A_696 = arith.constant 3 : i32
      %rem3A_697 = arith.remsi %add3A_695, %rem3A_696 : i32
      %eq3A_698 = arith.constant 2 : i32
      %eq3A_699 = arith.cmpi eq, %rem3A_697, %eq3A_698 : i32
      %convert_element_type3A_700 = arith.extui %eq3A_699 : i1 to i32
      %cond3A_701 = arith.constant 0 : i32
      %cond3A_702 = arith.cmpi ne, %convert_element_type3A_700, %cond3A_701 : i32
      scf.if %cond3A_702 {
        %dma_wait3A_703 = arith.constant 0 : i32
        %dma_wait3A_704 = tpu.memref_slice %arg5[%scan3A_676, %dma_wait3A_703] : memref<32x80xi32, #tpu.memory_space<vmem>> -> memref<1x80xi32, #tpu.memory_space<vmem>>
        %dma_wait3A_705 = tpu.memref_squeeze %dma_wait3A_704 : memref<1x80xi32, #tpu.memory_space<vmem>> -> memref<80xi32, #tpu.memory_space<vmem>>
        %dma_wait3A_706 = arith.constant 0 : i32
        %dma_wait3A_707 = arith.constant 0 : i32
        %dma_wait3A_708 = tpu.memref_slice %arg3[%dma_wait3A_706, %dma_wait3A_707] : memref<10000x128xf32, #tpu.memory_space<hbm>> -> memref<10000x128xf32, #tpu.memory_space<hbm>>
        tpu.wait_indirect_dma semaphore(%arg15 : memref<!tpu.dma_semaphore, #tpu.memory_space<semaphore_mem>>) src(%dma_wait3A_708 : memref<10000x128xf32, #tpu.memory_space<hbm>>) dst(%arg11 : memref<80x128xf32, #tpu.memory_space<vmem>>)
        %dma_start3A_709 = arith.constant 0 : i32
        %dma_start3A_710 = tpu.memref_slice %arg6[%scan3A_676, %dma_start3A_709] : memref<32x80xi32, #tpu.memory_space<vmem>> -> memref<1x80xi32, #tpu.memory_space<vmem>>
        %dma_start3A_711 = tpu.memref_squeeze %dma_start3A_710 : memref<1x80xi32, #tpu.memory_space<vmem>> -> memref<80xi32, #tpu.memory_space<vmem>>
        %dma_start3A_712 = arith.constant 0 : i32
        %dma_start3A_713 = arith.constant 0 : i32
        %dma_start3A_714 = tpu.memref_slice %arg12[%dma_start3A_712, %dma_start3A_713] : memref<10000x128xf32, #tpu.memory_space<vmem_shared>> -> memref<10000x128xf32, #tpu.memory_space<vmem_shared>>
        tpu.enqueue_indirect_dma source(%arg11 : memref<80x128xf32, #tpu.memory_space<vmem>>) target(%dma_start3A_714 : memref<10000x128xf32, #tpu.memory_space<vmem_shared>>) offsets(%dma_start3A_711 : memref<80xi32, #tpu.memory_space<vmem>>) semaphore(%arg18 : memref<!tpu.dma_semaphore, #tpu.memory_space<semaphore_mem>>) {add = true}
        %dma_wait3A_715 = arith.constant 0 : i32
        %dma_wait3A_716 = tpu.memref_slice %arg6[%scan3A_676, %dma_wait3A_715] : memref<32x80xi32, #tpu.memory_space<vmem>> -> memref<1x80xi32, #tpu.memory_space<vmem>>
        %dma_wait3A_717 = tpu.memref_squeeze %dma_wait3A_716 : memref<1x80xi32, #tpu.memory_space<vmem>> -> memref<80xi32, #tpu.memory_space<vmem>>
        %dma_wait3A_718 = arith.constant 0 : i32
        %dma_wait3A_719 = arith.constant 0 : i32
        %dma_wait3A_720 = tpu.memref_slice %arg12[%dma_wait3A_718, %dma_wait3A_719] : memref<10000x128xf32, #tpu.memory_space<vmem_shared>> -> memref<10000x128xf32, #tpu.memory_space<vmem_shared>>
        tpu.wait_indirect_dma semaphore(%arg17 : memref<!tpu.dma_semaphore, #tpu.memory_space<semaphore_mem>>) src(%arg10 : memref<80x128xf32, #tpu.memory_space<vmem>>) dst(%dma_wait3A_720 : memref<10000x128xf32, #tpu.memory_space<vmem_shared>>)
        %add3A_721 = arith.constant 2 : i32
        %add3A_722 = arith.addi %scan3A_676, %add3A_721 : i32
        %dma_start3A_723 = arith.constant 0 : i32
        %dma_start3A_724 = tpu.memref_slice %arg5[%add3A_722, %dma_start3A_723] : memref<32x80xi32, #tpu.memory_space<vmem>> -> memref<1x80xi32, #tpu.memory_space<vmem>>
        %dma_start3A_725 = tpu.memref_squeeze %dma_start3A_724 : memref<1x80xi32, #tpu.memory_space<vmem>> -> memref<80xi32, #tpu.memory_space<vmem>>
        %dma_start3A_726 = arith.constant 0 : i32
        %dma_start3A_727 = arith.constant 0 : i32
        %dma_start3A_728 = tpu.memref_slice %arg3[%dma_start3A_726, %dma_start3A_727] : memref<10000x128xf32, #tpu.memory_space<hbm>> -> memref<10000x128xf32, #tpu.memory_space<hbm>>
        tpu.enqueue_indirect_dma source(%dma_start3A_728 : memref<10000x128xf32, #tpu.memory_space<hbm>>) target(%arg10 : memref<80x128xf32, #tpu.memory_space<vmem>>) offsets(%dma_start3A_725 : memref<80xi32, #tpu.memory_space<vmem>>) semaphore(%arg14 : memref<!tpu.dma_semaphore, #tpu.memory_space<semaphore_mem>>)
      } else {
      }
    }
    %scan3A_111 = arith.constant 28 : i32
    %dma_wait3A_112 = arith.constant 0 : i32
    %dma_wait3A_113 = arith.constant 0 : i32
    %dma_wait3A_114 = arith.constant 0 : i32
    %dma_wait3A_115 = tpu.memref_slice %arg7[%dma_wait3A_113, %dma_wait3A_114] : memref<32x80xi32, #tpu.memory_space<vmem>> -> memref<32x80xi32, #tpu.memory_space<vmem>>
    %dma_wait3A_116 = arith.constant 32 : i32
    %dma_wait3A_117 = arith.constant 0 : i32
    %dma_wait3A_118 = tpu.memref_slice %arg2[%dma_wait3A_112, %add3A, %dma_wait3A_116, %dma_wait3A_117] : memref<2x32x125x80xi32, #tpu.memory_space<hbm>> -> memref<1x1x32x80xi32, #tpu.memory_space<hbm>>
    %dma_wait3A_119 = tpu.memref_squeeze %dma_wait3A_118 : memref<1x1x32x80xi32, #tpu.memory_space<hbm>> -> memref<32x80xi32, #tpu.memory_space<hbm>>
    %dma_wait3A_120 = arith.constant 0 : i32
    %dma_wait3A_121 = arith.constant 0 : i32
    %dma_wait3A_122 = tpu.memref_slice %arg7[%dma_wait3A_120, %dma_wait3A_121] : memref<32x80xi32, #tpu.memory_space<vmem>> -> memref<32x80xi32, #tpu.memory_space<vmem>>
    %dma_wait3A_123 = arith.constant 32 : i32
    %dma_wait3A_124 = arith.constant 0 : i32
    %dma_wait3A_125 = tpu.memref_slice %arg2[%dma_wait3A_112, %add3A, %dma_wait3A_123, %dma_wait3A_124] : memref<2x32x125x80xi32, #tpu.memory_space<hbm>> -> memref<1x1x32x80xi32, #tpu.memory_space<hbm>>
    %dma_wait3A_126 = tpu.memref_squeeze %dma_wait3A_125 : memref<1x1x32x80xi32, #tpu.memory_space<hbm>> -> memref<32x80xi32, #tpu.memory_space<hbm>>
    tpu.wait_dma2 semaphore(%arg19 : memref<!tpu.dma_semaphore, #tpu.memory_space<semaphore_mem>>) src(%dma_wait3A_126 : memref<32x80xi32, #tpu.memory_space<hbm>>) dst(%dma_wait3A_122 : memref<32x80xi32, #tpu.memory_space<vmem>>)
    %dma_wait3A_127 = arith.constant 1 : i32
    %dma_wait3A_128 = arith.constant 0 : i32
    %dma_wait3A_129 = arith.constant 0 : i32
    %dma_wait3A_130 = tpu.memref_slice %arg8[%dma_wait3A_128, %dma_wait3A_129] : memref<32x80xi32, #tpu.memory_space<vmem>> -> memref<32x80xi32, #tpu.memory_space<vmem>>
    %dma_wait3A_131 = arith.constant 32 : i32
    %dma_wait3A_132 = arith.constant 0 : i32
    %dma_wait3A_133 = tpu.memref_slice %arg2[%dma_wait3A_127, %add3A, %dma_wait3A_131, %dma_wait3A_132] : memref<2x32x125x80xi32, #tpu.memory_space<hbm>> -> memref<1x1x32x80xi32, #tpu.memory_space<hbm>>
    %dma_wait3A_134 = tpu.memref_squeeze %dma_wait3A_133 : memref<1x1x32x80xi32, #tpu.memory_space<hbm>> -> memref<32x80xi32, #tpu.memory_space<hbm>>
    %dma_wait3A_135 = arith.constant 0 : i32
    %dma_wait3A_136 = arith.constant 0 : i32
    %dma_wait3A_137 = tpu.memref_slice %arg8[%dma_wait3A_135, %dma_wait3A_136] : memref<32x80xi32, #tpu.memory_space<vmem>> -> memref<32x80xi32, #tpu.memory_space<vmem>>
    %dma_wait3A_138 = arith.constant 32 : i32
    %dma_wait3A_139 = arith.constant 0 : i32
    %dma_wait3A_140 = tpu.memref_slice %arg2[%dma_wait3A_127, %add3A, %dma_wait3A_138, %dma_wait3A_139] : memref<2x32x125x80xi32, #tpu.memory_space<hbm>> -> memref<1x1x32x80xi32, #tpu.memory_space<hbm>>
    %dma_wait3A_141 = tpu.memref_squeeze %dma_wait3A_140 : memref<1x1x32x80xi32, #tpu.memory_space<hbm>> -> memref<32x80xi32, #tpu.memory_space<hbm>>
    tpu.wait_dma2 semaphore(%arg19 : memref<!tpu.dma_semaphore, #tpu.memory_space<semaphore_mem>>) src(%dma_wait3A_141 : memref<32x80xi32, #tpu.memory_space<hbm>>) dst(%dma_wait3A_137 : memref<32x80xi32, #tpu.memory_space<vmem>>)
    %dma_wait3A_142 = arith.constant 30 : i32
    %dma_wait3A_143 = arith.constant 0 : i32
    %dma_wait3A_144 = tpu.memref_slice %arg5[%dma_wait3A_142, %dma_wait3A_143] : memref<32x80xi32, #tpu.memory_space<vmem>> -> memref<1x80xi32, #tpu.memory_space<vmem>>
    %dma_wait3A_145 = tpu.memref_squeeze %dma_wait3A_144 : memref<1x80xi32, #tpu.memory_space<vmem>> -> memref<80xi32, #tpu.memory_space<vmem>>
    %dma_wait3A_146 = arith.constant 0 : i32
    %dma_wait3A_147 = arith.constant 0 : i32
    %dma_wait3A_148 = tpu.memref_slice %arg3[%dma_wait3A_146, %dma_wait3A_147] : memref<10000x128xf32, #tpu.memory_space<hbm>> -> memref<10000x128xf32, #tpu.memory_space<hbm>>
    tpu.wait_indirect_dma semaphore(%arg13 : memref<!tpu.dma_semaphore, #tpu.memory_space<semaphore_mem>>) src(%dma_wait3A_148 : memref<10000x128xf32, #tpu.memory_space<hbm>>) dst(%arg9 : memref<80x128xf32, #tpu.memory_space<vmem>>)
    %dma_start3A_149 = arith.constant 30 : i32
    %dma_start3A_150 = arith.constant 0 : i32
    %dma_start3A_151 = tpu.memref_slice %arg6[%dma_start3A_149, %dma_start3A_150] : memref<32x80xi32, #tpu.memory_space<vmem>> -> memref<1x80xi32, #tpu.memory_space<vmem>>
    %dma_start3A_152 = tpu.memref_squeeze %dma_start3A_151 : memref<1x80xi32, #tpu.memory_space<vmem>> -> memref<80xi32, #tpu.memory_space<vmem>>
    %dma_start3A_153 = arith.constant 0 : i32
    %dma_start3A_154 = arith.constant 0 : i32
    %dma_start3A_155 = tpu.memref_slice %arg12[%dma_start3A_153, %dma_start3A_154] : memref<10000x128xf32, #tpu.memory_space<vmem_shared>> -> memref<10000x128xf32, #tpu.memory_space<vmem_shared>>
    tpu.enqueue_indirect_dma source(%arg9 : memref<80x128xf32, #tpu.memory_space<vmem>>) target(%dma_start3A_155 : memref<10000x128xf32, #tpu.memory_space<vmem_shared>>) offsets(%dma_start3A_152 : memref<80xi32, #tpu.memory_space<vmem>>) semaphore(%arg16 : memref<!tpu.dma_semaphore, #tpu.memory_space<semaphore_mem>>) {add = true}
    %dma_wait3A_156 = arith.constant 0 : i32
    %dma_wait3A_157 = arith.constant 0 : i32
    %dma_wait3A_158 = tpu.memref_slice %arg6[%dma_wait3A_156, %dma_wait3A_157] : memref<32x80xi32, #tpu.memory_space<vmem>> -> memref<1x80xi32, #tpu.memory_space<vmem>>
    %dma_wait3A_159 = tpu.memref_squeeze %dma_wait3A_158 : memref<1x80xi32, #tpu.memory_space<vmem>> -> memref<80xi32, #tpu.memory_space<vmem>>
    %dma_wait3A_160 = arith.constant 0 : i32
    %dma_wait3A_161 = arith.constant 0 : i32
    %dma_wait3A_162 = tpu.memref_slice %arg12[%dma_wait3A_160, %dma_wait3A_161] : memref<10000x128xf32, #tpu.memory_space<vmem_shared>> -> memref<10000x128xf32, #tpu.memory_space<vmem_shared>>
    tpu.wait_indirect_dma semaphore(%arg18 : memref<!tpu.dma_semaphore, #tpu.memory_space<semaphore_mem>>) src(%arg11 : memref<80x128xf32, #tpu.memory_space<vmem>>) dst(%dma_wait3A_162 : memref<10000x128xf32, #tpu.memory_space<vmem_shared>>)
    %dma_start3A_163 = arith.constant 0 : i32
    %dma_start3A_164 = arith.constant 0 : i32
    %dma_start3A_165 = tpu.memref_slice %arg7[%dma_start3A_163, %dma_start3A_164] : memref<32x80xi32, #tpu.memory_space<vmem>> -> memref<1x80xi32, #tpu.memory_space<vmem>>
    %dma_start3A_166 = tpu.memref_squeeze %dma_start3A_165 : memref<1x80xi32, #tpu.memory_space<vmem>> -> memref<80xi32, #tpu.memory_space<vmem>>
    %dma_start3A_167 = arith.constant 0 : i32
    %dma_start3A_168 = arith.constant 0 : i32
    %dma_start3A_169 = tpu.memref_slice %arg3[%dma_start3A_167, %dma_start3A_168] : memref<10000x128xf32, #tpu.memory_space<hbm>> -> memref<10000x128xf32, #tpu.memory_space<hbm>>
    tpu.enqueue_indirect_dma source(%dma_start3A_169 : memref<10000x128xf32, #tpu.memory_space<hbm>>) target(%arg11 : memref<80x128xf32, #tpu.memory_space<vmem>>) offsets(%dma_start3A_166 : memref<80xi32, #tpu.memory_space<vmem>>) semaphore(%arg15 : memref<!tpu.dma_semaphore, #tpu.memory_space<semaphore_mem>>)
    %dma_wait3A_170 = arith.constant 31 : i32
    %dma_wait3A_171 = arith.constant 0 : i32
    %dma_wait3A_172 = tpu.memref_slice %arg5[%dma_wait3A_170, %dma_wait3A_171] : memref<32x80xi32, #tpu.memory_space<vmem>> -> memref<1x80xi32, #tpu.memory_space<vmem>>
    %dma_wait3A_173 = tpu.memref_squeeze %dma_wait3A_172 : memref<1x80xi32, #tpu.memory_space<vmem>> -> memref<80xi32, #tpu.memory_space<vmem>>
    %dma_wait3A_174 = arith.constant 0 : i32
    %dma_wait3A_175 = arith.constant 0 : i32
    %dma_wait3A_176 = tpu.memref_slice %arg3[%dma_wait3A_174, %dma_wait3A_175] : memref<10000x128xf32, #tpu.memory_space<hbm>> -> memref<10000x128xf32, #tpu.memory_space<hbm>>
    tpu.wait_indirect_dma semaphore(%arg14 : memref<!tpu.dma_semaphore, #tpu.memory_space<semaphore_mem>>) src(%dma_wait3A_176 : memref<10000x128xf32, #tpu.memory_space<hbm>>) dst(%arg10 : memref<80x128xf32, #tpu.memory_space<vmem>>)
    %dma_start3A_177 = arith.constant 31 : i32
    %dma_start3A_178 = arith.constant 0 : i32
    %dma_start3A_179 = tpu.memref_slice %arg6[%dma_start3A_177, %dma_start3A_178] : memref<32x80xi32, #tpu.memory_space<vmem>> -> memref<1x80xi32, #tpu.memory_space<vmem>>
    %dma_start3A_180 = tpu.memref_squeeze %dma_start3A_179 : memref<1x80xi32, #tpu.memory_space<vmem>> -> memref<80xi32, #tpu.memory_space<vmem>>
    %dma_start3A_181 = arith.constant 0 : i32
    %dma_start3A_182 = arith.constant 0 : i32
    %dma_start3A_183 = tpu.memref_slice %arg12[%dma_start3A_181, %dma_start3A_182] : memref<10000x128xf32, #tpu.memory_space<vmem_shared>> -> memref<10000x128xf32, #tpu.memory_space<vmem_shared>>
    tpu.enqueue_indirect_dma source(%arg10 : memref<80x128xf32, #tpu.memory_space<vmem>>) target(%dma_start3A_183 : memref<10000x128xf32, #tpu.memory_space<vmem_shared>>) offsets(%dma_start3A_180 : memref<80xi32, #tpu.memory_space<vmem>>) semaphore(%arg17 : memref<!tpu.dma_semaphore, #tpu.memory_space<semaphore_mem>>) {add = true}
    %dma_wait3A_184 = arith.constant 0 : i32
    %dma_wait3A_185 = arith.constant 0 : i32
    %dma_wait3A_186 = tpu.memref_slice %arg6[%dma_wait3A_184, %dma_wait3A_185] : memref<32x80xi32, #tpu.memory_space<vmem>> -> memref<1x80xi32, #tpu.memory_space<vmem>>
    %dma_wait3A_187 = tpu.memref_squeeze %dma_wait3A_186 : memref<1x80xi32, #tpu.memory_space<vmem>> -> memref<80xi32, #tpu.memory_space<vmem>>
    %dma_wait3A_188 = arith.constant 0 : i32
    %dma_wait3A_189 = arith.constant 0 : i32
    %dma_wait3A_190 = tpu.memref_slice %arg12[%dma_wait3A_188, %dma_wait3A_189] : memref<10000x128xf32, #tpu.memory_space<vmem_shared>> -> memref<10000x128xf32, #tpu.memory_space<vmem_shared>>
    tpu.wait_indirect_dma semaphore(%arg16 : memref<!tpu.dma_semaphore, #tpu.memory_space<semaphore_mem>>) src(%arg9 : memref<80x128xf32, #tpu.memory_space<vmem>>) dst(%dma_wait3A_190 : memref<10000x128xf32, #tpu.memory_space<vmem_shared>>)
    %dma_start3A_191 = arith.constant 1 : i32
    %dma_start3A_192 = arith.constant 0 : i32
    %dma_start3A_193 = tpu.memref_slice %arg7[%dma_start3A_191, %dma_start3A_192] : memref<32x80xi32, #tpu.memory_space<vmem>> -> memref<1x80xi32, #tpu.memory_space<vmem>>
    %dma_start3A_194 = tpu.memref_squeeze %dma_start3A_193 : memref<1x80xi32, #tpu.memory_space<vmem>> -> memref<80xi32, #tpu.memory_space<vmem>>
    %dma_start3A_195 = arith.constant 0 : i32
    %dma_start3A_196 = arith.constant 0 : i32
    %dma_start3A_197 = tpu.memref_slice %arg3[%dma_start3A_195, %dma_start3A_196] : memref<10000x128xf32, #tpu.memory_space<hbm>> -> memref<10000x128xf32, #tpu.memory_space<hbm>>
    tpu.enqueue_indirect_dma source(%dma_start3A_197 : memref<10000x128xf32, #tpu.memory_space<hbm>>) target(%arg9 : memref<80x128xf32, #tpu.memory_space<vmem>>) offsets(%dma_start3A_194 : memref<80xi32, #tpu.memory_space<vmem>>) semaphore(%arg13 : memref<!tpu.dma_semaphore, #tpu.memory_space<semaphore_mem>>)
    %dma_wait3A_198 = arith.constant 0 : i32
    %dma_wait3A_199 = arith.constant 0 : i32
    %dma_wait3A_200 = tpu.memref_slice %arg7[%dma_wait3A_198, %dma_wait3A_199] : memref<32x80xi32, #tpu.memory_space<vmem>> -> memref<1x80xi32, #tpu.memory_space<vmem>>
    %dma_wait3A_201 = tpu.memref_squeeze %dma_wait3A_200 : memref<1x80xi32, #tpu.memory_space<vmem>> -> memref<80xi32, #tpu.memory_space<vmem>>
    %dma_wait3A_202 = arith.constant 0 : i32
    %dma_wait3A_203 = arith.constant 0 : i32
    %dma_wait3A_204 = tpu.memref_slice %arg3[%dma_wait3A_202, %dma_wait3A_203] : memref<10000x128xf32, #tpu.memory_space<hbm>> -> memref<10000x128xf32, #tpu.memory_space<hbm>>
    tpu.wait_indirect_dma semaphore(%arg15 : memref<!tpu.dma_semaphore, #tpu.memory_space<semaphore_mem>>) src(%dma_wait3A_204 : memref<10000x128xf32, #tpu.memory_space<hbm>>) dst(%arg11 : memref<80x128xf32, #tpu.memory_space<vmem>>)
    %dma_start3A_205 = arith.constant 0 : i32
    %dma_start3A_206 = arith.constant 0 : i32
    %dma_start3A_207 = tpu.memref_slice %arg8[%dma_start3A_205, %dma_start3A_206] : memref<32x80xi32, #tpu.memory_space<vmem>> -> memref<1x80xi32, #tpu.memory_space<vmem>>
    %dma_start3A_208 = tpu.memref_squeeze %dma_start3A_207 : memref<1x80xi32, #tpu.memory_space<vmem>> -> memref<80xi32, #tpu.memory_space<vmem>>
    %dma_start3A_209 = arith.constant 0 : i32
    %dma_start3A_210 = arith.constant 0 : i32
    %dma_start3A_211 = tpu.memref_slice %arg12[%dma_start3A_209, %dma_start3A_210] : memref<10000x128xf32, #tpu.memory_space<vmem_shared>> -> memref<10000x128xf32, #tpu.memory_space<vmem_shared>>
    tpu.enqueue_indirect_dma source(%arg11 : memref<80x128xf32, #tpu.memory_space<vmem>>) target(%dma_start3A_211 : memref<10000x128xf32, #tpu.memory_space<vmem_shared>>) offsets(%dma_start3A_208 : memref<80xi32, #tpu.memory_space<vmem>>) semaphore(%arg18 : memref<!tpu.dma_semaphore, #tpu.memory_space<semaphore_mem>>) {add = true}
    %dma_wait3A_212 = arith.constant 0 : i32
    %dma_wait3A_213 = arith.constant 0 : i32
    %dma_wait3A_214 = tpu.memref_slice %arg8[%dma_wait3A_212, %dma_wait3A_213] : memref<32x80xi32, #tpu.memory_space<vmem>> -> memref<1x80xi32, #tpu.memory_space<vmem>>
    %dma_wait3A_215 = tpu.memref_squeeze %dma_wait3A_214 : memref<1x80xi32, #tpu.memory_space<vmem>> -> memref<80xi32, #tpu.memory_space<vmem>>
    %dma_wait3A_216 = arith.constant 0 : i32
    %dma_wait3A_217 = arith.constant 0 : i32
    %dma_wait3A_218 = tpu.memref_slice %arg12[%dma_wait3A_216, %dma_wait3A_217] : memref<10000x128xf32, #tpu.memory_space<vmem_shared>> -> memref<10000x128xf32, #tpu.memory_space<vmem_shared>>
    tpu.wait_indirect_dma semaphore(%arg17 : memref<!tpu.dma_semaphore, #tpu.memory_space<semaphore_mem>>) src(%arg10 : memref<80x128xf32, #tpu.memory_space<vmem>>) dst(%dma_wait3A_218 : memref<10000x128xf32, #tpu.memory_space<vmem_shared>>)
    %dma_start3A_219 = arith.constant 2 : i32
    %dma_start3A_220 = arith.constant 0 : i32
    %dma_start3A_221 = tpu.memref_slice %arg7[%dma_start3A_219, %dma_start3A_220] : memref<32x80xi32, #tpu.memory_space<vmem>> -> memref<1x80xi32, #tpu.memory_space<vmem>>
    %dma_start3A_222 = tpu.memref_squeeze %dma_start3A_221 : memref<1x80xi32, #tpu.memory_space<vmem>> -> memref<80xi32, #tpu.memory_space<vmem>>
    %dma_start3A_223 = arith.constant 0 : i32
    %dma_start3A_224 = arith.constant 0 : i32
    %dma_start3A_225 = tpu.memref_slice %arg3[%dma_start3A_223, %dma_start3A_224] : memref<10000x128xf32, #tpu.memory_space<hbm>> -> memref<10000x128xf32, #tpu.memory_space<hbm>>
    tpu.enqueue_indirect_dma source(%dma_start3A_225 : memref<10000x128xf32, #tpu.memory_space<hbm>>) target(%arg10 : memref<80x128xf32, #tpu.memory_space<vmem>>) offsets(%dma_start3A_222 : memref<80xi32, #tpu.memory_space<vmem>>) semaphore(%arg14 : memref<!tpu.dma_semaphore, #tpu.memory_space<semaphore_mem>>)
    %dma_wait3A_226 = arith.constant 1 : i32
    %dma_wait3A_227 = arith.constant 0 : i32
    %dma_wait3A_228 = tpu.memref_slice %arg7[%dma_wait3A_226, %dma_wait3A_227] : memref<32x80xi32, #tpu.memory_space<vmem>> -> memref<1x80xi32, #tpu.memory_space<vmem>>
    %dma_wait3A_229 = tpu.memref_squeeze %dma_wait3A_228 : memref<1x80xi32, #tpu.memory_space<vmem>> -> memref<80xi32, #tpu.memory_space<vmem>>
    %dma_wait3A_230 = arith.constant 0 : i32
    %dma_wait3A_231 = arith.constant 0 : i32
    %dma_wait3A_232 = tpu.memref_slice %arg3[%dma_wait3A_230, %dma_wait3A_231] : memref<10000x128xf32, #tpu.memory_space<hbm>> -> memref<10000x128xf32, #tpu.memory_space<hbm>>
    tpu.wait_indirect_dma semaphore(%arg13 : memref<!tpu.dma_semaphore, #tpu.memory_space<semaphore_mem>>) src(%dma_wait3A_232 : memref<10000x128xf32, #tpu.memory_space<hbm>>) dst(%arg9 : memref<80x128xf32, #tpu.memory_space<vmem>>)
    %dma_start3A_233 = arith.constant 1 : i32
    %dma_start3A_234 = arith.constant 0 : i32
    %dma_start3A_235 = tpu.memref_slice %arg8[%dma_start3A_233, %dma_start3A_234] : memref<32x80xi32, #tpu.memory_space<vmem>> -> memref<1x80xi32, #tpu.memory_space<vmem>>
    %dma_start3A_236 = tpu.memref_squeeze %dma_start3A_235 : memref<1x80xi32, #tpu.memory_space<vmem>> -> memref<80xi32, #tpu.memory_space<vmem>>
    %dma_start3A_237 = arith.constant 0 : i32
    %dma_start3A_238 = arith.constant 0 : i32
    %dma_start3A_239 = tpu.memref_slice %arg12[%dma_start3A_237, %dma_start3A_238] : memref<10000x128xf32, #tpu.memory_space<vmem_shared>> -> memref<10000x128xf32, #tpu.memory_space<vmem_shared>>
    tpu.enqueue_indirect_dma source(%arg9 : memref<80x128xf32, #tpu.memory_space<vmem>>) target(%dma_start3A_239 : memref<10000x128xf32, #tpu.memory_space<vmem_shared>>) offsets(%dma_start3A_236 : memref<80xi32, #tpu.memory_space<vmem>>) semaphore(%arg16 : memref<!tpu.dma_semaphore, #tpu.memory_space<semaphore_mem>>) {add = true}
    %dma_wait3A_240 = arith.constant 0 : i32
    %dma_wait3A_241 = arith.constant 0 : i32
    %dma_wait3A_242 = tpu.memref_slice %arg8[%dma_wait3A_240, %dma_wait3A_241] : memref<32x80xi32, #tpu.memory_space<vmem>> -> memref<1x80xi32, #tpu.memory_space<vmem>>
    %dma_wait3A_243 = tpu.memref_squeeze %dma_wait3A_242 : memref<1x80xi32, #tpu.memory_space<vmem>> -> memref<80xi32, #tpu.memory_space<vmem>>
    %dma_wait3A_244 = arith.constant 0 : i32
    %dma_wait3A_245 = arith.constant 0 : i32
    %dma_wait3A_246 = tpu.memref_slice %arg12[%dma_wait3A_244, %dma_wait3A_245] : memref<10000x128xf32, #tpu.memory_space<vmem_shared>> -> memref<10000x128xf32, #tpu.memory_space<vmem_shared>>
    tpu.wait_indirect_dma semaphore(%arg18 : memref<!tpu.dma_semaphore, #tpu.memory_space<semaphore_mem>>) src(%arg11 : memref<80x128xf32, #tpu.memory_space<vmem>>) dst(%dma_wait3A_246 : memref<10000x128xf32, #tpu.memory_space<vmem_shared>>)
    %dma_start3A_247 = arith.constant 3 : i32
    %dma_start3A_248 = arith.constant 0 : i32
    %dma_start3A_249 = tpu.memref_slice %arg7[%dma_start3A_247, %dma_start3A_248] : memref<32x80xi32, #tpu.memory_space<vmem>> -> memref<1x80xi32, #tpu.memory_space<vmem>>
    %dma_start3A_250 = tpu.memref_squeeze %dma_start3A_249 : memref<1x80xi32, #tpu.memory_space<vmem>> -> memref<80xi32, #tpu.memory_space<vmem>>
    %dma_start3A_251 = arith.constant 0 : i32
    %dma_start3A_252 = arith.constant 0 : i32
    %dma_start3A_253 = tpu.memref_slice %arg3[%dma_start3A_251, %dma_start3A_252] : memref<10000x128xf32, #tpu.memory_space<hbm>> -> memref<10000x128xf32, #tpu.memory_space<hbm>>
    tpu.enqueue_indirect_dma source(%dma_start3A_253 : memref<10000x128xf32, #tpu.memory_space<hbm>>) target(%arg11 : memref<80x128xf32, #tpu.memory_space<vmem>>) offsets(%dma_start3A_250 : memref<80xi32, #tpu.memory_space<vmem>>) semaphore(%arg15 : memref<!tpu.dma_semaphore, #tpu.memory_space<semaphore_mem>>)
    %dma_start3A_254 = arith.constant 0 : i32
    %dma_start3A_255 = arith.constant 0 : i32
    %dma_start3A_256 = arith.constant 0 : i32
    %dma_start3A_257 = tpu.memref_slice %arg5[%dma_start3A_255, %dma_start3A_256] : memref<32x80xi32, #tpu.memory_space<vmem>> -> memref<32x80xi32, #tpu.memory_space<vmem>>
    %dma_start3A_258 = arith.constant 64 : i32
    %dma_start3A_259 = arith.constant 0 : i32
    %dma_start3A_260 = tpu.memref_slice %arg2[%dma_start3A_254, %add3A, %dma_start3A_258, %dma_start3A_259] : memref<2x32x125x80xi32, #tpu.memory_space<hbm>> -> memref<1x1x32x80xi32, #tpu.memory_space<hbm>>
    %dma_start3A_261 = tpu.memref_squeeze %dma_start3A_260 : memref<1x1x32x80xi32, #tpu.memory_space<hbm>> -> memref<32x80xi32, #tpu.memory_space<hbm>>
    %dma_start3A_262 = arith.constant 0 : i32
    %dma_start3A_263 = arith.constant 0 : i32
    %dma_start3A_264 = tpu.memref_slice %arg5[%dma_start3A_262, %dma_start3A_263] : memref<32x80xi32, #tpu.memory_space<vmem>> -> memref<32x80xi32, #tpu.memory_space<vmem>>
    %dma_start3A_265 = arith.constant 64 : i32
    %dma_start3A_266 = arith.constant 0 : i32
    %dma_start3A_267 = tpu.memref_slice %arg2[%dma_start3A_254, %add3A, %dma_start3A_265, %dma_start3A_266] : memref<2x32x125x80xi32, #tpu.memory_space<hbm>> -> memref<1x1x32x80xi32, #tpu.memory_space<hbm>>
    %dma_start3A_268 = tpu.memref_squeeze %dma_start3A_267 : memref<1x1x32x80xi32, #tpu.memory_space<hbm>> -> memref<32x80xi32, #tpu.memory_space<hbm>>
    tpu.enqueue_dma source(%dma_start3A_268 : memref<32x80xi32, #tpu.memory_space<hbm>>) target(%dma_start3A_264 : memref<32x80xi32, #tpu.memory_space<vmem>>) target_semaphore(%arg19 : memref<!tpu.dma_semaphore, #tpu.memory_space<semaphore_mem>>)
    %dma_start3A_269 = arith.constant 1 : i32
    %dma_start3A_270 = arith.constant 0 : i32
    %dma_start3A_271 = arith.constant 0 : i32
    %dma_start3A_272 = tpu.memref_slice %arg6[%dma_start3A_270, %dma_start3A_271] : memref<32x80xi32, #tpu.memory_space<vmem>> -> memref<32x80xi32, #tpu.memory_space<vmem>>
    %dma_start3A_273 = arith.constant 64 : i32
    %dma_start3A_274 = arith.constant 0 : i32
    %dma_start3A_275 = tpu.memref_slice %arg2[%dma_start3A_269, %add3A, %dma_start3A_273, %dma_start3A_274] : memref<2x32x125x80xi32, #tpu.memory_space<hbm>> -> memref<1x1x32x80xi32, #tpu.memory_space<hbm>>
    %dma_start3A_276 = tpu.memref_squeeze %dma_start3A_275 : memref<1x1x32x80xi32, #tpu.memory_space<hbm>> -> memref<32x80xi32, #tpu.memory_space<hbm>>
    %dma_start3A_277 = arith.constant 0 : i32
    %dma_start3A_278 = arith.constant 0 : i32
    %dma_start3A_279 = tpu.memref_slice %arg6[%dma_start3A_277, %dma_start3A_278] : memref<32x80xi32, #tpu.memory_space<vmem>> -> memref<32x80xi32, #tpu.memory_space<vmem>>
    %dma_start3A_280 = arith.constant 64 : i32
    %dma_start3A_281 = arith.constant 0 : i32
    %dma_start3A_282 = tpu.memref_slice %arg2[%dma_start3A_269, %add3A, %dma_start3A_280, %dma_start3A_281] : memref<2x32x125x80xi32, #tpu.memory_space<hbm>> -> memref<1x1x32x80xi32, #tpu.memory_space<hbm>>
    %dma_start3A_283 = tpu.memref_squeeze %dma_start3A_282 : memref<1x1x32x80xi32, #tpu.memory_space<hbm>> -> memref<32x80xi32, #tpu.memory_space<hbm>>
    tpu.enqueue_dma source(%dma_start3A_283 : memref<32x80xi32, #tpu.memory_space<hbm>>) target(%dma_start3A_279 : memref<32x80xi32, #tpu.memory_space<vmem>>) target_semaphore(%arg19 : memref<!tpu.dma_semaphore, #tpu.memory_space<semaphore_mem>>)
    %scan3A_284 = arith.constant 0 : i32
    %scan3A_285 = arith.constant 2 : i32
    %scan3A_286 = arith.constant 28 : i32
    %scan3A_287 = arith.addi %scan3A_285, %scan3A_286 : i32
    %scan3A_288 = arith.constant 1 : i32
    scf.for %scan3A_676 = %scan3A_285 to %scan3A_287 step %scan3A_288  : i32 {
      %add3A_677 = arith.constant 2 : i32
      %add3A_678 = arith.addi %scan3A_676, %add3A_677 : i32
      %rem3A = arith.constant 3 : i32
      %rem3A_679 = arith.remsi %add3A_678, %rem3A : i32
      %eq3A_680 = arith.constant 0 : i32
      %eq3A_681 = arith.cmpi eq, %rem3A_679, %eq3A_680 : i32
      %convert_element_type3A_682 = arith.extui %eq3A_681 : i1 to i32
      %cond3A_683 = arith.constant 0 : i32
      %cond3A_684 = arith.cmpi ne, %convert_element_type3A_682, %cond3A_683 : i32
      scf.if %cond3A_684 {
        %dma_wait3A_703 = arith.constant 0 : i32
        %dma_wait3A_704 = tpu.memref_slice %arg7[%scan3A_676, %dma_wait3A_703] : memref<32x80xi32, #tpu.memory_space<vmem>> -> memref<1x80xi32, #tpu.memory_space<vmem>>
        %dma_wait3A_705 = tpu.memref_squeeze %dma_wait3A_704 : memref<1x80xi32, #tpu.memory_space<vmem>> -> memref<80xi32, #tpu.memory_space<vmem>>
        %dma_wait3A_706 = arith.constant 0 : i32
        %dma_wait3A_707 = arith.constant 0 : i32
        %dma_wait3A_708 = tpu.memref_slice %arg3[%dma_wait3A_706, %dma_wait3A_707] : memref<10000x128xf32, #tpu.memory_space<hbm>> -> memref<10000x128xf32, #tpu.memory_space<hbm>>
        tpu.wait_indirect_dma semaphore(%arg13 : memref<!tpu.dma_semaphore, #tpu.memory_space<semaphore_mem>>) src(%dma_wait3A_708 : memref<10000x128xf32, #tpu.memory_space<hbm>>) dst(%arg9 : memref<80x128xf32, #tpu.memory_space<vmem>>)
        %dma_start3A_709 = arith.constant 0 : i32
        %dma_start3A_710 = tpu.memref_slice %arg8[%scan3A_676, %dma_start3A_709] : memref<32x80xi32, #tpu.memory_space<vmem>> -> memref<1x80xi32, #tpu.memory_space<vmem>>
        %dma_start3A_711 = tpu.memref_squeeze %dma_start3A_710 : memref<1x80xi32, #tpu.memory_space<vmem>> -> memref<80xi32, #tpu.memory_space<vmem>>
        %dma_start3A_712 = arith.constant 0 : i32
        %dma_start3A_713 = arith.constant 0 : i32
        %dma_start3A_714 = tpu.memref_slice %arg12[%dma_start3A_712, %dma_start3A_713] : memref<10000x128xf32, #tpu.memory_space<vmem_shared>> -> memref<10000x128xf32, #tpu.memory_space<vmem_shared>>
        tpu.enqueue_indirect_dma source(%arg9 : memref<80x128xf32, #tpu.memory_space<vmem>>) target(%dma_start3A_714 : memref<10000x128xf32, #tpu.memory_space<vmem_shared>>) offsets(%dma_start3A_711 : memref<80xi32, #tpu.memory_space<vmem>>) semaphore(%arg16 : memref<!tpu.dma_semaphore, #tpu.memory_space<semaphore_mem>>) {add = true}
        %dma_wait3A_715 = arith.constant 0 : i32
        %dma_wait3A_716 = tpu.memref_slice %arg8[%scan3A_676, %dma_wait3A_715] : memref<32x80xi32, #tpu.memory_space<vmem>> -> memref<1x80xi32, #tpu.memory_space<vmem>>
        %dma_wait3A_717 = tpu.memref_squeeze %dma_wait3A_716 : memref<1x80xi32, #tpu.memory_space<vmem>> -> memref<80xi32, #tpu.memory_space<vmem>>
        %dma_wait3A_718 = arith.constant 0 : i32
        %dma_wait3A_719 = arith.constant 0 : i32
        %dma_wait3A_720 = tpu.memref_slice %arg12[%dma_wait3A_718, %dma_wait3A_719] : memref<10000x128xf32, #tpu.memory_space<vmem_shared>> -> memref<10000x128xf32, #tpu.memory_space<vmem_shared>>
        tpu.wait_indirect_dma semaphore(%arg18 : memref<!tpu.dma_semaphore, #tpu.memory_space<semaphore_mem>>) src(%arg11 : memref<80x128xf32, #tpu.memory_space<vmem>>) dst(%dma_wait3A_720 : memref<10000x128xf32, #tpu.memory_space<vmem_shared>>)
        %add3A_721 = arith.constant 2 : i32
        %add3A_722 = arith.addi %scan3A_676, %add3A_721 : i32
        %dma_start3A_723 = arith.constant 0 : i32
        %dma_start3A_724 = tpu.memref_slice %arg7[%add3A_722, %dma_start3A_723] : memref<32x80xi32, #tpu.memory_space<vmem>> -> memref<1x80xi32, #tpu.memory_space<vmem>>
        %dma_start3A_725 = tpu.memref_squeeze %dma_start3A_724 : memref<1x80xi32, #tpu.memory_space<vmem>> -> memref<80xi32, #tpu.memory_space<vmem>>
        %dma_start3A_726 = arith.constant 0 : i32
        %dma_start3A_727 = arith.constant 0 : i32
        %dma_start3A_728 = tpu.memref_slice %arg3[%dma_start3A_726, %dma_start3A_727] : memref<10000x128xf32, #tpu.memory_space<hbm>> -> memref<10000x128xf32, #tpu.memory_space<hbm>>
        tpu.enqueue_indirect_dma source(%dma_start3A_728 : memref<10000x128xf32, #tpu.memory_space<hbm>>) target(%arg11 : memref<80x128xf32, #tpu.memory_space<vmem>>) offsets(%dma_start3A_725 : memref<80xi32, #tpu.memory_space<vmem>>) semaphore(%arg15 : memref<!tpu.dma_semaphore, #tpu.memory_space<semaphore_mem>>)
      } else {
      }
      %add3A_685 = arith.constant 2 : i32
      %add3A_686 = arith.addi %scan3A_676, %add3A_685 : i32
      %rem3A_687 = arith.constant 3 : i32
      %rem3A_688 = arith.remsi %add3A_686, %rem3A_687 : i32
      %eq3A_689 = arith.constant 1 : i32
      %eq3A_690 = arith.cmpi eq, %rem3A_688, %eq3A_689 : i32
      %convert_element_type3A_691 = arith.extui %eq3A_690 : i1 to i32
      %cond3A_692 = arith.constant 0 : i32
      %cond3A_693 = arith.cmpi ne, %convert_element_type3A_691, %cond3A_692 : i32
      scf.if %cond3A_693 {
        %dma_wait3A_703 = arith.constant 0 : i32
        %dma_wait3A_704 = tpu.memref_slice %arg7[%scan3A_676, %dma_wait3A_703] : memref<32x80xi32, #tpu.memory_space<vmem>> -> memref<1x80xi32, #tpu.memory_space<vmem>>
        %dma_wait3A_705 = tpu.memref_squeeze %dma_wait3A_704 : memref<1x80xi32, #tpu.memory_space<vmem>> -> memref<80xi32, #tpu.memory_space<vmem>>
        %dma_wait3A_706 = arith.constant 0 : i32
        %dma_wait3A_707 = arith.constant 0 : i32
        %dma_wait3A_708 = tpu.memref_slice %arg3[%dma_wait3A_706, %dma_wait3A_707] : memref<10000x128xf32, #tpu.memory_space<hbm>> -> memref<10000x128xf32, #tpu.memory_space<hbm>>
        tpu.wait_indirect_dma semaphore(%arg14 : memref<!tpu.dma_semaphore, #tpu.memory_space<semaphore_mem>>) src(%dma_wait3A_708 : memref<10000x128xf32, #tpu.memory_space<hbm>>) dst(%arg10 : memref<80x128xf32, #tpu.memory_space<vmem>>)
        %dma_start3A_709 = arith.constant 0 : i32
        %dma_start3A_710 = tpu.memref_slice %arg8[%scan3A_676, %dma_start3A_709] : memref<32x80xi32, #tpu.memory_space<vmem>> -> memref<1x80xi32, #tpu.memory_space<vmem>>
        %dma_start3A_711 = tpu.memref_squeeze %dma_start3A_710 : memref<1x80xi32, #tpu.memory_space<vmem>> -> memref<80xi32, #tpu.memory_space<vmem>>
        %dma_start3A_712 = arith.constant 0 : i32
        %dma_start3A_713 = arith.constant 0 : i32
        %dma_start3A_714 = tpu.memref_slice %arg12[%dma_start3A_712, %dma_start3A_713] : memref<10000x128xf32, #tpu.memory_space<vmem_shared>> -> memref<10000x128xf32, #tpu.memory_space<vmem_shared>>
        tpu.enqueue_indirect_dma source(%arg10 : memref<80x128xf32, #tpu.memory_space<vmem>>) target(%dma_start3A_714 : memref<10000x128xf32, #tpu.memory_space<vmem_shared>>) offsets(%dma_start3A_711 : memref<80xi32, #tpu.memory_space<vmem>>) semaphore(%arg17 : memref<!tpu.dma_semaphore, #tpu.memory_space<semaphore_mem>>) {add = true}
        %dma_wait3A_715 = arith.constant 0 : i32
        %dma_wait3A_716 = tpu.memref_slice %arg8[%scan3A_676, %dma_wait3A_715] : memref<32x80xi32, #tpu.memory_space<vmem>> -> memref<1x80xi32, #tpu.memory_space<vmem>>
        %dma_wait3A_717 = tpu.memref_squeeze %dma_wait3A_716 : memref<1x80xi32, #tpu.memory_space<vmem>> -> memref<80xi32, #tpu.memory_space<vmem>>
        %dma_wait3A_718 = arith.constant 0 : i32
        %dma_wait3A_719 = arith.constant 0 : i32
        %dma_wait3A_720 = tpu.memref_slice %arg12[%dma_wait3A_718, %dma_wait3A_719] : memref<10000x128xf32, #tpu.memory_space<vmem_shared>> -> memref<10000x128xf32, #tpu.memory_space<vmem_shared>>
        tpu.wait_indirect_dma semaphore(%arg16 : memref<!tpu.dma_semaphore, #tpu.memory_space<semaphore_mem>>) src(%arg9 : memref<80x128xf32, #tpu.memory_space<vmem>>) dst(%dma_wait3A_720 : memref<10000x128xf32, #tpu.memory_space<vmem_shared>>)
        %add3A_721 = arith.constant 2 : i32
        %add3A_722 = arith.addi %scan3A_676, %add3A_721 : i32
        %dma_start3A_723 = arith.constant 0 : i32
        %dma_start3A_724 = tpu.memref_slice %arg7[%add3A_722, %dma_start3A_723] : memref<32x80xi32, #tpu.memory_space<vmem>> -> memref<1x80xi32, #tpu.memory_space<vmem>>
        %dma_start3A_725 = tpu.memref_squeeze %dma_start3A_724 : memref<1x80xi32, #tpu.memory_space<vmem>> -> memref<80xi32, #tpu.memory_space<vmem>>
        %dma_start3A_726 = arith.constant 0 : i32
        %dma_start3A_727 = arith.constant 0 : i32
        %dma_start3A_728 = tpu.memref_slice %arg3[%dma_start3A_726, %dma_start3A_727] : memref<10000x128xf32, #tpu.memory_space<hbm>> -> memref<10000x128xf32, #tpu.memory_space<hbm>>
        tpu.enqueue_indirect_dma source(%dma_start3A_728 : memref<10000x128xf32, #tpu.memory_space<hbm>>) target(%arg9 : memref<80x128xf32, #tpu.memory_space<vmem>>) offsets(%dma_start3A_725 : memref<80xi32, #tpu.memory_space<vmem>>) semaphore(%arg13 : memref<!tpu.dma_semaphore, #tpu.memory_space<semaphore_mem>>)
      } else {
      }
      %add3A_694 = arith.constant 2 : i32
      %add3A_695 = arith.addi %scan3A_676, %add3A_694 : i32
      %rem3A_696 = arith.constant 3 : i32
      %rem3A_697 = arith.remsi %add3A_695, %rem3A_696 : i32
      %eq3A_698 = arith.constant 2 : i32
      %eq3A_699 = arith.cmpi eq, %rem3A_697, %eq3A_698 : i32
      %convert_element_type3A_700 = arith.extui %eq3A_699 : i1 to i32
      %cond3A_701 = arith.constant 0 : i32
      %cond3A_702 = arith.cmpi ne, %convert_element_type3A_700, %cond3A_701 : i32
      scf.if %cond3A_702 {
        %dma_wait3A_703 = arith.constant 0 : i32
        %dma_wait3A_704 = tpu.memref_slice %arg7[%scan3A_676, %dma_wait3A_703] : memref<32x80xi32, #tpu.memory_space<vmem>> -> memref<1x80xi32, #tpu.memory_space<vmem>>
        %dma_wait3A_705 = tpu.memref_squeeze %dma_wait3A_704 : memref<1x80xi32, #tpu.memory_space<vmem>> -> memref<80xi32, #tpu.memory_space<vmem>>
        %dma_wait3A_706 = arith.constant 0 : i32
        %dma_wait3A_707 = arith.constant 0 : i32
        %dma_wait3A_708 = tpu.memref_slice %arg3[%dma_wait3A_706, %dma_wait3A_707] : memref<10000x128xf32, #tpu.memory_space<hbm>> -> memref<10000x128xf32, #tpu.memory_space<hbm>>
        tpu.wait_indirect_dma semaphore(%arg15 : memref<!tpu.dma_semaphore, #tpu.memory_space<semaphore_mem>>) src(%dma_wait3A_708 : memref<10000x128xf32, #tpu.memory_space<hbm>>) dst(%arg11 : memref<80x128xf32, #tpu.memory_space<vmem>>)
        %dma_start3A_709 = arith.constant 0 : i32
        %dma_start3A_710 = tpu.memref_slice %arg8[%scan3A_676, %dma_start3A_709] : memref<32x80xi32, #tpu.memory_space<vmem>> -> memref<1x80xi32, #tpu.memory_space<vmem>>
        %dma_start3A_711 = tpu.memref_squeeze %dma_start3A_710 : memref<1x80xi32, #tpu.memory_space<vmem>> -> memref<80xi32, #tpu.memory_space<vmem>>
        %dma_start3A_712 = arith.constant 0 : i32
        %dma_start3A_713 = arith.constant 0 : i32
        %dma_start3A_714 = tpu.memref_slice %arg12[%dma_start3A_712, %dma_start3A_713] : memref<10000x128xf32, #tpu.memory_space<vmem_shared>> -> memref<10000x128xf32, #tpu.memory_space<vmem_shared>>
        tpu.enqueue_indirect_dma source(%arg11 : memref<80x128xf32, #tpu.memory_space<vmem>>) target(%dma_start3A_714 : memref<10000x128xf32, #tpu.memory_space<vmem_shared>>) offsets(%dma_start3A_711 : memref<80xi32, #tpu.memory_space<vmem>>) semaphore(%arg18 : memref<!tpu.dma_semaphore, #tpu.memory_space<semaphore_mem>>) {add = true}
        %dma_wait3A_715 = arith.constant 0 : i32
        %dma_wait3A_716 = tpu.memref_slice %arg8[%scan3A_676, %dma_wait3A_715] : memref<32x80xi32, #tpu.memory_space<vmem>> -> memref<1x80xi32, #tpu.memory_space<vmem>>
        %dma_wait3A_717 = tpu.memref_squeeze %dma_wait3A_716 : memref<1x80xi32, #tpu.memory_space<vmem>> -> memref<80xi32, #tpu.memory_space<vmem>>
        %dma_wait3A_718 = arith.constant 0 : i32
        %dma_wait3A_719 = arith.constant 0 : i32
        %dma_wait3A_720 = tpu.memref_slice %arg12[%dma_wait3A_718, %dma_wait3A_719] : memref<10000x128xf32, #tpu.memory_space<vmem_shared>> -> memref<10000x128xf32, #tpu.memory_space<vmem_shared>>
        tpu.wait_indirect_dma semaphore(%arg17 : memref<!tpu.dma_semaphore, #tpu.memory_space<semaphore_mem>>) src(%arg10 : memref<80x128xf32, #tpu.memory_space<vmem>>) dst(%dma_wait3A_720 : memref<10000x128xf32, #tpu.memory_space<vmem_shared>>)
        %add3A_721 = arith.constant 2 : i32
        %add3A_722 = arith.addi %scan3A_676, %add3A_721 : i32
        %dma_start3A_723 = arith.constant 0 : i32
        %dma_start3A_724 = tpu.memref_slice %arg7[%add3A_722, %dma_start3A_723] : memref<32x80xi32, #tpu.memory_space<vmem>> -> memref<1x80xi32, #tpu.memory_space<vmem>>
        %dma_start3A_725 = tpu.memref_squeeze %dma_start3A_724 : memref<1x80xi32, #tpu.memory_space<vmem>> -> memref<80xi32, #tpu.memory_space<vmem>>
        %dma_start3A_726 = arith.constant 0 : i32
        %dma_start3A_727 = arith.constant 0 : i32
        %dma_start3A_728 = tpu.memref_slice %arg3[%dma_start3A_726, %dma_start3A_727] : memref<10000x128xf32, #tpu.memory_space<hbm>> -> memref<10000x128xf32, #tpu.memory_space<hbm>>
        tpu.enqueue_indirect_dma source(%dma_start3A_728 : memref<10000x128xf32, #tpu.memory_space<hbm>>) target(%arg10 : memref<80x128xf32, #tpu.memory_space<vmem>>) offsets(%dma_start3A_725 : memref<80xi32, #tpu.memory_space<vmem>>) semaphore(%arg14 : memref<!tpu.dma_semaphore, #tpu.memory_space<semaphore_mem>>)
      } else {
      }
    }
    %scan3A_289 = arith.constant 28 : i32
    %dma_wait3A_290 = arith.constant 0 : i32
    %dma_wait3A_291 = arith.constant 0 : i32
    %dma_wait3A_292 = arith.constant 0 : i32
    %dma_wait3A_293 = tpu.memref_slice %arg5[%dma_wait3A_291, %dma_wait3A_292] : memref<32x80xi32, #tpu.memory_space<vmem>> -> memref<32x80xi32, #tpu.memory_space<vmem>>
    %dma_wait3A_294 = arith.constant 64 : i32
    %dma_wait3A_295 = arith.constant 0 : i32
    %dma_wait3A_296 = tpu.memref_slice %arg2[%dma_wait3A_290, %add3A, %dma_wait3A_294, %dma_wait3A_295] : memref<2x32x125x80xi32, #tpu.memory_space<hbm>> -> memref<1x1x32x80xi32, #tpu.memory_space<hbm>>
    %dma_wait3A_297 = tpu.memref_squeeze %dma_wait3A_296 : memref<1x1x32x80xi32, #tpu.memory_space<hbm>> -> memref<32x80xi32, #tpu.memory_space<hbm>>
    %dma_wait3A_298 = arith.constant 0 : i32
    %dma_wait3A_299 = arith.constant 0 : i32
    %dma_wait3A_300 = tpu.memref_slice %arg5[%dma_wait3A_298, %dma_wait3A_299] : memref<32x80xi32, #tpu.memory_space<vmem>> -> memref<32x80xi32, #tpu.memory_space<vmem>>
    %dma_wait3A_301 = arith.constant 64 : i32
    %dma_wait3A_302 = arith.constant 0 : i32
    %dma_wait3A_303 = tpu.memref_slice %arg2[%dma_wait3A_290, %add3A, %dma_wait3A_301, %dma_wait3A_302] : memref<2x32x125x80xi32, #tpu.memory_space<hbm>> -> memref<1x1x32x80xi32, #tpu.memory_space<hbm>>
    %dma_wait3A_304 = tpu.memref_squeeze %dma_wait3A_303 : memref<1x1x32x80xi32, #tpu.memory_space<hbm>> -> memref<32x80xi32, #tpu.memory_space<hbm>>
    tpu.wait_dma2 semaphore(%arg19 : memref<!tpu.dma_semaphore, #tpu.memory_space<semaphore_mem>>) src(%dma_wait3A_304 : memref<32x80xi32, #tpu.memory_space<hbm>>) dst(%dma_wait3A_300 : memref<32x80xi32, #tpu.memory_space<vmem>>)
    %dma_wait3A_305 = arith.constant 1 : i32
    %dma_wait3A_306 = arith.constant 0 : i32
    %dma_wait3A_307 = arith.constant 0 : i32
    %dma_wait3A_308 = tpu.memref_slice %arg6[%dma_wait3A_306, %dma_wait3A_307] : memref<32x80xi32, #tpu.memory_space<vmem>> -> memref<32x80xi32, #tpu.memory_space<vmem>>
    %dma_wait3A_309 = arith.constant 64 : i32
    %dma_wait3A_310 = arith.constant 0 : i32
    %dma_wait3A_311 = tpu.memref_slice %arg2[%dma_wait3A_305, %add3A, %dma_wait3A_309, %dma_wait3A_310] : memref<2x32x125x80xi32, #tpu.memory_space<hbm>> -> memref<1x1x32x80xi32, #tpu.memory_space<hbm>>
    %dma_wait3A_312 = tpu.memref_squeeze %dma_wait3A_311 : memref<1x1x32x80xi32, #tpu.memory_space<hbm>> -> memref<32x80xi32, #tpu.memory_space<hbm>>
    %dma_wait3A_313 = arith.constant 0 : i32
    %dma_wait3A_314 = arith.constant 0 : i32
    %dma_wait3A_315 = tpu.memref_slice %arg6[%dma_wait3A_313, %dma_wait3A_314] : memref<32x80xi32, #tpu.memory_space<vmem>> -> memref<32x80xi32, #tpu.memory_space<vmem>>
    %dma_wait3A_316 = arith.constant 64 : i32
    %dma_wait3A_317 = arith.constant 0 : i32
    %dma_wait3A_318 = tpu.memref_slice %arg2[%dma_wait3A_305, %add3A, %dma_wait3A_316, %dma_wait3A_317] : memref<2x32x125x80xi32, #tpu.memory_space<hbm>> -> memref<1x1x32x80xi32, #tpu.memory_space<hbm>>
    %dma_wait3A_319 = tpu.memref_squeeze %dma_wait3A_318 : memref<1x1x32x80xi32, #tpu.memory_space<hbm>> -> memref<32x80xi32, #tpu.memory_space<hbm>>
    tpu.wait_dma2 semaphore(%arg19 : memref<!tpu.dma_semaphore, #tpu.memory_space<semaphore_mem>>) src(%dma_wait3A_319 : memref<32x80xi32, #tpu.memory_space<hbm>>) dst(%dma_wait3A_315 : memref<32x80xi32, #tpu.memory_space<vmem>>)
    %dma_wait3A_320 = arith.constant 30 : i32
    %dma_wait3A_321 = arith.constant 0 : i32
    %dma_wait3A_322 = tpu.memref_slice %arg7[%dma_wait3A_320, %dma_wait3A_321] : memref<32x80xi32, #tpu.memory_space<vmem>> -> memref<1x80xi32, #tpu.memory_space<vmem>>
    %dma_wait3A_323 = tpu.memref_squeeze %dma_wait3A_322 : memref<1x80xi32, #tpu.memory_space<vmem>> -> memref<80xi32, #tpu.memory_space<vmem>>
    %dma_wait3A_324 = arith.constant 0 : i32
    %dma_wait3A_325 = arith.constant 0 : i32
    %dma_wait3A_326 = tpu.memref_slice %arg3[%dma_wait3A_324, %dma_wait3A_325] : memref<10000x128xf32, #tpu.memory_space<hbm>> -> memref<10000x128xf32, #tpu.memory_space<hbm>>
    tpu.wait_indirect_dma semaphore(%arg15 : memref<!tpu.dma_semaphore, #tpu.memory_space<semaphore_mem>>) src(%dma_wait3A_326 : memref<10000x128xf32, #tpu.memory_space<hbm>>) dst(%arg11 : memref<80x128xf32, #tpu.memory_space<vmem>>)
    %dma_start3A_327 = arith.constant 30 : i32
    %dma_start3A_328 = arith.constant 0 : i32
    %dma_start3A_329 = tpu.memref_slice %arg8[%dma_start3A_327, %dma_start3A_328] : memref<32x80xi32, #tpu.memory_space<vmem>> -> memref<1x80xi32, #tpu.memory_space<vmem>>
    %dma_start3A_330 = tpu.memref_squeeze %dma_start3A_329 : memref<1x80xi32, #tpu.memory_space<vmem>> -> memref<80xi32, #tpu.memory_space<vmem>>
    %dma_start3A_331 = arith.constant 0 : i32
    %dma_start3A_332 = arith.constant 0 : i32
    %dma_start3A_333 = tpu.memref_slice %arg12[%dma_start3A_331, %dma_start3A_332] : memref<10000x128xf32, #tpu.memory_space<vmem_shared>> -> memref<10000x128xf32, #tpu.memory_space<vmem_shared>>
    tpu.enqueue_indirect_dma source(%arg11 : memref<80x128xf32, #tpu.memory_space<vmem>>) target(%dma_start3A_333 : memref<10000x128xf32, #tpu.memory_space<vmem_shared>>) offsets(%dma_start3A_330 : memref<80xi32, #tpu.memory_space<vmem>>) semaphore(%arg18 : memref<!tpu.dma_semaphore, #tpu.memory_space<semaphore_mem>>) {add = true}
    %dma_wait3A_334 = arith.constant 0 : i32
    %dma_wait3A_335 = arith.constant 0 : i32
    %dma_wait3A_336 = tpu.memref_slice %arg8[%dma_wait3A_334, %dma_wait3A_335] : memref<32x80xi32, #tpu.memory_space<vmem>> -> memref<1x80xi32, #tpu.memory_space<vmem>>
    %dma_wait3A_337 = tpu.memref_squeeze %dma_wait3A_336 : memref<1x80xi32, #tpu.memory_space<vmem>> -> memref<80xi32, #tpu.memory_space<vmem>>
    %dma_wait3A_338 = arith.constant 0 : i32
    %dma_wait3A_339 = arith.constant 0 : i32
    %dma_wait3A_340 = tpu.memref_slice %arg12[%dma_wait3A_338, %dma_wait3A_339] : memref<10000x128xf32, #tpu.memory_space<vmem_shared>> -> memref<10000x128xf32, #tpu.memory_space<vmem_shared>>
    tpu.wait_indirect_dma semaphore(%arg17 : memref<!tpu.dma_semaphore, #tpu.memory_space<semaphore_mem>>) src(%arg10 : memref<80x128xf32, #tpu.memory_space<vmem>>) dst(%dma_wait3A_340 : memref<10000x128xf32, #tpu.memory_space<vmem_shared>>)
    %dma_start3A_341 = arith.constant 0 : i32
    %dma_start3A_342 = arith.constant 0 : i32
    %dma_start3A_343 = tpu.memref_slice %arg5[%dma_start3A_341, %dma_start3A_342] : memref<32x80xi32, #tpu.memory_space<vmem>> -> memref<1x80xi32, #tpu.memory_space<vmem>>
    %dma_start3A_344 = tpu.memref_squeeze %dma_start3A_343 : memref<1x80xi32, #tpu.memory_space<vmem>> -> memref<80xi32, #tpu.memory_space<vmem>>
    %dma_start3A_345 = arith.constant 0 : i32
    %dma_start3A_346 = arith.constant 0 : i32
    %dma_start3A_347 = tpu.memref_slice %arg3[%dma_start3A_345, %dma_start3A_346] : memref<10000x128xf32, #tpu.memory_space<hbm>> -> memref<10000x128xf32, #tpu.memory_space<hbm>>
    tpu.enqueue_indirect_dma source(%dma_start3A_347 : memref<10000x128xf32, #tpu.memory_space<hbm>>) target(%arg10 : memref<80x128xf32, #tpu.memory_space<vmem>>) offsets(%dma_start3A_344 : memref<80xi32, #tpu.memory_space<vmem>>) semaphore(%arg14 : memref<!tpu.dma_semaphore, #tpu.memory_space<semaphore_mem>>)
    %dma_wait3A_348 = arith.constant 31 : i32
    %dma_wait3A_349 = arith.constant 0 : i32
    %dma_wait3A_350 = tpu.memref_slice %arg7[%dma_wait3A_348, %dma_wait3A_349] : memref<32x80xi32, #tpu.memory_space<vmem>> -> memref<1x80xi32, #tpu.memory_space<vmem>>
    %dma_wait3A_351 = tpu.memref_squeeze %dma_wait3A_350 : memref<1x80xi32, #tpu.memory_space<vmem>> -> memref<80xi32, #tpu.memory_space<vmem>>
    %dma_wait3A_352 = arith.constant 0 : i32
    %dma_wait3A_353 = arith.constant 0 : i32
    %dma_wait3A_354 = tpu.memref_slice %arg3[%dma_wait3A_352, %dma_wait3A_353] : memref<10000x128xf32, #tpu.memory_space<hbm>> -> memref<10000x128xf32, #tpu.memory_space<hbm>>
    tpu.wait_indirect_dma semaphore(%arg13 : memref<!tpu.dma_semaphore, #tpu.memory_space<semaphore_mem>>) src(%dma_wait3A_354 : memref<10000x128xf32, #tpu.memory_space<hbm>>) dst(%arg9 : memref<80x128xf32, #tpu.memory_space<vmem>>)
    %dma_start3A_355 = arith.constant 31 : i32
    %dma_start3A_356 = arith.constant 0 : i32
    %dma_start3A_357 = tpu.memref_slice %arg8[%dma_start3A_355, %dma_start3A_356] : memref<32x80xi32, #tpu.memory_space<vmem>> -> memref<1x80xi32, #tpu.memory_space<vmem>>
    %dma_start3A_358 = tpu.memref_squeeze %dma_start3A_357 : memref<1x80xi32, #tpu.memory_space<vmem>> -> memref<80xi32, #tpu.memory_space<vmem>>
    %dma_start3A_359 = arith.constant 0 : i32
    %dma_start3A_360 = arith.constant 0 : i32
    %dma_start3A_361 = tpu.memref_slice %arg12[%dma_start3A_359, %dma_start3A_360] : memref<10000x128xf32, #tpu.memory_space<vmem_shared>> -> memref<10000x128xf32, #tpu.memory_space<vmem_shared>>
    tpu.enqueue_indirect_dma source(%arg9 : memref<80x128xf32, #tpu.memory_space<vmem>>) target(%dma_start3A_361 : memref<10000x128xf32, #tpu.memory_space<vmem_shared>>) offsets(%dma_start3A_358 : memref<80xi32, #tpu.memory_space<vmem>>) semaphore(%arg16 : memref<!tpu.dma_semaphore, #tpu.memory_space<semaphore_mem>>) {add = true}
    %dma_wait3A_362 = arith.constant 0 : i32
    %dma_wait3A_363 = arith.constant 0 : i32
    %dma_wait3A_364 = tpu.memref_slice %arg8[%dma_wait3A_362, %dma_wait3A_363] : memref<32x80xi32, #tpu.memory_space<vmem>> -> memref<1x80xi32, #tpu.memory_space<vmem>>
    %dma_wait3A_365 = tpu.memref_squeeze %dma_wait3A_364 : memref<1x80xi32, #tpu.memory_space<vmem>> -> memref<80xi32, #tpu.memory_space<vmem>>
    %dma_wait3A_366 = arith.constant 0 : i32
    %dma_wait3A_367 = arith.constant 0 : i32
    %dma_wait3A_368 = tpu.memref_slice %arg12[%dma_wait3A_366, %dma_wait3A_367] : memref<10000x128xf32, #tpu.memory_space<vmem_shared>> -> memref<10000x128xf32, #tpu.memory_space<vmem_shared>>
    tpu.wait_indirect_dma semaphore(%arg18 : memref<!tpu.dma_semaphore, #tpu.memory_space<semaphore_mem>>) src(%arg11 : memref<80x128xf32, #tpu.memory_space<vmem>>) dst(%dma_wait3A_368 : memref<10000x128xf32, #tpu.memory_space<vmem_shared>>)
    %dma_start3A_369 = arith.constant 1 : i32
    %dma_start3A_370 = arith.constant 0 : i32
    %dma_start3A_371 = tpu.memref_slice %arg5[%dma_start3A_369, %dma_start3A_370] : memref<32x80xi32, #tpu.memory_space<vmem>> -> memref<1x80xi32, #tpu.memory_space<vmem>>
    %dma_start3A_372 = tpu.memref_squeeze %dma_start3A_371 : memref<1x80xi32, #tpu.memory_space<vmem>> -> memref<80xi32, #tpu.memory_space<vmem>>
    %dma_start3A_373 = arith.constant 0 : i32
    %dma_start3A_374 = arith.constant 0 : i32
    %dma_start3A_375 = tpu.memref_slice %arg3[%dma_start3A_373, %dma_start3A_374] : memref<10000x128xf32, #tpu.memory_space<hbm>> -> memref<10000x128xf32, #tpu.memory_space<hbm>>
    tpu.enqueue_indirect_dma source(%dma_start3A_375 : memref<10000x128xf32, #tpu.memory_space<hbm>>) target(%arg11 : memref<80x128xf32, #tpu.memory_space<vmem>>) offsets(%dma_start3A_372 : memref<80xi32, #tpu.memory_space<vmem>>) semaphore(%arg15 : memref<!tpu.dma_semaphore, #tpu.memory_space<semaphore_mem>>)
    %dma_wait3A_376 = arith.constant 0 : i32
    %dma_wait3A_377 = arith.constant 0 : i32
    %dma_wait3A_378 = tpu.memref_slice %arg5[%dma_wait3A_376, %dma_wait3A_377] : memref<32x80xi32, #tpu.memory_space<vmem>> -> memref<1x80xi32, #tpu.memory_space<vmem>>
    %dma_wait3A_379 = tpu.memref_squeeze %dma_wait3A_378 : memref<1x80xi32, #tpu.memory_space<vmem>> -> memref<80xi32, #tpu.memory_space<vmem>>
    %dma_wait3A_380 = arith.constant 0 : i32
    %dma_wait3A_381 = arith.constant 0 : i32
    %dma_wait3A_382 = tpu.memref_slice %arg3[%dma_wait3A_380, %dma_wait3A_381] : memref<10000x128xf32, #tpu.memory_space<hbm>> -> memref<10000x128xf32, #tpu.memory_space<hbm>>
    tpu.wait_indirect_dma semaphore(%arg14 : memref<!tpu.dma_semaphore, #tpu.memory_space<semaphore_mem>>) src(%dma_wait3A_382 : memref<10000x128xf32, #tpu.memory_space<hbm>>) dst(%arg10 : memref<80x128xf32, #tpu.memory_space<vmem>>)
    %dma_start3A_383 = arith.constant 0 : i32
    %dma_start3A_384 = arith.constant 0 : i32
    %dma_start3A_385 = tpu.memref_slice %arg6[%dma_start3A_383, %dma_start3A_384] : memref<32x80xi32, #tpu.memory_space<vmem>> -> memref<1x80xi32, #tpu.memory_space<vmem>>
    %dma_start3A_386 = tpu.memref_squeeze %dma_start3A_385 : memref<1x80xi32, #tpu.memory_space<vmem>> -> memref<80xi32, #tpu.memory_space<vmem>>
    %dma_start3A_387 = arith.constant 0 : i32
    %dma_start3A_388 = arith.constant 0 : i32
    %dma_start3A_389 = tpu.memref_slice %arg12[%dma_start3A_387, %dma_start3A_388] : memref<10000x128xf32, #tpu.memory_space<vmem_shared>> -> memref<10000x128xf32, #tpu.memory_space<vmem_shared>>
    tpu.enqueue_indirect_dma source(%arg10 : memref<80x128xf32, #tpu.memory_space<vmem>>) target(%dma_start3A_389 : memref<10000x128xf32, #tpu.memory_space<vmem_shared>>) offsets(%dma_start3A_386 : memref<80xi32, #tpu.memory_space<vmem>>) semaphore(%arg17 : memref<!tpu.dma_semaphore, #tpu.memory_space<semaphore_mem>>) {add = true}
    %dma_wait3A_390 = arith.constant 0 : i32
    %dma_wait3A_391 = arith.constant 0 : i32
    %dma_wait3A_392 = tpu.memref_slice %arg6[%dma_wait3A_390, %dma_wait3A_391] : memref<32x80xi32, #tpu.memory_space<vmem>> -> memref<1x80xi32, #tpu.memory_space<vmem>>
    %dma_wait3A_393 = tpu.memref_squeeze %dma_wait3A_392 : memref<1x80xi32, #tpu.memory_space<vmem>> -> memref<80xi32, #tpu.memory_space<vmem>>
    %dma_wait3A_394 = arith.constant 0 : i32
    %dma_wait3A_395 = arith.constant 0 : i32
    %dma_wait3A_396 = tpu.memref_slice %arg12[%dma_wait3A_394, %dma_wait3A_395] : memref<10000x128xf32, #tpu.memory_space<vmem_shared>> -> memref<10000x128xf32, #tpu.memory_space<vmem_shared>>
    tpu.wait_indirect_dma semaphore(%arg16 : memref<!tpu.dma_semaphore, #tpu.memory_space<semaphore_mem>>) src(%arg9 : memref<80x128xf32, #tpu.memory_space<vmem>>) dst(%dma_wait3A_396 : memref<10000x128xf32, #tpu.memory_space<vmem_shared>>)
    %dma_start3A_397 = arith.constant 2 : i32
    %dma_start3A_398 = arith.constant 0 : i32
    %dma_start3A_399 = tpu.memref_slice %arg5[%dma_start3A_397, %dma_start3A_398] : memref<32x80xi32, #tpu.memory_space<vmem>> -> memref<1x80xi32, #tpu.memory_space<vmem>>
    %dma_start3A_400 = tpu.memref_squeeze %dma_start3A_399 : memref<1x80xi32, #tpu.memory_space<vmem>> -> memref<80xi32, #tpu.memory_space<vmem>>
    %dma_start3A_401 = arith.constant 0 : i32
    %dma_start3A_402 = arith.constant 0 : i32
    %dma_start3A_403 = tpu.memref_slice %arg3[%dma_start3A_401, %dma_start3A_402] : memref<10000x128xf32, #tpu.memory_space<hbm>> -> memref<10000x128xf32, #tpu.memory_space<hbm>>
    tpu.enqueue_indirect_dma source(%dma_start3A_403 : memref<10000x128xf32, #tpu.memory_space<hbm>>) target(%arg9 : memref<80x128xf32, #tpu.memory_space<vmem>>) offsets(%dma_start3A_400 : memref<80xi32, #tpu.memory_space<vmem>>) semaphore(%arg13 : memref<!tpu.dma_semaphore, #tpu.memory_space<semaphore_mem>>)
    %dma_wait3A_404 = arith.constant 1 : i32
    %dma_wait3A_405 = arith.constant 0 : i32
    %dma_wait3A_406 = tpu.memref_slice %arg5[%dma_wait3A_404, %dma_wait3A_405] : memref<32x80xi32, #tpu.memory_space<vmem>> -> memref<1x80xi32, #tpu.memory_space<vmem>>
    %dma_wait3A_407 = tpu.memref_squeeze %dma_wait3A_406 : memref<1x80xi32, #tpu.memory_space<vmem>> -> memref<80xi32, #tpu.memory_space<vmem>>
    %dma_wait3A_408 = arith.constant 0 : i32
    %dma_wait3A_409 = arith.constant 0 : i32
    %dma_wait3A_410 = tpu.memref_slice %arg3[%dma_wait3A_408, %dma_wait3A_409] : memref<10000x128xf32, #tpu.memory_space<hbm>> -> memref<10000x128xf32, #tpu.memory_space<hbm>>
    tpu.wait_indirect_dma semaphore(%arg15 : memref<!tpu.dma_semaphore, #tpu.memory_space<semaphore_mem>>) src(%dma_wait3A_410 : memref<10000x128xf32, #tpu.memory_space<hbm>>) dst(%arg11 : memref<80x128xf32, #tpu.memory_space<vmem>>)
    %dma_start3A_411 = arith.constant 1 : i32
    %dma_start3A_412 = arith.constant 0 : i32
    %dma_start3A_413 = tpu.memref_slice %arg6[%dma_start3A_411, %dma_start3A_412] : memref<32x80xi32, #tpu.memory_space<vmem>> -> memref<1x80xi32, #tpu.memory_space<vmem>>
    %dma_start3A_414 = tpu.memref_squeeze %dma_start3A_413 : memref<1x80xi32, #tpu.memory_space<vmem>> -> memref<80xi32, #tpu.memory_space<vmem>>
    %dma_start3A_415 = arith.constant 0 : i32
    %dma_start3A_416 = arith.constant 0 : i32
    %dma_start3A_417 = tpu.memref_slice %arg12[%dma_start3A_415, %dma_start3A_416] : memref<10000x128xf32, #tpu.memory_space<vmem_shared>> -> memref<10000x128xf32, #tpu.memory_space<vmem_shared>>
    tpu.enqueue_indirect_dma source(%arg11 : memref<80x128xf32, #tpu.memory_space<vmem>>) target(%dma_start3A_417 : memref<10000x128xf32, #tpu.memory_space<vmem_shared>>) offsets(%dma_start3A_414 : memref<80xi32, #tpu.memory_space<vmem>>) semaphore(%arg18 : memref<!tpu.dma_semaphore, #tpu.memory_space<semaphore_mem>>) {add = true}
    %dma_wait3A_418 = arith.constant 0 : i32
    %dma_wait3A_419 = arith.constant 0 : i32
    %dma_wait3A_420 = tpu.memref_slice %arg6[%dma_wait3A_418, %dma_wait3A_419] : memref<32x80xi32, #tpu.memory_space<vmem>> -> memref<1x80xi32, #tpu.memory_space<vmem>>
    %dma_wait3A_421 = tpu.memref_squeeze %dma_wait3A_420 : memref<1x80xi32, #tpu.memory_space<vmem>> -> memref<80xi32, #tpu.memory_space<vmem>>
    %dma_wait3A_422 = arith.constant 0 : i32
    %dma_wait3A_423 = arith.constant 0 : i32
    %dma_wait3A_424 = tpu.memref_slice %arg12[%dma_wait3A_422, %dma_wait3A_423] : memref<10000x128xf32, #tpu.memory_space<vmem_shared>> -> memref<10000x128xf32, #tpu.memory_space<vmem_shared>>
    tpu.wait_indirect_dma semaphore(%arg17 : memref<!tpu.dma_semaphore, #tpu.memory_space<semaphore_mem>>) src(%arg10 : memref<80x128xf32, #tpu.memory_space<vmem>>) dst(%dma_wait3A_424 : memref<10000x128xf32, #tpu.memory_space<vmem_shared>>)
    %dma_start3A_425 = arith.constant 3 : i32
    %dma_start3A_426 = arith.constant 0 : i32
    %dma_start3A_427 = tpu.memref_slice %arg5[%dma_start3A_425, %dma_start3A_426] : memref<32x80xi32, #tpu.memory_space<vmem>> -> memref<1x80xi32, #tpu.memory_space<vmem>>
    %dma_start3A_428 = tpu.memref_squeeze %dma_start3A_427 : memref<1x80xi32, #tpu.memory_space<vmem>> -> memref<80xi32, #tpu.memory_space<vmem>>
    %dma_start3A_429 = arith.constant 0 : i32
    %dma_start3A_430 = arith.constant 0 : i32
    %dma_start3A_431 = tpu.memref_slice %arg3[%dma_start3A_429, %dma_start3A_430] : memref<10000x128xf32, #tpu.memory_space<hbm>> -> memref<10000x128xf32, #tpu.memory_space<hbm>>
    tpu.enqueue_indirect_dma source(%dma_start3A_431 : memref<10000x128xf32, #tpu.memory_space<hbm>>) target(%arg10 : memref<80x128xf32, #tpu.memory_space<vmem>>) offsets(%dma_start3A_428 : memref<80xi32, #tpu.memory_space<vmem>>) semaphore(%arg14 : memref<!tpu.dma_semaphore, #tpu.memory_space<semaphore_mem>>)
    %dma_start3A_432 = arith.constant 0 : i32
    %dma_start3A_433 = arith.constant 0 : i32
    %dma_start3A_434 = arith.constant 0 : i32
    %dma_start3A_435 = tpu.memref_slice %arg7[%dma_start3A_433, %dma_start3A_434] : memref<32x80xi32, #tpu.memory_space<vmem>> -> memref<29x80xi32, #tpu.memory_space<vmem>>
    %dma_start3A_436 = arith.constant 96 : i32
    %dma_start3A_437 = arith.constant 0 : i32
    %dma_start3A_438 = tpu.memref_slice %arg2[%dma_start3A_432, %add3A, %dma_start3A_436, %dma_start3A_437] : memref<2x32x125x80xi32, #tpu.memory_space<hbm>> -> memref<1x1x29x80xi32, #tpu.memory_space<hbm>>
    %dma_start3A_439 = tpu.memref_squeeze %dma_start3A_438 : memref<1x1x29x80xi32, #tpu.memory_space<hbm>> -> memref<29x80xi32, #tpu.memory_space<hbm>>
    %dma_start3A_440 = arith.constant 0 : i32
    %dma_start3A_441 = arith.constant 0 : i32
    %dma_start3A_442 = tpu.memref_slice %arg7[%dma_start3A_440, %dma_start3A_441] : memref<32x80xi32, #tpu.memory_space<vmem>> -> memref<29x80xi32, #tpu.memory_space<vmem>>
    %dma_start3A_443 = arith.constant 96 : i32
    %dma_start3A_444 = arith.constant 0 : i32
    %dma_start3A_445 = tpu.memref_slice %arg2[%dma_start3A_432, %add3A, %dma_start3A_443, %dma_start3A_444] : memref<2x32x125x80xi32, #tpu.memory_space<hbm>> -> memref<1x1x29x80xi32, #tpu.memory_space<hbm>>
    %dma_start3A_446 = tpu.memref_squeeze %dma_start3A_445 : memref<1x1x29x80xi32, #tpu.memory_space<hbm>> -> memref<29x80xi32, #tpu.memory_space<hbm>>
    tpu.enqueue_dma source(%dma_start3A_446 : memref<29x80xi32, #tpu.memory_space<hbm>>) target(%dma_start3A_442 : memref<29x80xi32, #tpu.memory_space<vmem>>) target_semaphore(%arg19 : memref<!tpu.dma_semaphore, #tpu.memory_space<semaphore_mem>>)
    %dma_start3A_447 = arith.constant 1 : i32
    %dma_start3A_448 = arith.constant 0 : i32
    %dma_start3A_449 = arith.constant 0 : i32
    %dma_start3A_450 = tpu.memref_slice %arg8[%dma_start3A_448, %dma_start3A_449] : memref<32x80xi32, #tpu.memory_space<vmem>> -> memref<29x80xi32, #tpu.memory_space<vmem>>
    %dma_start3A_451 = arith.constant 96 : i32
    %dma_start3A_452 = arith.constant 0 : i32
    %dma_start3A_453 = tpu.memref_slice %arg2[%dma_start3A_447, %add3A, %dma_start3A_451, %dma_start3A_452] : memref<2x32x125x80xi32, #tpu.memory_space<hbm>> -> memref<1x1x29x80xi32, #tpu.memory_space<hbm>>
    %dma_start3A_454 = tpu.memref_squeeze %dma_start3A_453 : memref<1x1x29x80xi32, #tpu.memory_space<hbm>> -> memref<29x80xi32, #tpu.memory_space<hbm>>
    %dma_start3A_455 = arith.constant 0 : i32
    %dma_start3A_456 = arith.constant 0 : i32
    %dma_start3A_457 = tpu.memref_slice %arg8[%dma_start3A_455, %dma_start3A_456] : memref<32x80xi32, #tpu.memory_space<vmem>> -> memref<29x80xi32, #tpu.memory_space<vmem>>
    %dma_start3A_458 = arith.constant 96 : i32
    %dma_start3A_459 = arith.constant 0 : i32
    %dma_start3A_460 = tpu.memref_slice %arg2[%dma_start3A_447, %add3A, %dma_start3A_458, %dma_start3A_459] : memref<2x32x125x80xi32, #tpu.memory_space<hbm>> -> memref<1x1x29x80xi32, #tpu.memory_space<hbm>>
    %dma_start3A_461 = tpu.memref_squeeze %dma_start3A_460 : memref<1x1x29x80xi32, #tpu.memory_space<hbm>> -> memref<29x80xi32, #tpu.memory_space<hbm>>
    tpu.enqueue_dma source(%dma_start3A_461 : memref<29x80xi32, #tpu.memory_space<hbm>>) target(%dma_start3A_457 : memref<29x80xi32, #tpu.memory_space<vmem>>) target_semaphore(%arg19 : memref<!tpu.dma_semaphore, #tpu.memory_space<semaphore_mem>>)
    %scan3A_462 = arith.constant 0 : i32
    %scan3A_463 = arith.constant 2 : i32
    %scan3A_464 = arith.constant 28 : i32
    %scan3A_465 = arith.addi %scan3A_463, %scan3A_464 : i32
    %scan3A_466 = arith.constant 1 : i32
    scf.for %scan3A_676 = %scan3A_463 to %scan3A_465 step %scan3A_466  : i32 {
      %add3A_677 = arith.constant 1 : i32
      %add3A_678 = arith.addi %scan3A_676, %add3A_677 : i32
      %rem3A = arith.constant 3 : i32
      %rem3A_679 = arith.remsi %add3A_678, %rem3A : i32
      %eq3A_680 = arith.constant 0 : i32
      %eq3A_681 = arith.cmpi eq, %rem3A_679, %eq3A_680 : i32
      %convert_element_type3A_682 = arith.extui %eq3A_681 : i1 to i32
      %cond3A_683 = arith.constant 0 : i32
      %cond3A_684 = arith.cmpi ne, %convert_element_type3A_682, %cond3A_683 : i32
      scf.if %cond3A_684 {
        %dma_wait3A_703 = arith.constant 0 : i32
        %dma_wait3A_704 = tpu.memref_slice %arg5[%scan3A_676, %dma_wait3A_703] : memref<32x80xi32, #tpu.memory_space<vmem>> -> memref<1x80xi32, #tpu.memory_space<vmem>>
        %dma_wait3A_705 = tpu.memref_squeeze %dma_wait3A_704 : memref<1x80xi32, #tpu.memory_space<vmem>> -> memref<80xi32, #tpu.memory_space<vmem>>
        %dma_wait3A_706 = arith.constant 0 : i32
        %dma_wait3A_707 = arith.constant 0 : i32
        %dma_wait3A_708 = tpu.memref_slice %arg3[%dma_wait3A_706, %dma_wait3A_707] : memref<10000x128xf32, #tpu.memory_space<hbm>> -> memref<10000x128xf32, #tpu.memory_space<hbm>>
        tpu.wait_indirect_dma semaphore(%arg13 : memref<!tpu.dma_semaphore, #tpu.memory_space<semaphore_mem>>) src(%dma_wait3A_708 : memref<10000x128xf32, #tpu.memory_space<hbm>>) dst(%arg9 : memref<80x128xf32, #tpu.memory_space<vmem>>)
        %dma_start3A_709 = arith.constant 0 : i32
        %dma_start3A_710 = tpu.memref_slice %arg6[%scan3A_676, %dma_start3A_709] : memref<32x80xi32, #tpu.memory_space<vmem>> -> memref<1x80xi32, #tpu.memory_space<vmem>>
        %dma_start3A_711 = tpu.memref_squeeze %dma_start3A_710 : memref<1x80xi32, #tpu.memory_space<vmem>> -> memref<80xi32, #tpu.memory_space<vmem>>
        %dma_start3A_712 = arith.constant 0 : i32
        %dma_start3A_713 = arith.constant 0 : i32
        %dma_start3A_714 = tpu.memref_slice %arg12[%dma_start3A_712, %dma_start3A_713] : memref<10000x128xf32, #tpu.memory_space<vmem_shared>> -> memref<10000x128xf32, #tpu.memory_space<vmem_shared>>
        tpu.enqueue_indirect_dma source(%arg9 : memref<80x128xf32, #tpu.memory_space<vmem>>) target(%dma_start3A_714 : memref<10000x128xf32, #tpu.memory_space<vmem_shared>>) offsets(%dma_start3A_711 : memref<80xi32, #tpu.memory_space<vmem>>) semaphore(%arg16 : memref<!tpu.dma_semaphore, #tpu.memory_space<semaphore_mem>>) {add = true}
        %dma_wait3A_715 = arith.constant 0 : i32
        %dma_wait3A_716 = tpu.memref_slice %arg6[%scan3A_676, %dma_wait3A_715] : memref<32x80xi32, #tpu.memory_space<vmem>> -> memref<1x80xi32, #tpu.memory_space<vmem>>
        %dma_wait3A_717 = tpu.memref_squeeze %dma_wait3A_716 : memref<1x80xi32, #tpu.memory_space<vmem>> -> memref<80xi32, #tpu.memory_space<vmem>>
        %dma_wait3A_718 = arith.constant 0 : i32
        %dma_wait3A_719 = arith.constant 0 : i32
        %dma_wait3A_720 = tpu.memref_slice %arg12[%dma_wait3A_718, %dma_wait3A_719] : memref<10000x128xf32, #tpu.memory_space<vmem_shared>> -> memref<10000x128xf32, #tpu.memory_space<vmem_shared>>
        tpu.wait_indirect_dma semaphore(%arg18 : memref<!tpu.dma_semaphore, #tpu.memory_space<semaphore_mem>>) src(%arg11 : memref<80x128xf32, #tpu.memory_space<vmem>>) dst(%dma_wait3A_720 : memref<10000x128xf32, #tpu.memory_space<vmem_shared>>)
        %add3A_721 = arith.constant 2 : i32
        %add3A_722 = arith.addi %scan3A_676, %add3A_721 : i32
        %dma_start3A_723 = arith.constant 0 : i32
        %dma_start3A_724 = tpu.memref_slice %arg5[%add3A_722, %dma_start3A_723] : memref<32x80xi32, #tpu.memory_space<vmem>> -> memref<1x80xi32, #tpu.memory_space<vmem>>
        %dma_start3A_725 = tpu.memref_squeeze %dma_start3A_724 : memref<1x80xi32, #tpu.memory_space<vmem>> -> memref<80xi32, #tpu.memory_space<vmem>>
        %dma_start3A_726 = arith.constant 0 : i32
        %dma_start3A_727 = arith.constant 0 : i32
        %dma_start3A_728 = tpu.memref_slice %arg3[%dma_start3A_726, %dma_start3A_727] : memref<10000x128xf32, #tpu.memory_space<hbm>> -> memref<10000x128xf32, #tpu.memory_space<hbm>>
        tpu.enqueue_indirect_dma source(%dma_start3A_728 : memref<10000x128xf32, #tpu.memory_space<hbm>>) target(%arg11 : memref<80x128xf32, #tpu.memory_space<vmem>>) offsets(%dma_start3A_725 : memref<80xi32, #tpu.memory_space<vmem>>) semaphore(%arg15 : memref<!tpu.dma_semaphore, #tpu.memory_space<semaphore_mem>>)
      } else {
      }
      %add3A_685 = arith.constant 1 : i32
      %add3A_686 = arith.addi %scan3A_676, %add3A_685 : i32
      %rem3A_687 = arith.constant 3 : i32
      %rem3A_688 = arith.remsi %add3A_686, %rem3A_687 : i32
      %eq3A_689 = arith.constant 1 : i32
      %eq3A_690 = arith.cmpi eq, %rem3A_688, %eq3A_689 : i32
      %convert_element_type3A_691 = arith.extui %eq3A_690 : i1 to i32
      %cond3A_692 = arith.constant 0 : i32
      %cond3A_693 = arith.cmpi ne, %convert_element_type3A_691, %cond3A_692 : i32
      scf.if %cond3A_693 {
        %dma_wait3A_703 = arith.constant 0 : i32
        %dma_wait3A_704 = tpu.memref_slice %arg5[%scan3A_676, %dma_wait3A_703] : memref<32x80xi32, #tpu.memory_space<vmem>> -> memref<1x80xi32, #tpu.memory_space<vmem>>
        %dma_wait3A_705 = tpu.memref_squeeze %dma_wait3A_704 : memref<1x80xi32, #tpu.memory_space<vmem>> -> memref<80xi32, #tpu.memory_space<vmem>>
        %dma_wait3A_706 = arith.constant 0 : i32
        %dma_wait3A_707 = arith.constant 0 : i32
        %dma_wait3A_708 = tpu.memref_slice %arg3[%dma_wait3A_706, %dma_wait3A_707] : memref<10000x128xf32, #tpu.memory_space<hbm>> -> memref<10000x128xf32, #tpu.memory_space<hbm>>
        tpu.wait_indirect_dma semaphore(%arg14 : memref<!tpu.dma_semaphore, #tpu.memory_space<semaphore_mem>>) src(%dma_wait3A_708 : memref<10000x128xf32, #tpu.memory_space<hbm>>) dst(%arg10 : memref<80x128xf32, #tpu.memory_space<vmem>>)
        %dma_start3A_709 = arith.constant 0 : i32
        %dma_start3A_710 = tpu.memref_slice %arg6[%scan3A_676, %dma_start3A_709] : memref<32x80xi32, #tpu.memory_space<vmem>> -> memref<1x80xi32, #tpu.memory_space<vmem>>
        %dma_start3A_711 = tpu.memref_squeeze %dma_start3A_710 : memref<1x80xi32, #tpu.memory_space<vmem>> -> memref<80xi32, #tpu.memory_space<vmem>>
        %dma_start3A_712 = arith.constant 0 : i32
        %dma_start3A_713 = arith.constant 0 : i32
        %dma_start3A_714 = tpu.memref_slice %arg12[%dma_start3A_712, %dma_start3A_713] : memref<10000x128xf32, #tpu.memory_space<vmem_shared>> -> memref<10000x128xf32, #tpu.memory_space<vmem_shared>>
        tpu.enqueue_indirect_dma source(%arg10 : memref<80x128xf32, #tpu.memory_space<vmem>>) target(%dma_start3A_714 : memref<10000x128xf32, #tpu.memory_space<vmem_shared>>) offsets(%dma_start3A_711 : memref<80xi32, #tpu.memory_space<vmem>>) semaphore(%arg17 : memref<!tpu.dma_semaphore, #tpu.memory_space<semaphore_mem>>) {add = true}
        %dma_wait3A_715 = arith.constant 0 : i32
        %dma_wait3A_716 = tpu.memref_slice %arg6[%scan3A_676, %dma_wait3A_715] : memref<32x80xi32, #tpu.memory_space<vmem>> -> memref<1x80xi32, #tpu.memory_space<vmem>>
        %dma_wait3A_717 = tpu.memref_squeeze %dma_wait3A_716 : memref<1x80xi32, #tpu.memory_space<vmem>> -> memref<80xi32, #tpu.memory_space<vmem>>
        %dma_wait3A_718 = arith.constant 0 : i32
        %dma_wait3A_719 = arith.constant 0 : i32
        %dma_wait3A_720 = tpu.memref_slice %arg12[%dma_wait3A_718, %dma_wait3A_719] : memref<10000x128xf32, #tpu.memory_space<vmem_shared>> -> memref<10000x128xf32, #tpu.memory_space<vmem_shared>>
        tpu.wait_indirect_dma semaphore(%arg16 : memref<!tpu.dma_semaphore, #tpu.memory_space<semaphore_mem>>) src(%arg9 : memref<80x128xf32, #tpu.memory_space<vmem>>) dst(%dma_wait3A_720 : memref<10000x128xf32, #tpu.memory_space<vmem_shared>>)
        %add3A_721 = arith.constant 2 : i32
        %add3A_722 = arith.addi %scan3A_676, %add3A_721 : i32
        %dma_start3A_723 = arith.constant 0 : i32
        %dma_start3A_724 = tpu.memref_slice %arg5[%add3A_722, %dma_start3A_723] : memref<32x80xi32, #tpu.memory_space<vmem>> -> memref<1x80xi32, #tpu.memory_space<vmem>>
        %dma_start3A_725 = tpu.memref_squeeze %dma_start3A_724 : memref<1x80xi32, #tpu.memory_space<vmem>> -> memref<80xi32, #tpu.memory_space<vmem>>
        %dma_start3A_726 = arith.constant 0 : i32
        %dma_start3A_727 = arith.constant 0 : i32
        %dma_start3A_728 = tpu.memref_slice %arg3[%dma_start3A_726, %dma_start3A_727] : memref<10000x128xf32, #tpu.memory_space<hbm>> -> memref<10000x128xf32, #tpu.memory_space<hbm>>
        tpu.enqueue_indirect_dma source(%dma_start3A_728 : memref<10000x128xf32, #tpu.memory_space<hbm>>) target(%arg9 : memref<80x128xf32, #tpu.memory_space<vmem>>) offsets(%dma_start3A_725 : memref<80xi32, #tpu.memory_space<vmem>>) semaphore(%arg13 : memref<!tpu.dma_semaphore, #tpu.memory_space<semaphore_mem>>)
      } else {
      }
      %add3A_694 = arith.constant 1 : i32
      %add3A_695 = arith.addi %scan3A_676, %add3A_694 : i32
      %rem3A_696 = arith.constant 3 : i32
      %rem3A_697 = arith.remsi %add3A_695, %rem3A_696 : i32
      %eq3A_698 = arith.constant 2 : i32
      %eq3A_699 = arith.cmpi eq, %rem3A_697, %eq3A_698 : i32
      %convert_element_type3A_700 = arith.extui %eq3A_699 : i1 to i32
      %cond3A_701 = arith.constant 0 : i32
      %cond3A_702 = arith.cmpi ne, %convert_element_type3A_700, %cond3A_701 : i32
      scf.if %cond3A_702 {
        %dma_wait3A_703 = arith.constant 0 : i32
        %dma_wait3A_704 = tpu.memref_slice %arg5[%scan3A_676, %dma_wait3A_703] : memref<32x80xi32, #tpu.memory_space<vmem>> -> memref<1x80xi32, #tpu.memory_space<vmem>>
        %dma_wait3A_705 = tpu.memref_squeeze %dma_wait3A_704 : memref<1x80xi32, #tpu.memory_space<vmem>> -> memref<80xi32, #tpu.memory_space<vmem>>
        %dma_wait3A_706 = arith.constant 0 : i32
        %dma_wait3A_707 = arith.constant 0 : i32
        %dma_wait3A_708 = tpu.memref_slice %arg3[%dma_wait3A_706, %dma_wait3A_707] : memref<10000x128xf32, #tpu.memory_space<hbm>> -> memref<10000x128xf32, #tpu.memory_space<hbm>>
        tpu.wait_indirect_dma semaphore(%arg15 : memref<!tpu.dma_semaphore, #tpu.memory_space<semaphore_mem>>) src(%dma_wait3A_708 : memref<10000x128xf32, #tpu.memory_space<hbm>>) dst(%arg11 : memref<80x128xf32, #tpu.memory_space<vmem>>)
        %dma_start3A_709 = arith.constant 0 : i32
        %dma_start3A_710 = tpu.memref_slice %arg6[%scan3A_676, %dma_start3A_709] : memref<32x80xi32, #tpu.memory_space<vmem>> -> memref<1x80xi32, #tpu.memory_space<vmem>>
        %dma_start3A_711 = tpu.memref_squeeze %dma_start3A_710 : memref<1x80xi32, #tpu.memory_space<vmem>> -> memref<80xi32, #tpu.memory_space<vmem>>
        %dma_start3A_712 = arith.constant 0 : i32
        %dma_start3A_713 = arith.constant 0 : i32
        %dma_start3A_714 = tpu.memref_slice %arg12[%dma_start3A_712, %dma_start3A_713] : memref<10000x128xf32, #tpu.memory_space<vmem_shared>> -> memref<10000x128xf32, #tpu.memory_space<vmem_shared>>
        tpu.enqueue_indirect_dma source(%arg11 : memref<80x128xf32, #tpu.memory_space<vmem>>) target(%dma_start3A_714 : memref<10000x128xf32, #tpu.memory_space<vmem_shared>>) offsets(%dma_start3A_711 : memref<80xi32, #tpu.memory_space<vmem>>) semaphore(%arg18 : memref<!tpu.dma_semaphore, #tpu.memory_space<semaphore_mem>>) {add = true}
        %dma_wait3A_715 = arith.constant 0 : i32
        %dma_wait3A_716 = tpu.memref_slice %arg6[%scan3A_676, %dma_wait3A_715] : memref<32x80xi32, #tpu.memory_space<vmem>> -> memref<1x80xi32, #tpu.memory_space<vmem>>
        %dma_wait3A_717 = tpu.memref_squeeze %dma_wait3A_716 : memref<1x80xi32, #tpu.memory_space<vmem>> -> memref<80xi32, #tpu.memory_space<vmem>>
        %dma_wait3A_718 = arith.constant 0 : i32
        %dma_wait3A_719 = arith.constant 0 : i32
        %dma_wait3A_720 = tpu.memref_slice %arg12[%dma_wait3A_718, %dma_wait3A_719] : memref<10000x128xf32, #tpu.memory_space<vmem_shared>> -> memref<10000x128xf32, #tpu.memory_space<vmem_shared>>
        tpu.wait_indirect_dma semaphore(%arg17 : memref<!tpu.dma_semaphore, #tpu.memory_space<semaphore_mem>>) src(%arg10 : memref<80x128xf32, #tpu.memory_space<vmem>>) dst(%dma_wait3A_720 : memref<10000x128xf32, #tpu.memory_space<vmem_shared>>)
        %add3A_721 = arith.constant 2 : i32
        %add3A_722 = arith.addi %scan3A_676, %add3A_721 : i32
        %dma_start3A_723 = arith.constant 0 : i32
        %dma_start3A_724 = tpu.memref_slice %arg5[%add3A_722, %dma_start3A_723] : memref<32x80xi32, #tpu.memory_space<vmem>> -> memref<1x80xi32, #tpu.memory_space<vmem>>
        %dma_start3A_725 = tpu.memref_squeeze %dma_start3A_724 : memref<1x80xi32, #tpu.memory_space<vmem>> -> memref<80xi32, #tpu.memory_space<vmem>>
        %dma_start3A_726 = arith.constant 0 : i32
        %dma_start3A_727 = arith.constant 0 : i32
        %dma_start3A_728 = tpu.memref_slice %arg3[%dma_start3A_726, %dma_start3A_727] : memref<10000x128xf32, #tpu.memory_space<hbm>> -> memref<10000x128xf32, #tpu.memory_space<hbm>>
        tpu.enqueue_indirect_dma source(%dma_start3A_728 : memref<10000x128xf32, #tpu.memory_space<hbm>>) target(%arg10 : memref<80x128xf32, #tpu.memory_space<vmem>>) offsets(%dma_start3A_725 : memref<80xi32, #tpu.memory_space<vmem>>) semaphore(%arg14 : memref<!tpu.dma_semaphore, #tpu.memory_space<semaphore_mem>>)
      } else {
      }
    }
    %scan3A_467 = arith.constant 28 : i32
    %dma_wait3A_468 = arith.constant 0 : i32
    %dma_wait3A_469 = arith.constant 0 : i32
    %dma_wait3A_470 = arith.constant 0 : i32
    %dma_wait3A_471 = tpu.memref_slice %arg7[%dma_wait3A_469, %dma_wait3A_470] : memref<32x80xi32, #tpu.memory_space<vmem>> -> memref<29x80xi32, #tpu.memory_space<vmem>>
    %dma_wait3A_472 = arith.constant 96 : i32
    %dma_wait3A_473 = arith.constant 0 : i32
    %dma_wait3A_474 = tpu.memref_slice %arg2[%dma_wait3A_468, %add3A, %dma_wait3A_472, %dma_wait3A_473] : memref<2x32x125x80xi32, #tpu.memory_space<hbm>> -> memref<1x1x29x80xi32, #tpu.memory_space<hbm>>
    %dma_wait3A_475 = tpu.memref_squeeze %dma_wait3A_474 : memref<1x1x29x80xi32, #tpu.memory_space<hbm>> -> memref<29x80xi32, #tpu.memory_space<hbm>>
    %dma_wait3A_476 = arith.constant 0 : i32
    %dma_wait3A_477 = arith.constant 0 : i32
    %dma_wait3A_478 = tpu.memref_slice %arg7[%dma_wait3A_476, %dma_wait3A_477] : memref<32x80xi32, #tpu.memory_space<vmem>> -> memref<29x80xi32, #tpu.memory_space<vmem>>
    %dma_wait3A_479 = arith.constant 96 : i32
    %dma_wait3A_480 = arith.constant 0 : i32
    %dma_wait3A_481 = tpu.memref_slice %arg2[%dma_wait3A_468, %add3A, %dma_wait3A_479, %dma_wait3A_480] : memref<2x32x125x80xi32, #tpu.memory_space<hbm>> -> memref<1x1x29x80xi32, #tpu.memory_space<hbm>>
    %dma_wait3A_482 = tpu.memref_squeeze %dma_wait3A_481 : memref<1x1x29x80xi32, #tpu.memory_space<hbm>> -> memref<29x80xi32, #tpu.memory_space<hbm>>
    tpu.wait_dma2 semaphore(%arg19 : memref<!tpu.dma_semaphore, #tpu.memory_space<semaphore_mem>>) src(%dma_wait3A_482 : memref<29x80xi32, #tpu.memory_space<hbm>>) dst(%dma_wait3A_478 : memref<29x80xi32, #tpu.memory_space<vmem>>)
    %dma_wait3A_483 = arith.constant 1 : i32
    %dma_wait3A_484 = arith.constant 0 : i32
    %dma_wait3A_485 = arith.constant 0 : i32
    %dma_wait3A_486 = tpu.memref_slice %arg8[%dma_wait3A_484, %dma_wait3A_485] : memref<32x80xi32, #tpu.memory_space<vmem>> -> memref<29x80xi32, #tpu.memory_space<vmem>>
    %dma_wait3A_487 = arith.constant 96 : i32
    %dma_wait3A_488 = arith.constant 0 : i32
    %dma_wait3A_489 = tpu.memref_slice %arg2[%dma_wait3A_483, %add3A, %dma_wait3A_487, %dma_wait3A_488] : memref<2x32x125x80xi32, #tpu.memory_space<hbm>> -> memref<1x1x29x80xi32, #tpu.memory_space<hbm>>
    %dma_wait3A_490 = tpu.memref_squeeze %dma_wait3A_489 : memref<1x1x29x80xi32, #tpu.memory_space<hbm>> -> memref<29x80xi32, #tpu.memory_space<hbm>>
    %dma_wait3A_491 = arith.constant 0 : i32
    %dma_wait3A_492 = arith.constant 0 : i32
    %dma_wait3A_493 = tpu.memref_slice %arg8[%dma_wait3A_491, %dma_wait3A_492] : memref<32x80xi32, #tpu.memory_space<vmem>> -> memref<29x80xi32, #tpu.memory_space<vmem>>
    %dma_wait3A_494 = arith.constant 96 : i32
    %dma_wait3A_495 = arith.constant 0 : i32
    %dma_wait3A_496 = tpu.memref_slice %arg2[%dma_wait3A_483, %add3A, %dma_wait3A_494, %dma_wait3A_495] : memref<2x32x125x80xi32, #tpu.memory_space<hbm>> -> memref<1x1x29x80xi32, #tpu.memory_space<hbm>>
    %dma_wait3A_497 = tpu.memref_squeeze %dma_wait3A_496 : memref<1x1x29x80xi32, #tpu.memory_space<hbm>> -> memref<29x80xi32, #tpu.memory_space<hbm>>
    tpu.wait_dma2 semaphore(%arg19 : memref<!tpu.dma_semaphore, #tpu.memory_space<semaphore_mem>>) src(%dma_wait3A_497 : memref<29x80xi32, #tpu.memory_space<hbm>>) dst(%dma_wait3A_493 : memref<29x80xi32, #tpu.memory_space<vmem>>)
    %dma_wait3A_498 = arith.constant 30 : i32
    %dma_wait3A_499 = arith.constant 0 : i32
    %dma_wait3A_500 = tpu.memref_slice %arg5[%dma_wait3A_498, %dma_wait3A_499] : memref<32x80xi32, #tpu.memory_space<vmem>> -> memref<1x80xi32, #tpu.memory_space<vmem>>
    %dma_wait3A_501 = tpu.memref_squeeze %dma_wait3A_500 : memref<1x80xi32, #tpu.memory_space<vmem>> -> memref<80xi32, #tpu.memory_space<vmem>>
    %dma_wait3A_502 = arith.constant 0 : i32
    %dma_wait3A_503 = arith.constant 0 : i32
    %dma_wait3A_504 = tpu.memref_slice %arg3[%dma_wait3A_502, %dma_wait3A_503] : memref<10000x128xf32, #tpu.memory_space<hbm>> -> memref<10000x128xf32, #tpu.memory_space<hbm>>
    tpu.wait_indirect_dma semaphore(%arg14 : memref<!tpu.dma_semaphore, #tpu.memory_space<semaphore_mem>>) src(%dma_wait3A_504 : memref<10000x128xf32, #tpu.memory_space<hbm>>) dst(%arg10 : memref<80x128xf32, #tpu.memory_space<vmem>>)
    %dma_start3A_505 = arith.constant 30 : i32
    %dma_start3A_506 = arith.constant 0 : i32
    %dma_start3A_507 = tpu.memref_slice %arg6[%dma_start3A_505, %dma_start3A_506] : memref<32x80xi32, #tpu.memory_space<vmem>> -> memref<1x80xi32, #tpu.memory_space<vmem>>
    %dma_start3A_508 = tpu.memref_squeeze %dma_start3A_507 : memref<1x80xi32, #tpu.memory_space<vmem>> -> memref<80xi32, #tpu.memory_space<vmem>>
    %dma_start3A_509 = arith.constant 0 : i32
    %dma_start3A_510 = arith.constant 0 : i32
    %dma_start3A_511 = tpu.memref_slice %arg12[%dma_start3A_509, %dma_start3A_510] : memref<10000x128xf32, #tpu.memory_space<vmem_shared>> -> memref<10000x128xf32, #tpu.memory_space<vmem_shared>>
    tpu.enqueue_indirect_dma source(%arg10 : memref<80x128xf32, #tpu.memory_space<vmem>>) target(%dma_start3A_511 : memref<10000x128xf32, #tpu.memory_space<vmem_shared>>) offsets(%dma_start3A_508 : memref<80xi32, #tpu.memory_space<vmem>>) semaphore(%arg17 : memref<!tpu.dma_semaphore, #tpu.memory_space<semaphore_mem>>) {add = true}
    %dma_wait3A_512 = arith.constant 0 : i32
    %dma_wait3A_513 = arith.constant 0 : i32
    %dma_wait3A_514 = tpu.memref_slice %arg6[%dma_wait3A_512, %dma_wait3A_513] : memref<32x80xi32, #tpu.memory_space<vmem>> -> memref<1x80xi32, #tpu.memory_space<vmem>>
    %dma_wait3A_515 = tpu.memref_squeeze %dma_wait3A_514 : memref<1x80xi32, #tpu.memory_space<vmem>> -> memref<80xi32, #tpu.memory_space<vmem>>
    %dma_wait3A_516 = arith.constant 0 : i32
    %dma_wait3A_517 = arith.constant 0 : i32
    %dma_wait3A_518 = tpu.memref_slice %arg12[%dma_wait3A_516, %dma_wait3A_517] : memref<10000x128xf32, #tpu.memory_space<vmem_shared>> -> memref<10000x128xf32, #tpu.memory_space<vmem_shared>>
    tpu.wait_indirect_dma semaphore(%arg16 : memref<!tpu.dma_semaphore, #tpu.memory_space<semaphore_mem>>) src(%arg9 : memref<80x128xf32, #tpu.memory_space<vmem>>) dst(%dma_wait3A_518 : memref<10000x128xf32, #tpu.memory_space<vmem_shared>>)
    %dma_start3A_519 = arith.constant 0 : i32
    %dma_start3A_520 = arith.constant 0 : i32
    %dma_start3A_521 = tpu.memref_slice %arg7[%dma_start3A_519, %dma_start3A_520] : memref<32x80xi32, #tpu.memory_space<vmem>> -> memref<1x80xi32, #tpu.memory_space<vmem>>
    %dma_start3A_522 = tpu.memref_squeeze %dma_start3A_521 : memref<1x80xi32, #tpu.memory_space<vmem>> -> memref<80xi32, #tpu.memory_space<vmem>>
    %dma_start3A_523 = arith.constant 0 : i32
    %dma_start3A_524 = arith.constant 0 : i32
    %dma_start3A_525 = tpu.memref_slice %arg3[%dma_start3A_523, %dma_start3A_524] : memref<10000x128xf32, #tpu.memory_space<hbm>> -> memref<10000x128xf32, #tpu.memory_space<hbm>>
    tpu.enqueue_indirect_dma source(%dma_start3A_525 : memref<10000x128xf32, #tpu.memory_space<hbm>>) target(%arg9 : memref<80x128xf32, #tpu.memory_space<vmem>>) offsets(%dma_start3A_522 : memref<80xi32, #tpu.memory_space<vmem>>) semaphore(%arg13 : memref<!tpu.dma_semaphore, #tpu.memory_space<semaphore_mem>>)
    %dma_wait3A_526 = arith.constant 31 : i32
    %dma_wait3A_527 = arith.constant 0 : i32
    %dma_wait3A_528 = tpu.memref_slice %arg5[%dma_wait3A_526, %dma_wait3A_527] : memref<32x80xi32, #tpu.memory_space<vmem>> -> memref<1x80xi32, #tpu.memory_space<vmem>>
    %dma_wait3A_529 = tpu.memref_squeeze %dma_wait3A_528 : memref<1x80xi32, #tpu.memory_space<vmem>> -> memref<80xi32, #tpu.memory_space<vmem>>
    %dma_wait3A_530 = arith.constant 0 : i32
    %dma_wait3A_531 = arith.constant 0 : i32
    %dma_wait3A_532 = tpu.memref_slice %arg3[%dma_wait3A_530, %dma_wait3A_531] : memref<10000x128xf32, #tpu.memory_space<hbm>> -> memref<10000x128xf32, #tpu.memory_space<hbm>>
    tpu.wait_indirect_dma semaphore(%arg15 : memref<!tpu.dma_semaphore, #tpu.memory_space<semaphore_mem>>) src(%dma_wait3A_532 : memref<10000x128xf32, #tpu.memory_space<hbm>>) dst(%arg11 : memref<80x128xf32, #tpu.memory_space<vmem>>)
    %dma_start3A_533 = arith.constant 31 : i32
    %dma_start3A_534 = arith.constant 0 : i32
    %dma_start3A_535 = tpu.memref_slice %arg6[%dma_start3A_533, %dma_start3A_534] : memref<32x80xi32, #tpu.memory_space<vmem>> -> memref<1x80xi32, #tpu.memory_space<vmem>>
    %dma_start3A_536 = tpu.memref_squeeze %dma_start3A_535 : memref<1x80xi32, #tpu.memory_space<vmem>> -> memref<80xi32, #tpu.memory_space<vmem>>
    %dma_start3A_537 = arith.constant 0 : i32
    %dma_start3A_538 = arith.constant 0 : i32
    %dma_start3A_539 = tpu.memref_slice %arg12[%dma_start3A_537, %dma_start3A_538] : memref<10000x128xf32, #tpu.memory_space<vmem_shared>> -> memref<10000x128xf32, #tpu.memory_space<vmem_shared>>
    tpu.enqueue_indirect_dma source(%arg11 : memref<80x128xf32, #tpu.memory_space<vmem>>) target(%dma_start3A_539 : memref<10000x128xf32, #tpu.memory_space<vmem_shared>>) offsets(%dma_start3A_536 : memref<80xi32, #tpu.memory_space<vmem>>) semaphore(%arg18 : memref<!tpu.dma_semaphore, #tpu.memory_space<semaphore_mem>>) {add = true}
    %dma_wait3A_540 = arith.constant 0 : i32
    %dma_wait3A_541 = arith.constant 0 : i32
    %dma_wait3A_542 = tpu.memref_slice %arg6[%dma_wait3A_540, %dma_wait3A_541] : memref<32x80xi32, #tpu.memory_space<vmem>> -> memref<1x80xi32, #tpu.memory_space<vmem>>
    %dma_wait3A_543 = tpu.memref_squeeze %dma_wait3A_542 : memref<1x80xi32, #tpu.memory_space<vmem>> -> memref<80xi32, #tpu.memory_space<vmem>>
    %dma_wait3A_544 = arith.constant 0 : i32
    %dma_wait3A_545 = arith.constant 0 : i32
    %dma_wait3A_546 = tpu.memref_slice %arg12[%dma_wait3A_544, %dma_wait3A_545] : memref<10000x128xf32, #tpu.memory_space<vmem_shared>> -> memref<10000x128xf32, #tpu.memory_space<vmem_shared>>
    tpu.wait_indirect_dma semaphore(%arg17 : memref<!tpu.dma_semaphore, #tpu.memory_space<semaphore_mem>>) src(%arg10 : memref<80x128xf32, #tpu.memory_space<vmem>>) dst(%dma_wait3A_546 : memref<10000x128xf32, #tpu.memory_space<vmem_shared>>)
    %dma_start3A_547 = arith.constant 1 : i32
    %dma_start3A_548 = arith.constant 0 : i32
    %dma_start3A_549 = tpu.memref_slice %arg7[%dma_start3A_547, %dma_start3A_548] : memref<32x80xi32, #tpu.memory_space<vmem>> -> memref<1x80xi32, #tpu.memory_space<vmem>>
    %dma_start3A_550 = tpu.memref_squeeze %dma_start3A_549 : memref<1x80xi32, #tpu.memory_space<vmem>> -> memref<80xi32, #tpu.memory_space<vmem>>
    %dma_start3A_551 = arith.constant 0 : i32
    %dma_start3A_552 = arith.constant 0 : i32
    %dma_start3A_553 = tpu.memref_slice %arg3[%dma_start3A_551, %dma_start3A_552] : memref<10000x128xf32, #tpu.memory_space<hbm>> -> memref<10000x128xf32, #tpu.memory_space<hbm>>
    tpu.enqueue_indirect_dma source(%dma_start3A_553 : memref<10000x128xf32, #tpu.memory_space<hbm>>) target(%arg10 : memref<80x128xf32, #tpu.memory_space<vmem>>) offsets(%dma_start3A_550 : memref<80xi32, #tpu.memory_space<vmem>>) semaphore(%arg14 : memref<!tpu.dma_semaphore, #tpu.memory_space<semaphore_mem>>)
    %dma_wait3A_554 = arith.constant 0 : i32
    %dma_wait3A_555 = arith.constant 0 : i32
    %dma_wait3A_556 = tpu.memref_slice %arg7[%dma_wait3A_554, %dma_wait3A_555] : memref<32x80xi32, #tpu.memory_space<vmem>> -> memref<1x80xi32, #tpu.memory_space<vmem>>
    %dma_wait3A_557 = tpu.memref_squeeze %dma_wait3A_556 : memref<1x80xi32, #tpu.memory_space<vmem>> -> memref<80xi32, #tpu.memory_space<vmem>>
    %dma_wait3A_558 = arith.constant 0 : i32
    %dma_wait3A_559 = arith.constant 0 : i32
    %dma_wait3A_560 = tpu.memref_slice %arg3[%dma_wait3A_558, %dma_wait3A_559] : memref<10000x128xf32, #tpu.memory_space<hbm>> -> memref<10000x128xf32, #tpu.memory_space<hbm>>
    tpu.wait_indirect_dma semaphore(%arg13 : memref<!tpu.dma_semaphore, #tpu.memory_space<semaphore_mem>>) src(%dma_wait3A_560 : memref<10000x128xf32, #tpu.memory_space<hbm>>) dst(%arg9 : memref<80x128xf32, #tpu.memory_space<vmem>>)
    %dma_start3A_561 = arith.constant 0 : i32
    %dma_start3A_562 = arith.constant 0 : i32
    %dma_start3A_563 = tpu.memref_slice %arg8[%dma_start3A_561, %dma_start3A_562] : memref<32x80xi32, #tpu.memory_space<vmem>> -> memref<1x80xi32, #tpu.memory_space<vmem>>
    %dma_start3A_564 = tpu.memref_squeeze %dma_start3A_563 : memref<1x80xi32, #tpu.memory_space<vmem>> -> memref<80xi32, #tpu.memory_space<vmem>>
    %dma_start3A_565 = arith.constant 0 : i32
    %dma_start3A_566 = arith.constant 0 : i32
    %dma_start3A_567 = tpu.memref_slice %arg12[%dma_start3A_565, %dma_start3A_566] : memref<10000x128xf32, #tpu.memory_space<vmem_shared>> -> memref<10000x128xf32, #tpu.memory_space<vmem_shared>>
    tpu.enqueue_indirect_dma source(%arg9 : memref<80x128xf32, #tpu.memory_space<vmem>>) target(%dma_start3A_567 : memref<10000x128xf32, #tpu.memory_space<vmem_shared>>) offsets(%dma_start3A_564 : memref<80xi32, #tpu.memory_space<vmem>>) semaphore(%arg16 : memref<!tpu.dma_semaphore, #tpu.memory_space<semaphore_mem>>) {add = true}
    %dma_wait3A_568 = arith.constant 0 : i32
    %dma_wait3A_569 = arith.constant 0 : i32
    %dma_wait3A_570 = tpu.memref_slice %arg8[%dma_wait3A_568, %dma_wait3A_569] : memref<32x80xi32, #tpu.memory_space<vmem>> -> memref<1x80xi32, #tpu.memory_space<vmem>>
    %dma_wait3A_571 = tpu.memref_squeeze %dma_wait3A_570 : memref<1x80xi32, #tpu.memory_space<vmem>> -> memref<80xi32, #tpu.memory_space<vmem>>
    %dma_wait3A_572 = arith.constant 0 : i32
    %dma_wait3A_573 = arith.constant 0 : i32
    %dma_wait3A_574 = tpu.memref_slice %arg12[%dma_wait3A_572, %dma_wait3A_573] : memref<10000x128xf32, #tpu.memory_space<vmem_shared>> -> memref<10000x128xf32, #tpu.memory_space<vmem_shared>>
    tpu.wait_indirect_dma semaphore(%arg18 : memref<!tpu.dma_semaphore, #tpu.memory_space<semaphore_mem>>) src(%arg11 : memref<80x128xf32, #tpu.memory_space<vmem>>) dst(%dma_wait3A_574 : memref<10000x128xf32, #tpu.memory_space<vmem_shared>>)
    %dma_start3A_575 = arith.constant 2 : i32
    %dma_start3A_576 = arith.constant 0 : i32
    %dma_start3A_577 = tpu.memref_slice %arg7[%dma_start3A_575, %dma_start3A_576] : memref<32x80xi32, #tpu.memory_space<vmem>> -> memref<1x80xi32, #tpu.memory_space<vmem>>
    %dma_start3A_578 = tpu.memref_squeeze %dma_start3A_577 : memref<1x80xi32, #tpu.memory_space<vmem>> -> memref<80xi32, #tpu.memory_space<vmem>>
    %dma_start3A_579 = arith.constant 0 : i32
    %dma_start3A_580 = arith.constant 0 : i32
    %dma_start3A_581 = tpu.memref_slice %arg3[%dma_start3A_579, %dma_start3A_580] : memref<10000x128xf32, #tpu.memory_space<hbm>> -> memref<10000x128xf32, #tpu.memory_space<hbm>>
    tpu.enqueue_indirect_dma source(%dma_start3A_581 : memref<10000x128xf32, #tpu.memory_space<hbm>>) target(%arg11 : memref<80x128xf32, #tpu.memory_space<vmem>>) offsets(%dma_start3A_578 : memref<80xi32, #tpu.memory_space<vmem>>) semaphore(%arg15 : memref<!tpu.dma_semaphore, #tpu.memory_space<semaphore_mem>>)
    %dma_wait3A_582 = arith.constant 1 : i32
    %dma_wait3A_583 = arith.constant 0 : i32
    %dma_wait3A_584 = tpu.memref_slice %arg7[%dma_wait3A_582, %dma_wait3A_583] : memref<32x80xi32, #tpu.memory_space<vmem>> -> memref<1x80xi32, #tpu.memory_space<vmem>>
    %dma_wait3A_585 = tpu.memref_squeeze %dma_wait3A_584 : memref<1x80xi32, #tpu.memory_space<vmem>> -> memref<80xi32, #tpu.memory_space<vmem>>
    %dma_wait3A_586 = arith.constant 0 : i32
    %dma_wait3A_587 = arith.constant 0 : i32
    %dma_wait3A_588 = tpu.memref_slice %arg3[%dma_wait3A_586, %dma_wait3A_587] : memref<10000x128xf32, #tpu.memory_space<hbm>> -> memref<10000x128xf32, #tpu.memory_space<hbm>>
    tpu.wait_indirect_dma semaphore(%arg14 : memref<!tpu.dma_semaphore, #tpu.memory_space<semaphore_mem>>) src(%dma_wait3A_588 : memref<10000x128xf32, #tpu.memory_space<hbm>>) dst(%arg10 : memref<80x128xf32, #tpu.memory_space<vmem>>)
    %dma_start3A_589 = arith.constant 1 : i32
    %dma_start3A_590 = arith.constant 0 : i32
    %dma_start3A_591 = tpu.memref_slice %arg8[%dma_start3A_589, %dma_start3A_590] : memref<32x80xi32, #tpu.memory_space<vmem>> -> memref<1x80xi32, #tpu.memory_space<vmem>>
    %dma_start3A_592 = tpu.memref_squeeze %dma_start3A_591 : memref<1x80xi32, #tpu.memory_space<vmem>> -> memref<80xi32, #tpu.memory_space<vmem>>
    %dma_start3A_593 = arith.constant 0 : i32
    %dma_start3A_594 = arith.constant 0 : i32
    %dma_start3A_595 = tpu.memref_slice %arg12[%dma_start3A_593, %dma_start3A_594] : memref<10000x128xf32, #tpu.memory_space<vmem_shared>> -> memref<10000x128xf32, #tpu.memory_space<vmem_shared>>
    tpu.enqueue_indirect_dma source(%arg10 : memref<80x128xf32, #tpu.memory_space<vmem>>) target(%dma_start3A_595 : memref<10000x128xf32, #tpu.memory_space<vmem_shared>>) offsets(%dma_start3A_592 : memref<80xi32, #tpu.memory_space<vmem>>) semaphore(%arg17 : memref<!tpu.dma_semaphore, #tpu.memory_space<semaphore_mem>>) {add = true}
    %dma_wait3A_596 = arith.constant 0 : i32
    %dma_wait3A_597 = arith.constant 0 : i32
    %dma_wait3A_598 = tpu.memref_slice %arg8[%dma_wait3A_596, %dma_wait3A_597] : memref<32x80xi32, #tpu.memory_space<vmem>> -> memref<1x80xi32, #tpu.memory_space<vmem>>
    %dma_wait3A_599 = tpu.memref_squeeze %dma_wait3A_598 : memref<1x80xi32, #tpu.memory_space<vmem>> -> memref<80xi32, #tpu.memory_space<vmem>>
    %dma_wait3A_600 = arith.constant 0 : i32
    %dma_wait3A_601 = arith.constant 0 : i32
    %dma_wait3A_602 = tpu.memref_slice %arg12[%dma_wait3A_600, %dma_wait3A_601] : memref<10000x128xf32, #tpu.memory_space<vmem_shared>> -> memref<10000x128xf32, #tpu.memory_space<vmem_shared>>
    tpu.wait_indirect_dma semaphore(%arg16 : memref<!tpu.dma_semaphore, #tpu.memory_space<semaphore_mem>>) src(%arg9 : memref<80x128xf32, #tpu.memory_space<vmem>>) dst(%dma_wait3A_602 : memref<10000x128xf32, #tpu.memory_space<vmem_shared>>)
    %dma_start3A_603 = arith.constant 3 : i32
    %dma_start3A_604 = arith.constant 0 : i32
    %dma_start3A_605 = tpu.memref_slice %arg7[%dma_start3A_603, %dma_start3A_604] : memref<32x80xi32, #tpu.memory_space<vmem>> -> memref<1x80xi32, #tpu.memory_space<vmem>>
    %dma_start3A_606 = tpu.memref_squeeze %dma_start3A_605 : memref<1x80xi32, #tpu.memory_space<vmem>> -> memref<80xi32, #tpu.memory_space<vmem>>
    %dma_start3A_607 = arith.constant 0 : i32
    %dma_start3A_608 = arith.constant 0 : i32
    %dma_start3A_609 = tpu.memref_slice %arg3[%dma_start3A_607, %dma_start3A_608] : memref<10000x128xf32, #tpu.memory_space<hbm>> -> memref<10000x128xf32, #tpu.memory_space<hbm>>
    tpu.enqueue_indirect_dma source(%dma_start3A_609 : memref<10000x128xf32, #tpu.memory_space<hbm>>) target(%arg9 : memref<80x128xf32, #tpu.memory_space<vmem>>) offsets(%dma_start3A_606 : memref<80xi32, #tpu.memory_space<vmem>>) semaphore(%arg13 : memref<!tpu.dma_semaphore, #tpu.memory_space<semaphore_mem>>)
    %scan3A_610 = arith.constant 0 : i32
    %scan3A_611 = arith.constant 2 : i32
    %scan3A_612 = arith.constant 25 : i32
    %scan3A_613 = arith.addi %scan3A_611, %scan3A_612 : i32
    %scan3A_614 = arith.constant 1 : i32
    scf.for %scan3A_676 = %scan3A_611 to %scan3A_613 step %scan3A_614  : i32 {
      %add3A_677 = arith.constant 0 : i32
      %add3A_678 = arith.addi %scan3A_676, %add3A_677 : i32
      %rem3A = arith.constant 3 : i32
      %rem3A_679 = arith.remsi %add3A_678, %rem3A : i32
      %eq3A_680 = arith.constant 0 : i32
      %eq3A_681 = arith.cmpi eq, %rem3A_679, %eq3A_680 : i32
      %convert_element_type3A_682 = arith.extui %eq3A_681 : i1 to i32
      %cond3A_683 = arith.constant 0 : i32
      %cond3A_684 = arith.cmpi ne, %convert_element_type3A_682, %cond3A_683 : i32
      scf.if %cond3A_684 {
        %dma_wait3A_703 = arith.constant 0 : i32
        %dma_wait3A_704 = tpu.memref_slice %arg7[%scan3A_676, %dma_wait3A_703] : memref<32x80xi32, #tpu.memory_space<vmem>> -> memref<1x80xi32, #tpu.memory_space<vmem>>
        %dma_wait3A_705 = tpu.memref_squeeze %dma_wait3A_704 : memref<1x80xi32, #tpu.memory_space<vmem>> -> memref<80xi32, #tpu.memory_space<vmem>>
        %dma_wait3A_706 = arith.constant 0 : i32
        %dma_wait3A_707 = arith.constant 0 : i32
        %dma_wait3A_708 = tpu.memref_slice %arg3[%dma_wait3A_706, %dma_wait3A_707] : memref<10000x128xf32, #tpu.memory_space<hbm>> -> memref<10000x128xf32, #tpu.memory_space<hbm>>
        tpu.wait_indirect_dma semaphore(%arg13 : memref<!tpu.dma_semaphore, #tpu.memory_space<semaphore_mem>>) src(%dma_wait3A_708 : memref<10000x128xf32, #tpu.memory_space<hbm>>) dst(%arg9 : memref<80x128xf32, #tpu.memory_space<vmem>>)
        %dma_start3A_709 = arith.constant 0 : i32
        %dma_start3A_710 = tpu.memref_slice %arg8[%scan3A_676, %dma_start3A_709] : memref<32x80xi32, #tpu.memory_space<vmem>> -> memref<1x80xi32, #tpu.memory_space<vmem>>
        %dma_start3A_711 = tpu.memref_squeeze %dma_start3A_710 : memref<1x80xi32, #tpu.memory_space<vmem>> -> memref<80xi32, #tpu.memory_space<vmem>>
        %dma_start3A_712 = arith.constant 0 : i32
        %dma_start3A_713 = arith.constant 0 : i32
        %dma_start3A_714 = tpu.memref_slice %arg12[%dma_start3A_712, %dma_start3A_713] : memref<10000x128xf32, #tpu.memory_space<vmem_shared>> -> memref<10000x128xf32, #tpu.memory_space<vmem_shared>>
        tpu.enqueue_indirect_dma source(%arg9 : memref<80x128xf32, #tpu.memory_space<vmem>>) target(%dma_start3A_714 : memref<10000x128xf32, #tpu.memory_space<vmem_shared>>) offsets(%dma_start3A_711 : memref<80xi32, #tpu.memory_space<vmem>>) semaphore(%arg16 : memref<!tpu.dma_semaphore, #tpu.memory_space<semaphore_mem>>) {add = true}
        %dma_wait3A_715 = arith.constant 0 : i32
        %dma_wait3A_716 = tpu.memref_slice %arg8[%scan3A_676, %dma_wait3A_715] : memref<32x80xi32, #tpu.memory_space<vmem>> -> memref<1x80xi32, #tpu.memory_space<vmem>>
        %dma_wait3A_717 = tpu.memref_squeeze %dma_wait3A_716 : memref<1x80xi32, #tpu.memory_space<vmem>> -> memref<80xi32, #tpu.memory_space<vmem>>
        %dma_wait3A_718 = arith.constant 0 : i32
        %dma_wait3A_719 = arith.constant 0 : i32
        %dma_wait3A_720 = tpu.memref_slice %arg12[%dma_wait3A_718, %dma_wait3A_719] : memref<10000x128xf32, #tpu.memory_space<vmem_shared>> -> memref<10000x128xf32, #tpu.memory_space<vmem_shared>>
        tpu.wait_indirect_dma semaphore(%arg18 : memref<!tpu.dma_semaphore, #tpu.memory_space<semaphore_mem>>) src(%arg11 : memref<80x128xf32, #tpu.memory_space<vmem>>) dst(%dma_wait3A_720 : memref<10000x128xf32, #tpu.memory_space<vmem_shared>>)
        %add3A_721 = arith.constant 2 : i32
        %add3A_722 = arith.addi %scan3A_676, %add3A_721 : i32
        %dma_start3A_723 = arith.constant 0 : i32
        %dma_start3A_724 = tpu.memref_slice %arg7[%add3A_722, %dma_start3A_723] : memref<32x80xi32, #tpu.memory_space<vmem>> -> memref<1x80xi32, #tpu.memory_space<vmem>>
        %dma_start3A_725 = tpu.memref_squeeze %dma_start3A_724 : memref<1x80xi32, #tpu.memory_space<vmem>> -> memref<80xi32, #tpu.memory_space<vmem>>
        %dma_start3A_726 = arith.constant 0 : i32
        %dma_start3A_727 = arith.constant 0 : i32
        %dma_start3A_728 = tpu.memref_slice %arg3[%dma_start3A_726, %dma_start3A_727] : memref<10000x128xf32, #tpu.memory_space<hbm>> -> memref<10000x128xf32, #tpu.memory_space<hbm>>
        tpu.enqueue_indirect_dma source(%dma_start3A_728 : memref<10000x128xf32, #tpu.memory_space<hbm>>) target(%arg11 : memref<80x128xf32, #tpu.memory_space<vmem>>) offsets(%dma_start3A_725 : memref<80xi32, #tpu.memory_space<vmem>>) semaphore(%arg15 : memref<!tpu.dma_semaphore, #tpu.memory_space<semaphore_mem>>)
      } else {
      }
      %add3A_685 = arith.constant 0 : i32
      %add3A_686 = arith.addi %scan3A_676, %add3A_685 : i32
      %rem3A_687 = arith.constant 3 : i32
      %rem3A_688 = arith.remsi %add3A_686, %rem3A_687 : i32
      %eq3A_689 = arith.constant 1 : i32
      %eq3A_690 = arith.cmpi eq, %rem3A_688, %eq3A_689 : i32
      %convert_element_type3A_691 = arith.extui %eq3A_690 : i1 to i32
      %cond3A_692 = arith.constant 0 : i32
      %cond3A_693 = arith.cmpi ne, %convert_element_type3A_691, %cond3A_692 : i32
      scf.if %cond3A_693 {
        %dma_wait3A_703 = arith.constant 0 : i32
        %dma_wait3A_704 = tpu.memref_slice %arg7[%scan3A_676, %dma_wait3A_703] : memref<32x80xi32, #tpu.memory_space<vmem>> -> memref<1x80xi32, #tpu.memory_space<vmem>>
        %dma_wait3A_705 = tpu.memref_squeeze %dma_wait3A_704 : memref<1x80xi32, #tpu.memory_space<vmem>> -> memref<80xi32, #tpu.memory_space<vmem>>
        %dma_wait3A_706 = arith.constant 0 : i32
        %dma_wait3A_707 = arith.constant 0 : i32
        %dma_wait3A_708 = tpu.memref_slice %arg3[%dma_wait3A_706, %dma_wait3A_707] : memref<10000x128xf32, #tpu.memory_space<hbm>> -> memref<10000x128xf32, #tpu.memory_space<hbm>>
        tpu.wait_indirect_dma semaphore(%arg14 : memref<!tpu.dma_semaphore, #tpu.memory_space<semaphore_mem>>) src(%dma_wait3A_708 : memref<10000x128xf32, #tpu.memory_space<hbm>>) dst(%arg10 : memref<80x128xf32, #tpu.memory_space<vmem>>)
        %dma_start3A_709 = arith.constant 0 : i32
        %dma_start3A_710 = tpu.memref_slice %arg8[%scan3A_676, %dma_start3A_709] : memref<32x80xi32, #tpu.memory_space<vmem>> -> memref<1x80xi32, #tpu.memory_space<vmem>>
        %dma_start3A_711 = tpu.memref_squeeze %dma_start3A_710 : memref<1x80xi32, #tpu.memory_space<vmem>> -> memref<80xi32, #tpu.memory_space<vmem>>
        %dma_start3A_712 = arith.constant 0 : i32
        %dma_start3A_713 = arith.constant 0 : i32
        %dma_start3A_714 = tpu.memref_slice %arg12[%dma_start3A_712, %dma_start3A_713] : memref<10000x128xf32, #tpu.memory_space<vmem_shared>> -> memref<10000x128xf32, #tpu.memory_space<vmem_shared>>
        tpu.enqueue_indirect_dma source(%arg10 : memref<80x128xf32, #tpu.memory_space<vmem>>) target(%dma_start3A_714 : memref<10000x128xf32, #tpu.memory_space<vmem_shared>>) offsets(%dma_start3A_711 : memref<80xi32, #tpu.memory_space<vmem>>) semaphore(%arg17 : memref<!tpu.dma_semaphore, #tpu.memory_space<semaphore_mem>>) {add = true}
        %dma_wait3A_715 = arith.constant 0 : i32
        %dma_wait3A_716 = tpu.memref_slice %arg8[%scan3A_676, %dma_wait3A_715] : memref<32x80xi32, #tpu.memory_space<vmem>> -> memref<1x80xi32, #tpu.memory_space<vmem>>
        %dma_wait3A_717 = tpu.memref_squeeze %dma_wait3A_716 : memref<1x80xi32, #tpu.memory_space<vmem>> -> memref<80xi32, #tpu.memory_space<vmem>>
        %dma_wait3A_718 = arith.constant 0 : i32
        %dma_wait3A_719 = arith.constant 0 : i32
        %dma_wait3A_720 = tpu.memref_slice %arg12[%dma_wait3A_718, %dma_wait3A_719] : memref<10000x128xf32, #tpu.memory_space<vmem_shared>> -> memref<10000x128xf32, #tpu.memory_space<vmem_shared>>
        tpu.wait_indirect_dma semaphore(%arg16 : memref<!tpu.dma_semaphore, #tpu.memory_space<semaphore_mem>>) src(%arg9 : memref<80x128xf32, #tpu.memory_space<vmem>>) dst(%dma_wait3A_720 : memref<10000x128xf32, #tpu.memory_space<vmem_shared>>)
        %add3A_721 = arith.constant 2 : i32
        %add3A_722 = arith.addi %scan3A_676, %add3A_721 : i32
        %dma_start3A_723 = arith.constant 0 : i32
        %dma_start3A_724 = tpu.memref_slice %arg7[%add3A_722, %dma_start3A_723] : memref<32x80xi32, #tpu.memory_space<vmem>> -> memref<1x80xi32, #tpu.memory_space<vmem>>
        %dma_start3A_725 = tpu.memref_squeeze %dma_start3A_724 : memref<1x80xi32, #tpu.memory_space<vmem>> -> memref<80xi32, #tpu.memory_space<vmem>>
        %dma_start3A_726 = arith.constant 0 : i32
        %dma_start3A_727 = arith.constant 0 : i32
        %dma_start3A_728 = tpu.memref_slice %arg3[%dma_start3A_726, %dma_start3A_727] : memref<10000x128xf32, #tpu.memory_space<hbm>> -> memref<10000x128xf32, #tpu.memory_space<hbm>>
        tpu.enqueue_indirect_dma source(%dma_start3A_728 : memref<10000x128xf32, #tpu.memory_space<hbm>>) target(%arg9 : memref<80x128xf32, #tpu.memory_space<vmem>>) offsets(%dma_start3A_725 : memref<80xi32, #tpu.memory_space<vmem>>) semaphore(%arg13 : memref<!tpu.dma_semaphore, #tpu.memory_space<semaphore_mem>>)
      } else {
      }
      %add3A_694 = arith.constant 0 : i32
      %add3A_695 = arith.addi %scan3A_676, %add3A_694 : i32
      %rem3A_696 = arith.constant 3 : i32
      %rem3A_697 = arith.remsi %add3A_695, %rem3A_696 : i32
      %eq3A_698 = arith.constant 2 : i32
      %eq3A_699 = arith.cmpi eq, %rem3A_697, %eq3A_698 : i32
      %convert_element_type3A_700 = arith.extui %eq3A_699 : i1 to i32
      %cond3A_701 = arith.constant 0 : i32
      %cond3A_702 = arith.cmpi ne, %convert_element_type3A_700, %cond3A_701 : i32
      scf.if %cond3A_702 {
        %dma_wait3A_703 = arith.constant 0 : i32
        %dma_wait3A_704 = tpu.memref_slice %arg7[%scan3A_676, %dma_wait3A_703] : memref<32x80xi32, #tpu.memory_space<vmem>> -> memref<1x80xi32, #tpu.memory_space<vmem>>
        %dma_wait3A_705 = tpu.memref_squeeze %dma_wait3A_704 : memref<1x80xi32, #tpu.memory_space<vmem>> -> memref<80xi32, #tpu.memory_space<vmem>>
        %dma_wait3A_706 = arith.constant 0 : i32
        %dma_wait3A_707 = arith.constant 0 : i32
        %dma_wait3A_708 = tpu.memref_slice %arg3[%dma_wait3A_706, %dma_wait3A_707] : memref<10000x128xf32, #tpu.memory_space<hbm>> -> memref<10000x128xf32, #tpu.memory_space<hbm>>
        tpu.wait_indirect_dma semaphore(%arg15 : memref<!tpu.dma_semaphore, #tpu.memory_space<semaphore_mem>>) src(%dma_wait3A_708 : memref<10000x128xf32, #tpu.memory_space<hbm>>) dst(%arg11 : memref<80x128xf32, #tpu.memory_space<vmem>>)
        %dma_start3A_709 = arith.constant 0 : i32
        %dma_start3A_710 = tpu.memref_slice %arg8[%scan3A_676, %dma_start3A_709] : memref<32x80xi32, #tpu.memory_space<vmem>> -> memref<1x80xi32, #tpu.memory_space<vmem>>
        %dma_start3A_711 = tpu.memref_squeeze %dma_start3A_710 : memref<1x80xi32, #tpu.memory_space<vmem>> -> memref<80xi32, #tpu.memory_space<vmem>>
        %dma_start3A_712 = arith.constant 0 : i32
        %dma_start3A_713 = arith.constant 0 : i32
        %dma_start3A_714 = tpu.memref_slice %arg12[%dma_start3A_712, %dma_start3A_713] : memref<10000x128xf32, #tpu.memory_space<vmem_shared>> -> memref<10000x128xf32, #tpu.memory_space<vmem_shared>>
        tpu.enqueue_indirect_dma source(%arg11 : memref<80x128xf32, #tpu.memory_space<vmem>>) target(%dma_start3A_714 : memref<10000x128xf32, #tpu.memory_space<vmem_shared>>) offsets(%dma_start3A_711 : memref<80xi32, #tpu.memory_space<vmem>>) semaphore(%arg18 : memref<!tpu.dma_semaphore, #tpu.memory_space<semaphore_mem>>) {add = true}
        %dma_wait3A_715 = arith.constant 0 : i32
        %dma_wait3A_716 = tpu.memref_slice %arg8[%scan3A_676, %dma_wait3A_715] : memref<32x80xi32, #tpu.memory_space<vmem>> -> memref<1x80xi32, #tpu.memory_space<vmem>>
        %dma_wait3A_717 = tpu.memref_squeeze %dma_wait3A_716 : memref<1x80xi32, #tpu.memory_space<vmem>> -> memref<80xi32, #tpu.memory_space<vmem>>
        %dma_wait3A_718 = arith.constant 0 : i32
        %dma_wait3A_719 = arith.constant 0 : i32
        %dma_wait3A_720 = tpu.memref_slice %arg12[%dma_wait3A_718, %dma_wait3A_719] : memref<10000x128xf32, #tpu.memory_space<vmem_shared>> -> memref<10000x128xf32, #tpu.memory_space<vmem_shared>>
        tpu.wait_indirect_dma semaphore(%arg17 : memref<!tpu.dma_semaphore, #tpu.memory_space<semaphore_mem>>) src(%arg10 : memref<80x128xf32, #tpu.memory_space<vmem>>) dst(%dma_wait3A_720 : memref<10000x128xf32, #tpu.memory_space<vmem_shared>>)
        %add3A_721 = arith.constant 2 : i32
        %add3A_722 = arith.addi %scan3A_676, %add3A_721 : i32
        %dma_start3A_723 = arith.constant 0 : i32
        %dma_start3A_724 = tpu.memref_slice %arg7[%add3A_722, %dma_start3A_723] : memref<32x80xi32, #tpu.memory_space<vmem>> -> memref<1x80xi32, #tpu.memory_space<vmem>>
        %dma_start3A_725 = tpu.memref_squeeze %dma_start3A_724 : memref<1x80xi32, #tpu.memory_space<vmem>> -> memref<80xi32, #tpu.memory_space<vmem>>
        %dma_start3A_726 = arith.constant 0 : i32
        %dma_start3A_727 = arith.constant 0 : i32
        %dma_start3A_728 = tpu.memref_slice %arg3[%dma_start3A_726, %dma_start3A_727] : memref<10000x128xf32, #tpu.memory_space<hbm>> -> memref<10000x128xf32, #tpu.memory_space<hbm>>
        tpu.enqueue_indirect_dma source(%dma_start3A_728 : memref<10000x128xf32, #tpu.memory_space<hbm>>) target(%arg10 : memref<80x128xf32, #tpu.memory_space<vmem>>) offsets(%dma_start3A_725 : memref<80xi32, #tpu.memory_space<vmem>>) semaphore(%arg14 : memref<!tpu.dma_semaphore, #tpu.memory_space<semaphore_mem>>)
      } else {
      }
    }
    %scan3A_615 = arith.constant 25 : i32
    %dma_wait3A_616 = arith.constant 27 : i32
    %dma_wait3A_617 = arith.constant 0 : i32
    %dma_wait3A_618 = tpu.memref_slice %arg7[%dma_wait3A_616, %dma_wait3A_617] : memref<32x80xi32, #tpu.memory_space<vmem>> -> memref<1x80xi32, #tpu.memory_space<vmem>>
    %dma_wait3A_619 = tpu.memref_squeeze %dma_wait3A_618 : memref<1x80xi32, #tpu.memory_space<vmem>> -> memref<80xi32, #tpu.memory_space<vmem>>
    %dma_wait3A_620 = arith.constant 0 : i32
    %dma_wait3A_621 = arith.constant 0 : i32
    %dma_wait3A_622 = tpu.memref_slice %arg3[%dma_wait3A_620, %dma_wait3A_621] : memref<10000x128xf32, #tpu.memory_space<hbm>> -> memref<10000x128xf32, #tpu.memory_space<hbm>>
    tpu.wait_indirect_dma semaphore(%arg13 : memref<!tpu.dma_semaphore, #tpu.memory_space<semaphore_mem>>) src(%dma_wait3A_622 : memref<10000x128xf32, #tpu.memory_space<hbm>>) dst(%arg9 : memref<80x128xf32, #tpu.memory_space<vmem>>)
    %dma_start3A_623 = arith.constant 27 : i32
    %dma_start3A_624 = arith.constant 0 : i32
    %dma_start3A_625 = tpu.memref_slice %arg8[%dma_start3A_623, %dma_start3A_624] : memref<32x80xi32, #tpu.memory_space<vmem>> -> memref<1x80xi32, #tpu.memory_space<vmem>>
    %dma_start3A_626 = tpu.memref_squeeze %dma_start3A_625 : memref<1x80xi32, #tpu.memory_space<vmem>> -> memref<80xi32, #tpu.memory_space<vmem>>
    %dma_start3A_627 = arith.constant 0 : i32
    %dma_start3A_628 = arith.constant 0 : i32
    %dma_start3A_629 = tpu.memref_slice %arg12[%dma_start3A_627, %dma_start3A_628] : memref<10000x128xf32, #tpu.memory_space<vmem_shared>> -> memref<10000x128xf32, #tpu.memory_space<vmem_shared>>
    tpu.enqueue_indirect_dma source(%arg9 : memref<80x128xf32, #tpu.memory_space<vmem>>) target(%dma_start3A_629 : memref<10000x128xf32, #tpu.memory_space<vmem_shared>>) offsets(%dma_start3A_626 : memref<80xi32, #tpu.memory_space<vmem>>) semaphore(%arg16 : memref<!tpu.dma_semaphore, #tpu.memory_space<semaphore_mem>>) {add = true}
    %dma_wait3A_630 = arith.constant 28 : i32
    %dma_wait3A_631 = arith.constant 0 : i32
    %dma_wait3A_632 = tpu.memref_slice %arg7[%dma_wait3A_630, %dma_wait3A_631] : memref<32x80xi32, #tpu.memory_space<vmem>> -> memref<1x80xi32, #tpu.memory_space<vmem>>
    %dma_wait3A_633 = tpu.memref_squeeze %dma_wait3A_632 : memref<1x80xi32, #tpu.memory_space<vmem>> -> memref<80xi32, #tpu.memory_space<vmem>>
    %dma_wait3A_634 = arith.constant 0 : i32
    %dma_wait3A_635 = arith.constant 0 : i32
    %dma_wait3A_636 = tpu.memref_slice %arg3[%dma_wait3A_634, %dma_wait3A_635] : memref<10000x128xf32, #tpu.memory_space<hbm>> -> memref<10000x128xf32, #tpu.memory_space<hbm>>
    tpu.wait_indirect_dma semaphore(%arg14 : memref<!tpu.dma_semaphore, #tpu.memory_space<semaphore_mem>>) src(%dma_wait3A_636 : memref<10000x128xf32, #tpu.memory_space<hbm>>) dst(%arg10 : memref<80x128xf32, #tpu.memory_space<vmem>>)
    %dma_start3A_637 = arith.constant 28 : i32
    %dma_start3A_638 = arith.constant 0 : i32
    %dma_start3A_639 = tpu.memref_slice %arg8[%dma_start3A_637, %dma_start3A_638] : memref<32x80xi32, #tpu.memory_space<vmem>> -> memref<1x80xi32, #tpu.memory_space<vmem>>
    %dma_start3A_640 = tpu.memref_squeeze %dma_start3A_639 : memref<1x80xi32, #tpu.memory_space<vmem>> -> memref<80xi32, #tpu.memory_space<vmem>>
    %dma_start3A_641 = arith.constant 0 : i32
    %dma_start3A_642 = arith.constant 0 : i32
    %dma_start3A_643 = tpu.memref_slice %arg12[%dma_start3A_641, %dma_start3A_642] : memref<10000x128xf32, #tpu.memory_space<vmem_shared>> -> memref<10000x128xf32, #tpu.memory_space<vmem_shared>>
    tpu.enqueue_indirect_dma source(%arg10 : memref<80x128xf32, #tpu.memory_space<vmem>>) target(%dma_start3A_643 : memref<10000x128xf32, #tpu.memory_space<vmem_shared>>) offsets(%dma_start3A_640 : memref<80xi32, #tpu.memory_space<vmem>>) semaphore(%arg17 : memref<!tpu.dma_semaphore, #tpu.memory_space<semaphore_mem>>) {add = true}
    %dma_wait3A_644 = arith.constant 0 : i32
    %dma_wait3A_645 = arith.constant 0 : i32
    %dma_wait3A_646 = tpu.memref_slice %arg6[%dma_wait3A_644, %dma_wait3A_645] : memref<32x80xi32, #tpu.memory_space<vmem>> -> memref<1x80xi32, #tpu.memory_space<vmem>>
    %dma_wait3A_647 = tpu.memref_squeeze %dma_wait3A_646 : memref<1x80xi32, #tpu.memory_space<vmem>> -> memref<80xi32, #tpu.memory_space<vmem>>
    %dma_wait3A_648 = arith.constant 0 : i32
    %dma_wait3A_649 = arith.constant 0 : i32
    %dma_wait3A_650 = tpu.memref_slice %arg12[%dma_wait3A_648, %dma_wait3A_649] : memref<10000x128xf32, #tpu.memory_space<vmem_shared>> -> memref<10000x128xf32, #tpu.memory_space<vmem_shared>>
    tpu.wait_indirect_dma semaphore(%arg16 : memref<!tpu.dma_semaphore, #tpu.memory_space<semaphore_mem>>) src(%arg9 : memref<80x128xf32, #tpu.memory_space<vmem>>) dst(%dma_wait3A_650 : memref<10000x128xf32, #tpu.memory_space<vmem_shared>>)
    %dma_wait3A_651 = arith.constant 0 : i32
    %dma_wait3A_652 = arith.constant 0 : i32
    %dma_wait3A_653 = tpu.memref_slice %arg6[%dma_wait3A_651, %dma_wait3A_652] : memref<32x80xi32, #tpu.memory_space<vmem>> -> memref<1x80xi32, #tpu.memory_space<vmem>>
    %dma_wait3A_654 = tpu.memref_squeeze %dma_wait3A_653 : memref<1x80xi32, #tpu.memory_space<vmem>> -> memref<80xi32, #tpu.memory_space<vmem>>
    %dma_wait3A_655 = arith.constant 0 : i32
    %dma_wait3A_656 = arith.constant 0 : i32
    %dma_wait3A_657 = tpu.memref_slice %arg12[%dma_wait3A_655, %dma_wait3A_656] : memref<10000x128xf32, #tpu.memory_space<vmem_shared>> -> memref<10000x128xf32, #tpu.memory_space<vmem_shared>>
    tpu.wait_indirect_dma semaphore(%arg17 : memref<!tpu.dma_semaphore, #tpu.memory_space<semaphore_mem>>) src(%arg10 : memref<80x128xf32, #tpu.memory_space<vmem>>) dst(%dma_wait3A_657 : memref<10000x128xf32, #tpu.memory_space<vmem_shared>>)
    %dma_wait3A_658 = arith.constant 0 : i32
    %dma_wait3A_659 = arith.constant 0 : i32
    %dma_wait3A_660 = tpu.memref_slice %arg6[%dma_wait3A_658, %dma_wait3A_659] : memref<32x80xi32, #tpu.memory_space<vmem>> -> memref<1x80xi32, #tpu.memory_space<vmem>>
    %dma_wait3A_661 = tpu.memref_squeeze %dma_wait3A_660 : memref<1x80xi32, #tpu.memory_space<vmem>> -> memref<80xi32, #tpu.memory_space<vmem>>
    %dma_wait3A_662 = arith.constant 0 : i32
    %dma_wait3A_663 = arith.constant 0 : i32
    %dma_wait3A_664 = tpu.memref_slice %arg12[%dma_wait3A_662, %dma_wait3A_663] : memref<10000x128xf32, #tpu.memory_space<vmem_shared>> -> memref<10000x128xf32, #tpu.memory_space<vmem_shared>>
    tpu.wait_indirect_dma semaphore(%arg18 : memref<!tpu.dma_semaphore, #tpu.memory_space<semaphore_mem>>) src(%arg11 : memref<80x128xf32, #tpu.memory_space<vmem>>) dst(%dma_wait3A_664 : memref<10000x128xf32, #tpu.memory_space<vmem_shared>>)
    %barrier3A_665 = arith.constant 0 : index
    tpu.barrier barrier_id(%barrier3A_665)
    %lt3A_666 = arith.constant 15 : i32
    %lt3A_667 = arith.cmpi slt, %arg1, %lt3A_666 : i32
    %convert_element_type3A_668 = arith.extui %lt3A_667 : i1 to i32
    %cond3A_669 = arith.constant 0 : i32
    %cond3A_670 = arith.cmpi ne, %convert_element_type3A_668, %cond3A_669 : i32
    scf.if %cond3A_670 {
      "tpu.region"() ({
        %run_scoped3A_676 = tpu.sem_alloc : memref<!tpu.dma_semaphore, #tpu.memory_space<semaphore_mem>>
        %dma_start3A_677 = arith.constant 0 : i32
        %dma_start3A_678 = tpu.memref_slice %arg4[%arg0, %mul3A_2, %dma_start3A_677] : memref<2x10000x128xf32, #tpu.memory_space<hbm>> -> memref<1x632x128xf32, #tpu.memory_space<hbm>>
        %dma_start3A_679 = tpu.memref_squeeze %dma_start3A_678 : memref<1x632x128xf32, #tpu.memory_space<hbm>> -> memref<632x128xf32, #tpu.memory_space<hbm>>
        %dma_start3A_680 = arith.constant 0 : i32
        %dma_start3A_681 = tpu.memref_slice %arg12[%mul3A_2, %dma_start3A_680] : memref<10000x128xf32, #tpu.memory_space<vmem_shared>> -> memref<632x128xf32, #tpu.memory_space<vmem_shared>>
        tpu.enqueue_dma source(%dma_start3A_681 : memref<632x128xf32, #tpu.memory_space<vmem_shared>>) target(%dma_start3A_679 : memref<632x128xf32, #tpu.memory_space<hbm>>) target_semaphore(%run_scoped3A_676 : memref<!tpu.dma_semaphore, #tpu.memory_space<semaphore_mem>>)
        %dma_wait3A_682 = arith.constant 0 : i32
        %dma_wait3A_683 = tpu.memref_slice %arg4[%arg0, %mul3A_2, %dma_wait3A_682] : memref<2x10000x128xf32, #tpu.memory_space<hbm>> -> memref<1x632x128xf32, #tpu.memory_space<hbm>>
        %dma_wait3A_684 = tpu.memref_squeeze %dma_wait3A_683 : memref<1x632x128xf32, #tpu.memory_space<hbm>> -> memref<632x128xf32, #tpu.memory_space<hbm>>
        %dma_wait3A_685 = arith.constant 0 : i32
        %dma_wait3A_686 = tpu.memref_slice %arg12[%mul3A_2, %dma_wait3A_685] : memref<10000x128xf32, #tpu.memory_space<vmem_shared>> -> memref<632x128xf32, #tpu.memory_space<vmem_shared>>
        tpu.wait_dma2 semaphore(%run_scoped3A_676 : memref<!tpu.dma_semaphore, #tpu.memory_space<semaphore_mem>>) src(%dma_wait3A_686 : memref<632x128xf32, #tpu.memory_space<vmem_shared>>) dst(%dma_wait3A_684 : memref<632x128xf32, #tpu.memory_space<hbm>>)
        tpu.yield
      }) : () -> ()
    } else {
    }
    %eq3A_671 = arith.constant 15 : i32
    %eq3A_672 = arith.cmpi eq, %arg1, %eq3A_671 : i32
    %convert_element_type3A_673 = arith.extui %eq3A_672 : i1 to i32
    %cond3A_674 = arith.constant 0 : i32
    %cond3A_675 = arith.cmpi ne, %convert_element_type3A_673, %cond3A_674 : i32
    scf.if %cond3A_675 {
      "tpu.region"() ({
        %run_scoped3A_676 = tpu.sem_alloc : memref<!tpu.dma_semaphore, #tpu.memory_space<semaphore_mem>>
        %dma_start3A_677 = arith.constant 0 : i32
        %dma_start3A_678 = tpu.memref_slice %arg4[%arg0, %mul3A_2, %dma_start3A_677] : memref<2x10000x128xf32, #tpu.memory_space<hbm>> -> memref<1x520x128xf32, #tpu.memory_space<hbm>>
        %dma_start3A_679 = tpu.memref_squeeze %dma_start3A_678 : memref<1x520x128xf32, #tpu.memory_space<hbm>> -> memref<520x128xf32, #tpu.memory_space<hbm>>
        %dma_start3A_680 = arith.constant 0 : i32
        %dma_start3A_681 = tpu.memref_slice %arg12[%mul3A_2, %dma_start3A_680] : memref<10000x128xf32, #tpu.memory_space<vmem_shared>> -> memref<520x128xf32, #tpu.memory_space<vmem_shared>>
        tpu.enqueue_dma source(%dma_start3A_681 : memref<520x128xf32, #tpu.memory_space<vmem_shared>>) target(%dma_start3A_679 : memref<520x128xf32, #tpu.memory_space<hbm>>) target_semaphore(%run_scoped3A_676 : memref<!tpu.dma_semaphore, #tpu.memory_space<semaphore_mem>>)
        %dma_wait3A_682 = arith.constant 0 : i32
        %dma_wait3A_683 = tpu.memref_slice %arg4[%arg0, %mul3A_2, %dma_wait3A_682] : memref<2x10000x128xf32, #tpu.memory_space<hbm>> -> memref<1x520x128xf32, #tpu.memory_space<hbm>>
        %dma_wait3A_684 = tpu.memref_squeeze %dma_wait3A_683 : memref<1x520x128xf32, #tpu.memory_space<hbm>> -> memref<520x128xf32, #tpu.memory_space<hbm>>
        %dma_wait3A_685 = arith.constant 0 : i32
        %dma_wait3A_686 = tpu.memref_slice %arg12[%mul3A_2, %dma_wait3A_685] : memref<10000x128xf32, #tpu.memory_space<vmem_shared>> -> memref<520x128xf32, #tpu.memory_space<vmem_shared>>
        tpu.wait_dma2 semaphore(%run_scoped3A_676 : memref<!tpu.dma_semaphore, #tpu.memory_space<semaphore_mem>>) src(%dma_wait3A_686 : memref<520x128xf32, #tpu.memory_space<vmem_shared>>) dst(%dma_wait3A_684 : memref<520x128xf32, #tpu.memory_space<hbm>>)
        tpu.yield
      }) : () -> ()
    } else {
    }
    return
  }
}

#map = affine_map<(d0, d1) -> (0, 0, 0, 0)>
#map1 = affine_map<(d0, d1) -> (0, 0)>
#map2 = affine_map<(d0, d1) -> (0, 0, 0)>
module attributes {stable_mosaic.version = 14 : i64} {
  func.func @body(%arg0: i32, %arg1: i32, %arg2: memref<2x32x125x80xi32, #tpu.memory_space<hbm>>, %arg3: memref<10000x128xf32, #tpu.memory_space<hbm>>, %arg4: memref<2x10000x128xf32, #tpu.memory_space<hbm>>, %arg5: memref<32x80xi32, #tpu.memory_space<vmem>>, %arg6: memref<32x80xi32, #tpu.memory_space<vmem>>, %arg7: memref<32x80xi32, #tpu.memory_space<vmem>>, %arg8: memref<32x80xi32, #tpu.memory_space<vmem>>, %arg9: memref<80x128xf32, #tpu.memory_space<vmem>>, %arg10: memref<80x128xf32, #tpu.memory_space<vmem>>, %arg11: memref<80x128xf32, #tpu.memory_space<vmem>>, %arg12: memref<10000x128xf32, #tpu.memory_space<vmem_shared>>, %arg13: memref<!tpu.dma_semaphore, #tpu.memory_space<semaphore_mem>>, %arg14: memref<!tpu.dma_semaphore, #tpu.memory_space<semaphore_mem>>, %arg15: memref<!tpu.dma_semaphore, #tpu.memory_space<semaphore_mem>>, %arg16: memref<!tpu.dma_semaphore, #tpu.memory_space<semaphore_mem>>, %arg17: memref<!tpu.dma_semaphore, #tpu.memory_space<semaphore_mem>>, %arg18: memref<!tpu.dma_semaphore, #tpu.memory_space<semaphore_mem>>, %arg19: memref<!tpu.dma_semaphore, #tpu.memory_space<semaphore_mem>>) attributes {dimension_semantics = [#tpu.dimension_semantics<core_parallel>, #tpu.dimension_semantics<subcore_parallel>], iteration_bounds = array<i64: 2, 16>, scalar_prefetch = 0 : i64, scratch_operands = 15 : i64, tpu.core_type = #tpu.core_type<sc_vector_subcore>, window_params = [{transform_indices = #map}, {transform_indices = #map1}, {transform_indices = #map2}]} {
    %mul3A = arith.constant 2 : i32
    %mul3A_0 = arith.muli %arg1, %mul3A : i32
    %add3A = arith.addi %mul3A_0, %arg0 : i32
    %mul3A_1 = arith.constant 632 : i32
    %mul3A_2 = arith.muli %arg1, %mul3A_1 : i32
    %run_scoped3A = arith.constant 0 : i32
    "tpu.region"() ({
      %run_scoped3A_676 = tpu.sem_alloc : memref<!tpu.dma_semaphore, #tpu.memory_space<semaphore_mem>>
      %dma_start3A_677 = arith.constant 0 : i32
      %dma_start3A_678 = arith.constant 0 : i32
      %dma_start3A_679 = tpu.memref_slice %arg5[%dma_start3A_677, %dma_start3A_678] : memref<32x80xi32, #tpu.memory_space<vmem>> -> memref<32x80xi32, #tpu.memory_space<vmem>>
      %dma_start3A_680 = arith.constant 0 : i32
      %dma_start3A_681 = arith.constant 0 : i32
      %dma_start3A_682 = tpu.memref_slice %arg2[%run_scoped3A, %add3A, %dma_start3A_680, %dma_start3A_681] : memref<2x32x125x80xi32, #tpu.memory_space<hbm>> -> memref<1x1x32x80xi32, #tpu.memory_space<hbm>>
      %dma_start3A_683 = tpu.memref_squeeze %dma_start3A_682 : memref<1x1x32x80xi32, #tpu.memory_space<hbm>> -> memref<32x80xi32, #tpu.memory_space<hbm>>
      %dma_start3A_684 = arith.constant 0 : i32
      %dma_start3A_685 = arith.constant 0 : i32
      %dma_start3A_686 = tpu.memref_slice %arg5[%dma_start3A_684, %dma_start3A_685] : memref<32x80xi32, #tpu.memory_space<vmem>> -> memref<32x80xi32, #tpu.memory_space<vmem>>
      %dma_start3A_687 = arith.constant 0 : i32
      %dma_start3A_688 = arith.constant 0 : i32
      %dma_start3A_689 = tpu.memref_slice %arg2[%run_scoped3A, %add3A, %dma_start3A_687, %dma_start3A_688] : memref<2x32x125x80xi32, #tpu.memory_space<hbm>> -> memref<1x1x32x80xi32, #tpu.memory_space<hbm>>
      %dma_start3A_690 = tpu.memref_squeeze %dma_start3A_689 : memref<1x1x32x80xi32, #tpu.memory_space<hbm>> -> memref<32x80xi32, #tpu.memory_space<hbm>>
      tpu.enqueue_dma source(%dma_start3A_690 : memref<32x80xi32, #tpu.memory_space<hbm>>) target(%dma_start3A_686 : memref<32x80xi32, #tpu.memory_space<vmem>>) target_semaphore(%run_scoped3A_676 : memref<!tpu.dma_semaphore, #tpu.memory_space<semaphore_mem>>)
      %dma_wait3A_691 = arith.constant 0 : i32
      %dma_wait3A_692 = arith.constant 0 : i32
      %dma_wait3A_693 = tpu.memref_slice %arg5[%dma_wait3A_691, %dma_wait3A_692] : memref<32x80xi32, #tpu.memory_space<vmem>> -> memref<32x80xi32, #tpu.memory_space<vmem>>
      %dma_wait3A_694 = arith.constant 0 : i32
      %dma_wait3A_695 = arith.constant 0 : i32
      %dma_wait3A_696 = tpu.memref_slice %arg2[%run_scoped3A, %add3A, %dma_wait3A_694, %dma_wait3A_695] : memref<2x32x125x80xi32, #tpu.memory_space<hbm>> -> memref<1x1x32x80xi32, #tpu.memory_space<hbm>>
      %dma_wait3A_697 = tpu.memref_squeeze %dma_wait3A_696 : memref<1x1x32x80xi32, #tpu.memory_space<hbm>> -> memref<32x80xi32, #tpu.memory_space<hbm>>
      %dma_wait3A_698 = arith.constant 0 : i32
      %dma_wait3A_699 = arith.constant 0 : i32
      %dma_wait3A_700 = tpu.memref_slice %arg5[%dma_wait3A_698, %dma_wait3A_699] : memref<32x80xi32, #tpu.memory_space<vmem>> -> memref<32x80xi32, #tpu.memory_space<vmem>>
      %dma_wait3A_701 = arith.constant 0 : i32
      %dma_wait3A_702 = arith.constant 0 : i32
      %dma_wait3A_703 = tpu.memref_slice %arg2[%run_scoped3A, %add3A, %dma_wait3A_701, %dma_wait3A_702] : memref<2x32x125x80xi32, #tpu.memory_space<hbm>> -> memref<1x1x32x80xi32, #tpu.memory_space<hbm>>
      %dma_wait3A_704 = tpu.memref_squeeze %dma_wait3A_703 : memref<1x1x32x80xi32, #tpu.memory_space<hbm>> -> memref<32x80xi32, #tpu.memory_space<hbm>>
      tpu.wait_dma2 semaphore(%run_scoped3A_676 : memref<!tpu.dma_semaphore, #tpu.memory_space<semaphore_mem>>) src(%dma_wait3A_704 : memref<32x80xi32, #tpu.memory_space<hbm>>) dst(%dma_wait3A_700 : memref<32x80xi32, #tpu.memory_space<vmem>>)
      tpu.yield
    }) : () -> ()
    %run_scoped3A_3 = arith.constant 1 : i32
    "tpu.region"() ({
      %run_scoped3A_676 = tpu.sem_alloc : memref<!tpu.dma_semaphore, #tpu.memory_space<semaphore_mem>>
      %dma_start3A_677 = arith.constant 0 : i32
      %dma_start3A_678 = arith.constant 0 : i32
      %dma_start3A_679 = tpu.memref_slice %arg6[%dma_start3A_677, %dma_start3A_678] : memref<32x80xi32, #tpu.memory_space<vmem>> -> memref<32x80xi32, #tpu.memory_space<vmem>>
      %dma_start3A_680 = arith.constant 0 : i32
      %dma_start3A_681 = arith.constant 0 : i32
      %dma_start3A_682 = tpu.memref_slice %arg2[%run_scoped3A_3, %add3A, %dma_start3A_680, %dma_start3A_681] : memref<2x32x125x80xi32, #tpu.memory_space<hbm>> -> memref<1x1x32x80xi32, #tpu.memory_space<hbm>>
      %dma_start3A_683 = tpu.memref_squeeze %dma_start3A_682 : memref<1x1x32x80xi32, #tpu.memory_space<hbm>> -> memref<32x80xi32, #tpu.memory_space<hbm>>
      %dma_start3A_684 = arith.constant 0 : i32
      %dma_start3A_685 = arith.constant 0 : i32
      %dma_start3A_686 = tpu.memref_slice %arg6[%dma_start3A_684, %dma_start3A_685] : memref<32x80xi32, #tpu.memory_space<vmem>> -> memref<32x80xi32, #tpu.memory_space<vmem>>
      %dma_start3A_687 = arith.constant 0 : i32
      %dma_start3A_688 = arith.constant 0 : i32
      %dma_start3A_689 = tpu.memref_slice %arg2[%run_scoped3A_3, %add3A, %dma_start3A_687, %dma_start3A_688] : memref<2x32x125x80xi32, #tpu.memory_space<hbm>> -> memref<1x1x32x80xi32, #tpu.memory_space<hbm>>
      %dma_start3A_690 = tpu.memref_squeeze %dma_start3A_689 : memref<1x1x32x80xi32, #tpu.memory_space<hbm>> -> memref<32x80xi32, #tpu.memory_space<hbm>>
      tpu.enqueue_dma source(%dma_start3A_690 : memref<32x80xi32, #tpu.memory_space<hbm>>) target(%dma_start3A_686 : memref<32x80xi32, #tpu.memory_space<vmem>>) target_semaphore(%run_scoped3A_676 : memref<!tpu.dma_semaphore, #tpu.memory_space<semaphore_mem>>)
      %dma_wait3A_691 = arith.constant 0 : i32
      %dma_wait3A_692 = arith.constant 0 : i32
      %dma_wait3A_693 = tpu.memref_slice %arg6[%dma_wait3A_691, %dma_wait3A_692] : memref<32x80xi32, #tpu.memory_space<vmem>> -> memref<32x80xi32, #tpu.memory_space<vmem>>
      %dma_wait3A_694 = arith.constant 0 : i32
      %dma_wait3A_695 = arith.constant 0 : i32
      %dma_wait3A_696 = tpu.memref_slice %arg2[%run_scoped3A_3, %add3A, %dma_wait3A_694, %dma_wait3A_695] : memref<2x32x125x80xi32, #tpu.memory_space<hbm>> -> memref<1x1x32x80xi32, #tpu.memory_space<hbm>>
      %dma_wait3A_697 = tpu.memref_squeeze %dma_wait3A_696 : memref<1x1x32x80xi32, #tpu.memory_space<hbm>> -> memref<32x80xi32, #tpu.memory_space<hbm>>
      %dma_wait3A_698 = arith.constant 0 : i32
      %dma_wait3A_699 = arith.constant 0 : i32
      %dma_wait3A_700 = tpu.memref_slice %arg6[%dma_wait3A_698, %dma_wait3A_699] : memref<32x80xi32, #tpu.memory_space<vmem>> -> memref<32x80xi32, #tpu.memory_space<vmem>>
      %dma_wait3A_701 = arith.constant 0 : i32
      %dma_wait3A_702 = arith.constant 0 : i32
      %dma_wait3A_703 = tpu.memref_slice %arg2[%run_scoped3A_3, %add3A, %dma_wait3A_701, %dma_wait3A_702] : memref<2x32x125x80xi32, #tpu.memory_space<hbm>> -> memref<1x1x32x80xi32, #tpu.memory_space<hbm>>
      %dma_wait3A_704 = tpu.memref_squeeze %dma_wait3A_703 : memref<1x1x32x80xi32, #tpu.memory_space<hbm>> -> memref<32x80xi32, #tpu.memory_space<hbm>>
      tpu.wait_dma2 semaphore(%run_scoped3A_676 : memref<!tpu.dma_semaphore, #tpu.memory_space<semaphore_mem>>) src(%dma_wait3A_704 : memref<32x80xi32, #tpu.memory_space<hbm>>) dst(%dma_wait3A_700 : memref<32x80xi32, #tpu.memory_space<vmem>>)
      tpu.yield
    }) : () -> ()
    %dma_start3A = arith.constant 0 : i32
    %dma_start3A_4 = arith.constant 0 : i32
    %dma_start3A_5 = arith.constant 0 : i32
    %dma_start3A_6 = tpu.memref_slice %arg7[%dma_start3A_4, %dma_start3A_5] : memref<32x80xi32, #tpu.memory_space<vmem>> -> memref<32x80xi32, #tpu.memory_space<vmem>>
    %dma_start3A_7 = arith.constant 32 : i32
    %dma_start3A_8 = arith.constant 0 : i32
    %dma_start3A_9 = tpu.memref_slice %arg2[%dma_start3A, %add3A, %dma_start3A_7, %dma_start3A_8] : memref<2x32x125x80xi32, #tpu.memory_space<hbm>> -> memref<1x1x32x80xi32, #tpu.memory_space<hbm>>
    %dma_start3A_10 = tpu.memref_squeeze %dma_start3A_9 : memref<1x1x32x80xi32, #tpu.memory_space<hbm>> -> memref<32x80xi32, #tpu.memory_space<hbm>>
    %dma_start3A_11 = arith.constant 0 : i32
    %dma_start3A_12 = arith.constant 0 : i32
    %dma_start3A_13 = tpu.memref_slice %arg7[%dma_start3A_11, %dma_start3A_12] : memref<32x80xi32, #tpu.memory_space<vmem>> -> memref<32x80xi32, #tpu.memory_space<vmem>>
    %dma_start3A_14 = arith.constant 32 : i32
    %dma_start3A_15 = arith.constant 0 : i32
    %dma_start3A_16 = tpu.memref_slice %arg2[%dma_start3A, %add3A, %dma_start3A_14, %dma_start3A_15] : memref<2x32x125x80xi32, #tpu.memory_space<hbm>> -> memref<1x1x32x80xi32, #tpu.memory_space<hbm>>
    %dma_start3A_17 = tpu.memref_squeeze %dma_start3A_16 : memref<1x1x32x80xi32, #tpu.memory_space<hbm>> -> memref<32x80xi32, #tpu.memory_space<hbm>>
    tpu.enqueue_dma source(%dma_start3A_17 : memref<32x80xi32, #tpu.memory_space<hbm>>) target(%dma_start3A_13 : memref<32x80xi32, #tpu.memory_space<vmem>>) target_semaphore(%arg19 : memref<!tpu.dma_semaphore, #tpu.memory_space<semaphore_mem>>)
    %dma_start3A_18 = arith.constant 1 : i32
    %dma_start3A_19 = arith.constant 0 : i32
    %dma_start3A_20 = arith.constant 0 : i32
    %dma_start3A_21 = tpu.memref_slice %arg8[%dma_start3A_19, %dma_start3A_20] : memref<32x80xi32, #tpu.memory_space<vmem>> -> memref<32x80xi32, #tpu.memory_space<vmem>>
    %dma_start3A_22 = arith.constant 32 : i32
    %dma_start3A_23 = arith.constant 0 : i32
    %dma_start3A_24 = tpu.memref_slice %arg2[%dma_start3A_18, %add3A, %dma_start3A_22, %dma_start3A_23] : memref<2x32x125x80xi32, #tpu.memory_space<hbm>> -> memref<1x1x32x80xi32, #tpu.memory_space<hbm>>
    %dma_start3A_25 = tpu.memref_squeeze %dma_start3A_24 : memref<1x1x32x80xi32, #tpu.memory_space<hbm>> -> memref<32x80xi32, #tpu.memory_space<hbm>>
    %dma_start3A_26 = arith.constant 0 : i32
    %dma_start3A_27 = arith.constant 0 : i32
    %dma_start3A_28 = tpu.memref_slice %arg8[%dma_start3A_26, %dma_start3A_27] : memref<32x80xi32, #tpu.memory_space<vmem>> -> memref<32x80xi32, #tpu.memory_space<vmem>>
    %dma_start3A_29 = arith.constant 32 : i32
    %dma_start3A_30 = arith.constant 0 : i32
    %dma_start3A_31 = tpu.memref_slice %arg2[%dma_start3A_18, %add3A, %dma_start3A_29, %dma_start3A_30] : memref<2x32x125x80xi32, #tpu.memory_space<hbm>> -> memref<1x1x32x80xi32, #tpu.memory_space<hbm>>
    %dma_start3A_32 = tpu.memref_squeeze %dma_start3A_31 : memref<1x1x32x80xi32, #tpu.memory_space<hbm>> -> memref<32x80xi32, #tpu.memory_space<hbm>>
    tpu.enqueue_dma source(%dma_start3A_32 : memref<32x80xi32, #tpu.memory_space<hbm>>) target(%dma_start3A_28 : memref<32x80xi32, #tpu.memory_space<vmem>>) target_semaphore(%arg19 : memref<!tpu.dma_semaphore, #tpu.memory_space<semaphore_mem>>)
    %dma_start3A_33 = arith.constant 0 : i32
    %dma_start3A_34 = arith.constant 0 : i32
    %dma_start3A_35 = tpu.memref_slice %arg5[%dma_start3A_33, %dma_start3A_34] : memref<32x80xi32, #tpu.memory_space<vmem>> -> memref<1x80xi32, #tpu.memory_space<vmem>>
    %dma_start3A_36 = tpu.memref_squeeze %dma_start3A_35 : memref<1x80xi32, #tpu.memory_space<vmem>> -> memref<80xi32, #tpu.memory_space<vmem>>
    %dma_start3A_37 = arith.constant 0 : i32
    %dma_start3A_38 = arith.constant 0 : i32
    %dma_start3A_39 = tpu.memref_slice %arg3[%dma_start3A_37, %dma_start3A_38] : memref<10000x128xf32, #tpu.memory_space<hbm>> -> memref<10000x128xf32, #tpu.memory_space<hbm>>
    tpu.enqueue_indirect_dma source(%dma_start3A_39 : memref<10000x128xf32, #tpu.memory_space<hbm>>) target(%arg9 : memref<80x128xf32, #tpu.memory_space<vmem>>) offsets(%dma_start3A_36 : memref<80xi32, #tpu.memory_space<vmem>>) semaphore(%arg13 : memref<!tpu.dma_semaphore, #tpu.memory_space<semaphore_mem>>)
    %dma_start3A_40 = arith.constant 1 : i32
    %dma_start3A_41 = arith.constant 0 : i32
    %dma_start3A_42 = tpu.memref_slice %arg5[%dma_start3A_40, %dma_start3A_41] : memref<32x80xi32, #tpu.memory_space<vmem>> -> memref<1x80xi32, #tpu.memory_space<vmem>>
    %dma_start3A_43 = tpu.memref_squeeze %dma_start3A_42 : memref<1x80xi32, #tpu.memory_space<vmem>> -> memref<80xi32, #tpu.memory_space<vmem>>
    %dma_start3A_44 = arith.constant 0 : i32
    %dma_start3A_45 = arith.constant 0 : i32
    %dma_start3A_46 = tpu.memref_slice %arg3[%dma_start3A_44, %dma_start3A_45] : memref<10000x128xf32, #tpu.memory_space<hbm>> -> memref<10000x128xf32, #tpu.memory_space<hbm>>
    tpu.enqueue_indirect_dma source(%dma_start3A_46 : memref<10000x128xf32, #tpu.memory_space<hbm>>) target(%arg10 : memref<80x128xf32, #tpu.memory_space<vmem>>) offsets(%dma_start3A_43 : memref<80xi32, #tpu.memory_space<vmem>>) semaphore(%arg14 : memref<!tpu.dma_semaphore, #tpu.memory_space<semaphore_mem>>)
    %scan3A = arith.constant 0 : i32
    %scan3A_47 = arith.constant 0 : i32
    %scan3A_48 = arith.constant 80 : i32
    %scan3A_49 = arith.addi %scan3A_47, %scan3A_48 : i32
    %scan3A_50 = arith.constant 1 : i32
    scf.for %scan3A_676 = %scan3A_47 to %scan3A_49 step %scan3A_50  : i32 {
      %broadcast_in_dim3A = arith.constant 0.000000e+00 : f32
      %broadcast_in_dim3A_677 = vector.broadcast %broadcast_in_dim3A : f32 to vector<16xf32>
      %swap3A = arith.index_cast %scan3A_676 : i32 to index
      %swap3A_678 = arith.constant 0 : index
      %swap3A_679 = tpu.vector_load %arg11[%swap3A, %swap3A_678] {strides = array<i32>} : memref<80x128xf32, #tpu.memory_space<vmem>>, vector<1x16xf32>,
      %swap3A_680 = vector.shape_cast %swap3A_679 : vector<1x16xf32> to vector<16xf32>
      %swap3A_681 = vector.shape_cast %broadcast_in_dim3A_677 : vector<16xf32> to vector<1x16xf32>
      tpu.vector_store %arg11[%swap3A, %swap3A_678], %swap3A_681 {strides = array<i32>} : memref<80x128xf32, #tpu.memory_space<vmem>>, vector<1x16xf32>,
      %broadcast_in_dim3A_682 = arith.constant 0.000000e+00 : f32
      %broadcast_in_dim3A_683 = vector.broadcast %broadcast_in_dim3A_682 : f32 to vector<16xf32>
      %swap3A_684 = arith.index_cast %scan3A_676 : i32 to index
      %swap3A_685 = arith.constant 16 : index
      %swap3A_686 = tpu.vector_load %arg11[%swap3A_684, %swap3A_685] {strides = array<i32>} : memref<80x128xf32, #tpu.memory_space<vmem>>, vector<1x16xf32>,
      %swap3A_687 = vector.shape_cast %swap3A_686 : vector<1x16xf32> to vector<16xf32>
      %swap3A_688 = vector.shape_cast %broadcast_in_dim3A_683 : vector<16xf32> to vector<1x16xf32>
      tpu.vector_store %arg11[%swap3A_684, %swap3A_685], %swap3A_688 {strides = array<i32>} : memref<80x128xf32, #tpu.memory_space<vmem>>, vector<1x16xf32>,
      %broadcast_in_dim3A_689 = arith.constant 0.000000e+00 : f32
      %broadcast_in_dim3A_690 = vector.broadcast %broadcast_in_dim3A_689 : f32 to vector<16xf32>
      %swap3A_691 = arith.index_cast %scan3A_676 : i32 to index
      %swap3A_692 = arith.constant 32 : index
      %swap3A_693 = tpu.vector_load %arg11[%swap3A_691, %swap3A_692] {strides = array<i32>} : memref<80x128xf32, #tpu.memory_space<vmem>>, vector<1x16xf32>,
      %swap3A_694 = vector.shape_cast %swap3A_693 : vector<1x16xf32> to vector<16xf32>
      %swap3A_695 = vector.shape_cast %broadcast_in_dim3A_690 : vector<16xf32> to vector<1x16xf32>
      tpu.vector_store %arg11[%swap3A_691, %swap3A_692], %swap3A_695 {strides = array<i32>} : memref<80x128xf32, #tpu.memory_space<vmem>>, vector<1x16xf32>,
      %broadcast_in_dim3A_696 = arith.constant 0.000000e+00 : f32
      %broadcast_in_dim3A_697 = vector.broadcast %broadcast_in_dim3A_696 : f32 to vector<16xf32>
      %swap3A_698 = arith.index_cast %scan3A_676 : i32 to index
      %swap3A_699 = arith.constant 48 : index
      %swap3A_700 = tpu.vector_load %arg11[%swap3A_698, %swap3A_699] {strides = array<i32>} : memref<80x128xf32, #tpu.memory_space<vmem>>, vector<1x16xf32>,
      %swap3A_701 = vector.shape_cast %swap3A_700 : vector<1x16xf32> to vector<16xf32>
      %swap3A_702 = vector.shape_cast %broadcast_in_dim3A_697 : vector<16xf32> to vector<1x16xf32>
      tpu.vector_store %arg11[%swap3A_698, %swap3A_699], %swap3A_702 {strides = array<i32>} : memref<80x128xf32, #tpu.memory_space<vmem>>, vector<1x16xf32>,
      %broadcast_in_dim3A_703 = arith.constant 0.000000e+00 : f32
      %broadcast_in_dim3A_704 = vector.broadcast %broadcast_in_dim3A_703 : f32 to vector<16xf32>
      %swap3A_705 = arith.index_cast %scan3A_676 : i32 to index
      %swap3A_706 = arith.constant 64 : index
      %swap3A_707 = tpu.vector_load %arg11[%swap3A_705, %swap3A_706] {strides = array<i32>} : memref<80x128xf32, #tpu.memory_space<vmem>>, vector<1x16xf32>,
      %swap3A_708 = vector.shape_cast %swap3A_707 : vector<1x16xf32> to vector<16xf32>
      %swap3A_709 = vector.shape_cast %broadcast_in_dim3A_704 : vector<16xf32> to vector<1x16xf32>
      tpu.vector_store %arg11[%swap3A_705, %swap3A_706], %swap3A_709 {strides = array<i32>} : memref<80x128xf32, #tpu.memory_space<vmem>>, vector<1x16xf32>,
      %broadcast_in_dim3A_710 = arith.constant 0.000000e+00 : f32
      %broadcast_in_dim3A_711 = vector.broadcast %broadcast_in_dim3A_710 : f32 to vector<16xf32>
      %swap3A_712 = arith.index_cast %scan3A_676 : i32 to index
      %swap3A_713 = arith.constant 80 : index
      %swap3A_714 = tpu.vector_load %arg11[%swap3A_712, %swap3A_713] {strides = array<i32>} : memref<80x128xf32, #tpu.memory_space<vmem>>, vector<1x16xf32>,
      %swap3A_715 = vector.shape_cast %swap3A_714 : vector<1x16xf32> to vector<16xf32>
      %swap3A_716 = vector.shape_cast %broadcast_in_dim3A_711 : vector<16xf32> to vector<1x16xf32>
      tpu.vector_store %arg11[%swap3A_712, %swap3A_713], %swap3A_716 {strides = array<i32>} : memref<80x128xf32, #tpu.memory_space<vmem>>, vector<1x16xf32>,
      %broadcast_in_dim3A_717 = arith.constant 0.000000e+00 : f32
      %broadcast_in_dim3A_718 = vector.broadcast %broadcast_in_dim3A_717 : f32 to vector<16xf32>
      %swap3A_719 = arith.index_cast %scan3A_676 : i32 to index
      %swap3A_720 = arith.constant 96 : index
      %swap3A_721 = tpu.vector_load %arg11[%swap3A_719, %swap3A_720] {strides = array<i32>} : memref<80x128xf32, #tpu.memory_space<vmem>>, vector<1x16xf32>,
      %swap3A_722 = vector.shape_cast %swap3A_721 : vector<1x16xf32> to vector<16xf32>
      %swap3A_723 = vector.shape_cast %broadcast_in_dim3A_718 : vector<16xf32> to vector<1x16xf32>
      tpu.vector_store %arg11[%swap3A_719, %swap3A_720], %swap3A_723 {strides = array<i32>} : memref<80x128xf32, #tpu.memory_space<vmem>>, vector<1x16xf32>,
      %broadcast_in_dim3A_724 = arith.constant 0.000000e+00 : f32
      %broadcast_in_dim3A_725 = vector.broadcast %broadcast_in_dim3A_724 : f32 to vector<16xf32>
      %swap3A_726 = arith.index_cast %scan3A_676 : i32 to index
      %swap3A_727 = arith.constant 112 : index
      %swap3A_728 = tpu.vector_load %arg11[%swap3A_726, %swap3A_727] {strides = array<i32>} : memref<80x128xf32, #tpu.memory_space<vmem>>, vector<1x16xf32>,
      %swap3A_729 = vector.shape_cast %swap3A_728 : vector<1x16xf32> to vector<16xf32>
      %swap3A_730 = vector.shape_cast %broadcast_in_dim3A_725 : vector<16xf32> to vector<1x16xf32>
      tpu.vector_store %arg11[%swap3A_726, %swap3A_727], %swap3A_730 {strides = array<i32>} : memref<80x128xf32, #tpu.memory_space<vmem>>, vector<1x16xf32>,
    }
    %scan3A_51 = arith.constant 80 : i32
    %lt3A = arith.constant 15 : i32
    %lt3A_52 = arith.cmpi slt, %arg1, %lt3A : i32
    %convert_element_type3A = arith.extui %lt3A_52 : i1 to i32
    %cond3A = arith.constant 0 : i32
    %cond3A_53 = arith.cmpi ne, %convert_element_type3A, %cond3A : i32
    scf.if %cond3A_53 {
      %add3A_676 = arith.constant 0 : i32
      %add3A_677 = arith.addi %mul3A_2, %add3A_676 : i32
      %dma_start3A_678 = arith.constant 0 : i32
      %dma_start3A_679 = tpu.memref_slice %arg12[%add3A_677, %dma_start3A_678] : memref<10000x128xf32, #tpu.memory_space<vmem_shared>> -> memref<80x128xf32, #tpu.memory_space<vmem_shared>>
      %dma_start3A_680 = arith.constant 0 : i32
      %dma_start3A_681 = tpu.memref_slice %arg12[%add3A_677, %dma_start3A_680] : memref<10000x128xf32, #tpu.memory_space<vmem_shared>> -> memref<80x128xf32, #tpu.memory_space<vmem_shared>>
      tpu.enqueue_dma source(%arg11 : memref<80x128xf32, #tpu.memory_space<vmem>>) target(%dma_start3A_681 : memref<80x128xf32, #tpu.memory_space<vmem_shared>>) target_semaphore(%arg16 : memref<!tpu.dma_semaphore, #tpu.memory_space<semaphore_mem>>)
      %add3A_682 = arith.constant 80 : i32
      %add3A_683 = arith.addi %mul3A_2, %add3A_682 : i32
      %dma_start3A_684 = arith.constant 0 : i32
      %dma_start3A_685 = tpu.memref_slice %arg12[%add3A_683, %dma_start3A_684] : memref<10000x128xf32, #tpu.memory_space<vmem_shared>> -> memref<80x128xf32, #tpu.memory_space<vmem_shared>>
      %dma_start3A_686 = arith.constant 0 : i32
      %dma_start3A_687 = tpu.memref_slice %arg12[%add3A_683, %dma_start3A_686] : memref<10000x128xf32, #tpu.memory_space<vmem_shared>> -> memref<80x128xf32, #tpu.memory_space<vmem_shared>>
      tpu.enqueue_dma source(%arg11 : memref<80x128xf32, #tpu.memory_space<vmem>>) target(%dma_start3A_687 : memref<80x128xf32, #tpu.memory_space<vmem_shared>>) target_semaphore(%arg16 : memref<!tpu.dma_semaphore, #tpu.memory_space<semaphore_mem>>)
      %add3A_688 = arith.constant 160 : i32
      %add3A_689 = arith.addi %mul3A_2, %add3A_688 : i32
      %dma_start3A_690 = arith.constant 0 : i32
      %dma_start3A_691 = tpu.memref_slice %arg12[%add3A_689, %dma_start3A_690] : memref<10000x128xf32, #tpu.memory_space<vmem_shared>> -> memref<80x128xf32, #tpu.memory_space<vmem_shared>>
      %dma_start3A_692 = arith.constant 0 : i32
      %dma_start3A_693 = tpu.memref_slice %arg12[%add3A_689, %dma_start3A_692] : memref<10000x128xf32, #tpu.memory_space<vmem_shared>> -> memref<80x128xf32, #tpu.memory_space<vmem_shared>>
      tpu.enqueue_dma source(%arg11 : memref<80x128xf32, #tpu.memory_space<vmem>>) target(%dma_start3A_693 : memref<80x128xf32, #tpu.memory_space<vmem_shared>>) target_semaphore(%arg16 : memref<!tpu.dma_semaphore, #tpu.memory_space<semaphore_mem>>)
      %add3A_694 = arith.constant 240 : i32
      %add3A_695 = arith.addi %mul3A_2, %add3A_694 : i32
      %dma_start3A_696 = arith.constant 0 : i32
      %dma_start3A_697 = tpu.memref_slice %arg12[%add3A_695, %dma_start3A_696] : memref<10000x128xf32, #tpu.memory_space<vmem_shared>> -> memref<80x128xf32, #tpu.memory_space<vmem_shared>>
      %dma_start3A_698 = arith.constant 0 : i32
      %dma_start3A_699 = tpu.memref_slice %arg12[%add3A_695, %dma_start3A_698] : memref<10000x128xf32, #tpu.memory_space<vmem_shared>> -> memref<80x128xf32, #tpu.memory_space<vmem_shared>>
      tpu.enqueue_dma source(%arg11 : memref<80x128xf32, #tpu.memory_space<vmem>>) target(%dma_start3A_699 : memref<80x128xf32, #tpu.memory_space<vmem_shared>>) target_semaphore(%arg16 : memref<!tpu.dma_semaphore, #tpu.memory_space<semaphore_mem>>)
      %add3A_700 = arith.constant 320 : i32
      %add3A_701 = arith.addi %mul3A_2, %add3A_700 : i32
      %dma_start3A_702 = arith.constant 0 : i32
      %dma_start3A_703 = tpu.memref_slice %arg12[%add3A_701, %dma_start3A_702] : memref<10000x128xf32, #tpu.memory_space<vmem_shared>> -> memref<80x128xf32, #tpu.memory_space<vmem_shared>>
      %dma_start3A_704 = arith.constant 0 : i32
      %dma_start3A_705 = tpu.memref_slice %arg12[%add3A_701, %dma_start3A_704] : memref<10000x128xf32, #tpu.memory_space<vmem_shared>> -> memref<80x128xf32, #tpu.memory_space<vmem_shared>>
      tpu.enqueue_dma source(%arg11 : memref<80x128xf32, #tpu.memory_space<vmem>>) target(%dma_start3A_705 : memref<80x128xf32, #tpu.memory_space<vmem_shared>>) target_semaphore(%arg16 : memref<!tpu.dma_semaphore, #tpu.memory_space<semaphore_mem>>)
      %add3A_706 = arith.constant 400 : i32
      %add3A_707 = arith.addi %mul3A_2, %add3A_706 : i32
      %dma_start3A_708 = arith.constant 0 : i32
      %dma_start3A_709 = tpu.memref_slice %arg12[%add3A_707, %dma_start3A_708] : memref<10000x128xf32, #tpu.memory_space<vmem_shared>> -> memref<80x128xf32, #tpu.memory_space<vmem_shared>>
      %dma_start3A_710 = arith.constant 0 : i32
      %dma_start3A_711 = tpu.memref_slice %arg12[%add3A_707, %dma_start3A_710] : memref<10000x128xf32, #tpu.memory_space<vmem_shared>> -> memref<80x128xf32, #tpu.memory_space<vmem_shared>>
      tpu.enqueue_dma source(%arg11 : memref<80x128xf32, #tpu.memory_space<vmem>>) target(%dma_start3A_711 : memref<80x128xf32, #tpu.memory_space<vmem_shared>>) target_semaphore(%arg16 : memref<!tpu.dma_semaphore, #tpu.memory_space<semaphore_mem>>)
      %add3A_712 = arith.constant 480 : i32
      %add3A_713 = arith.addi %mul3A_2, %add3A_712 : i32
      %dma_start3A_714 = arith.constant 0 : i32
      %dma_start3A_715 = tpu.memref_slice %arg12[%add3A_713, %dma_start3A_714] : memref<10000x128xf32, #tpu.memory_space<vmem_shared>> -> memref<80x128xf32, #tpu.memory_space<vmem_shared>>
      %dma_start3A_716 = arith.constant 0 : i32
      %dma_start3A_717 = tpu.memref_slice %arg12[%add3A_713, %dma_start3A_716] : memref<10000x128xf32, #tpu.memory_space<vmem_shared>> -> memref<80x128xf32, #tpu.memory_space<vmem_shared>>
      tpu.enqueue_dma source(%arg11 : memref<80x128xf32, #tpu.memory_space<vmem>>) target(%dma_start3A_717 : memref<80x128xf32, #tpu.memory_space<vmem_shared>>) target_semaphore(%arg16 : memref<!tpu.dma_semaphore, #tpu.memory_space<semaphore_mem>>)
      %add3A_718 = arith.constant 560 : i32
      %add3A_719 = arith.addi %mul3A_2, %add3A_718 : i32
      %dma_start3A_720 = arith.constant 0 : i32
      %dma_start3A_721 = arith.constant 0 : i32
      %dma_start3A_722 = tpu.memref_slice %arg11[%dma_start3A_720, %dma_start3A_721] : memref<80x128xf32, #tpu.memory_space<vmem>> -> memref<72x128xf32, #tpu.memory_space<vmem>>
      %dma_start3A_723 = arith.constant 0 : i32
      %dma_start3A_724 = tpu.memref_slice %arg12[%add3A_719, %dma_start3A_723] : memref<10000x128xf32, #tpu.memory_space<vmem_shared>> -> memref<72x128xf32, #tpu.memory_space<vmem_shared>>
      %dma_start3A_725 = arith.constant 0 : i32
      %dma_start3A_726 = tpu.memref_slice %arg12[%add3A_719, %dma_start3A_725] : memref<10000x128xf32, #tpu.memory_space<vmem_shared>> -> memref<72x128xf32, #tpu.memory_space<vmem_shared>>
      %dma_start3A_727 = arith.constant 0 : i32
      %dma_start3A_728 = arith.constant 0 : i32
      %dma_start3A_729 = tpu.memref_slice %arg11[%dma_start3A_727, %dma_start3A_728] : memref<80x128xf32, #tpu.memory_space<vmem>> -> memref<72x128xf32, #tpu.memory_space<vmem>>
      tpu.enqueue_dma source(%dma_start3A_729 : memref<72x128xf32, #tpu.memory_space<vmem>>) target(%dma_start3A_726 : memref<72x128xf32, #tpu.memory_space<vmem_shared>>) target_semaphore(%arg16 : memref<!tpu.dma_semaphore, #tpu.memory_space<semaphore_mem>>)
      %dma_wait3A_730 = arith.constant 0 : i32
      %dma_wait3A_731 = tpu.memref_slice %arg12[%mul3A_2, %dma_wait3A_730] : memref<10000x128xf32, #tpu.memory_space<vmem_shared>> -> memref<80x128xf32, #tpu.memory_space<vmem_shared>>
      %dma_wait3A_732 = arith.constant 0 : i32
      %dma_wait3A_733 = tpu.memref_slice %arg12[%mul3A_2, %dma_wait3A_732] : memref<10000x128xf32, #tpu.memory_space<vmem_shared>> -> memref<80x128xf32, #tpu.memory_space<vmem_shared>>
      tpu.wait_dma2 semaphore(%arg16 : memref<!tpu.dma_semaphore, #tpu.memory_space<semaphore_mem>>) src(%arg11 : memref<80x128xf32, #tpu.memory_space<vmem>>) dst(%dma_wait3A_733 : memref<80x128xf32, #tpu.memory_space<vmem_shared>>)
      %dma_wait3A_734 = arith.constant 0 : i32
      %dma_wait3A_735 = tpu.memref_slice %arg12[%mul3A_2, %dma_wait3A_734] : memref<10000x128xf32, #tpu.memory_space<vmem_shared>> -> memref<80x128xf32, #tpu.memory_space<vmem_shared>>
      %dma_wait3A_736 = arith.constant 0 : i32
      %dma_wait3A_737 = tpu.memref_slice %arg12[%mul3A_2, %dma_wait3A_736] : memref<10000x128xf32, #tpu.memory_space<vmem_shared>> -> memref<80x128xf32, #tpu.memory_space<vmem_shared>>
      tpu.wait_dma2 semaphore(%arg16 : memref<!tpu.dma_semaphore, #tpu.memory_space<semaphore_mem>>) src(%arg11 : memref<80x128xf32, #tpu.memory_space<vmem>>) dst(%dma_wait3A_737 : memref<80x128xf32, #tpu.memory_space<vmem_shared>>)
      %dma_wait3A_738 = arith.constant 0 : i32
      %dma_wait3A_739 = tpu.memref_slice %arg12[%mul3A_2, %dma_wait3A_738] : memref<10000x128xf32, #tpu.memory_space<vmem_shared>> -> memref<80x128xf32, #tpu.memory_space<vmem_shared>>
      %dma_wait3A_740 = arith.constant 0 : i32
      %dma_wait3A_741 = tpu.memref_slice %arg12[%mul3A_2, %dma_wait3A_740] : memref<10000x128xf32, #tpu.memory_space<vmem_shared>> -> memref<80x128xf32, #tpu.memory_space<vmem_shared>>
      tpu.wait_dma2 semaphore(%arg16 : memref<!tpu.dma_semaphore, #tpu.memory_space<semaphore_mem>>) src(%arg11 : memref<80x128xf32, #tpu.memory_space<vmem>>) dst(%dma_wait3A_741 : memref<80x128xf32, #tpu.memory_space<vmem_shared>>)
      %dma_wait3A_742 = arith.constant 0 : i32
      %dma_wait3A_743 = tpu.memref_slice %arg12[%mul3A_2, %dma_wait3A_742] : memref<10000x128xf32, #tpu.memory_space<vmem_shared>> -> memref<80x128xf32, #tpu.memory_space<vmem_shared>>
      %dma_wait3A_744 = arith.constant 0 : i32
      %dma_wait3A_745 = tpu.memref_slice %arg12[%mul3A_2, %dma_wait3A_744] : memref<10000x128xf32, #tpu.memory_space<vmem_shared>> -> memref<80x128xf32, #tpu.memory_space<vmem_shared>>
      tpu.wait_dma2 semaphore(%arg16 : memref<!tpu.dma_semaphore, #tpu.memory_space<semaphore_mem>>) src(%arg11 : memref<80x128xf32, #tpu.memory_space<vmem>>) dst(%dma_wait3A_745 : memref<80x128xf32, #tpu.memory_space<vmem_shared>>)
      %dma_wait3A_746 = arith.constant 0 : i32
      %dma_wait3A_747 = tpu.memref_slice %arg12[%mul3A_2, %dma_wait3A_746] : memref<10000x128xf32, #tpu.memory_space<vmem_shared>> -> memref<80x128xf32, #tpu.memory_space<vmem_shared>>
      %dma_wait3A_748 = arith.constant 0 : i32
      %dma_wait3A_749 = tpu.memref_slice %arg12[%mul3A_2, %dma_wait3A_748] : memref<10000x128xf32, #tpu.memory_space<vmem_shared>> -> memref<80x128xf32, #tpu.memory_space<vmem_shared>>
      tpu.wait_dma2 semaphore(%arg16 : memref<!tpu.dma_semaphore, #tpu.memory_space<semaphore_mem>>) src(%arg11 : memref<80x128xf32, #tpu.memory_space<vmem>>) dst(%dma_wait3A_749 : memref<80x128xf32, #tpu.memory_space<vmem_shared>>)
      %dma_wait3A_750 = arith.constant 0 : i32
      %dma_wait3A_751 = tpu.memref_slice %arg12[%mul3A_2, %dma_wait3A_750] : memref<10000x128xf32, #tpu.memory_space<vmem_shared>> -> memref<80x128xf32, #tpu.memory_space<vmem_shared>>
      %dma_wait3A_752 = arith.constant 0 : i32
      %dma_wait3A_753 = tpu.memref_slice %arg12[%mul3A_2, %dma_wait3A_752] : memref<10000x128xf32, #tpu.memory_space<vmem_shared>> -> memref<80x128xf32, #tpu.memory_space<vmem_shared>>
      tpu.wait_dma2 semaphore(%arg16 : memref<!tpu.dma_semaphore, #tpu.memory_space<semaphore_mem>>) src(%arg11 : memref<80x128xf32, #tpu.memory_space<vmem>>) dst(%dma_wait3A_753 : memref<80x128xf32, #tpu.memory_space<vmem_shared>>)
      %dma_wait3A_754 = arith.constant 0 : i32
      %dma_wait3A_755 = tpu.memref_slice %arg12[%mul3A_2, %dma_wait3A_754] : memref<10000x128xf32, #tpu.memory_space<vmem_shared>> -> memref<80x128xf32, #tpu.memory_space<vmem_shared>>
      %dma_wait3A_756 = arith.constant 0 : i32
      %dma_wait3A_757 = tpu.memref_slice %arg12[%mul3A_2, %dma_wait3A_756] : memref<10000x128xf32, #tpu.memory_space<vmem_shared>> -> memref<80x128xf32, #tpu.memory_space<vmem_shared>>
      tpu.wait_dma2 semaphore(%arg16 : memref<!tpu.dma_semaphore, #tpu.memory_space<semaphore_mem>>) src(%arg11 : memref<80x128xf32, #tpu.memory_space<vmem>>) dst(%dma_wait3A_757 : memref<80x128xf32, #tpu.memory_space<vmem_shared>>)
      %dma_wait3A_758 = arith.constant 0 : i32
      %dma_wait3A_759 = arith.constant 0 : i32
      %dma_wait3A_760 = tpu.memref_slice %arg11[%dma_wait3A_758, %dma_wait3A_759] : memref<80x128xf32, #tpu.memory_space<vmem>> -> memref<72x128xf32, #tpu.memory_space<vmem>>
      %dma_wait3A_761 = arith.constant 0 : i32
      %dma_wait3A_762 = tpu.memref_slice %arg12[%mul3A_2, %dma_wait3A_761] : memref<10000x128xf32, #tpu.memory_space<vmem_shared>> -> memref<72x128xf32, #tpu.memory_space<vmem_shared>>
      %dma_wait3A_763 = arith.constant 0 : i32
      %dma_wait3A_764 = tpu.memref_slice %arg12[%mul3A_2, %dma_wait3A_763] : memref<10000x128xf32, #tpu.memory_space<vmem_shared>> -> memref<72x128xf32, #tpu.memory_space<vmem_shared>>
      %dma_wait3A_765 = arith.constant 0 : i32
      %dma_wait3A_766 = arith.constant 0 : i32
      %dma_wait3A_767 = tpu.memref_slice %arg11[%dma_wait3A_765, %dma_wait3A_766] : memref<80x128xf32, #tpu.memory_space<vmem>> -> memref<72x128xf32, #tpu.memory_space<vmem>>
      tpu.wait_dma2 semaphore(%arg16 : memref<!tpu.dma_semaphore, #tpu.memory_space<semaphore_mem>>) src(%dma_wait3A_767 : memref<72x128xf32, #tpu.memory_space<vmem>>) dst(%dma_wait3A_764 : memref<72x128xf32, #tpu.memory_space<vmem_shared>>)
    } else {
    }
    %eq3A = arith.constant 15 : i32
    %eq3A_54 = arith.cmpi eq, %arg1, %eq3A : i32
    %convert_element_type3A_55 = arith.extui %eq3A_54 : i1 to i32
    %cond3A_56 = arith.constant 0 : i32
    %cond3A_57 = arith.cmpi ne, %convert_element_type3A_55, %cond3A_56 : i32
    scf.if %cond3A_57 {
      %add3A_676 = arith.constant 0 : i32
      %add3A_677 = arith.addi %mul3A_2, %add3A_676 : i32
      %dma_start3A_678 = arith.constant 0 : i32
      %dma_start3A_679 = tpu.memref_slice %arg12[%add3A_677, %dma_start3A_678] : memref<10000x128xf32, #tpu.memory_space<vmem_shared>> -> memref<80x128xf32, #tpu.memory_space<vmem_shared>>
      %dma_start3A_680 = arith.constant 0 : i32
      %dma_start3A_681 = tpu.memref_slice %arg12[%add3A_677, %dma_start3A_680] : memref<10000x128xf32, #tpu.memory_space<vmem_shared>> -> memref<80x128xf32, #tpu.memory_space<vmem_shared>>
      tpu.enqueue_dma source(%arg11 : memref<80x128xf32, #tpu.memory_space<vmem>>) target(%dma_start3A_681 : memref<80x128xf32, #tpu.memory_space<vmem_shared>>) target_semaphore(%arg16 : memref<!tpu.dma_semaphore, #tpu.memory_space<semaphore_mem>>)
      %add3A_682 = arith.constant 80 : i32
      %add3A_683 = arith.addi %mul3A_2, %add3A_682 : i32
      %dma_start3A_684 = arith.constant 0 : i32
      %dma_start3A_685 = tpu.memref_slice %arg12[%add3A_683, %dma_start3A_684] : memref<10000x128xf32, #tpu.memory_space<vmem_shared>> -> memref<80x128xf32, #tpu.memory_space<vmem_shared>>
      %dma_start3A_686 = arith.constant 0 : i32
      %dma_start3A_687 = tpu.memref_slice %arg12[%add3A_683, %dma_start3A_686] : memref<10000x128xf32, #tpu.memory_space<vmem_shared>> -> memref<80x128xf32, #tpu.memory_space<vmem_shared>>
      tpu.enqueue_dma source(%arg11 : memref<80x128xf32, #tpu.memory_space<vmem>>) target(%dma_start3A_687 : memref<80x128xf32, #tpu.memory_space<vmem_shared>>) target_semaphore(%arg16 : memref<!tpu.dma_semaphore, #tpu.memory_space<semaphore_mem>>)
      %add3A_688 = arith.constant 160 : i32
      %add3A_689 = arith.addi %mul3A_2, %add3A_688 : i32
      %dma_start3A_690 = arith.constant 0 : i32
      %dma_start3A_691 = tpu.memref_slice %arg12[%add3A_689, %dma_start3A_690] : memref<10000x128xf32, #tpu.memory_space<vmem_shared>> -> memref<80x128xf32, #tpu.memory_space<vmem_shared>>
      %dma_start3A_692 = arith.constant 0 : i32
      %dma_start3A_693 = tpu.memref_slice %arg12[%add3A_689, %dma_start3A_692] : memref<10000x128xf32, #tpu.memory_space<vmem_shared>> -> memref<80x128xf32, #tpu.memory_space<vmem_shared>>
      tpu.enqueue_dma source(%arg11 : memref<80x128xf32, #tpu.memory_space<vmem>>) target(%dma_start3A_693 : memref<80x128xf32, #tpu.memory_space<vmem_shared>>) target_semaphore(%arg16 : memref<!tpu.dma_semaphore, #tpu.memory_space<semaphore_mem>>)
      %add3A_694 = arith.constant 240 : i32
      %add3A_695 = arith.addi %mul3A_2, %add3A_694 : i32
      %dma_start3A_696 = arith.constant 0 : i32
      %dma_start3A_697 = tpu.memref_slice %arg12[%add3A_695, %dma_start3A_696] : memref<10000x128xf32, #tpu.memory_space<vmem_shared>> -> memref<80x128xf32, #tpu.memory_space<vmem_shared>>
      %dma_start3A_698 = arith.constant 0 : i32
      %dma_start3A_699 = tpu.memref_slice %arg12[%add3A_695, %dma_start3A_698] : memref<10000x128xf32, #tpu.memory_space<vmem_shared>> -> memref<80x128xf32, #tpu.memory_space<vmem_shared>>
      tpu.enqueue_dma source(%arg11 : memref<80x128xf32, #tpu.memory_space<vmem>>) target(%dma_start3A_699 : memref<80x128xf32, #tpu.memory_space<vmem_shared>>) target_semaphore(%arg16 : memref<!tpu.dma_semaphore, #tpu.memory_space<semaphore_mem>>)
      %add3A_700 = arith.constant 320 : i32
      %add3A_701 = arith.addi %mul3A_2, %add3A_700 : i32
      %dma_start3A_702 = arith.constant 0 : i32
      %dma_start3A_703 = tpu.memref_slice %arg12[%add3A_701, %dma_start3A_702] : memref<10000x128xf32, #tpu.memory_space<vmem_shared>> -> memref<80x128xf32, #tpu.memory_space<vmem_shared>>
      %dma_start3A_704 = arith.constant 0 : i32
      %dma_start3A_705 = tpu.memref_slice %arg12[%add3A_701, %dma_start3A_704] : memref<10000x128xf32, #tpu.memory_space<vmem_shared>> -> memref<80x128xf32, #tpu.memory_space<vmem_shared>>
      tpu.enqueue_dma source(%arg11 : memref<80x128xf32, #tpu.memory_space<vmem>>) target(%dma_start3A_705 : memref<80x128xf32, #tpu.memory_space<vmem_shared>>) target_semaphore(%arg16 : memref<!tpu.dma_semaphore, #tpu.memory_space<semaphore_mem>>)
      %add3A_706 = arith.constant 400 : i32
      %add3A_707 = arith.addi %mul3A_2, %add3A_706 : i32
      %dma_start3A_708 = arith.constant 0 : i32
      %dma_start3A_709 = tpu.memref_slice %arg12[%add3A_707, %dma_start3A_708] : memref<10000x128xf32, #tpu.memory_space<vmem_shared>> -> memref<80x128xf32, #tpu.memory_space<vmem_shared>>
      %dma_start3A_710 = arith.constant 0 : i32
      %dma_start3A_711 = tpu.memref_slice %arg12[%add3A_707, %dma_start3A_710] : memref<10000x128xf32, #tpu.memory_space<vmem_shared>> -> memref<80x128xf32, #tpu.memory_space<vmem_shared>>
      tpu.enqueue_dma source(%arg11 : memref<80x128xf32, #tpu.memory_space<vmem>>) target(%dma_start3A_711 : memref<80x128xf32, #tpu.memory_space<vmem_shared>>) target_semaphore(%arg16 : memref<!tpu.dma_semaphore, #tpu.memory_space<semaphore_mem>>)
      %add3A_712 = arith.constant 480 : i32
      %add3A_713 = arith.addi %mul3A_2, %add3A_712 : i32
      %dma_start3A_714 = arith.constant 0 : i32
      %dma_start3A_715 = arith.constant 0 : i32
      %dma_start3A_716 = tpu.memref_slice %arg11[%dma_start3A_714, %dma_start3A_715] : memref<80x128xf32, #tpu.memory_space<vmem>> -> memref<40x128xf32, #tpu.memory_space<vmem>>
      %dma_start3A_717 = arith.constant 0 : i32
      %dma_start3A_718 = tpu.memref_slice %arg12[%add3A_713, %dma_start3A_717] : memref<10000x128xf32, #tpu.memory_space<vmem_shared>> -> memref<40x128xf32, #tpu.memory_space<vmem_shared>>
      %dma_start3A_719 = arith.constant 0 : i32
      %dma_start3A_720 = tpu.memref_slice %arg12[%add3A_713, %dma_start3A_719] : memref<10000x128xf32, #tpu.memory_space<vmem_shared>> -> memref<40x128xf32, #tpu.memory_space<vmem_shared>>
      %dma_start3A_721 = arith.constant 0 : i32
      %dma_start3A_722 = arith.constant 0 : i32
      %dma_start3A_723 = tpu.memref_slice %arg11[%dma_start3A_721, %dma_start3A_722] : memref<80x128xf32, #tpu.memory_space<vmem>> -> memref<40x128xf32, #tpu.memory_space<vmem>>
      tpu.enqueue_dma source(%dma_start3A_723 : memref<40x128xf32, #tpu.memory_space<vmem>>) target(%dma_start3A_720 : memref<40x128xf32, #tpu.memory_space<vmem_shared>>) target_semaphore(%arg16 : memref<!tpu.dma_semaphore, #tpu.memory_space<semaphore_mem>>)
      %dma_wait3A_724 = arith.constant 0 : i32
      %dma_wait3A_725 = tpu.memref_slice %arg12[%mul3A_2, %dma_wait3A_724] : memref<10000x128xf32, #tpu.memory_space<vmem_shared>> -> memref<80x128xf32, #tpu.memory_space<vmem_shared>>
      %dma_wait3A_726 = arith.constant 0 : i32
      %dma_wait3A_727 = tpu.memref_slice %arg12[%mul3A_2, %dma_wait3A_726] : memref<10000x128xf32, #tpu.memory_space<vmem_shared>> -> memref<80x128xf32, #tpu.memory_space<vmem_shared>>
      tpu.wait_dma2 semaphore(%arg16 : memref<!tpu.dma_semaphore, #tpu.memory_space<semaphore_mem>>) src(%arg11 : memref<80x128xf32, #tpu.memory_space<vmem>>) dst(%dma_wait3A_727 : memref<80x128xf32, #tpu.memory_space<vmem_shared>>)
      %dma_wait3A_728 = arith.constant 0 : i32
      %dma_wait3A_729 = tpu.memref_slice %arg12[%mul3A_2, %dma_wait3A_728] : memref<10000x128xf32, #tpu.memory_space<vmem_shared>> -> memref<80x128xf32, #tpu.memory_space<vmem_shared>>
      %dma_wait3A_730 = arith.constant 0 : i32
      %dma_wait3A_731 = tpu.memref_slice %arg12[%mul3A_2, %dma_wait3A_730] : memref<10000x128xf32, #tpu.memory_space<vmem_shared>> -> memref<80x128xf32, #tpu.memory_space<vmem_shared>>
      tpu.wait_dma2 semaphore(%arg16 : memref<!tpu.dma_semaphore, #tpu.memory_space<semaphore_mem>>) src(%arg11 : memref<80x128xf32, #tpu.memory_space<vmem>>) dst(%dma_wait3A_731 : memref<80x128xf32, #tpu.memory_space<vmem_shared>>)
      %dma_wait3A_732 = arith.constant 0 : i32
      %dma_wait3A_733 = tpu.memref_slice %arg12[%mul3A_2, %dma_wait3A_732] : memref<10000x128xf32, #tpu.memory_space<vmem_shared>> -> memref<80x128xf32, #tpu.memory_space<vmem_shared>>
      %dma_wait3A_734 = arith.constant 0 : i32
      %dma_wait3A_735 = tpu.memref_slice %arg12[%mul3A_2, %dma_wait3A_734] : memref<10000x128xf32, #tpu.memory_space<vmem_shared>> -> memref<80x128xf32, #tpu.memory_space<vmem_shared>>
      tpu.wait_dma2 semaphore(%arg16 : memref<!tpu.dma_semaphore, #tpu.memory_space<semaphore_mem>>) src(%arg11 : memref<80x128xf32, #tpu.memory_space<vmem>>) dst(%dma_wait3A_735 : memref<80x128xf32, #tpu.memory_space<vmem_shared>>)
      %dma_wait3A_736 = arith.constant 0 : i32
      %dma_wait3A_737 = tpu.memref_slice %arg12[%mul3A_2, %dma_wait3A_736] : memref<10000x128xf32, #tpu.memory_space<vmem_shared>> -> memref<80x128xf32, #tpu.memory_space<vmem_shared>>
      %dma_wait3A_738 = arith.constant 0 : i32
      %dma_wait3A_739 = tpu.memref_slice %arg12[%mul3A_2, %dma_wait3A_738] : memref<10000x128xf32, #tpu.memory_space<vmem_shared>> -> memref<80x128xf32, #tpu.memory_space<vmem_shared>>
      tpu.wait_dma2 semaphore(%arg16 : memref<!tpu.dma_semaphore, #tpu.memory_space<semaphore_mem>>) src(%arg11 : memref<80x128xf32, #tpu.memory_space<vmem>>) dst(%dma_wait3A_739 : memref<80x128xf32, #tpu.memory_space<vmem_shared>>)
      %dma_wait3A_740 = arith.constant 0 : i32
      %dma_wait3A_741 = tpu.memref_slice %arg12[%mul3A_2, %dma_wait3A_740] : memref<10000x128xf32, #tpu.memory_space<vmem_shared>> -> memref<80x128xf32, #tpu.memory_space<vmem_shared>>
      %dma_wait3A_742 = arith.constant 0 : i32
      %dma_wait3A_743 = tpu.memref_slice %arg12[%mul3A_2, %dma_wait3A_742] : memref<10000x128xf32, #tpu.memory_space<vmem_shared>> -> memref<80x128xf32, #tpu.memory_space<vmem_shared>>
      tpu.wait_dma2 semaphore(%arg16 : memref<!tpu.dma_semaphore, #tpu.memory_space<semaphore_mem>>) src(%arg11 : memref<80x128xf32, #tpu.memory_space<vmem>>) dst(%dma_wait3A_743 : memref<80x128xf32, #tpu.memory_space<vmem_shared>>)
      %dma_wait3A_744 = arith.constant 0 : i32
      %dma_wait3A_745 = tpu.memref_slice %arg12[%mul3A_2, %dma_wait3A_744] : memref<10000x128xf32, #tpu.memory_space<vmem_shared>> -> memref<80x128xf32, #tpu.memory_space<vmem_shared>>
      %dma_wait3A_746 = arith.constant 0 : i32
      %dma_wait3A_747 = tpu.memref_slice %arg12[%mul3A_2, %dma_wait3A_746] : memref<10000x128xf32, #tpu.memory_space<vmem_shared>> -> memref<80x128xf32, #tpu.memory_space<vmem_shared>>
      tpu.wait_dma2 semaphore(%arg16 : memref<!tpu.dma_semaphore, #tpu.memory_space<semaphore_mem>>) src(%arg11 : memref<80x128xf32, #tpu.memory_space<vmem>>) dst(%dma_wait3A_747 : memref<80x128xf32, #tpu.memory_space<vmem_shared>>)
      %dma_wait3A_748 = arith.constant 0 : i32
      %dma_wait3A_749 = arith.constant 0 : i32
      %dma_wait3A_750 = tpu.memref_slice %arg11[%dma_wait3A_748, %dma_wait3A_749] : memref<80x128xf32, #tpu.memory_space<vmem>> -> memref<40x128xf32, #tpu.memory_space<vmem>>
      %dma_wait3A_751 = arith.constant 0 : i32
      %dma_wait3A_752 = tpu.memref_slice %arg12[%mul3A_2, %dma_wait3A_751] : memref<10000x128xf32, #tpu.memory_space<vmem_shared>> -> memref<40x128xf32, #tpu.memory_space<vmem_shared>>
      %dma_wait3A_753 = arith.constant 0 : i32
      %dma_wait3A_754 = tpu.memref_slice %arg12[%mul3A_2, %dma_wait3A_753] : memref<10000x128xf32, #tpu.memory_space<vmem_shared>> -> memref<40x128xf32, #tpu.memory_space<vmem_shared>>
      %dma_wait3A_755 = arith.constant 0 : i32
      %dma_wait3A_756 = arith.constant 0 : i32
      %dma_wait3A_757 = tpu.memref_slice %arg11[%dma_wait3A_755, %dma_wait3A_756] : memref<80x128xf32, #tpu.memory_space<vmem>> -> memref<40x128xf32, #tpu.memory_space<vmem>>
      tpu.wait_dma2 semaphore(%arg16 : memref<!tpu.dma_semaphore, #tpu.memory_space<semaphore_mem>>) src(%dma_wait3A_757 : memref<40x128xf32, #tpu.memory_space<vmem>>) dst(%dma_wait3A_754 : memref<40x128xf32, #tpu.memory_space<vmem_shared>>)
    } else {
    }
    %barrier3A = arith.constant 0 : index
    tpu.barrier barrier_id(%barrier3A)
    %dma_wait3A = arith.constant 0 : i32
    %dma_wait3A_58 = arith.constant 0 : i32
    %dma_wait3A_59 = tpu.memref_slice %arg5[%dma_wait3A, %dma_wait3A_58] : memref<32x80xi32, #tpu.memory_space<vmem>> -> memref<1x80xi32, #tpu.memory_space<vmem>>
    %dma_wait3A_60 = tpu.memref_squeeze %dma_wait3A_59 : memref<1x80xi32, #tpu.memory_space<vmem>> -> memref<80xi32, #tpu.memory_space<vmem>>
    %dma_wait3A_61 = arith.constant 0 : i32
    %dma_wait3A_62 = arith.constant 0 : i32
    %dma_wait3A_63 = tpu.memref_slice %arg3[%dma_wait3A_61, %dma_wait3A_62] : memref<10000x128xf32, #tpu.memory_space<hbm>> -> memref<10000x128xf32, #tpu.memory_space<hbm>>
    tpu.wait_indirect_dma semaphore(%arg13 : memref<!tpu.dma_semaphore, #tpu.memory_space<semaphore_mem>>) src(%dma_wait3A_63 : memref<10000x128xf32, #tpu.memory_space<hbm>>) dst(%arg9 : memref<80x128xf32, #tpu.memory_space<vmem>>)
    %dma_start3A_64 = arith.constant 0 : i32
    %dma_start3A_65 = arith.constant 0 : i32
    %dma_start3A_66 = tpu.memref_slice %arg6[%dma_start3A_64, %dma_start3A_65] : memref<32x80xi32, #tpu.memory_space<vmem>> -> memref<1x80xi32, #tpu.memory_space<vmem>>
    %dma_start3A_67 = tpu.memref_squeeze %dma_start3A_66 : memref<1x80xi32, #tpu.memory_space<vmem>> -> memref<80xi32, #tpu.memory_space<vmem>>
    %dma_start3A_68 = arith.constant 0 : i32
    %dma_start3A_69 = arith.constant 0 : i32
    %dma_start3A_70 = tpu.memref_slice %arg12[%dma_start3A_68, %dma_start3A_69] : memref<10000x128xf32, #tpu.memory_space<vmem_shared>> -> memref<10000x128xf32, #tpu.memory_space<vmem_shared>>
    tpu.enqueue_indirect_dma source(%arg9 : memref<80x128xf32, #tpu.memory_space<vmem>>) target(%dma_start3A_70 : memref<10000x128xf32, #tpu.memory_space<vmem_shared>>) offsets(%dma_start3A_67 : memref<80xi32, #tpu.memory_space<vmem>>) semaphore(%arg16 : memref<!tpu.dma_semaphore, #tpu.memory_space<semaphore_mem>>) {add = true}
    %dma_start3A_71 = arith.constant 2 : i32
    %dma_start3A_72 = arith.constant 0 : i32
    %dma_start3A_73 = tpu.memref_slice %arg5[%dma_start3A_71, %dma_start3A_72] : memref<32x80xi32, #tpu.memory_space<vmem>> -> memref<1x80xi32, #tpu.memory_space<vmem>>
    %dma_start3A_74 = tpu.memref_squeeze %dma_start3A_73 : memref<1x80xi32, #tpu.memory_space<vmem>> -> memref<80xi32, #tpu.memory_space<vmem>>
    %dma_start3A_75 = arith.constant 0 : i32
    %dma_start3A_76 = arith.constant 0 : i32
    %dma_start3A_77 = tpu.memref_slice %arg3[%dma_start3A_75, %dma_start3A_76] : memref<10000x128xf32, #tpu.memory_space<hbm>> -> memref<10000x128xf32, #tpu.memory_space<hbm>>
    tpu.enqueue_indirect_dma source(%dma_start3A_77 : memref<10000x128xf32, #tpu.memory_space<hbm>>) target(%arg11 : memref<80x128xf32, #tpu.memory_space<vmem>>) offsets(%dma_start3A_74 : memref<80xi32, #tpu.memory_space<vmem>>) semaphore(%arg15 : memref<!tpu.dma_semaphore, #tpu.memory_space<semaphore_mem>>)
    %dma_wait3A_78 = arith.constant 1 : i32
    %dma_wait3A_79 = arith.constant 0 : i32
    %dma_wait3A_80 = tpu.memref_slice %arg5[%dma_wait3A_78, %dma_wait3A_79] : memref<32x80xi32, #tpu.memory_space<vmem>> -> memref<1x80xi32, #tpu.memory_space<vmem>>
    %dma_wait3A_81 = tpu.memref_squeeze %dma_wait3A_80 : memref<1x80xi32, #tpu.memory_space<vmem>> -> memref<80xi32, #tpu.memory_space<vmem>>
    %dma_wait3A_82 = arith.constant 0 : i32
    %dma_wait3A_83 = arith.constant 0 : i32
    %dma_wait3A_84 = tpu.memref_slice %arg3[%dma_wait3A_82, %dma_wait3A_83] : memref<10000x128xf32, #tpu.memory_space<hbm>> -> memref<10000x128xf32, #tpu.memory_space<hbm>>
    tpu.wait_indirect_dma semaphore(%arg14 : memref<!tpu.dma_semaphore, #tpu.memory_space<semaphore_mem>>) src(%dma_wait3A_84 : memref<10000x128xf32, #tpu.memory_space<hbm>>) dst(%arg10 : memref<80x128xf32, #tpu.memory_space<vmem>>)
    %dma_start3A_85 = arith.constant 1 : i32
    %dma_start3A_86 = arith.constant 0 : i32
    %dma_start3A_87 = tpu.memref_slice %arg6[%dma_start3A_85, %dma_start3A_86] : memref<32x80xi32, #tpu.memory_space<vmem>> -> memref<1x80xi32, #tpu.memory_space<vmem>>
    %dma_start3A_88 = tpu.memref_squeeze %dma_start3A_87 : memref<1x80xi32, #tpu.memory_space<vmem>> -> memref<80xi32, #tpu.memory_space<vmem>>
    %dma_start3A_89 = arith.constant 0 : i32
    %dma_start3A_90 = arith.constant 0 : i32
    %dma_start3A_91 = tpu.memref_slice %arg12[%dma_start3A_89, %dma_start3A_90] : memref<10000x128xf32, #tpu.memory_space<vmem_shared>> -> memref<10000x128xf32, #tpu.memory_space<vmem_shared>>
    tpu.enqueue_indirect_dma source(%arg10 : memref<80x128xf32, #tpu.memory_space<vmem>>) target(%dma_start3A_91 : memref<10000x128xf32, #tpu.memory_space<vmem_shared>>) offsets(%dma_start3A_88 : memref<80xi32, #tpu.memory_space<vmem>>) semaphore(%arg17 : memref<!tpu.dma_semaphore, #tpu.memory_space<semaphore_mem>>) {add = true}
    %dma_wait3A_92 = arith.constant 0 : i32
    %dma_wait3A_93 = arith.constant 0 : i32
    %dma_wait3A_94 = tpu.memref_slice %arg6[%dma_wait3A_92, %dma_wait3A_93] : memref<32x80xi32, #tpu.memory_space<vmem>> -> memref<1x80xi32, #tpu.memory_space<vmem>>
    %dma_wait3A_95 = tpu.memref_squeeze %dma_wait3A_94 : memref<1x80xi32, #tpu.memory_space<vmem>> -> memref<80xi32, #tpu.memory_space<vmem>>
    %dma_wait3A_96 = arith.constant 0 : i32
    %dma_wait3A_97 = arith.constant 0 : i32
    %dma_wait3A_98 = tpu.memref_slice %arg12[%dma_wait3A_96, %dma_wait3A_97] : memref<10000x128xf32, #tpu.memory_space<vmem_shared>> -> memref<10000x128xf32, #tpu.memory_space<vmem_shared>>
    tpu.wait_indirect_dma semaphore(%arg16 : memref<!tpu.dma_semaphore, #tpu.memory_space<semaphore_mem>>) src(%arg9 : memref<80x128xf32, #tpu.memory_space<vmem>>) dst(%dma_wait3A_98 : memref<10000x128xf32, #tpu.memory_space<vmem_shared>>)
    %dma_start3A_99 = arith.constant 3 : i32
    %dma_start3A_100 = arith.constant 0 : i32
    %dma_start3A_101 = tpu.memref_slice %arg5[%dma_start3A_99, %dma_start3A_100] : memref<32x80xi32, #tpu.memory_space<vmem>> -> memref<1x80xi32, #tpu.memory_space<vmem>>
    %dma_start3A_102 = tpu.memref_squeeze %dma_start3A_101 : memref<1x80xi32, #tpu.memory_space<vmem>> -> memref<80xi32, #tpu.memory_space<vmem>>
    %dma_start3A_103 = arith.constant 0 : i32
    %dma_start3A_104 = arith.constant 0 : i32
    %dma_start3A_105 = tpu.memref_slice %arg3[%dma_start3A_103, %dma_start3A_104] : memref<10000x128xf32, #tpu.memory_space<hbm>> -> memref<10000x128xf32, #tpu.memory_space<hbm>>
    tpu.enqueue_indirect_dma source(%dma_start3A_105 : memref<10000x128xf32, #tpu.memory_space<hbm>>) target(%arg9 : memref<80x128xf32, #tpu.memory_space<vmem>>) offsets(%dma_start3A_102 : memref<80xi32, #tpu.memory_space<vmem>>) semaphore(%arg13 : memref<!tpu.dma_semaphore, #tpu.memory_space<semaphore_mem>>)
    %scan3A_106 = arith.constant 0 : i32
    %scan3A_107 = arith.constant 2 : i32
    %scan3A_108 = arith.constant 28 : i32
    %scan3A_109 = arith.addi %scan3A_107, %scan3A_108 : i32
    %scan3A_110 = arith.constant 1 : i32
    scf.for %scan3A_676 = %scan3A_107 to %scan3A_109 step %scan3A_110  : i32 {
      %add3A_677 = arith.constant 0 : i32
      %add3A_678 = arith.addi %scan3A_676, %add3A_677 : i32
      %rem3A = arith.constant 3 : i32
      %rem3A_679 = arith.remsi %add3A_678, %rem3A : i32
      %eq3A_680 = arith.constant 0 : i32
      %eq3A_681 = arith.cmpi eq, %rem3A_679, %eq3A_680 : i32
      %convert_element_type3A_682 = arith.extui %eq3A_681 : i1 to i32
      %cond3A_683 = arith.constant 0 : i32
      %cond3A_684 = arith.cmpi ne, %convert_element_type3A_682, %cond3A_683 : i32
      scf.if %cond3A_684 {
        %dma_wait3A_703 = arith.constant 0 : i32
        %dma_wait3A_704 = tpu.memref_slice %arg5[%scan3A_676, %dma_wait3A_703] : memref<32x80xi32, #tpu.memory_space<vmem>> -> memref<1x80xi32, #tpu.memory_space<vmem>>
        %dma_wait3A_705 = tpu.memref_squeeze %dma_wait3A_704 : memref<1x80xi32, #tpu.memory_space<vmem>> -> memref<80xi32, #tpu.memory_space<vmem>>
        %dma_wait3A_706 = arith.constant 0 : i32
        %dma_wait3A_707 = arith.constant 0 : i32
        %dma_wait3A_708 = tpu.memref_slice %arg3[%dma_wait3A_706, %dma_wait3A_707] : memref<10000x128xf32, #tpu.memory_space<hbm>> -> memref<10000x128xf32, #tpu.memory_space<hbm>>
        tpu.wait_indirect_dma semaphore(%arg13 : memref<!tpu.dma_semaphore, #tpu.memory_space<semaphore_mem>>) src(%dma_wait3A_708 : memref<10000x128xf32, #tpu.memory_space<hbm>>) dst(%arg9 : memref<80x128xf32, #tpu.memory_space<vmem>>)
        %dma_start3A_709 = arith.constant 0 : i32
        %dma_start3A_710 = tpu.memref_slice %arg6[%scan3A_676, %dma_start3A_709] : memref<32x80xi32, #tpu.memory_space<vmem>> -> memref<1x80xi32, #tpu.memory_space<vmem>>
        %dma_start3A_711 = tpu.memref_squeeze %dma_start3A_710 : memref<1x80xi32, #tpu.memory_space<vmem>> -> memref<80xi32, #tpu.memory_space<vmem>>
        %dma_start3A_712 = arith.constant 0 : i32
        %dma_start3A_713 = arith.constant 0 : i32
        %dma_start3A_714 = tpu.memref_slice %arg12[%dma_start3A_712, %dma_start3A_713] : memref<10000x128xf32, #tpu.memory_space<vmem_shared>> -> memref<10000x128xf32, #tpu.memory_space<vmem_shared>>
        tpu.enqueue_indirect_dma source(%arg9 : memref<80x128xf32, #tpu.memory_space<vmem>>) target(%dma_start3A_714 : memref<10000x128xf32, #tpu.memory_space<vmem_shared>>) offsets(%dma_start3A_711 : memref<80xi32, #tpu.memory_space<vmem>>) semaphore(%arg16 : memref<!tpu.dma_semaphore, #tpu.memory_space<semaphore_mem>>) {add = true}
        %dma_wait3A_715 = arith.constant 0 : i32
        %dma_wait3A_716 = tpu.memref_slice %arg6[%scan3A_676, %dma_wait3A_715] : memref<32x80xi32, #tpu.memory_space<vmem>> -> memref<1x80xi32, #tpu.memory_space<vmem>>
        %dma_wait3A_717 = tpu.memref_squeeze %dma_wait3A_716 : memref<1x80xi32, #tpu.memory_space<vmem>> -> memref<80xi32, #tpu.memory_space<vmem>>
        %dma_wait3A_718 = arith.constant 0 : i32
        %dma_wait3A_719 = arith.constant 0 : i32
        %dma_wait3A_720 = tpu.memref_slice %arg12[%dma_wait3A_718, %dma_wait3A_719] : memref<10000x128xf32, #tpu.memory_space<vmem_shared>> -> memref<10000x128xf32, #tpu.memory_space<vmem_shared>>
        tpu.wait_indirect_dma semaphore(%arg18 : memref<!tpu.dma_semaphore, #tpu.memory_space<semaphore_mem>>) src(%arg11 : memref<80x128xf32, #tpu.memory_space<vmem>>) dst(%dma_wait3A_720 : memref<10000x128xf32, #tpu.memory_space<vmem_shared>>)
        %add3A_721 = arith.constant 2 : i32
        %add3A_722 = arith.addi %scan3A_676, %add3A_721 : i32
        %dma_start3A_723 = arith.constant 0 : i32
        %dma_start3A_724 = tpu.memref_slice %arg5[%add3A_722, %dma_start3A_723] : memref<32x80xi32, #tpu.memory_space<vmem>> -> memref<1x80xi32, #tpu.memory_space<vmem>>
        %dma_start3A_725 = tpu.memref_squeeze %dma_start3A_724 : memref<1x80xi32, #tpu.memory_space<vmem>> -> memref<80xi32, #tpu.memory_space<vmem>>
        %dma_start3A_726 = arith.constant 0 : i32
        %dma_start3A_727 = arith.constant 0 : i32
        %dma_start3A_728 = tpu.memref_slice %arg3[%dma_start3A_726, %dma_start3A_727] : memref<10000x128xf32, #tpu.memory_space<hbm>> -> memref<10000x128xf32, #tpu.memory_space<hbm>>
        tpu.enqueue_indirect_dma source(%dma_start3A_728 : memref<10000x128xf32, #tpu.memory_space<hbm>>) target(%arg11 : memref<80x128xf32, #tpu.memory_space<vmem>>) offsets(%dma_start3A_725 : memref<80xi32, #tpu.memory_space<vmem>>) semaphore(%arg15 : memref<!tpu.dma_semaphore, #tpu.memory_space<semaphore_mem>>)
      } else {
      }
      %add3A_685 = arith.constant 0 : i32
      %add3A_686 = arith.addi %scan3A_676, %add3A_685 : i32
      %rem3A_687 = arith.constant 3 : i32
      %rem3A_688 = arith.remsi %add3A_686, %rem3A_687 : i32
      %eq3A_689 = arith.constant 1 : i32
      %eq3A_690 = arith.cmpi eq, %rem3A_688, %eq3A_689 : i32
      %convert_element_type3A_691 = arith.extui %eq3A_690 : i1 to i32
      %cond3A_692 = arith.constant 0 : i32
      %cond3A_693 = arith.cmpi ne, %convert_element_type3A_691, %cond3A_692 : i32
      scf.if %cond3A_693 {
        %dma_wait3A_703 = arith.constant 0 : i32
        %dma_wait3A_704 = tpu.memref_slice %arg5[%scan3A_676, %dma_wait3A_703] : memref<32x80xi32, #tpu.memory_space<vmem>> -> memref<1x80xi32, #tpu.memory_space<vmem>>
        %dma_wait3A_705 = tpu.memref_squeeze %dma_wait3A_704 : memref<1x80xi32, #tpu.memory_space<vmem>> -> memref<80xi32, #tpu.memory_space<vmem>>
        %dma_wait3A_706 = arith.constant 0 : i32
        %dma_wait3A_707 = arith.constant 0 : i32
        %dma_wait3A_708 = tpu.memref_slice %arg3[%dma_wait3A_706, %dma_wait3A_707] : memref<10000x128xf32, #tpu.memory_space<hbm>> -> memref<10000x128xf32, #tpu.memory_space<hbm>>
        tpu.wait_indirect_dma semaphore(%arg14 : memref<!tpu.dma_semaphore, #tpu.memory_space<semaphore_mem>>) src(%dma_wait3A_708 : memref<10000x128xf32, #tpu.memory_space<hbm>>) dst(%arg10 : memref<80x128xf32, #tpu.memory_space<vmem>>)
        %dma_start3A_709 = arith.constant 0 : i32
        %dma_start3A_710 = tpu.memref_slice %arg6[%scan3A_676, %dma_start3A_709] : memref<32x80xi32, #tpu.memory_space<vmem>> -> memref<1x80xi32, #tpu.memory_space<vmem>>
        %dma_start3A_711 = tpu.memref_squeeze %dma_start3A_710 : memref<1x80xi32, #tpu.memory_space<vmem>> -> memref<80xi32, #tpu.memory_space<vmem>>
        %dma_start3A_712 = arith.constant 0 : i32
        %dma_start3A_713 = arith.constant 0 : i32
        %dma_start3A_714 = tpu.memref_slice %arg12[%dma_start3A_712, %dma_start3A_713] : memref<10000x128xf32, #tpu.memory_space<vmem_shared>> -> memref<10000x128xf32, #tpu.memory_space<vmem_shared>>
        tpu.enqueue_indirect_dma source(%arg10 : memref<80x128xf32, #tpu.memory_space<vmem>>) target(%dma_start3A_714 : memref<10000x128xf32, #tpu.memory_space<vmem_shared>>) offsets(%dma_start3A_711 : memref<80xi32, #tpu.memory_space<vmem>>) semaphore(%arg17 : memref<!tpu.dma_semaphore, #tpu.memory_space<semaphore_mem>>) {add = true}
        %dma_wait3A_715 = arith.constant 0 : i32
        %dma_wait3A_716 = tpu.memref_slice %arg6[%scan3A_676, %dma_wait3A_715] : memref<32x80xi32, #tpu.memory_space<vmem>> -> memref<1x80xi32, #tpu.memory_space<vmem>>
        %dma_wait3A_717 = tpu.memref_squeeze %dma_wait3A_716 : memref<1x80xi32, #tpu.memory_space<vmem>> -> memref<80xi32, #tpu.memory_space<vmem>>
        %dma_wait3A_718 = arith.constant 0 : i32
        %dma_wait3A_719 = arith.constant 0 : i32
        %dma_wait3A_720 = tpu.memref_slice %arg12[%dma_wait3A_718, %dma_wait3A_719] : memref<10000x128xf32, #tpu.memory_space<vmem_shared>> -> memref<10000x128xf32, #tpu.memory_space<vmem_shared>>
        tpu.wait_indirect_dma semaphore(%arg16 : memref<!tpu.dma_semaphore, #tpu.memory_space<semaphore_mem>>) src(%arg9 : memref<80x128xf32, #tpu.memory_space<vmem>>) dst(%dma_wait3A_720 : memref<10000x128xf32, #tpu.memory_space<vmem_shared>>)
        %add3A_721 = arith.constant 2 : i32
        %add3A_722 = arith.addi %scan3A_676, %add3A_721 : i32
        %dma_start3A_723 = arith.constant 0 : i32
        %dma_start3A_724 = tpu.memref_slice %arg5[%add3A_722, %dma_start3A_723] : memref<32x80xi32, #tpu.memory_space<vmem>> -> memref<1x80xi32, #tpu.memory_space<vmem>>
        %dma_start3A_725 = tpu.memref_squeeze %dma_start3A_724 : memref<1x80xi32, #tpu.memory_space<vmem>> -> memref<80xi32, #tpu.memory_space<vmem>>
        %dma_start3A_726 = arith.constant 0 : i32
        %dma_start3A_727 = arith.constant 0 : i32
        %dma_start3A_728 = tpu.memref_slice %arg3[%dma_start3A_726, %dma_start3A_727] : memref<10000x128xf32, #tpu.memory_space<hbm>> -> memref<10000x128xf32, #tpu.memory_space<hbm>>
        tpu.enqueue_indirect_dma source(%dma_start3A_728 : memref<10000x128xf32, #tpu.memory_space<hbm>>) target(%arg9 : memref<80x128xf32, #tpu.memory_space<vmem>>) offsets(%dma_start3A_725 : memref<80xi32, #tpu.memory_space<vmem>>) semaphore(%arg13 : memref<!tpu.dma_semaphore, #tpu.memory_space<semaphore_mem>>)
      } else {
      }
      %add3A_694 = arith.constant 0 : i32
      %add3A_695 = arith.addi %scan3A_676, %add3A_694 : i32
      %rem3A_696 = arith.constant 3 : i32
      %rem3A_697 = arith.remsi %add3A_695, %rem3A_696 : i32
      %eq3A_698 = arith.constant 2 : i32
      %eq3A_699 = arith.cmpi eq, %rem3A_697, %eq3A_698 : i32
      %convert_element_type3A_700 = arith.extui %eq3A_699 : i1 to i32
      %cond3A_701 = arith.constant 0 : i32
      %cond3A_702 = arith.cmpi ne, %convert_element_type3A_700, %cond3A_701 : i32
      scf.if %cond3A_702 {
        %dma_wait3A_703 = arith.constant 0 : i32
        %dma_wait3A_704 = tpu.memref_slice %arg5[%scan3A_676, %dma_wait3A_703] : memref<32x80xi32, #tpu.memory_space<vmem>> -> memref<1x80xi32, #tpu.memory_space<vmem>>
        %dma_wait3A_705 = tpu.memref_squeeze %dma_wait3A_704 : memref<1x80xi32, #tpu.memory_space<vmem>> -> memref<80xi32, #tpu.memory_space<vmem>>
        %dma_wait3A_706 = arith.constant 0 : i32
        %dma_wait3A_707 = arith.constant 0 : i32
        %dma_wait3A_708 = tpu.memref_slice %arg3[%dma_wait3A_706, %dma_wait3A_707] : memref<10000x128xf32, #tpu.memory_space<hbm>> -> memref<10000x128xf32, #tpu.memory_space<hbm>>
        tpu.wait_indirect_dma semaphore(%arg15 : memref<!tpu.dma_semaphore, #tpu.memory_space<semaphore_mem>>) src(%dma_wait3A_708 : memref<10000x128xf32, #tpu.memory_space<hbm>>) dst(%arg11 : memref<80x128xf32, #tpu.memory_space<vmem>>)
        %dma_start3A_709 = arith.constant 0 : i32
        %dma_start3A_710 = tpu.memref_slice %arg6[%scan3A_676, %dma_start3A_709] : memref<32x80xi32, #tpu.memory_space<vmem>> -> memref<1x80xi32, #tpu.memory_space<vmem>>
        %dma_start3A_711 = tpu.memref_squeeze %dma_start3A_710 : memref<1x80xi32, #tpu.memory_space<vmem>> -> memref<80xi32, #tpu.memory_space<vmem>>
        %dma_start3A_712 = arith.constant 0 : i32
        %dma_start3A_713 = arith.constant 0 : i32
        %dma_start3A_714 = tpu.memref_slice %arg12[%dma_start3A_712, %dma_start3A_713] : memref<10000x128xf32, #tpu.memory_space<vmem_shared>> -> memref<10000x128xf32, #tpu.memory_space<vmem_shared>>
        tpu.enqueue_indirect_dma source(%arg11 : memref<80x128xf32, #tpu.memory_space<vmem>>) target(%dma_start3A_714 : memref<10000x128xf32, #tpu.memory_space<vmem_shared>>) offsets(%dma_start3A_711 : memref<80xi32, #tpu.memory_space<vmem>>) semaphore(%arg18 : memref<!tpu.dma_semaphore, #tpu.memory_space<semaphore_mem>>) {add = true}
        %dma_wait3A_715 = arith.constant 0 : i32
        %dma_wait3A_716 = tpu.memref_slice %arg6[%scan3A_676, %dma_wait3A_715] : memref<32x80xi32, #tpu.memory_space<vmem>> -> memref<1x80xi32, #tpu.memory_space<vmem>>
        %dma_wait3A_717 = tpu.memref_squeeze %dma_wait3A_716 : memref<1x80xi32, #tpu.memory_space<vmem>> -> memref<80xi32, #tpu.memory_space<vmem>>
        %dma_wait3A_718 = arith.constant 0 : i32
        %dma_wait3A_719 = arith.constant 0 : i32
        %dma_wait3A_720 = tpu.memref_slice %arg12[%dma_wait3A_718, %dma_wait3A_719] : memref<10000x128xf32, #tpu.memory_space<vmem_shared>> -> memref<10000x128xf32, #tpu.memory_space<vmem_shared>>
        tpu.wait_indirect_dma semaphore(%arg17 : memref<!tpu.dma_semaphore, #tpu.memory_space<semaphore_mem>>) src(%arg10 : memref<80x128xf32, #tpu.memory_space<vmem>>) dst(%dma_wait3A_720 : memref<10000x128xf32, #tpu.memory_space<vmem_shared>>)
        %add3A_721 = arith.constant 2 : i32
        %add3A_722 = arith.addi %scan3A_676, %add3A_721 : i32
        %dma_start3A_723 = arith.constant 0 : i32
        %dma_start3A_724 = tpu.memref_slice %arg5[%add3A_722, %dma_start3A_723] : memref<32x80xi32, #tpu.memory_space<vmem>> -> memref<1x80xi32, #tpu.memory_space<vmem>>
        %dma_start3A_725 = tpu.memref_squeeze %dma_start3A_724 : memref<1x80xi32, #tpu.memory_space<vmem>> -> memref<80xi32, #tpu.memory_space<vmem>>
        %dma_start3A_726 = arith.constant 0 : i32
        %dma_start3A_727 = arith.constant 0 : i32
        %dma_start3A_728 = tpu.memref_slice %arg3[%dma_start3A_726, %dma_start3A_727] : memref<10000x128xf32, #tpu.memory_space<hbm>> -> memref<10000x128xf32, #tpu.memory_space<hbm>>
        tpu.enqueue_indirect_dma source(%dma_start3A_728 : memref<10000x128xf32, #tpu.memory_space<hbm>>) target(%arg10 : memref<80x128xf32, #tpu.memory_space<vmem>>) offsets(%dma_start3A_725 : memref<80xi32, #tpu.memory_space<vmem>>) semaphore(%arg14 : memref<!tpu.dma_semaphore, #tpu.memory_space<semaphore_mem>>)
      } else {
      }
    }
    %scan3A_111 = arith.constant 28 : i32
    %dma_wait3A_112 = arith.constant 0 : i32
    %dma_wait3A_113 = arith.constant 0 : i32
    %dma_wait3A_114 = arith.constant 0 : i32
    %dma_wait3A_115 = tpu.memref_slice %arg7[%dma_wait3A_113, %dma_wait3A_114] : memref<32x80xi32, #tpu.memory_space<vmem>> -> memref<32x80xi32, #tpu.memory_space<vmem>>
    %dma_wait3A_116 = arith.constant 32 : i32
    %dma_wait3A_117 = arith.constant 0 : i32
    %dma_wait3A_118 = tpu.memref_slice %arg2[%dma_wait3A_112, %add3A, %dma_wait3A_116, %dma_wait3A_117] : memref<2x32x125x80xi32, #tpu.memory_space<hbm>> -> memref<1x1x32x80xi32, #tpu.memory_space<hbm>>
    %dma_wait3A_119 = tpu.memref_squeeze %dma_wait3A_118 : memref<1x1x32x80xi32, #tpu.memory_space<hbm>> -> memref<32x80xi32, #tpu.memory_space<hbm>>
    %dma_wait3A_120 = arith.constant 0 : i32
    %dma_wait3A_121 = arith.constant 0 : i32
    %dma_wait3A_122 = tpu.memref_slice %arg7[%dma_wait3A_120, %dma_wait3A_121] : memref<32x80xi32, #tpu.memory_space<vmem>> -> memref<32x80xi32, #tpu.memory_space<vmem>>
    %dma_wait3A_123 = arith.constant 32 : i32
    %dma_wait3A_124 = arith.constant 0 : i32
    %dma_wait3A_125 = tpu.memref_slice %arg2[%dma_wait3A_112, %add3A, %dma_wait3A_123, %dma_wait3A_124] : memref<2x32x125x80xi32, #tpu.memory_space<hbm>> -> memref<1x1x32x80xi32, #tpu.memory_space<hbm>>
    %dma_wait3A_126 = tpu.memref_squeeze %dma_wait3A_125 : memref<1x1x32x80xi32, #tpu.memory_space<hbm>> -> memref<32x80xi32, #tpu.memory_space<hbm>>
    tpu.wait_dma2 semaphore(%arg19 : memref<!tpu.dma_semaphore, #tpu.memory_space<semaphore_mem>>) src(%dma_wait3A_126 : memref<32x80xi32, #tpu.memory_space<hbm>>) dst(%dma_wait3A_122 : memref<32x80xi32, #tpu.memory_space<vmem>>)
    %dma_wait3A_127 = arith.constant 1 : i32
    %dma_wait3A_128 = arith.constant 0 : i32
    %dma_wait3A_129 = arith.constant 0 : i32
    %dma_wait3A_130 = tpu.memref_slice %arg8[%dma_wait3A_128, %dma_wait3A_129] : memref<32x80xi32, #tpu.memory_space<vmem>> -> memref<32x80xi32, #tpu.memory_space<vmem>>
    %dma_wait3A_131 = arith.constant 32 : i32
    %dma_wait3A_132 = arith.constant 0 : i32
    %dma_wait3A_133 = tpu.memref_slice %arg2[%dma_wait3A_127, %add3A, %dma_wait3A_131, %dma_wait3A_132] : memref<2x32x125x80xi32, #tpu.memory_space<hbm>> -> memref<1x1x32x80xi32, #tpu.memory_space<hbm>>
    %dma_wait3A_134 = tpu.memref_squeeze %dma_wait3A_133 : memref<1x1x32x80xi32, #tpu.memory_space<hbm>> -> memref<32x80xi32, #tpu.memory_space<hbm>>
    %dma_wait3A_135 = arith.constant 0 : i32
    %dma_wait3A_136 = arith.constant 0 : i32
    %dma_wait3A_137 = tpu.memref_slice %arg8[%dma_wait3A_135, %dma_wait3A_136] : memref<32x80xi32, #tpu.memory_space<vmem>> -> memref<32x80xi32, #tpu.memory_space<vmem>>
    %dma_wait3A_138 = arith.constant 32 : i32
    %dma_wait3A_139 = arith.constant 0 : i32
    %dma_wait3A_140 = tpu.memref_slice %arg2[%dma_wait3A_127, %add3A, %dma_wait3A_138, %dma_wait3A_139] : memref<2x32x125x80xi32, #tpu.memory_space<hbm>> -> memref<1x1x32x80xi32, #tpu.memory_space<hbm>>
    %dma_wait3A_141 = tpu.memref_squeeze %dma_wait3A_140 : memref<1x1x32x80xi32, #tpu.memory_space<hbm>> -> memref<32x80xi32, #tpu.memory_space<hbm>>
    tpu.wait_dma2 semaphore(%arg19 : memref<!tpu.dma_semaphore, #tpu.memory_space<semaphore_mem>>) src(%dma_wait3A_141 : memref<32x80xi32, #tpu.memory_space<hbm>>) dst(%dma_wait3A_137 : memref<32x80xi32, #tpu.memory_space<vmem>>)
    %dma_wait3A_142 = arith.constant 30 : i32
    %dma_wait3A_143 = arith.constant 0 : i32
    %dma_wait3A_144 = tpu.memref_slice %arg5[%dma_wait3A_142, %dma_wait3A_143] : memref<32x80xi32, #tpu.memory_space<vmem>> -> memref<1x80xi32, #tpu.memory_space<vmem>>
    %dma_wait3A_145 = tpu.memref_squeeze %dma_wait3A_144 : memref<1x80xi32, #tpu.memory_space<vmem>> -> memref<80xi32, #tpu.memory_space<vmem>>
    %dma_wait3A_146 = arith.constant 0 : i32
    %dma_wait3A_147 = arith.constant 0 : i32
    %dma_wait3A_148 = tpu.memref_slice %arg3[%dma_wait3A_146, %dma_wait3A_147] : memref<10000x128xf32, #tpu.memory_space<hbm>> -> memref<10000x128xf32, #tpu.memory_space<hbm>>
    tpu.wait_indirect_dma semaphore(%arg13 : memref<!tpu.dma_semaphore, #tpu.memory_space<semaphore_mem>>) src(%dma_wait3A_148 : memref<10000x128xf32, #tpu.memory_space<hbm>>) dst(%arg9 : memref<80x128xf32, #tpu.memory_space<vmem>>)
    %dma_start3A_149 = arith.constant 30 : i32
    %dma_start3A_150 = arith.constant 0 : i32
    %dma_start3A_151 = tpu.memref_slice %arg6[%dma_start3A_149, %dma_start3A_150] : memref<32x80xi32, #tpu.memory_space<vmem>> -> memref<1x80xi32, #tpu.memory_space<vmem>>
    %dma_start3A_152 = tpu.memref_squeeze %dma_start3A_151 : memref<1x80xi32, #tpu.memory_space<vmem>> -> memref<80xi32, #tpu.memory_space<vmem>>
    %dma_start3A_153 = arith.constant 0 : i32
    %dma_start3A_154 = arith.constant 0 : i32
    %dma_start3A_155 = tpu.memref_slice %arg12[%dma_start3A_153, %dma_start3A_154] : memref<10000x128xf32, #tpu.memory_space<vmem_shared>> -> memref<10000x128xf32, #tpu.memory_space<vmem_shared>>
    tpu.enqueue_indirect_dma source(%arg9 : memref<80x128xf32, #tpu.memory_space<vmem>>) target(%dma_start3A_155 : memref<10000x128xf32, #tpu.memory_space<vmem_shared>>) offsets(%dma_start3A_152 : memref<80xi32, #tpu.memory_space<vmem>>) semaphore(%arg16 : memref<!tpu.dma_semaphore, #tpu.memory_space<semaphore_mem>>) {add = true}
    %dma_wait3A_156 = arith.constant 0 : i32
    %dma_wait3A_157 = arith.constant 0 : i32
    %dma_wait3A_158 = tpu.memref_slice %arg6[%dma_wait3A_156, %dma_wait3A_157] : memref<32x80xi32, #tpu.memory_space<vmem>> -> memref<1x80xi32, #tpu.memory_space<vmem>>
    %dma_wait3A_159 = tpu.memref_squeeze %dma_wait3A_158 : memref<1x80xi32, #tpu.memory_space<vmem>> -> memref<80xi32, #tpu.memory_space<vmem>>
    %dma_wait3A_160 = arith.constant 0 : i32
    %dma_wait3A_161 = arith.constant 0 : i32
    %dma_wait3A_162 = tpu.memref_slice %arg12[%dma_wait3A_160, %dma_wait3A_161] : memref<10000x128xf32, #tpu.memory_space<vmem_shared>> -> memref<10000x128xf32, #tpu.memory_space<vmem_shared>>
    tpu.wait_indirect_dma semaphore(%arg18 : memref<!tpu.dma_semaphore, #tpu.memory_space<semaphore_mem>>) src(%arg11 : memref<80x128xf32, #tpu.memory_space<vmem>>) dst(%dma_wait3A_162 : memref<10000x128xf32, #tpu.memory_space<vmem_shared>>)
    %dma_start3A_163 = arith.constant 0 : i32
    %dma_start3A_164 = arith.constant 0 : i32
    %dma_start3A_165 = tpu.memref_slice %arg7[%dma_start3A_163, %dma_start3A_164] : memref<32x80xi32, #tpu.memory_space<vmem>> -> memref<1x80xi32, #tpu.memory_space<vmem>>
    %dma_start3A_166 = tpu.memref_squeeze %dma_start3A_165 : memref<1x80xi32, #tpu.memory_space<vmem>> -> memref<80xi32, #tpu.memory_space<vmem>>
    %dma_start3A_167 = arith.constant 0 : i32
    %dma_start3A_168 = arith.constant 0 : i32
    %dma_start3A_169 = tpu.memref_slice %arg3[%dma_start3A_167, %dma_start3A_168] : memref<10000x128xf32, #tpu.memory_space<hbm>> -> memref<10000x128xf32, #tpu.memory_space<hbm>>
    tpu.enqueue_indirect_dma source(%dma_start3A_169 : memref<10000x128xf32, #tpu.memory_space<hbm>>) target(%arg11 : memref<80x128xf32, #tpu.memory_space<vmem>>) offsets(%dma_start3A_166 : memref<80xi32, #tpu.memory_space<vmem>>) semaphore(%arg15 : memref<!tpu.dma_semaphore, #tpu.memory_space<semaphore_mem>>)
    %dma_wait3A_170 = arith.constant 31 : i32
    %dma_wait3A_171 = arith.constant 0 : i32
    %dma_wait3A_172 = tpu.memref_slice %arg5[%dma_wait3A_170, %dma_wait3A_171] : memref<32x80xi32, #tpu.memory_space<vmem>> -> memref<1x80xi32, #tpu.memory_space<vmem>>
    %dma_wait3A_173 = tpu.memref_squeeze %dma_wait3A_172 : memref<1x80xi32, #tpu.memory_space<vmem>> -> memref<80xi32, #tpu.memory_space<vmem>>
    %dma_wait3A_174 = arith.constant 0 : i32
    %dma_wait3A_175 = arith.constant 0 : i32
    %dma_wait3A_176 = tpu.memref_slice %arg3[%dma_wait3A_174, %dma_wait3A_175] : memref<10000x128xf32, #tpu.memory_space<hbm>> -> memref<10000x128xf32, #tpu.memory_space<hbm>>
    tpu.wait_indirect_dma semaphore(%arg14 : memref<!tpu.dma_semaphore, #tpu.memory_space<semaphore_mem>>) src(%dma_wait3A_176 : memref<10000x128xf32, #tpu.memory_space<hbm>>) dst(%arg10 : memref<80x128xf32, #tpu.memory_space<vmem>>)
    %dma_start3A_177 = arith.constant 31 : i32
    %dma_start3A_178 = arith.constant 0 : i32
    %dma_start3A_179 = tpu.memref_slice %arg6[%dma_start3A_177, %dma_start3A_178] : memref<32x80xi32, #tpu.memory_space<vmem>> -> memref<1x80xi32, #tpu.memory_space<vmem>>
    %dma_start3A_180 = tpu.memref_squeeze %dma_start3A_179 : memref<1x80xi32, #tpu.memory_space<vmem>> -> memref<80xi32, #tpu.memory_space<vmem>>
    %dma_start3A_181 = arith.constant 0 : i32
    %dma_start3A_182 = arith.constant 0 : i32
    %dma_start3A_183 = tpu.memref_slice %arg12[%dma_start3A_181, %dma_start3A_182] : memref<10000x128xf32, #tpu.memory_space<vmem_shared>> -> memref<10000x128xf32, #tpu.memory_space<vmem_shared>>
    tpu.enqueue_indirect_dma source(%arg10 : memref<80x128xf32, #tpu.memory_space<vmem>>) target(%dma_start3A_183 : memref<10000x128xf32, #tpu.memory_space<vmem_shared>>) offsets(%dma_start3A_180 : memref<80xi32, #tpu.memory_space<vmem>>) semaphore(%arg17 : memref<!tpu.dma_semaphore, #tpu.memory_space<semaphore_mem>>) {add = true}
    %dma_wait3A_184 = arith.constant 0 : i32
    %dma_wait3A_185 = arith.constant 0 : i32
    %dma_wait3A_186 = tpu.memref_slice %arg6[%dma_wait3A_184, %dma_wait3A_185] : memref<32x80xi32, #tpu.memory_space<vmem>> -> memref<1x80xi32, #tpu.memory_space<vmem>>
    %dma_wait3A_187 = tpu.memref_squeeze %dma_wait3A_186 : memref<1x80xi32, #tpu.memory_space<vmem>> -> memref<80xi32, #tpu.memory_space<vmem>>
    %dma_wait3A_188 = arith.constant 0 : i32
    %dma_wait3A_189 = arith.constant 0 : i32
    %dma_wait3A_190 = tpu.memref_slice %arg12[%dma_wait3A_188, %dma_wait3A_189] : memref<10000x128xf32, #tpu.memory_space<vmem_shared>> -> memref<10000x128xf32, #tpu.memory_space<vmem_shared>>
    tpu.wait_indirect_dma semaphore(%arg16 : memref<!tpu.dma_semaphore, #tpu.memory_space<semaphore_mem>>) src(%arg9 : memref<80x128xf32, #tpu.memory_space<vmem>>) dst(%dma_wait3A_190 : memref<10000x128xf32, #tpu.memory_space<vmem_shared>>)
    %dma_start3A_191 = arith.constant 1 : i32
    %dma_start3A_192 = arith.constant 0 : i32
    %dma_start3A_193 = tpu.memref_slice %arg7[%dma_start3A_191, %dma_start3A_192] : memref<32x80xi32, #tpu.memory_space<vmem>> -> memref<1x80xi32, #tpu.memory_space<vmem>>
    %dma_start3A_194 = tpu.memref_squeeze %dma_start3A_193 : memref<1x80xi32, #tpu.memory_space<vmem>> -> memref<80xi32, #tpu.memory_space<vmem>>
    %dma_start3A_195 = arith.constant 0 : i32
    %dma_start3A_196 = arith.constant 0 : i32
    %dma_start3A_197 = tpu.memref_slice %arg3[%dma_start3A_195, %dma_start3A_196] : memref<10000x128xf32, #tpu.memory_space<hbm>> -> memref<10000x128xf32, #tpu.memory_space<hbm>>
    tpu.enqueue_indirect_dma source(%dma_start3A_197 : memref<10000x128xf32, #tpu.memory_space<hbm>>) target(%arg9 : memref<80x128xf32, #tpu.memory_space<vmem>>) offsets(%dma_start3A_194 : memref<80xi32, #tpu.memory_space<vmem>>) semaphore(%arg13 : memref<!tpu.dma_semaphore, #tpu.memory_space<semaphore_mem>>)
    %dma_wait3A_198 = arith.constant 0 : i32
    %dma_wait3A_199 = arith.constant 0 : i32
    %dma_wait3A_200 = tpu.memref_slice %arg7[%dma_wait3A_198, %dma_wait3A_199] : memref<32x80xi32, #tpu.memory_space<vmem>> -> memref<1x80xi32, #tpu.memory_space<vmem>>
    %dma_wait3A_201 = tpu.memref_squeeze %dma_wait3A_200 : memref<1x80xi32, #tpu.memory_space<vmem>> -> memref<80xi32, #tpu.memory_space<vmem>>
    %dma_wait3A_202 = arith.constant 0 : i32
    %dma_wait3A_203 = arith.constant 0 : i32
    %dma_wait3A_204 = tpu.memref_slice %arg3[%dma_wait3A_202, %dma_wait3A_203] : memref<10000x128xf32, #tpu.memory_space<hbm>> -> memref<10000x128xf32, #tpu.memory_space<hbm>>
    tpu.wait_indirect_dma semaphore(%arg15 : memref<!tpu.dma_semaphore, #tpu.memory_space<semaphore_mem>>) src(%dma_wait3A_204 : memref<10000x128xf32, #tpu.memory_space<hbm>>) dst(%arg11 : memref<80x128xf32, #tpu.memory_space<vmem>>)
    %dma_start3A_205 = arith.constant 0 : i32
    %dma_start3A_206 = arith.constant 0 : i32
    %dma_start3A_207 = tpu.memref_slice %arg8[%dma_start3A_205, %dma_start3A_206] : memref<32x80xi32, #tpu.memory_space<vmem>> -> memref<1x80xi32, #tpu.memory_space<vmem>>
    %dma_start3A_208 = tpu.memref_squeeze %dma_start3A_207 : memref<1x80xi32, #tpu.memory_space<vmem>> -> memref<80xi32, #tpu.memory_space<vmem>>
    %dma_start3A_209 = arith.constant 0 : i32
    %dma_start3A_210 = arith.constant 0 : i32
    %dma_start3A_211 = tpu.memref_slice %arg12[%dma_start3A_209, %dma_start3A_210] : memref<10000x128xf32, #tpu.memory_space<vmem_shared>> -> memref<10000x128xf32, #tpu.memory_space<vmem_shared>>
    tpu.enqueue_indirect_dma source(%arg11 : memref<80x128xf32, #tpu.memory_space<vmem>>) target(%dma_start3A_211 : memref<10000x128xf32, #tpu.memory_space<vmem_shared>>) offsets(%dma_start3A_208 : memref<80xi32, #tpu.memory_space<vmem>>) semaphore(%arg18 : memref<!tpu.dma_semaphore, #tpu.memory_space<semaphore_mem>>) {add = true}
    %dma_wait3A_212 = arith.constant 0 : i32
    %dma_wait3A_213 = arith.constant 0 : i32
    %dma_wait3A_214 = tpu.memref_slice %arg8[%dma_wait3A_212, %dma_wait3A_213] : memref<32x80xi32, #tpu.memory_space<vmem>> -> memref<1x80xi32, #tpu.memory_space<vmem>>
    %dma_wait3A_215 = tpu.memref_squeeze %dma_wait3A_214 : memref<1x80xi32, #tpu.memory_space<vmem>> -> memref<80xi32, #tpu.memory_space<vmem>>
    %dma_wait3A_216 = arith.constant 0 : i32
    %dma_wait3A_217 = arith.constant 0 : i32
    %dma_wait3A_218 = tpu.memref_slice %arg12[%dma_wait3A_216, %dma_wait3A_217] : memref<10000x128xf32, #tpu.memory_space<vmem_shared>> -> memref<10000x128xf32, #tpu.memory_space<vmem_shared>>
    tpu.wait_indirect_dma semaphore(%arg17 : memref<!tpu.dma_semaphore, #tpu.memory_space<semaphore_mem>>) src(%arg10 : memref<80x128xf32, #tpu.memory_space<vmem>>) dst(%dma_wait3A_218 : memref<10000x128xf32, #tpu.memory_space<vmem_shared>>)
    %dma_start3A_219 = arith.constant 2 : i32
    %dma_start3A_220 = arith.constant 0 : i32
    %dma_start3A_221 = tpu.memref_slice %arg7[%dma_start3A_219, %dma_start3A_220] : memref<32x80xi32, #tpu.memory_space<vmem>> -> memref<1x80xi32, #tpu.memory_space<vmem>>
    %dma_start3A_222 = tpu.memref_squeeze %dma_start3A_221 : memref<1x80xi32, #tpu.memory_space<vmem>> -> memref<80xi32, #tpu.memory_space<vmem>>
    %dma_start3A_223 = arith.constant 0 : i32
    %dma_start3A_224 = arith.constant 0 : i32
    %dma_start3A_225 = tpu.memref_slice %arg3[%dma_start3A_223, %dma_start3A_224] : memref<10000x128xf32, #tpu.memory_space<hbm>> -> memref<10000x128xf32, #tpu.memory_space<hbm>>
    tpu.enqueue_indirect_dma source(%dma_start3A_225 : memref<10000x128xf32, #tpu.memory_space<hbm>>) target(%arg10 : memref<80x128xf32, #tpu.memory_space<vmem>>) offsets(%dma_start3A_222 : memref<80xi32, #tpu.memory_space<vmem>>) semaphore(%arg14 : memref<!tpu.dma_semaphore, #tpu.memory_space<semaphore_mem>>)
    %dma_wait3A_226 = arith.constant 1 : i32
    %dma_wait3A_227 = arith.constant 0 : i32
    %dma_wait3A_228 = tpu.memref_slice %arg7[%dma_wait3A_226, %dma_wait3A_227] : memref<32x80xi32, #tpu.memory_space<vmem>> -> memref<1x80xi32, #tpu.memory_space<vmem>>
    %dma_wait3A_229 = tpu.memref_squeeze %dma_wait3A_228 : memref<1x80xi32, #tpu.memory_space<vmem>> -> memref<80xi32, #tpu.memory_space<vmem>>
    %dma_wait3A_230 = arith.constant 0 : i32
    %dma_wait3A_231 = arith.constant 0 : i32
    %dma_wait3A_232 = tpu.memref_slice %arg3[%dma_wait3A_230, %dma_wait3A_231] : memref<10000x128xf32, #tpu.memory_space<hbm>> -> memref<10000x128xf32, #tpu.memory_space<hbm>>
    tpu.wait_indirect_dma semaphore(%arg13 : memref<!tpu.dma_semaphore, #tpu.memory_space<semaphore_mem>>) src(%dma_wait3A_232 : memref<10000x128xf32, #tpu.memory_space<hbm>>) dst(%arg9 : memref<80x128xf32, #tpu.memory_space<vmem>>)
    %dma_start3A_233 = arith.constant 1 : i32
    %dma_start3A_234 = arith.constant 0 : i32
    %dma_start3A_235 = tpu.memref_slice %arg8[%dma_start3A_233, %dma_start3A_234] : memref<32x80xi32, #tpu.memory_space<vmem>> -> memref<1x80xi32, #tpu.memory_space<vmem>>
    %dma_start3A_236 = tpu.memref_squeeze %dma_start3A_235 : memref<1x80xi32, #tpu.memory_space<vmem>> -> memref<80xi32, #tpu.memory_space<vmem>>
    %dma_start3A_237 = arith.constant 0 : i32
    %dma_start3A_238 = arith.constant 0 : i32
    %dma_start3A_239 = tpu.memref_slice %arg12[%dma_start3A_237, %dma_start3A_238] : memref<10000x128xf32, #tpu.memory_space<vmem_shared>> -> memref<10000x128xf32, #tpu.memory_space<vmem_shared>>
    tpu.enqueue_indirect_dma source(%arg9 : memref<80x128xf32, #tpu.memory_space<vmem>>) target(%dma_start3A_239 : memref<10000x128xf32, #tpu.memory_space<vmem_shared>>) offsets(%dma_start3A_236 : memref<80xi32, #tpu.memory_space<vmem>>) semaphore(%arg16 : memref<!tpu.dma_semaphore, #tpu.memory_space<semaphore_mem>>) {add = true}
    %dma_wait3A_240 = arith.constant 0 : i32
    %dma_wait3A_241 = arith.constant 0 : i32
    %dma_wait3A_242 = tpu.memref_slice %arg8[%dma_wait3A_240, %dma_wait3A_241] : memref<32x80xi32, #tpu.memory_space<vmem>> -> memref<1x80xi32, #tpu.memory_space<vmem>>
    %dma_wait3A_243 = tpu.memref_squeeze %dma_wait3A_242 : memref<1x80xi32, #tpu.memory_space<vmem>> -> memref<80xi32, #tpu.memory_space<vmem>>
    %dma_wait3A_244 = arith.constant 0 : i32
    %dma_wait3A_245 = arith.constant 0 : i32
    %dma_wait3A_246 = tpu.memref_slice %arg12[%dma_wait3A_244, %dma_wait3A_245] : memref<10000x128xf32, #tpu.memory_space<vmem_shared>> -> memref<10000x128xf32, #tpu.memory_space<vmem_shared>>
    tpu.wait_indirect_dma semaphore(%arg18 : memref<!tpu.dma_semaphore, #tpu.memory_space<semaphore_mem>>) src(%arg11 : memref<80x128xf32, #tpu.memory_space<vmem>>) dst(%dma_wait3A_246 : memref<10000x128xf32, #tpu.memory_space<vmem_shared>>)
    %dma_start3A_247 = arith.constant 3 : i32
    %dma_start3A_248 = arith.constant 0 : i32
    %dma_start3A_249 = tpu.memref_slice %arg7[%dma_start3A_247, %dma_start3A_248] : memref<32x80xi32, #tpu.memory_space<vmem>> -> memref<1x80xi32, #tpu.memory_space<vmem>>
    %dma_start3A_250 = tpu.memref_squeeze %dma_start3A_249 : memref<1x80xi32, #tpu.memory_space<vmem>> -> memref<80xi32, #tpu.memory_space<vmem>>
    %dma_start3A_251 = arith.constant 0 : i32
    %dma_start3A_252 = arith.constant 0 : i32
    %dma_start3A_253 = tpu.memref_slice %arg3[%dma_start3A_251, %dma_start3A_252] : memref<10000x128xf32, #tpu.memory_space<hbm>> -> memref<10000x128xf32, #tpu.memory_space<hbm>>
    tpu.enqueue_indirect_dma source(%dma_start3A_253 : memref<10000x128xf32, #tpu.memory_space<hbm>>) target(%arg11 : memref<80x128xf32, #tpu.memory_space<vmem>>) offsets(%dma_start3A_250 : memref<80xi32, #tpu.memory_space<vmem>>) semaphore(%arg15 : memref<!tpu.dma_semaphore, #tpu.memory_space<semaphore_mem>>)
    %dma_start3A_254 = arith.constant 0 : i32
    %dma_start3A_255 = arith.constant 0 : i32
    %dma_start3A_256 = arith.constant 0 : i32
    %dma_start3A_257 = tpu.memref_slice %arg5[%dma_start3A_255, %dma_start3A_256] : memref<32x80xi32, #tpu.memory_space<vmem>> -> memref<32x80xi32, #tpu.memory_space<vmem>>
    %dma_start3A_258 = arith.constant 64 : i32
    %dma_start3A_259 = arith.constant 0 : i32
    %dma_start3A_260 = tpu.memref_slice %arg2[%dma_start3A_254, %add3A, %dma_start3A_258, %dma_start3A_259] : memref<2x32x125x80xi32, #tpu.memory_space<hbm>> -> memref<1x1x32x80xi32, #tpu.memory_space<hbm>>
    %dma_start3A_261 = tpu.memref_squeeze %dma_start3A_260 : memref<1x1x32x80xi32, #tpu.memory_space<hbm>> -> memref<32x80xi32, #tpu.memory_space<hbm>>
    %dma_start3A_262 = arith.constant 0 : i32
    %dma_start3A_263 = arith.constant 0 : i32
    %dma_start3A_264 = tpu.memref_slice %arg5[%dma_start3A_262, %dma_start3A_263] : memref<32x80xi32, #tpu.memory_space<vmem>> -> memref<32x80xi32, #tpu.memory_space<vmem>>
    %dma_start3A_265 = arith.constant 64 : i32
    %dma_start3A_266 = arith.constant 0 : i32
    %dma_start3A_267 = tpu.memref_slice %arg2[%dma_start3A_254, %add3A, %dma_start3A_265, %dma_start3A_266] : memref<2x32x125x80xi32, #tpu.memory_space<hbm>> -> memref<1x1x32x80xi32, #tpu.memory_space<hbm>>
    %dma_start3A_268 = tpu.memref_squeeze %dma_start3A_267 : memref<1x1x32x80xi32, #tpu.memory_space<hbm>> -> memref<32x80xi32, #tpu.memory_space<hbm>>
    tpu.enqueue_dma source(%dma_start3A_268 : memref<32x80xi32, #tpu.memory_space<hbm>>) target(%dma_start3A_264 : memref<32x80xi32, #tpu.memory_space<vmem>>) target_semaphore(%arg19 : memref<!tpu.dma_semaphore, #tpu.memory_space<semaphore_mem>>)
    %dma_start3A_269 = arith.constant 1 : i32
    %dma_start3A_270 = arith.constant 0 : i32
    %dma_start3A_271 = arith.constant 0 : i32
    %dma_start3A_272 = tpu.memref_slice %arg6[%dma_start3A_270, %dma_start3A_271] : memref<32x80xi32, #tpu.memory_space<vmem>> -> memref<32x80xi32, #tpu.memory_space<vmem>>
    %dma_start3A_273 = arith.constant 64 : i32
    %dma_start3A_274 = arith.constant 0 : i32
    %dma_start3A_275 = tpu.memref_slice %arg2[%dma_start3A_269, %add3A, %dma_start3A_273, %dma_start3A_274] : memref<2x32x125x80xi32, #tpu.memory_space<hbm>> -> memref<1x1x32x80xi32, #tpu.memory_space<hbm>>
    %dma_start3A_276 = tpu.memref_squeeze %dma_start3A_275 : memref<1x1x32x80xi32, #tpu.memory_space<hbm>> -> memref<32x80xi32, #tpu.memory_space<hbm>>
    %dma_start3A_277 = arith.constant 0 : i32
    %dma_start3A_278 = arith.constant 0 : i32
    %dma_start3A_279 = tpu.memref_slice %arg6[%dma_start3A_277, %dma_start3A_278] : memref<32x80xi32, #tpu.memory_space<vmem>> -> memref<32x80xi32, #tpu.memory_space<vmem>>
    %dma_start3A_280 = arith.constant 64 : i32
    %dma_start3A_281 = arith.constant 0 : i32
    %dma_start3A_282 = tpu.memref_slice %arg2[%dma_start3A_269, %add3A, %dma_start3A_280, %dma_start3A_281] : memref<2x32x125x80xi32, #tpu.memory_space<hbm>> -> memref<1x1x32x80xi32, #tpu.memory_space<hbm>>
    %dma_start3A_283 = tpu.memref_squeeze %dma_start3A_282 : memref<1x1x32x80xi32, #tpu.memory_space<hbm>> -> memref<32x80xi32, #tpu.memory_space<hbm>>
    tpu.enqueue_dma source(%dma_start3A_283 : memref<32x80xi32, #tpu.memory_space<hbm>>) target(%dma_start3A_279 : memref<32x80xi32, #tpu.memory_space<vmem>>) target_semaphore(%arg19 : memref<!tpu.dma_semaphore, #tpu.memory_space<semaphore_mem>>)
    %scan3A_284 = arith.constant 0 : i32
    %scan3A_285 = arith.constant 2 : i32
    %scan3A_286 = arith.constant 28 : i32
    %scan3A_287 = arith.addi %scan3A_285, %scan3A_286 : i32
    %scan3A_288 = arith.constant 1 : i32
    scf.for %scan3A_676 = %scan3A_285 to %scan3A_287 step %scan3A_288  : i32 {
      %add3A_677 = arith.constant 2 : i32
      %add3A_678 = arith.addi %scan3A_676, %add3A_677 : i32
      %rem3A = arith.constant 3 : i32
      %rem3A_679 = arith.remsi %add3A_678, %rem3A : i32
      %eq3A_680 = arith.constant 0 : i32
      %eq3A_681 = arith.cmpi eq, %rem3A_679, %eq3A_680 : i32
      %convert_element_type3A_682 = arith.extui %eq3A_681 : i1 to i32
      %cond3A_683 = arith.constant 0 : i32
      %cond3A_684 = arith.cmpi ne, %convert_element_type3A_682, %cond3A_683 : i32
      scf.if %cond3A_684 {
        %dma_wait3A_703 = arith.constant 0 : i32
        %dma_wait3A_704 = tpu.memref_slice %arg7[%scan3A_676, %dma_wait3A_703] : memref<32x80xi32, #tpu.memory_space<vmem>> -> memref<1x80xi32, #tpu.memory_space<vmem>>
        %dma_wait3A_705 = tpu.memref_squeeze %dma_wait3A_704 : memref<1x80xi32, #tpu.memory_space<vmem>> -> memref<80xi32, #tpu.memory_space<vmem>>
        %dma_wait3A_706 = arith.constant 0 : i32
        %dma_wait3A_707 = arith.constant 0 : i32
        %dma_wait3A_708 = tpu.memref_slice %arg3[%dma_wait3A_706, %dma_wait3A_707] : memref<10000x128xf32, #tpu.memory_space<hbm>> -> memref<10000x128xf32, #tpu.memory_space<hbm>>
        tpu.wait_indirect_dma semaphore(%arg13 : memref<!tpu.dma_semaphore, #tpu.memory_space<semaphore_mem>>) src(%dma_wait3A_708 : memref<10000x128xf32, #tpu.memory_space<hbm>>) dst(%arg9 : memref<80x128xf32, #tpu.memory_space<vmem>>)
        %dma_start3A_709 = arith.constant 0 : i32
        %dma_start3A_710 = tpu.memref_slice %arg8[%scan3A_676, %dma_start3A_709] : memref<32x80xi32, #tpu.memory_space<vmem>> -> memref<1x80xi32, #tpu.memory_space<vmem>>
        %dma_start3A_711 = tpu.memref_squeeze %dma_start3A_710 : memref<1x80xi32, #tpu.memory_space<vmem>> -> memref<80xi32, #tpu.memory_space<vmem>>
        %dma_start3A_712 = arith.constant 0 : i32
        %dma_start3A_713 = arith.constant 0 : i32
        %dma_start3A_714 = tpu.memref_slice %arg12[%dma_start3A_712, %dma_start3A_713] : memref<10000x128xf32, #tpu.memory_space<vmem_shared>> -> memref<10000x128xf32, #tpu.memory_space<vmem_shared>>
        tpu.enqueue_indirect_dma source(%arg9 : memref<80x128xf32, #tpu.memory_space<vmem>>) target(%dma_start3A_714 : memref<10000x128xf32, #tpu.memory_space<vmem_shared>>) offsets(%dma_start3A_711 : memref<80xi32, #tpu.memory_space<vmem>>) semaphore(%arg16 : memref<!tpu.dma_semaphore, #tpu.memory_space<semaphore_mem>>) {add = true}
        %dma_wait3A_715 = arith.constant 0 : i32
        %dma_wait3A_716 = tpu.memref_slice %arg8[%scan3A_676, %dma_wait3A_715] : memref<32x80xi32, #tpu.memory_space<vmem>> -> memref<1x80xi32, #tpu.memory_space<vmem>>
        %dma_wait3A_717 = tpu.memref_squeeze %dma_wait3A_716 : memref<1x80xi32, #tpu.memory_space<vmem>> -> memref<80xi32, #tpu.memory_space<vmem>>
        %dma_wait3A_718 = arith.constant 0 : i32
        %dma_wait3A_719 = arith.constant 0 : i32
        %dma_wait3A_720 = tpu.memref_slice %arg12[%dma_wait3A_718, %dma_wait3A_719] : memref<10000x128xf32, #tpu.memory_space<vmem_shared>> -> memref<10000x128xf32, #tpu.memory_space<vmem_shared>>
        tpu.wait_indirect_dma semaphore(%arg18 : memref<!tpu.dma_semaphore, #tpu.memory_space<semaphore_mem>>) src(%arg11 : memref<80x128xf32, #tpu.memory_space<vmem>>) dst(%dma_wait3A_720 : memref<10000x128xf32, #tpu.memory_space<vmem_shared>>)
        %add3A_721 = arith.constant 2 : i32
        %add3A_722 = arith.addi %scan3A_676, %add3A_721 : i32
        %dma_start3A_723 = arith.constant 0 : i32
        %dma_start3A_724 = tpu.memref_slice %arg7[%add3A_722, %dma_start3A_723] : memref<32x80xi32, #tpu.memory_space<vmem>> -> memref<1x80xi32, #tpu.memory_space<vmem>>
        %dma_start3A_725 = tpu.memref_squeeze %dma_start3A_724 : memref<1x80xi32, #tpu.memory_space<vmem>> -> memref<80xi32, #tpu.memory_space<vmem>>
        %dma_start3A_726 = arith.constant 0 : i32
        %dma_start3A_727 = arith.constant 0 : i32
        %dma_start3A_728 = tpu.memref_slice %arg3[%dma_start3A_726, %dma_start3A_727] : memref<10000x128xf32, #tpu.memory_space<hbm>> -> memref<10000x128xf32, #tpu.memory_space<hbm>>
        tpu.enqueue_indirect_dma source(%dma_start3A_728 : memref<10000x128xf32, #tpu.memory_space<hbm>>) target(%arg11 : memref<80x128xf32, #tpu.memory_space<vmem>>) offsets(%dma_start3A_725 : memref<80xi32, #tpu.memory_space<vmem>>) semaphore(%arg15 : memref<!tpu.dma_semaphore, #tpu.memory_space<semaphore_mem>>)
      } else {
      }
      %add3A_685 = arith.constant 2 : i32
      %add3A_686 = arith.addi %scan3A_676, %add3A_685 : i32
      %rem3A_687 = arith.constant 3 : i32
      %rem3A_688 = arith.remsi %add3A_686, %rem3A_687 : i32
      %eq3A_689 = arith.constant 1 : i32
      %eq3A_690 = arith.cmpi eq, %rem3A_688, %eq3A_689 : i32
      %convert_element_type3A_691 = arith.extui %eq3A_690 : i1 to i32
      %cond3A_692 = arith.constant 0 : i32
      %cond3A_693 = arith.cmpi ne, %convert_element_type3A_691, %cond3A_692 : i32
      scf.if %cond3A_693 {
        %dma_wait3A_703 = arith.constant 0 : i32
        %dma_wait3A_704 = tpu.memref_slice %arg7[%scan3A_676, %dma_wait3A_703] : memref<32x80xi32, #tpu.memory_space<vmem>> -> memref<1x80xi32, #tpu.memory_space<vmem>>
        %dma_wait3A_705 = tpu.memref_squeeze %dma_wait3A_704 : memref<1x80xi32, #tpu.memory_space<vmem>> -> memref<80xi32, #tpu.memory_space<vmem>>
        %dma_wait3A_706 = arith.constant 0 : i32
        %dma_wait3A_707 = arith.constant 0 : i32
        %dma_wait3A_708 = tpu.memref_slice %arg3[%dma_wait3A_706, %dma_wait3A_707] : memref<10000x128xf32, #tpu.memory_space<hbm>> -> memref<10000x128xf32, #tpu.memory_space<hbm>>
        tpu.wait_indirect_dma semaphore(%arg14 : memref<!tpu.dma_semaphore, #tpu.memory_space<semaphore_mem>>) src(%dma_wait3A_708 : memref<10000x128xf32, #tpu.memory_space<hbm>>) dst(%arg10 : memref<80x128xf32, #tpu.memory_space<vmem>>)
        %dma_start3A_709 = arith.constant 0 : i32
        %dma_start3A_710 = tpu.memref_slice %arg8[%scan3A_676, %dma_start3A_709] : memref<32x80xi32, #tpu.memory_space<vmem>> -> memref<1x80xi32, #tpu.memory_space<vmem>>
        %dma_start3A_711 = tpu.memref_squeeze %dma_start3A_710 : memref<1x80xi32, #tpu.memory_space<vmem>> -> memref<80xi32, #tpu.memory_space<vmem>>
        %dma_start3A_712 = arith.constant 0 : i32
        %dma_start3A_713 = arith.constant 0 : i32
        %dma_start3A_714 = tpu.memref_slice %arg12[%dma_start3A_712, %dma_start3A_713] : memref<10000x128xf32, #tpu.memory_space<vmem_shared>> -> memref<10000x128xf32, #tpu.memory_space<vmem_shared>>
        tpu.enqueue_indirect_dma source(%arg10 : memref<80x128xf32, #tpu.memory_space<vmem>>) target(%dma_start3A_714 : memref<10000x128xf32, #tpu.memory_space<vmem_shared>>) offsets(%dma_start3A_711 : memref<80xi32, #tpu.memory_space<vmem>>) semaphore(%arg17 : memref<!tpu.dma_semaphore, #tpu.memory_space<semaphore_mem>>) {add = true}
        %dma_wait3A_715 = arith.constant 0 : i32
        %dma_wait3A_716 = tpu.memref_slice %arg8[%scan3A_676, %dma_wait3A_715] : memref<32x80xi32, #tpu.memory_space<vmem>> -> memref<1x80xi32, #tpu.memory_space<vmem>>
        %dma_wait3A_717 = tpu.memref_squeeze %dma_wait3A_716 : memref<1x80xi32, #tpu.memory_space<vmem>> -> memref<80xi32, #tpu.memory_space<vmem>>
        %dma_wait3A_718 = arith.constant 0 : i32
        %dma_wait3A_719 = arith.constant 0 : i32
        %dma_wait3A_720 = tpu.memref_slice %arg12[%dma_wait3A_718, %dma_wait3A_719] : memref<10000x128xf32, #tpu.memory_space<vmem_shared>> -> memref<10000x128xf32, #tpu.memory_space<vmem_shared>>
        tpu.wait_indirect_dma semaphore(%arg16 : memref<!tpu.dma_semaphore, #tpu.memory_space<semaphore_mem>>) src(%arg9 : memref<80x128xf32, #tpu.memory_space<vmem>>) dst(%dma_wait3A_720 : memref<10000x128xf32, #tpu.memory_space<vmem_shared>>)
        %add3A_721 = arith.constant 2 : i32
        %add3A_722 = arith.addi %scan3A_676, %add3A_721 : i32
        %dma_start3A_723 = arith.constant 0 : i32
        %dma_start3A_724 = tpu.memref_slice %arg7[%add3A_722, %dma_start3A_723] : memref<32x80xi32, #tpu.memory_space<vmem>> -> memref<1x80xi32, #tpu.memory_space<vmem>>
        %dma_start3A_725 = tpu.memref_squeeze %dma_start3A_724 : memref<1x80xi32, #tpu.memory_space<vmem>> -> memref<80xi32, #tpu.memory_space<vmem>>
        %dma_start3A_726 = arith.constant 0 : i32
        %dma_start3A_727 = arith.constant 0 : i32
        %dma_start3A_728 = tpu.memref_slice %arg3[%dma_start3A_726, %dma_start3A_727] : memref<10000x128xf32, #tpu.memory_space<hbm>> -> memref<10000x128xf32, #tpu.memory_space<hbm>>
        tpu.enqueue_indirect_dma source(%dma_start3A_728 : memref<10000x128xf32, #tpu.memory_space<hbm>>) target(%arg9 : memref<80x128xf32, #tpu.memory_space<vmem>>) offsets(%dma_start3A_725 : memref<80xi32, #tpu.memory_space<vmem>>) semaphore(%arg13 : memref<!tpu.dma_semaphore, #tpu.memory_space<semaphore_mem>>)
      } else {
      }
      %add3A_694 = arith.constant 2 : i32
      %add3A_695 = arith.addi %scan3A_676, %add3A_694 : i32
      %rem3A_696 = arith.constant 3 : i32
      %rem3A_697 = arith.remsi %add3A_695, %rem3A_696 : i32
      %eq3A_698 = arith.constant 2 : i32
      %eq3A_699 = arith.cmpi eq, %rem3A_697, %eq3A_698 : i32
      %convert_element_type3A_700 = arith.extui %eq3A_699 : i1 to i32
      %cond3A_701 = arith.constant 0 : i32
      %cond3A_702 = arith.cmpi ne, %convert_element_type3A_700, %cond3A_701 : i32
      scf.if %cond3A_702 {
        %dma_wait3A_703 = arith.constant 0 : i32
        %dma_wait3A_704 = tpu.memref_slice %arg7[%scan3A_676, %dma_wait3A_703] : memref<32x80xi32, #tpu.memory_space<vmem>> -> memref<1x80xi32, #tpu.memory_space<vmem>>
        %dma_wait3A_705 = tpu.memref_squeeze %dma_wait3A_704 : memref<1x80xi32, #tpu.memory_space<vmem>> -> memref<80xi32, #tpu.memory_space<vmem>>
        %dma_wait3A_706 = arith.constant 0 : i32
        %dma_wait3A_707 = arith.constant 0 : i32
        %dma_wait3A_708 = tpu.memref_slice %arg3[%dma_wait3A_706, %dma_wait3A_707] : memref<10000x128xf32, #tpu.memory_space<hbm>> -> memref<10000x128xf32, #tpu.memory_space<hbm>>
        tpu.wait_indirect_dma semaphore(%arg15 : memref<!tpu.dma_semaphore, #tpu.memory_space<semaphore_mem>>) src(%dma_wait3A_708 : memref<10000x128xf32, #tpu.memory_space<hbm>>) dst(%arg11 : memref<80x128xf32, #tpu.memory_space<vmem>>)
        %dma_start3A_709 = arith.constant 0 : i32
        %dma_start3A_710 = tpu.memref_slice %arg8[%scan3A_676, %dma_start3A_709] : memref<32x80xi32, #tpu.memory_space<vmem>> -> memref<1x80xi32, #tpu.memory_space<vmem>>
        %dma_start3A_711 = tpu.memref_squeeze %dma_start3A_710 : memref<1x80xi32, #tpu.memory_space<vmem>> -> memref<80xi32, #tpu.memory_space<vmem>>
        %dma_start3A_712 = arith.constant 0 : i32
        %dma_start3A_713 = arith.constant 0 : i32
        %dma_start3A_714 = tpu.memref_slice %arg12[%dma_start3A_712, %dma_start3A_713] : memref<10000x128xf32, #tpu.memory_space<vmem_shared>> -> memref<10000x128xf32, #tpu.memory_space<vmem_shared>>
        tpu.enqueue_indirect_dma source(%arg11 : memref<80x128xf32, #tpu.memory_space<vmem>>) target(%dma_start3A_714 : memref<10000x128xf32, #tpu.memory_space<vmem_shared>>) offsets(%dma_start3A_711 : memref<80xi32, #tpu.memory_space<vmem>>) semaphore(%arg18 : memref<!tpu.dma_semaphore, #tpu.memory_space<semaphore_mem>>) {add = true}
        %dma_wait3A_715 = arith.constant 0 : i32
        %dma_wait3A_716 = tpu.memref_slice %arg8[%scan3A_676, %dma_wait3A_715] : memref<32x80xi32, #tpu.memory_space<vmem>> -> memref<1x80xi32, #tpu.memory_space<vmem>>
        %dma_wait3A_717 = tpu.memref_squeeze %dma_wait3A_716 : memref<1x80xi32, #tpu.memory_space<vmem>> -> memref<80xi32, #tpu.memory_space<vmem>>
        %dma_wait3A_718 = arith.constant 0 : i32
        %dma_wait3A_719 = arith.constant 0 : i32
        %dma_wait3A_720 = tpu.memref_slice %arg12[%dma_wait3A_718, %dma_wait3A_719] : memref<10000x128xf32, #tpu.memory_space<vmem_shared>> -> memref<10000x128xf32, #tpu.memory_space<vmem_shared>>
        tpu.wait_indirect_dma semaphore(%arg17 : memref<!tpu.dma_semaphore, #tpu.memory_space<semaphore_mem>>) src(%arg10 : memref<80x128xf32, #tpu.memory_space<vmem>>) dst(%dma_wait3A_720 : memref<10000x128xf32, #tpu.memory_space<vmem_shared>>)
        %add3A_721 = arith.constant 2 : i32
        %add3A_722 = arith.addi %scan3A_676, %add3A_721 : i32
        %dma_start3A_723 = arith.constant 0 : i32
        %dma_start3A_724 = tpu.memref_slice %arg7[%add3A_722, %dma_start3A_723] : memref<32x80xi32, #tpu.memory_space<vmem>> -> memref<1x80xi32, #tpu.memory_space<vmem>>
        %dma_start3A_725 = tpu.memref_squeeze %dma_start3A_724 : memref<1x80xi32, #tpu.memory_space<vmem>> -> memref<80xi32, #tpu.memory_space<vmem>>
        %dma_start3A_726 = arith.constant 0 : i32
        %dma_start3A_727 = arith.constant 0 : i32
        %dma_start3A_728 = tpu.memref_slice %arg3[%dma_start3A_726, %dma_start3A_727] : memref<10000x128xf32, #tpu.memory_space<hbm>> -> memref<10000x128xf32, #tpu.memory_space<hbm>>
        tpu.enqueue_indirect_dma source(%dma_start3A_728 : memref<10000x128xf32, #tpu.memory_space<hbm>>) target(%arg10 : memref<80x128xf32, #tpu.memory_space<vmem>>) offsets(%dma_start3A_725 : memref<80xi32, #tpu.memory_space<vmem>>) semaphore(%arg14 : memref<!tpu.dma_semaphore, #tpu.memory_space<semaphore_mem>>)
      } else {
      }
    }
    %scan3A_289 = arith.constant 28 : i32
    %dma_wait3A_290 = arith.constant 0 : i32
    %dma_wait3A_291 = arith.constant 0 : i32
    %dma_wait3A_292 = arith.constant 0 : i32
    %dma_wait3A_293 = tpu.memref_slice %arg5[%dma_wait3A_291, %dma_wait3A_292] : memref<32x80xi32, #tpu.memory_space<vmem>> -> memref<32x80xi32, #tpu.memory_space<vmem>>
    %dma_wait3A_294 = arith.constant 64 : i32
    %dma_wait3A_295 = arith.constant 0 : i32
    %dma_wait3A_296 = tpu.memref_slice %arg2[%dma_wait3A_290, %add3A, %dma_wait3A_294, %dma_wait3A_295] : memref<2x32x125x80xi32, #tpu.memory_space<hbm>> -> memref<1x1x32x80xi32, #tpu.memory_space<hbm>>
    %dma_wait3A_297 = tpu.memref_squeeze %dma_wait3A_296 : memref<1x1x32x80xi32, #tpu.memory_space<hbm>> -> memref<32x80xi32, #tpu.memory_space<hbm>>
    %dma_wait3A_298 = arith.constant 0 : i32
    %dma_wait3A_299 = arith.constant 0 : i32
    %dma_wait3A_300 = tpu.memref_slice %arg5[%dma_wait3A_298, %dma_wait3A_299] : memref<32x80xi32, #tpu.memory_space<vmem>> -> memref<32x80xi32, #tpu.memory_space<vmem>>
    %dma_wait3A_301 = arith.constant 64 : i32
    %dma_wait3A_302 = arith.constant 0 : i32
    %dma_wait3A_303 = tpu.memref_slice %arg2[%dma_wait3A_290, %add3A, %dma_wait3A_301, %dma_wait3A_302] : memref<2x32x125x80xi32, #tpu.memory_space<hbm>> -> memref<1x1x32x80xi32, #tpu.memory_space<hbm>>
    %dma_wait3A_304 = tpu.memref_squeeze %dma_wait3A_303 : memref<1x1x32x80xi32, #tpu.memory_space<hbm>> -> memref<32x80xi32, #tpu.memory_space<hbm>>
    tpu.wait_dma2 semaphore(%arg19 : memref<!tpu.dma_semaphore, #tpu.memory_space<semaphore_mem>>) src(%dma_wait3A_304 : memref<32x80xi32, #tpu.memory_space<hbm>>) dst(%dma_wait3A_300 : memref<32x80xi32, #tpu.memory_space<vmem>>)
    %dma_wait3A_305 = arith.constant 1 : i32
    %dma_wait3A_306 = arith.constant 0 : i32
    %dma_wait3A_307 = arith.constant 0 : i32
    %dma_wait3A_308 = tpu.memref_slice %arg6[%dma_wait3A_306, %dma_wait3A_307] : memref<32x80xi32, #tpu.memory_space<vmem>> -> memref<32x80xi32, #tpu.memory_space<vmem>>
    %dma_wait3A_309 = arith.constant 64 : i32
    %dma_wait3A_310 = arith.constant 0 : i32
    %dma_wait3A_311 = tpu.memref_slice %arg2[%dma_wait3A_305, %add3A, %dma_wait3A_309, %dma_wait3A_310] : memref<2x32x125x80xi32, #tpu.memory_space<hbm>> -> memref<1x1x32x80xi32, #tpu.memory_space<hbm>>
    %dma_wait3A_312 = tpu.memref_squeeze %dma_wait3A_311 : memref<1x1x32x80xi32, #tpu.memory_space<hbm>> -> memref<32x80xi32, #tpu.memory_space<hbm>>
    %dma_wait3A_313 = arith.constant 0 : i32
    %dma_wait3A_314 = arith.constant 0 : i32
    %dma_wait3A_315 = tpu.memref_slice %arg6[%dma_wait3A_313, %dma_wait3A_314] : memref<32x80xi32, #tpu.memory_space<vmem>> -> memref<32x80xi32, #tpu.memory_space<vmem>>
    %dma_wait3A_316 = arith.constant 64 : i32
    %dma_wait3A_317 = arith.constant 0 : i32
    %dma_wait3A_318 = tpu.memref_slice %arg2[%dma_wait3A_305, %add3A, %dma_wait3A_316, %dma_wait3A_317] : memref<2x32x125x80xi32, #tpu.memory_space<hbm>> -> memref<1x1x32x80xi32, #tpu.memory_space<hbm>>
    %dma_wait3A_319 = tpu.memref_squeeze %dma_wait3A_318 : memref<1x1x32x80xi32, #tpu.memory_space<hbm>> -> memref<32x80xi32, #tpu.memory_space<hbm>>
    tpu.wait_dma2 semaphore(%arg19 : memref<!tpu.dma_semaphore, #tpu.memory_space<semaphore_mem>>) src(%dma_wait3A_319 : memref<32x80xi32, #tpu.memory_space<hbm>>) dst(%dma_wait3A_315 : memref<32x80xi32, #tpu.memory_space<vmem>>)
    %dma_wait3A_320 = arith.constant 30 : i32
    %dma_wait3A_321 = arith.constant 0 : i32
    %dma_wait3A_322 = tpu.memref_slice %arg7[%dma_wait3A_320, %dma_wait3A_321] : memref<32x80xi32, #tpu.memory_space<vmem>> -> memref<1x80xi32, #tpu.memory_space<vmem>>
    %dma_wait3A_323 = tpu.memref_squeeze %dma_wait3A_322 : memref<1x80xi32, #tpu.memory_space<vmem>> -> memref<80xi32, #tpu.memory_space<vmem>>
    %dma_wait3A_324 = arith.constant 0 : i32
    %dma_wait3A_325 = arith.constant 0 : i32
    %dma_wait3A_326 = tpu.memref_slice %arg3[%dma_wait3A_324, %dma_wait3A_325] : memref<10000x128xf32, #tpu.memory_space<hbm>> -> memref<10000x128xf32, #tpu.memory_space<hbm>>
    tpu.wait_indirect_dma semaphore(%arg15 : memref<!tpu.dma_semaphore, #tpu.memory_space<semaphore_mem>>) src(%dma_wait3A_326 : memref<10000x128xf32, #tpu.memory_space<hbm>>) dst(%arg11 : memref<80x128xf32, #tpu.memory_space<vmem>>)
    %dma_start3A_327 = arith.constant 30 : i32
    %dma_start3A_328 = arith.constant 0 : i32
    %dma_start3A_329 = tpu.memref_slice %arg8[%dma_start3A_327, %dma_start3A_328] : memref<32x80xi32, #tpu.memory_space<vmem>> -> memref<1x80xi32, #tpu.memory_space<vmem>>
    %dma_start3A_330 = tpu.memref_squeeze %dma_start3A_329 : memref<1x80xi32, #tpu.memory_space<vmem>> -> memref<80xi32, #tpu.memory_space<vmem>>
    %dma_start3A_331 = arith.constant 0 : i32
    %dma_start3A_332 = arith.constant 0 : i32
    %dma_start3A_333 = tpu.memref_slice %arg12[%dma_start3A_331, %dma_start3A_332] : memref<10000x128xf32, #tpu.memory_space<vmem_shared>> -> memref<10000x128xf32, #tpu.memory_space<vmem_shared>>
    tpu.enqueue_indirect_dma source(%arg11 : memref<80x128xf32, #tpu.memory_space<vmem>>) target(%dma_start3A_333 : memref<10000x128xf32, #tpu.memory_space<vmem_shared>>) offsets(%dma_start3A_330 : memref<80xi32, #tpu.memory_space<vmem>>) semaphore(%arg18 : memref<!tpu.dma_semaphore, #tpu.memory_space<semaphore_mem>>) {add = true}
    %dma_wait3A_334 = arith.constant 0 : i32
    %dma_wait3A_335 = arith.constant 0 : i32
    %dma_wait3A_336 = tpu.memref_slice %arg8[%dma_wait3A_334, %dma_wait3A_335] : memref<32x80xi32, #tpu.memory_space<vmem>> -> memref<1x80xi32, #tpu.memory_space<vmem>>
    %dma_wait3A_337 = tpu.memref_squeeze %dma_wait3A_336 : memref<1x80xi32, #tpu.memory_space<vmem>> -> memref<80xi32, #tpu.memory_space<vmem>>
    %dma_wait3A_338 = arith.constant 0 : i32
    %dma_wait3A_339 = arith.constant 0 : i32
    %dma_wait3A_340 = tpu.memref_slice %arg12[%dma_wait3A_338, %dma_wait3A_339] : memref<10000x128xf32, #tpu.memory_space<vmem_shared>> -> memref<10000x128xf32, #tpu.memory_space<vmem_shared>>
    tpu.wait_indirect_dma semaphore(%arg17 : memref<!tpu.dma_semaphore, #tpu.memory_space<semaphore_mem>>) src(%arg10 : memref<80x128xf32, #tpu.memory_space<vmem>>) dst(%dma_wait3A_340 : memref<10000x128xf32, #tpu.memory_space<vmem_shared>>)
    %dma_start3A_341 = arith.constant 0 : i32
    %dma_start3A_342 = arith.constant 0 : i32
    %dma_start3A_343 = tpu.memref_slice %arg5[%dma_start3A_341, %dma_start3A_342] : memref<32x80xi32, #tpu.memory_space<vmem>> -> memref<1x80xi32, #tpu.memory_space<vmem>>
    %dma_start3A_344 = tpu.memref_squeeze %dma_start3A_343 : memref<1x80xi32, #tpu.memory_space<vmem>> -> memref<80xi32, #tpu.memory_space<vmem>>
    %dma_start3A_345 = arith.constant 0 : i32
    %dma_start3A_346 = arith.constant 0 : i32
    %dma_start3A_347 = tpu.memref_slice %arg3[%dma_start3A_345, %dma_start3A_346] : memref<10000x128xf32, #tpu.memory_space<hbm>> -> memref<10000x128xf32, #tpu.memory_space<hbm>>
    tpu.enqueue_indirect_dma source(%dma_start3A_347 : memref<10000x128xf32, #tpu.memory_space<hbm>>) target(%arg10 : memref<80x128xf32, #tpu.memory_space<vmem>>) offsets(%dma_start3A_344 : memref<80xi32, #tpu.memory_space<vmem>>) semaphore(%arg14 : memref<!tpu.dma_semaphore, #tpu.memory_space<semaphore_mem>>)
    %dma_wait3A_348 = arith.constant 31 : i32
    %dma_wait3A_349 = arith.constant 0 : i32
    %dma_wait3A_350 = tpu.memref_slice %arg7[%dma_wait3A_348, %dma_wait3A_349] : memref<32x80xi32, #tpu.memory_space<vmem>> -> memref<1x80xi32, #tpu.memory_space<vmem>>
    %dma_wait3A_351 = tpu.memref_squeeze %dma_wait3A_350 : memref<1x80xi32, #tpu.memory_space<vmem>> -> memref<80xi32, #tpu.memory_space<vmem>>
    %dma_wait3A_352 = arith.constant 0 : i32
    %dma_wait3A_353 = arith.constant 0 : i32
    %dma_wait3A_354 = tpu.memref_slice %arg3[%dma_wait3A_352, %dma_wait3A_353] : memref<10000x128xf32, #tpu.memory_space<hbm>> -> memref<10000x128xf32, #tpu.memory_space<hbm>>
    tpu.wait_indirect_dma semaphore(%arg13 : memref<!tpu.dma_semaphore, #tpu.memory_space<semaphore_mem>>) src(%dma_wait3A_354 : memref<10000x128xf32, #tpu.memory_space<hbm>>) dst(%arg9 : memref<80x128xf32, #tpu.memory_space<vmem>>)
    %dma_start3A_355 = arith.constant 31 : i32
    %dma_start3A_356 = arith.constant 0 : i32
    %dma_start3A_357 = tpu.memref_slice %arg8[%dma_start3A_355, %dma_start3A_356] : memref<32x80xi32, #tpu.memory_space<vmem>> -> memref<1x80xi32, #tpu.memory_space<vmem>>
    %dma_start3A_358 = tpu.memref_squeeze %dma_start3A_357 : memref<1x80xi32, #tpu.memory_space<vmem>> -> memref<80xi32, #tpu.memory_space<vmem>>
    %dma_start3A_359 = arith.constant 0 : i32
    %dma_start3A_360 = arith.constant 0 : i32
    %dma_start3A_361 = tpu.memref_slice %arg12[%dma_start3A_359, %dma_start3A_360] : memref<10000x128xf32, #tpu.memory_space<vmem_shared>> -> memref<10000x128xf32, #tpu.memory_space<vmem_shared>>
    tpu.enqueue_indirect_dma source(%arg9 : memref<80x128xf32, #tpu.memory_space<vmem>>) target(%dma_start3A_361 : memref<10000x128xf32, #tpu.memory_space<vmem_shared>>) offsets(%dma_start3A_358 : memref<80xi32, #tpu.memory_space<vmem>>) semaphore(%arg16 : memref<!tpu.dma_semaphore, #tpu.memory_space<semaphore_mem>>) {add = true}
    %dma_wait3A_362 = arith.constant 0 : i32
    %dma_wait3A_363 = arith.constant 0 : i32
    %dma_wait3A_364 = tpu.memref_slice %arg8[%dma_wait3A_362, %dma_wait3A_363] : memref<32x80xi32, #tpu.memory_space<vmem>> -> memref<1x80xi32, #tpu.memory_space<vmem>>
    %dma_wait3A_365 = tpu.memref_squeeze %dma_wait3A_364 : memref<1x80xi32, #tpu.memory_space<vmem>> -> memref<80xi32, #tpu.memory_space<vmem>>
    %dma_wait3A_366 = arith.constant 0 : i32
    %dma_wait3A_367 = arith.constant 0 : i32
    %dma_wait3A_368 = tpu.memref_slice %arg12[%dma_wait3A_366, %dma_wait3A_367] : memref<10000x128xf32, #tpu.memory_space<vmem_shared>> -> memref<10000x128xf32, #tpu.memory_space<vmem_shared>>
    tpu.wait_indirect_dma semaphore(%arg18 : memref<!tpu.dma_semaphore, #tpu.memory_space<semaphore_mem>>) src(%arg11 : memref<80x128xf32, #tpu.memory_space<vmem>>) dst(%dma_wait3A_368 : memref<10000x128xf32, #tpu.memory_space<vmem_shared>>)
    %dma_start3A_369 = arith.constant 1 : i32
    %dma_start3A_370 = arith.constant 0 : i32
    %dma_start3A_371 = tpu.memref_slice %arg5[%dma_start3A_369, %dma_start3A_370] : memref<32x80xi32, #tpu.memory_space<vmem>> -> memref<1x80xi32, #tpu.memory_space<vmem>>
    %dma_start3A_372 = tpu.memref_squeeze %dma_start3A_371 : memref<1x80xi32, #tpu.memory_space<vmem>> -> memref<80xi32, #tpu.memory_space<vmem>>
    %dma_start3A_373 = arith.constant 0 : i32
    %dma_start3A_374 = arith.constant 0 : i32
    %dma_start3A_375 = tpu.memref_slice %arg3[%dma_start3A_373, %dma_start3A_374] : memref<10000x128xf32, #tpu.memory_space<hbm>> -> memref<10000x128xf32, #tpu.memory_space<hbm>>
    tpu.enqueue_indirect_dma source(%dma_start3A_375 : memref<10000x128xf32, #tpu.memory_space<hbm>>) target(%arg11 : memref<80x128xf32, #tpu.memory_space<vmem>>) offsets(%dma_start3A_372 : memref<80xi32, #tpu.memory_space<vmem>>) semaphore(%arg15 : memref<!tpu.dma_semaphore, #tpu.memory_space<semaphore_mem>>)
    %dma_wait3A_376 = arith.constant 0 : i32
    %dma_wait3A_377 = arith.constant 0 : i32
    %dma_wait3A_378 = tpu.memref_slice %arg5[%dma_wait3A_376, %dma_wait3A_377] : memref<32x80xi32, #tpu.memory_space<vmem>> -> memref<1x80xi32, #tpu.memory_space<vmem>>
    %dma_wait3A_379 = tpu.memref_squeeze %dma_wait3A_378 : memref<1x80xi32, #tpu.memory_space<vmem>> -> memref<80xi32, #tpu.memory_space<vmem>>
    %dma_wait3A_380 = arith.constant 0 : i32
    %dma_wait3A_381 = arith.constant 0 : i32
    %dma_wait3A_382 = tpu.memref_slice %arg3[%dma_wait3A_380, %dma_wait3A_381] : memref<10000x128xf32, #tpu.memory_space<hbm>> -> memref<10000x128xf32, #tpu.memory_space<hbm>>
    tpu.wait_indirect_dma semaphore(%arg14 : memref<!tpu.dma_semaphore, #tpu.memory_space<semaphore_mem>>) src(%dma_wait3A_382 : memref<10000x128xf32, #tpu.memory_space<hbm>>) dst(%arg10 : memref<80x128xf32, #tpu.memory_space<vmem>>)
    %dma_start3A_383 = arith.constant 0 : i32
    %dma_start3A_384 = arith.constant 0 : i32
    %dma_start3A_385 = tpu.memref_slice %arg6[%dma_start3A_383, %dma_start3A_384] : memref<32x80xi32, #tpu.memory_space<vmem>> -> memref<1x80xi32, #tpu.memory_space<vmem>>
    %dma_start3A_386 = tpu.memref_squeeze %dma_start3A_385 : memref<1x80xi32, #tpu.memory_space<vmem>> -> memref<80xi32, #tpu.memory_space<vmem>>
    %dma_start3A_387 = arith.constant 0 : i32
    %dma_start3A_388 = arith.constant 0 : i32
    %dma_start3A_389 = tpu.memref_slice %arg12[%dma_start3A_387, %dma_start3A_388] : memref<10000x128xf32, #tpu.memory_space<vmem_shared>> -> memref<10000x128xf32, #tpu.memory_space<vmem_shared>>
    tpu.enqueue_indirect_dma source(%arg10 : memref<80x128xf32, #tpu.memory_space<vmem>>) target(%dma_start3A_389 : memref<10000x128xf32, #tpu.memory_space<vmem_shared>>) offsets(%dma_start3A_386 : memref<80xi32, #tpu.memory_space<vmem>>) semaphore(%arg17 : memref<!tpu.dma_semaphore, #tpu.memory_space<semaphore_mem>>) {add = true}
    %dma_wait3A_390 = arith.constant 0 : i32
    %dma_wait3A_391 = arith.constant 0 : i32
    %dma_wait3A_392 = tpu.memref_slice %arg6[%dma_wait3A_390, %dma_wait3A_391] : memref<32x80xi32, #tpu.memory_space<vmem>> -> memref<1x80xi32, #tpu.memory_space<vmem>>
    %dma_wait3A_393 = tpu.memref_squeeze %dma_wait3A_392 : memref<1x80xi32, #tpu.memory_space<vmem>> -> memref<80xi32, #tpu.memory_space<vmem>>
    %dma_wait3A_394 = arith.constant 0 : i32
    %dma_wait3A_395 = arith.constant 0 : i32
    %dma_wait3A_396 = tpu.memref_slice %arg12[%dma_wait3A_394, %dma_wait3A_395] : memref<10000x128xf32, #tpu.memory_space<vmem_shared>> -> memref<10000x128xf32, #tpu.memory_space<vmem_shared>>
    tpu.wait_indirect_dma semaphore(%arg16 : memref<!tpu.dma_semaphore, #tpu.memory_space<semaphore_mem>>) src(%arg9 : memref<80x128xf32, #tpu.memory_space<vmem>>) dst(%dma_wait3A_396 : memref<10000x128xf32, #tpu.memory_space<vmem_shared>>)
    %dma_start3A_397 = arith.constant 2 : i32
    %dma_start3A_398 = arith.constant 0 : i32
    %dma_start3A_399 = tpu.memref_slice %arg5[%dma_start3A_397, %dma_start3A_398] : memref<32x80xi32, #tpu.memory_space<vmem>> -> memref<1x80xi32, #tpu.memory_space<vmem>>
    %dma_start3A_400 = tpu.memref_squeeze %dma_start3A_399 : memref<1x80xi32, #tpu.memory_space<vmem>> -> memref<80xi32, #tpu.memory_space<vmem>>
    %dma_start3A_401 = arith.constant 0 : i32
    %dma_start3A_402 = arith.constant 0 : i32
    %dma_start3A_403 = tpu.memref_slice %arg3[%dma_start3A_401, %dma_start3A_402] : memref<10000x128xf32, #tpu.memory_space<hbm>> -> memref<10000x128xf32, #tpu.memory_space<hbm>>
    tpu.enqueue_indirect_dma source(%dma_start3A_403 : memref<10000x128xf32, #tpu.memory_space<hbm>>) target(%arg9 : memref<80x128xf32, #tpu.memory_space<vmem>>) offsets(%dma_start3A_400 : memref<80xi32, #tpu.memory_space<vmem>>) semaphore(%arg13 : memref<!tpu.dma_semaphore, #tpu.memory_space<semaphore_mem>>)
    %dma_wait3A_404 = arith.constant 1 : i32
    %dma_wait3A_405 = arith.constant 0 : i32
    %dma_wait3A_406 = tpu.memref_slice %arg5[%dma_wait3A_404, %dma_wait3A_405] : memref<32x80xi32, #tpu.memory_space<vmem>> -> memref<1x80xi32, #tpu.memory_space<vmem>>
    %dma_wait3A_407 = tpu.memref_squeeze %dma_wait3A_406 : memref<1x80xi32, #tpu.memory_space<vmem>> -> memref<80xi32, #tpu.memory_space<vmem>>
    %dma_wait3A_408 = arith.constant 0 : i32
    %dma_wait3A_409 = arith.constant 0 : i32
    %dma_wait3A_410 = tpu.memref_slice %arg3[%dma_wait3A_408, %dma_wait3A_409] : memref<10000x128xf32, #tpu.memory_space<hbm>> -> memref<10000x128xf32, #tpu.memory_space<hbm>>
    tpu.wait_indirect_dma semaphore(%arg15 : memref<!tpu.dma_semaphore, #tpu.memory_space<semaphore_mem>>) src(%dma_wait3A_410 : memref<10000x128xf32, #tpu.memory_space<hbm>>) dst(%arg11 : memref<80x128xf32, #tpu.memory_space<vmem>>)
    %dma_start3A_411 = arith.constant 1 : i32
    %dma_start3A_412 = arith.constant 0 : i32
    %dma_start3A_413 = tpu.memref_slice %arg6[%dma_start3A_411, %dma_start3A_412] : memref<32x80xi32, #tpu.memory_space<vmem>> -> memref<1x80xi32, #tpu.memory_space<vmem>>
    %dma_start3A_414 = tpu.memref_squeeze %dma_start3A_413 : memref<1x80xi32, #tpu.memory_space<vmem>> -> memref<80xi32, #tpu.memory_space<vmem>>
    %dma_start3A_415 = arith.constant 0 : i32
    %dma_start3A_416 = arith.constant 0 : i32
    %dma_start3A_417 = tpu.memref_slice %arg12[%dma_start3A_415, %dma_start3A_416] : memref<10000x128xf32, #tpu.memory_space<vmem_shared>> -> memref<10000x128xf32, #tpu.memory_space<vmem_shared>>
    tpu.enqueue_indirect_dma source(%arg11 : memref<80x128xf32, #tpu.memory_space<vmem>>) target(%dma_start3A_417 : memref<10000x128xf32, #tpu.memory_space<vmem_shared>>) offsets(%dma_start3A_414 : memref<80xi32, #tpu.memory_space<vmem>>) semaphore(%arg18 : memref<!tpu.dma_semaphore, #tpu.memory_space<semaphore_mem>>) {add = true}
    %dma_wait3A_418 = arith.constant 0 : i32
    %dma_wait3A_419 = arith.constant 0 : i32
    %dma_wait3A_420 = tpu.memref_slice %arg6[%dma_wait3A_418, %dma_wait3A_419] : memref<32x80xi32, #tpu.memory_space<vmem>> -> memref<1x80xi32, #tpu.memory_space<vmem>>
    %dma_wait3A_421 = tpu.memref_squeeze %dma_wait3A_420 : memref<1x80xi32, #tpu.memory_space<vmem>> -> memref<80xi32, #tpu.memory_space<vmem>>
    %dma_wait3A_422 = arith.constant 0 : i32
    %dma_wait3A_423 = arith.constant 0 : i32
    %dma_wait3A_424 = tpu.memref_slice %arg12[%dma_wait3A_422, %dma_wait3A_423] : memref<10000x128xf32, #tpu.memory_space<vmem_shared>> -> memref<10000x128xf32, #tpu.memory_space<vmem_shared>>
    tpu.wait_indirect_dma semaphore(%arg17 : memref<!tpu.dma_semaphore, #tpu.memory_space<semaphore_mem>>) src(%arg10 : memref<80x128xf32, #tpu.memory_space<vmem>>) dst(%dma_wait3A_424 : memref<10000x128xf32, #tpu.memory_space<vmem_shared>>)
    %dma_start3A_425 = arith.constant 3 : i32
    %dma_start3A_426 = arith.constant 0 : i32
    %dma_start3A_427 = tpu.memref_slice %arg5[%dma_start3A_425, %dma_start3A_426] : memref<32x80xi32, #tpu.memory_space<vmem>> -> memref<1x80xi32, #tpu.memory_space<vmem>>
    %dma_start3A_428 = tpu.memref_squeeze %dma_start3A_427 : memref<1x80xi32, #tpu.memory_space<vmem>> -> memref<80xi32, #tpu.memory_space<vmem>>
    %dma_start3A_429 = arith.constant 0 : i32
    %dma_start3A_430 = arith.constant 0 : i32
    %dma_start3A_431 = tpu.memref_slice %arg3[%dma_start3A_429, %dma_start3A_430] : memref<10000x128xf32, #tpu.memory_space<hbm>> -> memref<10000x128xf32, #tpu.memory_space<hbm>>
    tpu.enqueue_indirect_dma source(%dma_start3A_431 : memref<10000x128xf32, #tpu.memory_space<hbm>>) target(%arg10 : memref<80x128xf32, #tpu.memory_space<vmem>>) offsets(%dma_start3A_428 : memref<80xi32, #tpu.memory_space<vmem>>) semaphore(%arg14 : memref<!tpu.dma_semaphore, #tpu.memory_space<semaphore_mem>>)
    %dma_start3A_432 = arith.constant 0 : i32
    %dma_start3A_433 = arith.constant 0 : i32
    %dma_start3A_434 = arith.constant 0 : i32
    %dma_start3A_435 = tpu.memref_slice %arg7[%dma_start3A_433, %dma_start3A_434] : memref<32x80xi32, #tpu.memory_space<vmem>> -> memref<29x80xi32, #tpu.memory_space<vmem>>
    %dma_start3A_436 = arith.constant 96 : i32
    %dma_start3A_437 = arith.constant 0 : i32
    %dma_start3A_438 = tpu.memref_slice %arg2[%dma_start3A_432, %add3A, %dma_start3A_436, %dma_start3A_437] : memref<2x32x125x80xi32, #tpu.memory_space<hbm>> -> memref<1x1x29x80xi32, #tpu.memory_space<hbm>>
    %dma_start3A_439 = tpu.memref_squeeze %dma_start3A_438 : memref<1x1x29x80xi32, #tpu.memory_space<hbm>> -> memref<29x80xi32, #tpu.memory_space<hbm>>
    %dma_start3A_440 = arith.constant 0 : i32
    %dma_start3A_441 = arith.constant 0 : i32
    %dma_start3A_442 = tpu.memref_slice %arg7[%dma_start3A_440, %dma_start3A_441] : memref<32x80xi32, #tpu.memory_space<vmem>> -> memref<29x80xi32, #tpu.memory_space<vmem>>
    %dma_start3A_443 = arith.constant 96 : i32
    %dma_start3A_444 = arith.constant 0 : i32
    %dma_start3A_445 = tpu.memref_slice %arg2[%dma_start3A_432, %add3A, %dma_start3A_443, %dma_start3A_444] : memref<2x32x125x80xi32, #tpu.memory_space<hbm>> -> memref<1x1x29x80xi32, #tpu.memory_space<hbm>>
    %dma_start3A_446 = tpu.memref_squeeze %dma_start3A_445 : memref<1x1x29x80xi32, #tpu.memory_space<hbm>> -> memref<29x80xi32, #tpu.memory_space<hbm>>
    tpu.enqueue_dma source(%dma_start3A_446 : memref<29x80xi32, #tpu.memory_space<hbm>>) target(%dma_start3A_442 : memref<29x80xi32, #tpu.memory_space<vmem>>) target_semaphore(%arg19 : memref<!tpu.dma_semaphore, #tpu.memory_space<semaphore_mem>>)
    %dma_start3A_447 = arith.constant 1 : i32
    %dma_start3A_448 = arith.constant 0 : i32
    %dma_start3A_449 = arith.constant 0 : i32
    %dma_start3A_450 = tpu.memref_slice %arg8[%dma_start3A_448, %dma_start3A_449] : memref<32x80xi32, #tpu.memory_space<vmem>> -> memref<29x80xi32, #tpu.memory_space<vmem>>
    %dma_start3A_451 = arith.constant 96 : i32
    %dma_start3A_452 = arith.constant 0 : i32
    %dma_start3A_453 = tpu.memref_slice %arg2[%dma_start3A_447, %add3A, %dma_start3A_451, %dma_start3A_452] : memref<2x32x125x80xi32, #tpu.memory_space<hbm>> -> memref<1x1x29x80xi32, #tpu.memory_space<hbm>>
    %dma_start3A_454 = tpu.memref_squeeze %dma_start3A_453 : memref<1x1x29x80xi32, #tpu.memory_space<hbm>> -> memref<29x80xi32, #tpu.memory_space<hbm>>
    %dma_start3A_455 = arith.constant 0 : i32
    %dma_start3A_456 = arith.constant 0 : i32
    %dma_start3A_457 = tpu.memref_slice %arg8[%dma_start3A_455, %dma_start3A_456] : memref<32x80xi32, #tpu.memory_space<vmem>> -> memref<29x80xi32, #tpu.memory_space<vmem>>
    %dma_start3A_458 = arith.constant 96 : i32
    %dma_start3A_459 = arith.constant 0 : i32
    %dma_start3A_460 = tpu.memref_slice %arg2[%dma_start3A_447, %add3A, %dma_start3A_458, %dma_start3A_459] : memref<2x32x125x80xi32, #tpu.memory_space<hbm>> -> memref<1x1x29x80xi32, #tpu.memory_space<hbm>>
    %dma_start3A_461 = tpu.memref_squeeze %dma_start3A_460 : memref<1x1x29x80xi32, #tpu.memory_space<hbm>> -> memref<29x80xi32, #tpu.memory_space<hbm>>
    tpu.enqueue_dma source(%dma_start3A_461 : memref<29x80xi32, #tpu.memory_space<hbm>>) target(%dma_start3A_457 : memref<29x80xi32, #tpu.memory_space<vmem>>) target_semaphore(%arg19 : memref<!tpu.dma_semaphore, #tpu.memory_space<semaphore_mem>>)
    %scan3A_462 = arith.constant 0 : i32
    %scan3A_463 = arith.constant 2 : i32
    %scan3A_464 = arith.constant 28 : i32
    %scan3A_465 = arith.addi %scan3A_463, %scan3A_464 : i32
    %scan3A_466 = arith.constant 1 : i32
    scf.for %scan3A_676 = %scan3A_463 to %scan3A_465 step %scan3A_466  : i32 {
      %add3A_677 = arith.constant 1 : i32
      %add3A_678 = arith.addi %scan3A_676, %add3A_677 : i32
      %rem3A = arith.constant 3 : i32
      %rem3A_679 = arith.remsi %add3A_678, %rem3A : i32
      %eq3A_680 = arith.constant 0 : i32
      %eq3A_681 = arith.cmpi eq, %rem3A_679, %eq3A_680 : i32
      %convert_element_type3A_682 = arith.extui %eq3A_681 : i1 to i32
      %cond3A_683 = arith.constant 0 : i32
      %cond3A_684 = arith.cmpi ne, %convert_element_type3A_682, %cond3A_683 : i32
      scf.if %cond3A_684 {
        %dma_wait3A_703 = arith.constant 0 : i32
        %dma_wait3A_704 = tpu.memref_slice %arg5[%scan3A_676, %dma_wait3A_703] : memref<32x80xi32, #tpu.memory_space<vmem>> -> memref<1x80xi32, #tpu.memory_space<vmem>>
        %dma_wait3A_705 = tpu.memref_squeeze %dma_wait3A_704 : memref<1x80xi32, #tpu.memory_space<vmem>> -> memref<80xi32, #tpu.memory_space<vmem>>
        %dma_wait3A_706 = arith.constant 0 : i32
        %dma_wait3A_707 = arith.constant 0 : i32
        %dma_wait3A_708 = tpu.memref_slice %arg3[%dma_wait3A_706, %dma_wait3A_707] : memref<10000x128xf32, #tpu.memory_space<hbm>> -> memref<10000x128xf32, #tpu.memory_space<hbm>>
        tpu.wait_indirect_dma semaphore(%arg13 : memref<!tpu.dma_semaphore, #tpu.memory_space<semaphore_mem>>) src(%dma_wait3A_708 : memref<10000x128xf32, #tpu.memory_space<hbm>>) dst(%arg9 : memref<80x128xf32, #tpu.memory_space<vmem>>)
        %dma_start3A_709 = arith.constant 0 : i32
        %dma_start3A_710 = tpu.memref_slice %arg6[%scan3A_676, %dma_start3A_709] : memref<32x80xi32, #tpu.memory_space<vmem>> -> memref<1x80xi32, #tpu.memory_space<vmem>>
        %dma_start3A_711 = tpu.memref_squeeze %dma_start3A_710 : memref<1x80xi32, #tpu.memory_space<vmem>> -> memref<80xi32, #tpu.memory_space<vmem>>
        %dma_start3A_712 = arith.constant 0 : i32
        %dma_start3A_713 = arith.constant 0 : i32
        %dma_start3A_714 = tpu.memref_slice %arg12[%dma_start3A_712, %dma_start3A_713] : memref<10000x128xf32, #tpu.memory_space<vmem_shared>> -> memref<10000x128xf32, #tpu.memory_space<vmem_shared>>
        tpu.enqueue_indirect_dma source(%arg9 : memref<80x128xf32, #tpu.memory_space<vmem>>) target(%dma_start3A_714 : memref<10000x128xf32, #tpu.memory_space<vmem_shared>>) offsets(%dma_start3A_711 : memref<80xi32, #tpu.memory_space<vmem>>) semaphore(%arg16 : memref<!tpu.dma_semaphore, #tpu.memory_space<semaphore_mem>>) {add = true}
        %dma_wait3A_715 = arith.constant 0 : i32
        %dma_wait3A_716 = tpu.memref_slice %arg6[%scan3A_676, %dma_wait3A_715] : memref<32x80xi32, #tpu.memory_space<vmem>> -> memref<1x80xi32, #tpu.memory_space<vmem>>
        %dma_wait3A_717 = tpu.memref_squeeze %dma_wait3A_716 : memref<1x80xi32, #tpu.memory_space<vmem>> -> memref<80xi32, #tpu.memory_space<vmem>>
        %dma_wait3A_718 = arith.constant 0 : i32
        %dma_wait3A_719 = arith.constant 0 : i32
        %dma_wait3A_720 = tpu.memref_slice %arg12[%dma_wait3A_718, %dma_wait3A_719] : memref<10000x128xf32, #tpu.memory_space<vmem_shared>> -> memref<10000x128xf32, #tpu.memory_space<vmem_shared>>
        tpu.wait_indirect_dma semaphore(%arg18 : memref<!tpu.dma_semaphore, #tpu.memory_space<semaphore_mem>>) src(%arg11 : memref<80x128xf32, #tpu.memory_space<vmem>>) dst(%dma_wait3A_720 : memref<10000x128xf32, #tpu.memory_space<vmem_shared>>)
        %add3A_721 = arith.constant 2 : i32
        %add3A_722 = arith.addi %scan3A_676, %add3A_721 : i32
        %dma_start3A_723 = arith.constant 0 : i32
        %dma_start3A_724 = tpu.memref_slice %arg5[%add3A_722, %dma_start3A_723] : memref<32x80xi32, #tpu.memory_space<vmem>> -> memref<1x80xi32, #tpu.memory_space<vmem>>
        %dma_start3A_725 = tpu.memref_squeeze %dma_start3A_724 : memref<1x80xi32, #tpu.memory_space<vmem>> -> memref<80xi32, #tpu.memory_space<vmem>>
        %dma_start3A_726 = arith.constant 0 : i32
        %dma_start3A_727 = arith.constant 0 : i32
        %dma_start3A_728 = tpu.memref_slice %arg3[%dma_start3A_726, %dma_start3A_727] : memref<10000x128xf32, #tpu.memory_space<hbm>> -> memref<10000x128xf32, #tpu.memory_space<hbm>>
        tpu.enqueue_indirect_dma source(%dma_start3A_728 : memref<10000x128xf32, #tpu.memory_space<hbm>>) target(%arg11 : memref<80x128xf32, #tpu.memory_space<vmem>>) offsets(%dma_start3A_725 : memref<80xi32, #tpu.memory_space<vmem>>) semaphore(%arg15 : memref<!tpu.dma_semaphore, #tpu.memory_space<semaphore_mem>>)
      } else {
      }
      %add3A_685 = arith.constant 1 : i32
      %add3A_686 = arith.addi %scan3A_676, %add3A_685 : i32
      %rem3A_687 = arith.constant 3 : i32
      %rem3A_688 = arith.remsi %add3A_686, %rem3A_687 : i32
      %eq3A_689 = arith.constant 1 : i32
      %eq3A_690 = arith.cmpi eq, %rem3A_688, %eq3A_689 : i32
      %convert_element_type3A_691 = arith.extui %eq3A_690 : i1 to i32
      %cond3A_692 = arith.constant 0 : i32
      %cond3A_693 = arith.cmpi ne, %convert_element_type3A_691, %cond3A_692 : i32
      scf.if %cond3A_693 {
        %dma_wait3A_703 = arith.constant 0 : i32
        %dma_wait3A_704 = tpu.memref_slice %arg5[%scan3A_676, %dma_wait3A_703] : memref<32x80xi32, #tpu.memory_space<vmem>> -> memref<1x80xi32, #tpu.memory_space<vmem>>
        %dma_wait3A_705 = tpu.memref_squeeze %dma_wait3A_704 : memref<1x80xi32, #tpu.memory_space<vmem>> -> memref<80xi32, #tpu.memory_space<vmem>>
        %dma_wait3A_706 = arith.constant 0 : i32
        %dma_wait3A_707 = arith.constant 0 : i32
        %dma_wait3A_708 = tpu.memref_slice %arg3[%dma_wait3A_706, %dma_wait3A_707] : memref<10000x128xf32, #tpu.memory_space<hbm>> -> memref<10000x128xf32, #tpu.memory_space<hbm>>
        tpu.wait_indirect_dma semaphore(%arg14 : memref<!tpu.dma_semaphore, #tpu.memory_space<semaphore_mem>>) src(%dma_wait3A_708 : memref<10000x128xf32, #tpu.memory_space<hbm>>) dst(%arg10 : memref<80x128xf32, #tpu.memory_space<vmem>>)
        %dma_start3A_709 = arith.constant 0 : i32
        %dma_start3A_710 = tpu.memref_slice %arg6[%scan3A_676, %dma_start3A_709] : memref<32x80xi32, #tpu.memory_space<vmem>> -> memref<1x80xi32, #tpu.memory_space<vmem>>
        %dma_start3A_711 = tpu.memref_squeeze %dma_start3A_710 : memref<1x80xi32, #tpu.memory_space<vmem>> -> memref<80xi32, #tpu.memory_space<vmem>>
        %dma_start3A_712 = arith.constant 0 : i32
        %dma_start3A_713 = arith.constant 0 : i32
        %dma_start3A_714 = tpu.memref_slice %arg12[%dma_start3A_712, %dma_start3A_713] : memref<10000x128xf32, #tpu.memory_space<vmem_shared>> -> memref<10000x128xf32, #tpu.memory_space<vmem_shared>>
        tpu.enqueue_indirect_dma source(%arg10 : memref<80x128xf32, #tpu.memory_space<vmem>>) target(%dma_start3A_714 : memref<10000x128xf32, #tpu.memory_space<vmem_shared>>) offsets(%dma_start3A_711 : memref<80xi32, #tpu.memory_space<vmem>>) semaphore(%arg17 : memref<!tpu.dma_semaphore, #tpu.memory_space<semaphore_mem>>) {add = true}
        %dma_wait3A_715 = arith.constant 0 : i32
        %dma_wait3A_716 = tpu.memref_slice %arg6[%scan3A_676, %dma_wait3A_715] : memref<32x80xi32, #tpu.memory_space<vmem>> -> memref<1x80xi32, #tpu.memory_space<vmem>>
        %dma_wait3A_717 = tpu.memref_squeeze %dma_wait3A_716 : memref<1x80xi32, #tpu.memory_space<vmem>> -> memref<80xi32, #tpu.memory_space<vmem>>
        %dma_wait3A_718 = arith.constant 0 : i32
        %dma_wait3A_719 = arith.constant 0 : i32
        %dma_wait3A_720 = tpu.memref_slice %arg12[%dma_wait3A_718, %dma_wait3A_719] : memref<10000x128xf32, #tpu.memory_space<vmem_shared>> -> memref<10000x128xf32, #tpu.memory_space<vmem_shared>>
        tpu.wait_indirect_dma semaphore(%arg16 : memref<!tpu.dma_semaphore, #tpu.memory_space<semaphore_mem>>) src(%arg9 : memref<80x128xf32, #tpu.memory_space<vmem>>) dst(%dma_wait3A_720 : memref<10000x128xf32, #tpu.memory_space<vmem_shared>>)
        %add3A_721 = arith.constant 2 : i32
        %add3A_722 = arith.addi %scan3A_676, %add3A_721 : i32
        %dma_start3A_723 = arith.constant 0 : i32
        %dma_start3A_724 = tpu.memref_slice %arg5[%add3A_722, %dma_start3A_723] : memref<32x80xi32, #tpu.memory_space<vmem>> -> memref<1x80xi32, #tpu.memory_space<vmem>>
        %dma_start3A_725 = tpu.memref_squeeze %dma_start3A_724 : memref<1x80xi32, #tpu.memory_space<vmem>> -> memref<80xi32, #tpu.memory_space<vmem>>
        %dma_start3A_726 = arith.constant 0 : i32
        %dma_start3A_727 = arith.constant 0 : i32
        %dma_start3A_728 = tpu.memref_slice %arg3[%dma_start3A_726, %dma_start3A_727] : memref<10000x128xf32, #tpu.memory_space<hbm>> -> memref<10000x128xf32, #tpu.memory_space<hbm>>
        tpu.enqueue_indirect_dma source(%dma_start3A_728 : memref<10000x128xf32, #tpu.memory_space<hbm>>) target(%arg9 : memref<80x128xf32, #tpu.memory_space<vmem>>) offsets(%dma_start3A_725 : memref<80xi32, #tpu.memory_space<vmem>>) semaphore(%arg13 : memref<!tpu.dma_semaphore, #tpu.memory_space<semaphore_mem>>)
      } else {
      }
      %add3A_694 = arith.constant 1 : i32
      %add3A_695 = arith.addi %scan3A_676, %add3A_694 : i32
      %rem3A_696 = arith.constant 3 : i32
      %rem3A_697 = arith.remsi %add3A_695, %rem3A_696 : i32
      %eq3A_698 = arith.constant 2 : i32
      %eq3A_699 = arith.cmpi eq, %rem3A_697, %eq3A_698 : i32
      %convert_element_type3A_700 = arith.extui %eq3A_699 : i1 to i32
      %cond3A_701 = arith.constant 0 : i32
      %cond3A_702 = arith.cmpi ne, %convert_element_type3A_700, %cond3A_701 : i32
      scf.if %cond3A_702 {
        %dma_wait3A_703 = arith.constant 0 : i32
        %dma_wait3A_704 = tpu.memref_slice %arg5[%scan3A_676, %dma_wait3A_703] : memref<32x80xi32, #tpu.memory_space<vmem>> -> memref<1x80xi32, #tpu.memory_space<vmem>>
        %dma_wait3A_705 = tpu.memref_squeeze %dma_wait3A_704 : memref<1x80xi32, #tpu.memory_space<vmem>> -> memref<80xi32, #tpu.memory_space<vmem>>
        %dma_wait3A_706 = arith.constant 0 : i32
        %dma_wait3A_707 = arith.constant 0 : i32
        %dma_wait3A_708 = tpu.memref_slice %arg3[%dma_wait3A_706, %dma_wait3A_707] : memref<10000x128xf32, #tpu.memory_space<hbm>> -> memref<10000x128xf32, #tpu.memory_space<hbm>>
        tpu.wait_indirect_dma semaphore(%arg15 : memref<!tpu.dma_semaphore, #tpu.memory_space<semaphore_mem>>) src(%dma_wait3A_708 : memref<10000x128xf32, #tpu.memory_space<hbm>>) dst(%arg11 : memref<80x128xf32, #tpu.memory_space<vmem>>)
        %dma_start3A_709 = arith.constant 0 : i32
        %dma_start3A_710 = tpu.memref_slice %arg6[%scan3A_676, %dma_start3A_709] : memref<32x80xi32, #tpu.memory_space<vmem>> -> memref<1x80xi32, #tpu.memory_space<vmem>>
        %dma_start3A_711 = tpu.memref_squeeze %dma_start3A_710 : memref<1x80xi32, #tpu.memory_space<vmem>> -> memref<80xi32, #tpu.memory_space<vmem>>
        %dma_start3A_712 = arith.constant 0 : i32
        %dma_start3A_713 = arith.constant 0 : i32
        %dma_start3A_714 = tpu.memref_slice %arg12[%dma_start3A_712, %dma_start3A_713] : memref<10000x128xf32, #tpu.memory_space<vmem_shared>> -> memref<10000x128xf32, #tpu.memory_space<vmem_shared>>
        tpu.enqueue_indirect_dma source(%arg11 : memref<80x128xf32, #tpu.memory_space<vmem>>) target(%dma_start3A_714 : memref<10000x128xf32, #tpu.memory_space<vmem_shared>>) offsets(%dma_start3A_711 : memref<80xi32, #tpu.memory_space<vmem>>) semaphore(%arg18 : memref<!tpu.dma_semaphore, #tpu.memory_space<semaphore_mem>>) {add = true}
        %dma_wait3A_715 = arith.constant 0 : i32
        %dma_wait3A_716 = tpu.memref_slice %arg6[%scan3A_676, %dma_wait3A_715] : memref<32x80xi32, #tpu.memory_space<vmem>> -> memref<1x80xi32, #tpu.memory_space<vmem>>
        %dma_wait3A_717 = tpu.memref_squeeze %dma_wait3A_716 : memref<1x80xi32, #tpu.memory_space<vmem>> -> memref<80xi32, #tpu.memory_space<vmem>>
        %dma_wait3A_718 = arith.constant 0 : i32
        %dma_wait3A_719 = arith.constant 0 : i32
        %dma_wait3A_720 = tpu.memref_slice %arg12[%dma_wait3A_718, %dma_wait3A_719] : memref<10000x128xf32, #tpu.memory_space<vmem_shared>> -> memref<10000x128xf32, #tpu.memory_space<vmem_shared>>
        tpu.wait_indirect_dma semaphore(%arg17 : memref<!tpu.dma_semaphore, #tpu.memory_space<semaphore_mem>>) src(%arg10 : memref<80x128xf32, #tpu.memory_space<vmem>>) dst(%dma_wait3A_720 : memref<10000x128xf32, #tpu.memory_space<vmem_shared>>)
        %add3A_721 = arith.constant 2 : i32
        %add3A_722 = arith.addi %scan3A_676, %add3A_721 : i32
        %dma_start3A_723 = arith.constant 0 : i32
        %dma_start3A_724 = tpu.memref_slice %arg5[%add3A_722, %dma_start3A_723] : memref<32x80xi32, #tpu.memory_space<vmem>> -> memref<1x80xi32, #tpu.memory_space<vmem>>
        %dma_start3A_725 = tpu.memref_squeeze %dma_start3A_724 : memref<1x80xi32, #tpu.memory_space<vmem>> -> memref<80xi32, #tpu.memory_space<vmem>>
        %dma_start3A_726 = arith.constant 0 : i32
        %dma_start3A_727 = arith.constant 0 : i32
        %dma_start3A_728 = tpu.memref_slice %arg3[%dma_start3A_726, %dma_start3A_727] : memref<10000x128xf32, #tpu.memory_space<hbm>> -> memref<10000x128xf32, #tpu.memory_space<hbm>>
        tpu.enqueue_indirect_dma source(%dma_start3A_728 : memref<10000x128xf32, #tpu.memory_space<hbm>>) target(%arg10 : memref<80x128xf32, #tpu.memory_space<vmem>>) offsets(%dma_start3A_725 : memref<80xi32, #tpu.memory_space<vmem>>) semaphore(%arg14 : memref<!tpu.dma_semaphore, #tpu.memory_space<semaphore_mem>>)
      } else {
      }
    }
    %scan3A_467 = arith.constant 28 : i32
    %dma_wait3A_468 = arith.constant 0 : i32
    %dma_wait3A_469 = arith.constant 0 : i32
    %dma_wait3A_470 = arith.constant 0 : i32
    %dma_wait3A_471 = tpu.memref_slice %arg7[%dma_wait3A_469, %dma_wait3A_470] : memref<32x80xi32, #tpu.memory_space<vmem>> -> memref<29x80xi32, #tpu.memory_space<vmem>>
    %dma_wait3A_472 = arith.constant 96 : i32
    %dma_wait3A_473 = arith.constant 0 : i32
    %dma_wait3A_474 = tpu.memref_slice %arg2[%dma_wait3A_468, %add3A, %dma_wait3A_472, %dma_wait3A_473] : memref<2x32x125x80xi32, #tpu.memory_space<hbm>> -> memref<1x1x29x80xi32, #tpu.memory_space<hbm>>
    %dma_wait3A_475 = tpu.memref_squeeze %dma_wait3A_474 : memref<1x1x29x80xi32, #tpu.memory_space<hbm>> -> memref<29x80xi32, #tpu.memory_space<hbm>>
    %dma_wait3A_476 = arith.constant 0 : i32
    %dma_wait3A_477 = arith.constant 0 : i32
    %dma_wait3A_478 = tpu.memref_slice %arg7[%dma_wait3A_476, %dma_wait3A_477] : memref<32x80xi32, #tpu.memory_space<vmem>> -> memref<29x80xi32, #tpu.memory_space<vmem>>
    %dma_wait3A_479 = arith.constant 96 : i32
    %dma_wait3A_480 = arith.constant 0 : i32
    %dma_wait3A_481 = tpu.memref_slice %arg2[%dma_wait3A_468, %add3A, %dma_wait3A_479, %dma_wait3A_480] : memref<2x32x125x80xi32, #tpu.memory_space<hbm>> -> memref<1x1x29x80xi32, #tpu.memory_space<hbm>>
    %dma_wait3A_482 = tpu.memref_squeeze %dma_wait3A_481 : memref<1x1x29x80xi32, #tpu.memory_space<hbm>> -> memref<29x80xi32, #tpu.memory_space<hbm>>
    tpu.wait_dma2 semaphore(%arg19 : memref<!tpu.dma_semaphore, #tpu.memory_space<semaphore_mem>>) src(%dma_wait3A_482 : memref<29x80xi32, #tpu.memory_space<hbm>>) dst(%dma_wait3A_478 : memref<29x80xi32, #tpu.memory_space<vmem>>)
    %dma_wait3A_483 = arith.constant 1 : i32
    %dma_wait3A_484 = arith.constant 0 : i32
    %dma_wait3A_485 = arith.constant 0 : i32
    %dma_wait3A_486 = tpu.memref_slice %arg8[%dma_wait3A_484, %dma_wait3A_485] : memref<32x80xi32, #tpu.memory_space<vmem>> -> memref<29x80xi32, #tpu.memory_space<vmem>>
    %dma_wait3A_487 = arith.constant 96 : i32
    %dma_wait3A_488 = arith.constant 0 : i32
    %dma_wait3A_489 = tpu.memref_slice %arg2[%dma_wait3A_483, %add3A, %dma_wait3A_487, %dma_wait3A_488] : memref<2x32x125x80xi32, #tpu.memory_space<hbm>> -> memref<1x1x29x80xi32, #tpu.memory_space<hbm>>
    %dma_wait3A_490 = tpu.memref_squeeze %dma_wait3A_489 : memref<1x1x29x80xi32, #tpu.memory_space<hbm>> -> memref<29x80xi32, #tpu.memory_space<hbm>>
    %dma_wait3A_491 = arith.constant 0 : i32
    %dma_wait3A_492 = arith.constant 0 : i32
    %dma_wait3A_493 = tpu.memref_slice %arg8[%dma_wait3A_491, %dma_wait3A_492] : memref<32x80xi32, #tpu.memory_space<vmem>> -> memref<29x80xi32, #tpu.memory_space<vmem>>
    %dma_wait3A_494 = arith.constant 96 : i32
    %dma_wait3A_495 = arith.constant 0 : i32
    %dma_wait3A_496 = tpu.memref_slice %arg2[%dma_wait3A_483, %add3A, %dma_wait3A_494, %dma_wait3A_495] : memref<2x32x125x80xi32, #tpu.memory_space<hbm>> -> memref<1x1x29x80xi32, #tpu.memory_space<hbm>>
    %dma_wait3A_497 = tpu.memref_squeeze %dma_wait3A_496 : memref<1x1x29x80xi32, #tpu.memory_space<hbm>> -> memref<29x80xi32, #tpu.memory_space<hbm>>
    tpu.wait_dma2 semaphore(%arg19 : memref<!tpu.dma_semaphore, #tpu.memory_space<semaphore_mem>>) src(%dma_wait3A_497 : memref<29x80xi32, #tpu.memory_space<hbm>>) dst(%dma_wait3A_493 : memref<29x80xi32, #tpu.memory_space<vmem>>)
    %dma_wait3A_498 = arith.constant 30 : i32
    %dma_wait3A_499 = arith.constant 0 : i32
    %dma_wait3A_500 = tpu.memref_slice %arg5[%dma_wait3A_498, %dma_wait3A_499] : memref<32x80xi32, #tpu.memory_space<vmem>> -> memref<1x80xi32, #tpu.memory_space<vmem>>
    %dma_wait3A_501 = tpu.memref_squeeze %dma_wait3A_500 : memref<1x80xi32, #tpu.memory_space<vmem>> -> memref<80xi32, #tpu.memory_space<vmem>>
    %dma_wait3A_502 = arith.constant 0 : i32
    %dma_wait3A_503 = arith.constant 0 : i32
    %dma_wait3A_504 = tpu.memref_slice %arg3[%dma_wait3A_502, %dma_wait3A_503] : memref<10000x128xf32, #tpu.memory_space<hbm>> -> memref<10000x128xf32, #tpu.memory_space<hbm>>
    tpu.wait_indirect_dma semaphore(%arg14 : memref<!tpu.dma_semaphore, #tpu.memory_space<semaphore_mem>>) src(%dma_wait3A_504 : memref<10000x128xf32, #tpu.memory_space<hbm>>) dst(%arg10 : memref<80x128xf32, #tpu.memory_space<vmem>>)
    %dma_start3A_505 = arith.constant 30 : i32
    %dma_start3A_506 = arith.constant 0 : i32
    %dma_start3A_507 = tpu.memref_slice %arg6[%dma_start3A_505, %dma_start3A_506] : memref<32x80xi32, #tpu.memory_space<vmem>> -> memref<1x80xi32, #tpu.memory_space<vmem>>
    %dma_start3A_508 = tpu.memref_squeeze %dma_start3A_507 : memref<1x80xi32, #tpu.memory_space<vmem>> -> memref<80xi32, #tpu.memory_space<vmem>>
    %dma_start3A_509 = arith.constant 0 : i32
    %dma_start3A_510 = arith.constant 0 : i32
    %dma_start3A_511 = tpu.memref_slice %arg12[%dma_start3A_509, %dma_start3A_510] : memref<10000x128xf32, #tpu.memory_space<vmem_shared>> -> memref<10000x128xf32, #tpu.memory_space<vmem_shared>>
    tpu.enqueue_indirect_dma source(%arg10 : memref<80x128xf32, #tpu.memory_space<vmem>>) target(%dma_start3A_511 : memref<10000x128xf32, #tpu.memory_space<vmem_shared>>) offsets(%dma_start3A_508 : memref<80xi32, #tpu.memory_space<vmem>>) semaphore(%arg17 : memref<!tpu.dma_semaphore, #tpu.memory_space<semaphore_mem>>) {add = true}
    %dma_wait3A_512 = arith.constant 0 : i32
    %dma_wait3A_513 = arith.constant 0 : i32
    %dma_wait3A_514 = tpu.memref_slice %arg6[%dma_wait3A_512, %dma_wait3A_513] : memref<32x80xi32, #tpu.memory_space<vmem>> -> memref<1x80xi32, #tpu.memory_space<vmem>>
    %dma_wait3A_515 = tpu.memref_squeeze %dma_wait3A_514 : memref<1x80xi32, #tpu.memory_space<vmem>> -> memref<80xi32, #tpu.memory_space<vmem>>
    %dma_wait3A_516 = arith.constant 0 : i32
    %dma_wait3A_517 = arith.constant 0 : i32
    %dma_wait3A_518 = tpu.memref_slice %arg12[%dma_wait3A_516, %dma_wait3A_517] : memref<10000x128xf32, #tpu.memory_space<vmem_shared>> -> memref<10000x128xf32, #tpu.memory_space<vmem_shared>>
    tpu.wait_indirect_dma semaphore(%arg16 : memref<!tpu.dma_semaphore, #tpu.memory_space<semaphore_mem>>) src(%arg9 : memref<80x128xf32, #tpu.memory_space<vmem>>) dst(%dma_wait3A_518 : memref<10000x128xf32, #tpu.memory_space<vmem_shared>>)
    %dma_start3A_519 = arith.constant 0 : i32
    %dma_start3A_520 = arith.constant 0 : i32
    %dma_start3A_521 = tpu.memref_slice %arg7[%dma_start3A_519, %dma_start3A_520] : memref<32x80xi32, #tpu.memory_space<vmem>> -> memref<1x80xi32, #tpu.memory_space<vmem>>
    %dma_start3A_522 = tpu.memref_squeeze %dma_start3A_521 : memref<1x80xi32, #tpu.memory_space<vmem>> -> memref<80xi32, #tpu.memory_space<vmem>>
    %dma_start3A_523 = arith.constant 0 : i32
    %dma_start3A_524 = arith.constant 0 : i32
    %dma_start3A_525 = tpu.memref_slice %arg3[%dma_start3A_523, %dma_start3A_524] : memref<10000x128xf32, #tpu.memory_space<hbm>> -> memref<10000x128xf32, #tpu.memory_space<hbm>>
    tpu.enqueue_indirect_dma source(%dma_start3A_525 : memref<10000x128xf32, #tpu.memory_space<hbm>>) target(%arg9 : memref<80x128xf32, #tpu.memory_space<vmem>>) offsets(%dma_start3A_522 : memref<80xi32, #tpu.memory_space<vmem>>) semaphore(%arg13 : memref<!tpu.dma_semaphore, #tpu.memory_space<semaphore_mem>>)
    %dma_wait3A_526 = arith.constant 31 : i32
    %dma_wait3A_527 = arith.constant 0 : i32
    %dma_wait3A_528 = tpu.memref_slice %arg5[%dma_wait3A_526, %dma_wait3A_527] : memref<32x80xi32, #tpu.memory_space<vmem>> -> memref<1x80xi32, #tpu.memory_space<vmem>>
    %dma_wait3A_529 = tpu.memref_squeeze %dma_wait3A_528 : memref<1x80xi32, #tpu.memory_space<vmem>> -> memref<80xi32, #tpu.memory_space<vmem>>
    %dma_wait3A_530 = arith.constant 0 : i32
    %dma_wait3A_531 = arith.constant 0 : i32
    %dma_wait3A_532 = tpu.memref_slice %arg3[%dma_wait3A_530, %dma_wait3A_531] : memref<10000x128xf32, #tpu.memory_space<hbm>> -> memref<10000x128xf32, #tpu.memory_space<hbm>>
    tpu.wait_indirect_dma semaphore(%arg15 : memref<!tpu.dma_semaphore, #tpu.memory_space<semaphore_mem>>) src(%dma_wait3A_532 : memref<10000x128xf32, #tpu.memory_space<hbm>>) dst(%arg11 : memref<80x128xf32, #tpu.memory_space<vmem>>)
    %dma_start3A_533 = arith.constant 31 : i32
    %dma_start3A_534 = arith.constant 0 : i32
    %dma_start3A_535 = tpu.memref_slice %arg6[%dma_start3A_533, %dma_start3A_534] : memref<32x80xi32, #tpu.memory_space<vmem>> -> memref<1x80xi32, #tpu.memory_space<vmem>>
    %dma_start3A_536 = tpu.memref_squeeze %dma_start3A_535 : memref<1x80xi32, #tpu.memory_space<vmem>> -> memref<80xi32, #tpu.memory_space<vmem>>
    %dma_start3A_537 = arith.constant 0 : i32
    %dma_start3A_538 = arith.constant 0 : i32
    %dma_start3A_539 = tpu.memref_slice %arg12[%dma_start3A_537, %dma_start3A_538] : memref<10000x128xf32, #tpu.memory_space<vmem_shared>> -> memref<10000x128xf32, #tpu.memory_space<vmem_shared>>
    tpu.enqueue_indirect_dma source(%arg11 : memref<80x128xf32, #tpu.memory_space<vmem>>) target(%dma_start3A_539 : memref<10000x128xf32, #tpu.memory_space<vmem_shared>>) offsets(%dma_start3A_536 : memref<80xi32, #tpu.memory_space<vmem>>) semaphore(%arg18 : memref<!tpu.dma_semaphore, #tpu.memory_space<semaphore_mem>>) {add = true}
    %dma_wait3A_540 = arith.constant 0 : i32
    %dma_wait3A_541 = arith.constant 0 : i32
    %dma_wait3A_542 = tpu.memref_slice %arg6[%dma_wait3A_540, %dma_wait3A_541] : memref<32x80xi32, #tpu.memory_space<vmem>> -> memref<1x80xi32, #tpu.memory_space<vmem>>
    %dma_wait3A_543 = tpu.memref_squeeze %dma_wait3A_542 : memref<1x80xi32, #tpu.memory_space<vmem>> -> memref<80xi32, #tpu.memory_space<vmem>>
    %dma_wait3A_544 = arith.constant 0 : i32
    %dma_wait3A_545 = arith.constant 0 : i32
    %dma_wait3A_546 = tpu.memref_slice %arg12[%dma_wait3A_544, %dma_wait3A_545] : memref<10000x128xf32, #tpu.memory_space<vmem_shared>> -> memref<10000x128xf32, #tpu.memory_space<vmem_shared>>
    tpu.wait_indirect_dma semaphore(%arg17 : memref<!tpu.dma_semaphore, #tpu.memory_space<semaphore_mem>>) src(%arg10 : memref<80x128xf32, #tpu.memory_space<vmem>>) dst(%dma_wait3A_546 : memref<10000x128xf32, #tpu.memory_space<vmem_shared>>)
    %dma_start3A_547 = arith.constant 1 : i32
    %dma_start3A_548 = arith.constant 0 : i32
    %dma_start3A_549 = tpu.memref_slice %arg7[%dma_start3A_547, %dma_start3A_548] : memref<32x80xi32, #tpu.memory_space<vmem>> -> memref<1x80xi32, #tpu.memory_space<vmem>>
    %dma_start3A_550 = tpu.memref_squeeze %dma_start3A_549 : memref<1x80xi32, #tpu.memory_space<vmem>> -> memref<80xi32, #tpu.memory_space<vmem>>
    %dma_start3A_551 = arith.constant 0 : i32
    %dma_start3A_552 = arith.constant 0 : i32
    %dma_start3A_553 = tpu.memref_slice %arg3[%dma_start3A_551, %dma_start3A_552] : memref<10000x128xf32, #tpu.memory_space<hbm>> -> memref<10000x128xf32, #tpu.memory_space<hbm>>
    tpu.enqueue_indirect_dma source(%dma_start3A_553 : memref<10000x128xf32, #tpu.memory_space<hbm>>) target(%arg10 : memref<80x128xf32, #tpu.memory_space<vmem>>) offsets(%dma_start3A_550 : memref<80xi32, #tpu.memory_space<vmem>>) semaphore(%arg14 : memref<!tpu.dma_semaphore, #tpu.memory_space<semaphore_mem>>)
    %dma_wait3A_554 = arith.constant 0 : i32
    %dma_wait3A_555 = arith.constant 0 : i32
    %dma_wait3A_556 = tpu.memref_slice %arg7[%dma_wait3A_554, %dma_wait3A_555] : memref<32x80xi32, #tpu.memory_space<vmem>> -> memref<1x80xi32, #tpu.memory_space<vmem>>
    %dma_wait3A_557 = tpu.memref_squeeze %dma_wait3A_556 : memref<1x80xi32, #tpu.memory_space<vmem>> -> memref<80xi32, #tpu.memory_space<vmem>>
    %dma_wait3A_558 = arith.constant 0 : i32
    %dma_wait3A_559 = arith.constant 0 : i32
    %dma_wait3A_560 = tpu.memref_slice %arg3[%dma_wait3A_558, %dma_wait3A_559] : memref<10000x128xf32, #tpu.memory_space<hbm>> -> memref<10000x128xf32, #tpu.memory_space<hbm>>
    tpu.wait_indirect_dma semaphore(%arg13 : memref<!tpu.dma_semaphore, #tpu.memory_space<semaphore_mem>>) src(%dma_wait3A_560 : memref<10000x128xf32, #tpu.memory_space<hbm>>) dst(%arg9 : memref<80x128xf32, #tpu.memory_space<vmem>>)
    %dma_start3A_561 = arith.constant 0 : i32
    %dma_start3A_562 = arith.constant 0 : i32
    %dma_start3A_563 = tpu.memref_slice %arg8[%dma_start3A_561, %dma_start3A_562] : memref<32x80xi32, #tpu.memory_space<vmem>> -> memref<1x80xi32, #tpu.memory_space<vmem>>
    %dma_start3A_564 = tpu.memref_squeeze %dma_start3A_563 : memref<1x80xi32, #tpu.memory_space<vmem>> -> memref<80xi32, #tpu.memory_space<vmem>>
    %dma_start3A_565 = arith.constant 0 : i32
    %dma_start3A_566 = arith.constant 0 : i32
    %dma_start3A_567 = tpu.memref_slice %arg12[%dma_start3A_565, %dma_start3A_566] : memref<10000x128xf32, #tpu.memory_space<vmem_shared>> -> memref<10000x128xf32, #tpu.memory_space<vmem_shared>>
    tpu.enqueue_indirect_dma source(%arg9 : memref<80x128xf32, #tpu.memory_space<vmem>>) target(%dma_start3A_567 : memref<10000x128xf32, #tpu.memory_space<vmem_shared>>) offsets(%dma_start3A_564 : memref<80xi32, #tpu.memory_space<vmem>>) semaphore(%arg16 : memref<!tpu.dma_semaphore, #tpu.memory_space<semaphore_mem>>) {add = true}
    %dma_wait3A_568 = arith.constant 0 : i32
    %dma_wait3A_569 = arith.constant 0 : i32
    %dma_wait3A_570 = tpu.memref_slice %arg8[%dma_wait3A_568, %dma_wait3A_569] : memref<32x80xi32, #tpu.memory_space<vmem>> -> memref<1x80xi32, #tpu.memory_space<vmem>>
    %dma_wait3A_571 = tpu.memref_squeeze %dma_wait3A_570 : memref<1x80xi32, #tpu.memory_space<vmem>> -> memref<80xi32, #tpu.memory_space<vmem>>
    %dma_wait3A_572 = arith.constant 0 : i32
    %dma_wait3A_573 = arith.constant 0 : i32
    %dma_wait3A_574 = tpu.memref_slice %arg12[%dma_wait3A_572, %dma_wait3A_573] : memref<10000x128xf32, #tpu.memory_space<vmem_shared>> -> memref<10000x128xf32, #tpu.memory_space<vmem_shared>>
    tpu.wait_indirect_dma semaphore(%arg18 : memref<!tpu.dma_semaphore, #tpu.memory_space<semaphore_mem>>) src(%arg11 : memref<80x128xf32, #tpu.memory_space<vmem>>) dst(%dma_wait3A_574 : memref<10000x128xf32, #tpu.memory_space<vmem_shared>>)
    %dma_start3A_575 = arith.constant 2 : i32
    %dma_start3A_576 = arith.constant 0 : i32
    %dma_start3A_577 = tpu.memref_slice %arg7[%dma_start3A_575, %dma_start3A_576] : memref<32x80xi32, #tpu.memory_space<vmem>> -> memref<1x80xi32, #tpu.memory_space<vmem>>
    %dma_start3A_578 = tpu.memref_squeeze %dma_start3A_577 : memref<1x80xi32, #tpu.memory_space<vmem>> -> memref<80xi32, #tpu.memory_space<vmem>>
    %dma_start3A_579 = arith.constant 0 : i32
    %dma_start3A_580 = arith.constant 0 : i32
    %dma_start3A_581 = tpu.memref_slice %arg3[%dma_start3A_579, %dma_start3A_580] : memref<10000x128xf32, #tpu.memory_space<hbm>> -> memref<10000x128xf32, #tpu.memory_space<hbm>>
    tpu.enqueue_indirect_dma source(%dma_start3A_581 : memref<10000x128xf32, #tpu.memory_space<hbm>>) target(%arg11 : memref<80x128xf32, #tpu.memory_space<vmem>>) offsets(%dma_start3A_578 : memref<80xi32, #tpu.memory_space<vmem>>) semaphore(%arg15 : memref<!tpu.dma_semaphore, #tpu.memory_space<semaphore_mem>>)
    %dma_wait3A_582 = arith.constant 1 : i32
    %dma_wait3A_583 = arith.constant 0 : i32
    %dma_wait3A_584 = tpu.memref_slice %arg7[%dma_wait3A_582, %dma_wait3A_583] : memref<32x80xi32, #tpu.memory_space<vmem>> -> memref<1x80xi32, #tpu.memory_space<vmem>>
    %dma_wait3A_585 = tpu.memref_squeeze %dma_wait3A_584 : memref<1x80xi32, #tpu.memory_space<vmem>> -> memref<80xi32, #tpu.memory_space<vmem>>
    %dma_wait3A_586 = arith.constant 0 : i32
    %dma_wait3A_587 = arith.constant 0 : i32
    %dma_wait3A_588 = tpu.memref_slice %arg3[%dma_wait3A_586, %dma_wait3A_587] : memref<10000x128xf32, #tpu.memory_space<hbm>> -> memref<10000x128xf32, #tpu.memory_space<hbm>>
    tpu.wait_indirect_dma semaphore(%arg14 : memref<!tpu.dma_semaphore, #tpu.memory_space<semaphore_mem>>) src(%dma_wait3A_588 : memref<10000x128xf32, #tpu.memory_space<hbm>>) dst(%arg10 : memref<80x128xf32, #tpu.memory_space<vmem>>)
    %dma_start3A_589 = arith.constant 1 : i32
    %dma_start3A_590 = arith.constant 0 : i32
    %dma_start3A_591 = tpu.memref_slice %arg8[%dma_start3A_589, %dma_start3A_590] : memref<32x80xi32, #tpu.memory_space<vmem>> -> memref<1x80xi32, #tpu.memory_space<vmem>>
    %dma_start3A_592 = tpu.memref_squeeze %dma_start3A_591 : memref<1x80xi32, #tpu.memory_space<vmem>> -> memref<80xi32, #tpu.memory_space<vmem>>
    %dma_start3A_593 = arith.constant 0 : i32
    %dma_start3A_594 = arith.constant 0 : i32
    %dma_start3A_595 = tpu.memref_slice %arg12[%dma_start3A_593, %dma_start3A_594] : memref<10000x128xf32, #tpu.memory_space<vmem_shared>> -> memref<10000x128xf32, #tpu.memory_space<vmem_shared>>
    tpu.enqueue_indirect_dma source(%arg10 : memref<80x128xf32, #tpu.memory_space<vmem>>) target(%dma_start3A_595 : memref<10000x128xf32, #tpu.memory_space<vmem_shared>>) offsets(%dma_start3A_592 : memref<80xi32, #tpu.memory_space<vmem>>) semaphore(%arg17 : memref<!tpu.dma_semaphore, #tpu.memory_space<semaphore_mem>>) {add = true}
    %dma_wait3A_596 = arith.constant 0 : i32
    %dma_wait3A_597 = arith.constant 0 : i32
    %dma_wait3A_598 = tpu.memref_slice %arg8[%dma_wait3A_596, %dma_wait3A_597] : memref<32x80xi32, #tpu.memory_space<vmem>> -> memref<1x80xi32, #tpu.memory_space<vmem>>
    %dma_wait3A_599 = tpu.memref_squeeze %dma_wait3A_598 : memref<1x80xi32, #tpu.memory_space<vmem>> -> memref<80xi32, #tpu.memory_space<vmem>>
    %dma_wait3A_600 = arith.constant 0 : i32
    %dma_wait3A_601 = arith.constant 0 : i32
    %dma_wait3A_602 = tpu.memref_slice %arg12[%dma_wait3A_600, %dma_wait3A_601] : memref<10000x128xf32, #tpu.memory_space<vmem_shared>> -> memref<10000x128xf32, #tpu.memory_space<vmem_shared>>
    tpu.wait_indirect_dma semaphore(%arg16 : memref<!tpu.dma_semaphore, #tpu.memory_space<semaphore_mem>>) src(%arg9 : memref<80x128xf32, #tpu.memory_space<vmem>>) dst(%dma_wait3A_602 : memref<10000x128xf32, #tpu.memory_space<vmem_shared>>)
    %dma_start3A_603 = arith.constant 3 : i32
    %dma_start3A_604 = arith.constant 0 : i32
    %dma_start3A_605 = tpu.memref_slice %arg7[%dma_start3A_603, %dma_start3A_604] : memref<32x80xi32, #tpu.memory_space<vmem>> -> memref<1x80xi32, #tpu.memory_space<vmem>>
    %dma_start3A_606 = tpu.memref_squeeze %dma_start3A_605 : memref<1x80xi32, #tpu.memory_space<vmem>> -> memref<80xi32, #tpu.memory_space<vmem>>
    %dma_start3A_607 = arith.constant 0 : i32
    %dma_start3A_608 = arith.constant 0 : i32
    %dma_start3A_609 = tpu.memref_slice %arg3[%dma_start3A_607, %dma_start3A_608] : memref<10000x128xf32, #tpu.memory_space<hbm>> -> memref<10000x128xf32, #tpu.memory_space<hbm>>
    tpu.enqueue_indirect_dma source(%dma_start3A_609 : memref<10000x128xf32, #tpu.memory_space<hbm>>) target(%arg9 : memref<80x128xf32, #tpu.memory_space<vmem>>) offsets(%dma_start3A_606 : memref<80xi32, #tpu.memory_space<vmem>>) semaphore(%arg13 : memref<!tpu.dma_semaphore, #tpu.memory_space<semaphore_mem>>)
    %scan3A_610 = arith.constant 0 : i32
    %scan3A_611 = arith.constant 2 : i32
    %scan3A_612 = arith.constant 25 : i32
    %scan3A_613 = arith.addi %scan3A_611, %scan3A_612 : i32
    %scan3A_614 = arith.constant 1 : i32
    scf.for %scan3A_676 = %scan3A_611 to %scan3A_613 step %scan3A_614  : i32 {
      %add3A_677 = arith.constant 0 : i32
      %add3A_678 = arith.addi %scan3A_676, %add3A_677 : i32
      %rem3A = arith.constant 3 : i32
      %rem3A_679 = arith.remsi %add3A_678, %rem3A : i32
      %eq3A_680 = arith.constant 0 : i32
      %eq3A_681 = arith.cmpi eq, %rem3A_679, %eq3A_680 : i32
      %convert_element_type3A_682 = arith.extui %eq3A_681 : i1 to i32
      %cond3A_683 = arith.constant 0 : i32
      %cond3A_684 = arith.cmpi ne, %convert_element_type3A_682, %cond3A_683 : i32
      scf.if %cond3A_684 {
        %dma_wait3A_703 = arith.constant 0 : i32
        %dma_wait3A_704 = tpu.memref_slice %arg7[%scan3A_676, %dma_wait3A_703] : memref<32x80xi32, #tpu.memory_space<vmem>> -> memref<1x80xi32, #tpu.memory_space<vmem>>
        %dma_wait3A_705 = tpu.memref_squeeze %dma_wait3A_704 : memref<1x80xi32, #tpu.memory_space<vmem>> -> memref<80xi32, #tpu.memory_space<vmem>>
        %dma_wait3A_706 = arith.constant 0 : i32
        %dma_wait3A_707 = arith.constant 0 : i32
        %dma_wait3A_708 = tpu.memref_slice %arg3[%dma_wait3A_706, %dma_wait3A_707] : memref<10000x128xf32, #tpu.memory_space<hbm>> -> memref<10000x128xf32, #tpu.memory_space<hbm>>
        tpu.wait_indirect_dma semaphore(%arg13 : memref<!tpu.dma_semaphore, #tpu.memory_space<semaphore_mem>>) src(%dma_wait3A_708 : memref<10000x128xf32, #tpu.memory_space<hbm>>) dst(%arg9 : memref<80x128xf32, #tpu.memory_space<vmem>>)
        %dma_start3A_709 = arith.constant 0 : i32
        %dma_start3A_710 = tpu.memref_slice %arg8[%scan3A_676, %dma_start3A_709] : memref<32x80xi32, #tpu.memory_space<vmem>> -> memref<1x80xi32, #tpu.memory_space<vmem>>
        %dma_start3A_711 = tpu.memref_squeeze %dma_start3A_710 : memref<1x80xi32, #tpu.memory_space<vmem>> -> memref<80xi32, #tpu.memory_space<vmem>>
        %dma_start3A_712 = arith.constant 0 : i32
        %dma_start3A_713 = arith.constant 0 : i32
        %dma_start3A_714 = tpu.memref_slice %arg12[%dma_start3A_712, %dma_start3A_713] : memref<10000x128xf32, #tpu.memory_space<vmem_shared>> -> memref<10000x128xf32, #tpu.memory_space<vmem_shared>>
        tpu.enqueue_indirect_dma source(%arg9 : memref<80x128xf32, #tpu.memory_space<vmem>>) target(%dma_start3A_714 : memref<10000x128xf32, #tpu.memory_space<vmem_shared>>) offsets(%dma_start3A_711 : memref<80xi32, #tpu.memory_space<vmem>>) semaphore(%arg16 : memref<!tpu.dma_semaphore, #tpu.memory_space<semaphore_mem>>) {add = true}
        %dma_wait3A_715 = arith.constant 0 : i32
        %dma_wait3A_716 = tpu.memref_slice %arg8[%scan3A_676, %dma_wait3A_715] : memref<32x80xi32, #tpu.memory_space<vmem>> -> memref<1x80xi32, #tpu.memory_space<vmem>>
        %dma_wait3A_717 = tpu.memref_squeeze %dma_wait3A_716 : memref<1x80xi32, #tpu.memory_space<vmem>> -> memref<80xi32, #tpu.memory_space<vmem>>
        %dma_wait3A_718 = arith.constant 0 : i32
        %dma_wait3A_719 = arith.constant 0 : i32
        %dma_wait3A_720 = tpu.memref_slice %arg12[%dma_wait3A_718, %dma_wait3A_719] : memref<10000x128xf32, #tpu.memory_space<vmem_shared>> -> memref<10000x128xf32, #tpu.memory_space<vmem_shared>>
        tpu.wait_indirect_dma semaphore(%arg18 : memref<!tpu.dma_semaphore, #tpu.memory_space<semaphore_mem>>) src(%arg11 : memref<80x128xf32, #tpu.memory_space<vmem>>) dst(%dma_wait3A_720 : memref<10000x128xf32, #tpu.memory_space<vmem_shared>>)
        %add3A_721 = arith.constant 2 : i32
        %add3A_722 = arith.addi %scan3A_676, %add3A_721 : i32
        %dma_start3A_723 = arith.constant 0 : i32
        %dma_start3A_724 = tpu.memref_slice %arg7[%add3A_722, %dma_start3A_723] : memref<32x80xi32, #tpu.memory_space<vmem>> -> memref<1x80xi32, #tpu.memory_space<vmem>>
        %dma_start3A_725 = tpu.memref_squeeze %dma_start3A_724 : memref<1x80xi32, #tpu.memory_space<vmem>> -> memref<80xi32, #tpu.memory_space<vmem>>
        %dma_start3A_726 = arith.constant 0 : i32
        %dma_start3A_727 = arith.constant 0 : i32
        %dma_start3A_728 = tpu.memref_slice %arg3[%dma_start3A_726, %dma_start3A_727] : memref<10000x128xf32, #tpu.memory_space<hbm>> -> memref<10000x128xf32, #tpu.memory_space<hbm>>
        tpu.enqueue_indirect_dma source(%dma_start3A_728 : memref<10000x128xf32, #tpu.memory_space<hbm>>) target(%arg11 : memref<80x128xf32, #tpu.memory_space<vmem>>) offsets(%dma_start3A_725 : memref<80xi32, #tpu.memory_space<vmem>>) semaphore(%arg15 : memref<!tpu.dma_semaphore, #tpu.memory_space<semaphore_mem>>)
      } else {
      }
      %add3A_685 = arith.constant 0 : i32
      %add3A_686 = arith.addi %scan3A_676, %add3A_685 : i32
      %rem3A_687 = arith.constant 3 : i32
      %rem3A_688 = arith.remsi %add3A_686, %rem3A_687 : i32
      %eq3A_689 = arith.constant 1 : i32
      %eq3A_690 = arith.cmpi eq, %rem3A_688, %eq3A_689 : i32
      %convert_element_type3A_691 = arith.extui %eq3A_690 : i1 to i32
      %cond3A_692 = arith.constant 0 : i32
      %cond3A_693 = arith.cmpi ne, %convert_element_type3A_691, %cond3A_692 : i32
      scf.if %cond3A_693 {
        %dma_wait3A_703 = arith.constant 0 : i32
        %dma_wait3A_704 = tpu.memref_slice %arg7[%scan3A_676, %dma_wait3A_703] : memref<32x80xi32, #tpu.memory_space<vmem>> -> memref<1x80xi32, #tpu.memory_space<vmem>>
        %dma_wait3A_705 = tpu.memref_squeeze %dma_wait3A_704 : memref<1x80xi32, #tpu.memory_space<vmem>> -> memref<80xi32, #tpu.memory_space<vmem>>
        %dma_wait3A_706 = arith.constant 0 : i32
        %dma_wait3A_707 = arith.constant 0 : i32
        %dma_wait3A_708 = tpu.memref_slice %arg3[%dma_wait3A_706, %dma_wait3A_707] : memref<10000x128xf32, #tpu.memory_space<hbm>> -> memref<10000x128xf32, #tpu.memory_space<hbm>>
        tpu.wait_indirect_dma semaphore(%arg14 : memref<!tpu.dma_semaphore, #tpu.memory_space<semaphore_mem>>) src(%dma_wait3A_708 : memref<10000x128xf32, #tpu.memory_space<hbm>>) dst(%arg10 : memref<80x128xf32, #tpu.memory_space<vmem>>)
        %dma_start3A_709 = arith.constant 0 : i32
        %dma_start3A_710 = tpu.memref_slice %arg8[%scan3A_676, %dma_start3A_709] : memref<32x80xi32, #tpu.memory_space<vmem>> -> memref<1x80xi32, #tpu.memory_space<vmem>>
        %dma_start3A_711 = tpu.memref_squeeze %dma_start3A_710 : memref<1x80xi32, #tpu.memory_space<vmem>> -> memref<80xi32, #tpu.memory_space<vmem>>
        %dma_start3A_712 = arith.constant 0 : i32
        %dma_start3A_713 = arith.constant 0 : i32
        %dma_start3A_714 = tpu.memref_slice %arg12[%dma_start3A_712, %dma_start3A_713] : memref<10000x128xf32, #tpu.memory_space<vmem_shared>> -> memref<10000x128xf32, #tpu.memory_space<vmem_shared>>
        tpu.enqueue_indirect_dma source(%arg10 : memref<80x128xf32, #tpu.memory_space<vmem>>) target(%dma_start3A_714 : memref<10000x128xf32, #tpu.memory_space<vmem_shared>>) offsets(%dma_start3A_711 : memref<80xi32, #tpu.memory_space<vmem>>) semaphore(%arg17 : memref<!tpu.dma_semaphore, #tpu.memory_space<semaphore_mem>>) {add = true}
        %dma_wait3A_715 = arith.constant 0 : i32
        %dma_wait3A_716 = tpu.memref_slice %arg8[%scan3A_676, %dma_wait3A_715] : memref<32x80xi32, #tpu.memory_space<vmem>> -> memref<1x80xi32, #tpu.memory_space<vmem>>
        %dma_wait3A_717 = tpu.memref_squeeze %dma_wait3A_716 : memref<1x80xi32, #tpu.memory_space<vmem>> -> memref<80xi32, #tpu.memory_space<vmem>>
        %dma_wait3A_718 = arith.constant 0 : i32
        %dma_wait3A_719 = arith.constant 0 : i32
        %dma_wait3A_720 = tpu.memref_slice %arg12[%dma_wait3A_718, %dma_wait3A_719] : memref<10000x128xf32, #tpu.memory_space<vmem_shared>> -> memref<10000x128xf32, #tpu.memory_space<vmem_shared>>
        tpu.wait_indirect_dma semaphore(%arg16 : memref<!tpu.dma_semaphore, #tpu.memory_space<semaphore_mem>>) src(%arg9 : memref<80x128xf32, #tpu.memory_space<vmem>>) dst(%dma_wait3A_720 : memref<10000x128xf32, #tpu.memory_space<vmem_shared>>)
        %add3A_721 = arith.constant 2 : i32
        %add3A_722 = arith.addi %scan3A_676, %add3A_721 : i32
        %dma_start3A_723 = arith.constant 0 : i32
        %dma_start3A_724 = tpu.memref_slice %arg7[%add3A_722, %dma_start3A_723] : memref<32x80xi32, #tpu.memory_space<vmem>> -> memref<1x80xi32, #tpu.memory_space<vmem>>
        %dma_start3A_725 = tpu.memref_squeeze %dma_start3A_724 : memref<1x80xi32, #tpu.memory_space<vmem>> -> memref<80xi32, #tpu.memory_space<vmem>>
        %dma_start3A_726 = arith.constant 0 : i32
        %dma_start3A_727 = arith.constant 0 : i32
        %dma_start3A_728 = tpu.memref_slice %arg3[%dma_start3A_726, %dma_start3A_727] : memref<10000x128xf32, #tpu.memory_space<hbm>> -> memref<10000x128xf32, #tpu.memory_space<hbm>>
        tpu.enqueue_indirect_dma source(%dma_start3A_728 : memref<10000x128xf32, #tpu.memory_space<hbm>>) target(%arg9 : memref<80x128xf32, #tpu.memory_space<vmem>>) offsets(%dma_start3A_725 : memref<80xi32, #tpu.memory_space<vmem>>) semaphore(%arg13 : memref<!tpu.dma_semaphore, #tpu.memory_space<semaphore_mem>>)
      } else {
      }
      %add3A_694 = arith.constant 0 : i32
      %add3A_695 = arith.addi %scan3A_676, %add3A_694 : i32
      %rem3A_696 = arith.constant 3 : i32
      %rem3A_697 = arith.remsi %add3A_695, %rem3A_696 : i32
      %eq3A_698 = arith.constant 2 : i32
      %eq3A_699 = arith.cmpi eq, %rem3A_697, %eq3A_698 : i32
      %convert_element_type3A_700 = arith.extui %eq3A_699 : i1 to i32
      %cond3A_701 = arith.constant 0 : i32
      %cond3A_702 = arith.cmpi ne, %convert_element_type3A_700, %cond3A_701 : i32
      scf.if %cond3A_702 {
        %dma_wait3A_703 = arith.constant 0 : i32
        %dma_wait3A_704 = tpu.memref_slice %arg7[%scan3A_676, %dma_wait3A_703] : memref<32x80xi32, #tpu.memory_space<vmem>> -> memref<1x80xi32, #tpu.memory_space<vmem>>
        %dma_wait3A_705 = tpu.memref_squeeze %dma_wait3A_704 : memref<1x80xi32, #tpu.memory_space<vmem>> -> memref<80xi32, #tpu.memory_space<vmem>>
        %dma_wait3A_706 = arith.constant 0 : i32
        %dma_wait3A_707 = arith.constant 0 : i32
        %dma_wait3A_708 = tpu.memref_slice %arg3[%dma_wait3A_706, %dma_wait3A_707] : memref<10000x128xf32, #tpu.memory_space<hbm>> -> memref<10000x128xf32, #tpu.memory_space<hbm>>
        tpu.wait_indirect_dma semaphore(%arg15 : memref<!tpu.dma_semaphore, #tpu.memory_space<semaphore_mem>>) src(%dma_wait3A_708 : memref<10000x128xf32, #tpu.memory_space<hbm>>) dst(%arg11 : memref<80x128xf32, #tpu.memory_space<vmem>>)
        %dma_start3A_709 = arith.constant 0 : i32
        %dma_start3A_710 = tpu.memref_slice %arg8[%scan3A_676, %dma_start3A_709] : memref<32x80xi32, #tpu.memory_space<vmem>> -> memref<1x80xi32, #tpu.memory_space<vmem>>
        %dma_start3A_711 = tpu.memref_squeeze %dma_start3A_710 : memref<1x80xi32, #tpu.memory_space<vmem>> -> memref<80xi32, #tpu.memory_space<vmem>>
        %dma_start3A_712 = arith.constant 0 : i32
        %dma_start3A_713 = arith.constant 0 : i32
        %dma_start3A_714 = tpu.memref_slice %arg12[%dma_start3A_712, %dma_start3A_713] : memref<10000x128xf32, #tpu.memory_space<vmem_shared>> -> memref<10000x128xf32, #tpu.memory_space<vmem_shared>>
        tpu.enqueue_indirect_dma source(%arg11 : memref<80x128xf32, #tpu.memory_space<vmem>>) target(%dma_start3A_714 : memref<10000x128xf32, #tpu.memory_space<vmem_shared>>) offsets(%dma_start3A_711 : memref<80xi32, #tpu.memory_space<vmem>>) semaphore(%arg18 : memref<!tpu.dma_semaphore, #tpu.memory_space<semaphore_mem>>) {add = true}
        %dma_wait3A_715 = arith.constant 0 : i32
        %dma_wait3A_716 = tpu.memref_slice %arg8[%scan3A_676, %dma_wait3A_715] : memref<32x80xi32, #tpu.memory_space<vmem>> -> memref<1x80xi32, #tpu.memory_space<vmem>>
        %dma_wait3A_717 = tpu.memref_squeeze %dma_wait3A_716 : memref<1x80xi32, #tpu.memory_space<vmem>> -> memref<80xi32, #tpu.memory_space<vmem>>
        %dma_wait3A_718 = arith.constant 0 : i32
        %dma_wait3A_719 = arith.constant 0 : i32
        %dma_wait3A_720 = tpu.memref_slice %arg12[%dma_wait3A_718, %dma_wait3A_719] : memref<10000x128xf32, #tpu.memory_space<vmem_shared>> -> memref<10000x128xf32, #tpu.memory_space<vmem_shared>>
        tpu.wait_indirect_dma semaphore(%arg17 : memref<!tpu.dma_semaphore, #tpu.memory_space<semaphore_mem>>) src(%arg10 : memref<80x128xf32, #tpu.memory_space<vmem>>) dst(%dma_wait3A_720 : memref<10000x128xf32, #tpu.memory_space<vmem_shared>>)
        %add3A_721 = arith.constant 2 : i32
        %add3A_722 = arith.addi %scan3A_676, %add3A_721 : i32
        %dma_start3A_723 = arith.constant 0 : i32
        %dma_start3A_724 = tpu.memref_slice %arg7[%add3A_722, %dma_start3A_723] : memref<32x80xi32, #tpu.memory_space<vmem>> -> memref<1x80xi32, #tpu.memory_space<vmem>>
        %dma_start3A_725 = tpu.memref_squeeze %dma_start3A_724 : memref<1x80xi32, #tpu.memory_space<vmem>> -> memref<80xi32, #tpu.memory_space<vmem>>
        %dma_start3A_726 = arith.constant 0 : i32
        %dma_start3A_727 = arith.constant 0 : i32
        %dma_start3A_728 = tpu.memref_slice %arg3[%dma_start3A_726, %dma_start3A_727] : memref<10000x128xf32, #tpu.memory_space<hbm>> -> memref<10000x128xf32, #tpu.memory_space<hbm>>
        tpu.enqueue_indirect_dma source(%dma_start3A_728 : memref<10000x128xf32, #tpu.memory_space<hbm>>) target(%arg10 : memref<80x128xf32, #tpu.memory_space<vmem>>) offsets(%dma_start3A_725 : memref<80xi32, #tpu.memory_space<vmem>>) semaphore(%arg14 : memref<!tpu.dma_semaphore, #tpu.memory_space<semaphore_mem>>)
      } else {
      }
    }
    %scan3A_615 = arith.constant 25 : i32
    %dma_wait3A_616 = arith.constant 27 : i32
    %dma_wait3A_617 = arith.constant 0 : i32
    %dma_wait3A_618 = tpu.memref_slice %arg7[%dma_wait3A_616, %dma_wait3A_617] : memref<32x80xi32, #tpu.memory_space<vmem>> -> memref<1x80xi32, #tpu.memory_space<vmem>>
    %dma_wait3A_619 = tpu.memref_squeeze %dma_wait3A_618 : memref<1x80xi32, #tpu.memory_space<vmem>> -> memref<80xi32, #tpu.memory_space<vmem>>
    %dma_wait3A_620 = arith.constant 0 : i32
    %dma_wait3A_621 = arith.constant 0 : i32
    %dma_wait3A_622 = tpu.memref_slice %arg3[%dma_wait3A_620, %dma_wait3A_621] : memref<10000x128xf32, #tpu.memory_space<hbm>> -> memref<10000x128xf32, #tpu.memory_space<hbm>>
    tpu.wait_indirect_dma semaphore(%arg13 : memref<!tpu.dma_semaphore, #tpu.memory_space<semaphore_mem>>) src(%dma_wait3A_622 : memref<10000x128xf32, #tpu.memory_space<hbm>>) dst(%arg9 : memref<80x128xf32, #tpu.memory_space<vmem>>)
    %dma_start3A_623 = arith.constant 27 : i32
    %dma_start3A_624 = arith.constant 0 : i32
    %dma_start3A_625 = tpu.memref_slice %arg8[%dma_start3A_623, %dma_start3A_624] : memref<32x80xi32, #tpu.memory_space<vmem>> -> memref<1x80xi32, #tpu.memory_space<vmem>>
    %dma_start3A_626 = tpu.memref_squeeze %dma_start3A_625 : memref<1x80xi32, #tpu.memory_space<vmem>> -> memref<80xi32, #tpu.memory_space<vmem>>
    %dma_start3A_627 = arith.constant 0 : i32
    %dma_start3A_628 = arith.constant 0 : i32
    %dma_start3A_629 = tpu.memref_slice %arg12[%dma_start3A_627, %dma_start3A_628] : memref<10000x128xf32, #tpu.memory_space<vmem_shared>> -> memref<10000x128xf32, #tpu.memory_space<vmem_shared>>
    tpu.enqueue_indirect_dma source(%arg9 : memref<80x128xf32, #tpu.memory_space<vmem>>) target(%dma_start3A_629 : memref<10000x128xf32, #tpu.memory_space<vmem_shared>>) offsets(%dma_start3A_626 : memref<80xi32, #tpu.memory_space<vmem>>) semaphore(%arg16 : memref<!tpu.dma_semaphore, #tpu.memory_space<semaphore_mem>>) {add = true}
    %dma_wait3A_630 = arith.constant 28 : i32
    %dma_wait3A_631 = arith.constant 0 : i32
    %dma_wait3A_632 = tpu.memref_slice %arg7[%dma_wait3A_630, %dma_wait3A_631] : memref<32x80xi32, #tpu.memory_space<vmem>> -> memref<1x80xi32, #tpu.memory_space<vmem>>
    %dma_wait3A_633 = tpu.memref_squeeze %dma_wait3A_632 : memref<1x80xi32, #tpu.memory_space<vmem>> -> memref<80xi32, #tpu.memory_space<vmem>>
    %dma_wait3A_634 = arith.constant 0 : i32
    %dma_wait3A_635 = arith.constant 0 : i32
    %dma_wait3A_636 = tpu.memref_slice %arg3[%dma_wait3A_634, %dma_wait3A_635] : memref<10000x128xf32, #tpu.memory_space<hbm>> -> memref<10000x128xf32, #tpu.memory_space<hbm>>
    tpu.wait_indirect_dma semaphore(%arg14 : memref<!tpu.dma_semaphore, #tpu.memory_space<semaphore_mem>>) src(%dma_wait3A_636 : memref<10000x128xf32, #tpu.memory_space<hbm>>) dst(%arg10 : memref<80x128xf32, #tpu.memory_space<vmem>>)
    %dma_start3A_637 = arith.constant 28 : i32
    %dma_start3A_638 = arith.constant 0 : i32
    %dma_start3A_639 = tpu.memref_slice %arg8[%dma_start3A_637, %dma_start3A_638] : memref<32x80xi32, #tpu.memory_space<vmem>> -> memref<1x80xi32, #tpu.memory_space<vmem>>
    %dma_start3A_640 = tpu.memref_squeeze %dma_start3A_639 : memref<1x80xi32, #tpu.memory_space<vmem>> -> memref<80xi32, #tpu.memory_space<vmem>>
    %dma_start3A_641 = arith.constant 0 : i32
    %dma_start3A_642 = arith.constant 0 : i32
    %dma_start3A_643 = tpu.memref_slice %arg12[%dma_start3A_641, %dma_start3A_642] : memref<10000x128xf32, #tpu.memory_space<vmem_shared>> -> memref<10000x128xf32, #tpu.memory_space<vmem_shared>>
    tpu.enqueue_indirect_dma source(%arg10 : memref<80x128xf32, #tpu.memory_space<vmem>>) target(%dma_start3A_643 : memref<10000x128xf32, #tpu.memory_space<vmem_shared>>) offsets(%dma_start3A_640 : memref<80xi32, #tpu.memory_space<vmem>>) semaphore(%arg17 : memref<!tpu.dma_semaphore, #tpu.memory_space<semaphore_mem>>) {add = true}
    %dma_wait3A_644 = arith.constant 0 : i32
    %dma_wait3A_645 = arith.constant 0 : i32
    %dma_wait3A_646 = tpu.memref_slice %arg6[%dma_wait3A_644, %dma_wait3A_645] : memref<32x80xi32, #tpu.memory_space<vmem>> -> memref<1x80xi32, #tpu.memory_space<vmem>>
    %dma_wait3A_647 = tpu.memref_squeeze %dma_wait3A_646 : memref<1x80xi32, #tpu.memory_space<vmem>> -> memref<80xi32, #tpu.memory_space<vmem>>
    %dma_wait3A_648 = arith.constant 0 : i32
    %dma_wait3A_649 = arith.constant 0 : i32
    %dma_wait3A_650 = tpu.memref_slice %arg12[%dma_wait3A_648, %dma_wait3A_649] : memref<10000x128xf32, #tpu.memory_space<vmem_shared>> -> memref<10000x128xf32, #tpu.memory_space<vmem_shared>>
    tpu.wait_indirect_dma semaphore(%arg16 : memref<!tpu.dma_semaphore, #tpu.memory_space<semaphore_mem>>) src(%arg9 : memref<80x128xf32, #tpu.memory_space<vmem>>) dst(%dma_wait3A_650 : memref<10000x128xf32, #tpu.memory_space<vmem_shared>>)
    %dma_wait3A_651 = arith.constant 0 : i32
    %dma_wait3A_652 = arith.constant 0 : i32
    %dma_wait3A_653 = tpu.memref_slice %arg6[%dma_wait3A_651, %dma_wait3A_652] : memref<32x80xi32, #tpu.memory_space<vmem>> -> memref<1x80xi32, #tpu.memory_space<vmem>>
    %dma_wait3A_654 = tpu.memref_squeeze %dma_wait3A_653 : memref<1x80xi32, #tpu.memory_space<vmem>> -> memref<80xi32, #tpu.memory_space<vmem>>
    %dma_wait3A_655 = arith.constant 0 : i32
    %dma_wait3A_656 = arith.constant 0 : i32
    %dma_wait3A_657 = tpu.memref_slice %arg12[%dma_wait3A_655, %dma_wait3A_656] : memref<10000x128xf32, #tpu.memory_space<vmem_shared>> -> memref<10000x128xf32, #tpu.memory_space<vmem_shared>>
    tpu.wait_indirect_dma semaphore(%arg17 : memref<!tpu.dma_semaphore, #tpu.memory_space<semaphore_mem>>) src(%arg10 : memref<80x128xf32, #tpu.memory_space<vmem>>) dst(%dma_wait3A_657 : memref<10000x128xf32, #tpu.memory_space<vmem_shared>>)
    %dma_wait3A_658 = arith.constant 0 : i32
    %dma_wait3A_659 = arith.constant 0 : i32
    %dma_wait3A_660 = tpu.memref_slice %arg6[%dma_wait3A_658, %dma_wait3A_659] : memref<32x80xi32, #tpu.memory_space<vmem>> -> memref<1x80xi32, #tpu.memory_space<vmem>>
    %dma_wait3A_661 = tpu.memref_squeeze %dma_wait3A_660 : memref<1x80xi32, #tpu.memory_space<vmem>> -> memref<80xi32, #tpu.memory_space<vmem>>
    %dma_wait3A_662 = arith.constant 0 : i32
    %dma_wait3A_663 = arith.constant 0 : i32
    %dma_wait3A_664 = tpu.memref_slice %arg12[%dma_wait3A_662, %dma_wait3A_663] : memref<10000x128xf32, #tpu.memory_space<vmem_shared>> -> memref<10000x128xf32, #tpu.memory_space<vmem_shared>>
    tpu.wait_indirect_dma semaphore(%arg18 : memref<!tpu.dma_semaphore, #tpu.memory_space<semaphore_mem>>) src(%arg11 : memref<80x128xf32, #tpu.memory_space<vmem>>) dst(%dma_wait3A_664 : memref<10000x128xf32, #tpu.memory_space<vmem_shared>>)
    %barrier3A_665 = arith.constant 0 : index
    tpu.barrier barrier_id(%barrier3A_665)
    %lt3A_666 = arith.constant 15 : i32
    %lt3A_667 = arith.cmpi slt, %arg1, %lt3A_666 : i32
    %convert_element_type3A_668 = arith.extui %lt3A_667 : i1 to i32
    %cond3A_669 = arith.constant 0 : i32
    %cond3A_670 = arith.cmpi ne, %convert_element_type3A_668, %cond3A_669 : i32
    scf.if %cond3A_670 {
      "tpu.region"() ({
        %run_scoped3A_676 = tpu.sem_alloc : memref<!tpu.dma_semaphore, #tpu.memory_space<semaphore_mem>>
        %dma_start3A_677 = arith.constant 0 : i32
        %dma_start3A_678 = tpu.memref_slice %arg4[%arg0, %mul3A_2, %dma_start3A_677] : memref<2x10000x128xf32, #tpu.memory_space<hbm>> -> memref<1x632x128xf32, #tpu.memory_space<hbm>>
        %dma_start3A_679 = tpu.memref_squeeze %dma_start3A_678 : memref<1x632x128xf32, #tpu.memory_space<hbm>> -> memref<632x128xf32, #tpu.memory_space<hbm>>
        %dma_start3A_680 = arith.constant 0 : i32
        %dma_start3A_681 = tpu.memref_slice %arg12[%mul3A_2, %dma_start3A_680] : memref<10000x128xf32, #tpu.memory_space<vmem_shared>> -> memref<632x128xf32, #tpu.memory_space<vmem_shared>>
        tpu.enqueue_dma source(%dma_start3A_681 : memref<632x128xf32, #tpu.memory_space<vmem_shared>>) target(%dma_start3A_679 : memref<632x128xf32, #tpu.memory_space<hbm>>) target_semaphore(%run_scoped3A_676 : memref<!tpu.dma_semaphore, #tpu.memory_space<semaphore_mem>>)
        %dma_wait3A_682 = arith.constant 0 : i32
        %dma_wait3A_683 = tpu.memref_slice %arg4[%arg0, %mul3A_2, %dma_wait3A_682] : memref<2x10000x128xf32, #tpu.memory_space<hbm>> -> memref<1x632x128xf32, #tpu.memory_space<hbm>>
        %dma_wait3A_684 = tpu.memref_squeeze %dma_wait3A_683 : memref<1x632x128xf32, #tpu.memory_space<hbm>> -> memref<632x128xf32, #tpu.memory_space<hbm>>
        %dma_wait3A_685 = arith.constant 0 : i32
        %dma_wait3A_686 = tpu.memref_slice %arg12[%mul3A_2, %dma_wait3A_685] : memref<10000x128xf32, #tpu.memory_space<vmem_shared>> -> memref<632x128xf32, #tpu.memory_space<vmem_shared>>
        tpu.wait_dma2 semaphore(%run_scoped3A_676 : memref<!tpu.dma_semaphore, #tpu.memory_space<semaphore_mem>>) src(%dma_wait3A_686 : memref<632x128xf32, #tpu.memory_space<vmem_shared>>) dst(%dma_wait3A_684 : memref<632x128xf32, #tpu.memory_space<hbm>>)
        tpu.yield
      }) : () -> ()
    } else {
    }
    %eq3A_671 = arith.constant 15 : i32
    %eq3A_672 = arith.cmpi eq, %arg1, %eq3A_671 : i32
    %convert_element_type3A_673 = arith.extui %eq3A_672 : i1 to i32
    %cond3A_674 = arith.constant 0 : i32
    %cond3A_675 = arith.cmpi ne, %convert_element_type3A_673, %cond3A_674 : i32
    scf.if %cond3A_675 {
      "tpu.region"() ({
        %run_scoped3A_676 = tpu.sem_alloc : memref<!tpu.dma_semaphore, #tpu.memory_space<semaphore_mem>>
        %dma_start3A_677 = arith.constant 0 : i32
        %dma_start3A_678 = tpu.memref_slice %arg4[%arg0, %mul3A_2, %dma_start3A_677] : memref<2x10000x128xf32, #tpu.memory_space<hbm>> -> memref<1x520x128xf32, #tpu.memory_space<hbm>>
        %dma_start3A_679 = tpu.memref_squeeze %dma_start3A_678 : memref<1x520x128xf32, #tpu.memory_space<hbm>> -> memref<520x128xf32, #tpu.memory_space<hbm>>
        %dma_start3A_680 = arith.constant 0 : i32
        %dma_start3A_681 = tpu.memref_slice %arg12[%mul3A_2, %dma_start3A_680] : memref<10000x128xf32, #tpu.memory_space<vmem_shared>> -> memref<520x128xf32, #tpu.memory_space<vmem_shared>>
        tpu.enqueue_dma source(%dma_start3A_681 : memref<520x128xf32, #tpu.memory_space<vmem_shared>>) target(%dma_start3A_679 : memref<520x128xf32, #tpu.memory_space<hbm>>) target_semaphore(%run_scoped3A_676 : memref<!tpu.dma_semaphore, #tpu.memory_space<semaphore_mem>>)
        %dma_wait3A_682 = arith.constant 0 : i32
        %dma_wait3A_683 = tpu.memref_slice %arg4[%arg0, %mul3A_2, %dma_wait3A_682] : memref<2x10000x128xf32, #tpu.memory_space<hbm>> -> memref<1x520x128xf32, #tpu.memory_space<hbm>>
        %dma_wait3A_684 = tpu.memref_squeeze %dma_wait3A_683 : memref<1x520x128xf32, #tpu.memory_space<hbm>> -> memref<520x128xf32, #tpu.memory_space<hbm>>
        %dma_wait3A_685 = arith.constant 0 : i32
        %dma_wait3A_686 = tpu.memref_slice %arg12[%mul3A_2, %dma_wait3A_685] : memref<10000x128xf32, #tpu.memory_space<vmem_shared>> -> memref<520x128xf32, #tpu.memory_space<vmem_shared>>
        tpu.wait_dma2 semaphore(%run_scoped3A_676 : memref<!tpu.dma_semaphore, #tpu.memory_space<semaphore_mem>>) src(%dma_wait3A_686 : memref<520x128xf32, #tpu.memory_space<vmem_shared>>) dst(%dma_wait3A_684 : memref<520x128xf32, #tpu.memory_space<hbm>>)
        tpu.yield
      }) : () -> ()
    } else {
    }
    return
  }
}

module attributes {stable_mosaic.version = 14 : i64} {
  func.func @body(%arg0: i32, %arg1: memref<2x10000x128xf32, #tpu.memory_space<vmem>>, %arg2: memref<128x128xf32, #tpu.memory_space<vmem>>, %arg3: memref<1x128xf32, #tpu.memory_space<vmem>>, %arg4: memref<10000x128xf32, #tpu.memory_space<vmem>>) attributes {dimension_semantics = [#tpu.dimension_semantics<arbitrary>], iteration_bounds = array<i64: 1>, scalar_prefetch = 0 : i64, scratch_operands = 0 : i64, tpu.core_type = #tpu.core_type<tc>, window_params = [{transform_indices = @transform_0, window_bounds = array<i64: 2, 10000, 128>}, {pipeline_mode = #tpu.pipeline_mode<synchronous>, transform_indices = @transform_1, window_bounds = array<i64: 128, 128>}, {pipeline_mode = #tpu.pipeline_mode<synchronous>, transform_indices = @transform_2, window_bounds = array<i64: 1, 128>}, {transform_indices = @transform_3, window_bounds = array<i64: 10000, 128>}]} {
    %get3A = arith.constant 0 : index
    %get3A_0 = arith.constant 0 : index
    %get3A_1 = arith.constant 0 : index
    %get3A_2 = vector.load %arg1[%get3A, %get3A_0, %get3A_1] : memref<2x10000x128xf32, #tpu.memory_space<vmem>>, vector<1x10000x128xf32>
    %get3A_3 = vector.shape_cast %get3A_2 : vector<1x10000x128xf32> to vector<10000x128xf32>
    %get3A_4 = arith.constant 1 : index
    %get3A_5 = arith.constant 0 : index
    %get3A_6 = arith.constant 0 : index
    %get3A_7 = vector.load %arg1[%get3A_4, %get3A_5, %get3A_6] : memref<2x10000x128xf32, #tpu.memory_space<vmem>>, vector<1x10000x128xf32>
    %get3A_8 = vector.shape_cast %get3A_7 : vector<1x10000x128xf32> to vector<10000x128xf32>
    %add3A = arith.addf %get3A_3, %get3A_8 : vector<10000x128xf32>
    %get3A_9 = arith.constant 0 : index
    %get3A_10 = arith.constant 0 : index
    %get3A_11 = vector.load %arg2[%get3A_9, %get3A_10] : memref<128x128xf32, #tpu.memory_space<vmem>>, vector<128x128xf32>
    %dot_general3A = arith.constant dense<0.000000e+00> : vector<10000x128xf32>
    %dot_general3A_12 = tpu.matmul %add3A, %get3A_11, %dot_general3A {dimension_numbers = #tpu.dot_dimension_numbers<[1], [0], [0], [1], [0, 0, 1, 1], [], []>, transpose_lhs_hint = false} : vector<10000x128xf32>, vector<128x128xf32>, vector<10000x128xf32> -> vector<10000x128xf32>
    %get3A_13 = arith.constant 0 : index
    %get3A_14 = arith.constant 0 : index
    %get3A_15 = vector.load %arg3[%get3A_13, %get3A_14] : memref<1x128xf32, #tpu.memory_space<vmem>>, vector<1x128xf32>
    %add3A_16 = vector.broadcast %get3A_15 : vector<1x128xf32> to vector<10000x128xf32>
    %add3A_17 = arith.addf %dot_general3A_12, %add3A_16 : vector<10000x128xf32>
    %max3A = arith.constant 0.000000e+00 : f32
    %max3A_18 = vector.broadcast %max3A : f32 to vector<10000x128xf32>
    %max3A_19 = arith.maximumf %add3A_17, %max3A_18 : vector<10000x128xf32>
    %swap3A = arith.constant 0 : index
    %swap3A_20 = arith.constant 0 : index
    %swap3A_21 = vector.load %arg4[%swap3A, %swap3A_20] : memref<10000x128xf32, #tpu.memory_space<vmem>>, vector<10000x128xf32>
    tpu.vector_store %arg4[%swap3A, %swap3A_20], %max3A_19 {strides = array<i32>} : memref<10000x128xf32, #tpu.memory_space<vmem>>, vector<10000x128xf32>,
    return
  }
  func.func @transform_0(%arg0: i32) -> (i32, i32, i32) {
    %c0_i32 = arith.constant 0 : i32
    %c0_i32_0 = arith.constant 0 : i32
    %c0_i32_1 = arith.constant 0 : i32
    return %c0_i32, %arg0, %c0_i32_0 : i32, i32, i32
  }
  func.func @transform_1(%arg0: i32) -> (i32, i32) {
    %c0_i32 = arith.constant 0 : i32
    %c0_i32_0 = arith.constant 0 : i32
    %c0_i32_1 = arith.constant 0 : i32
    return %c0_i32, %c0_i32_0 : i32, i32
  }
  func.func @transform_2(%arg0: i32) -> (i32, i32) {
    %c0_i32 = arith.constant 0 : i32
    %c0_i32_0 = arith.constant 0 : i32
    %c0_i32_1 = arith.constant 0 : i32
    return %c0_i32, %c0_i32_0 : i32, i32
  }
  func.func @transform_3(%arg0: i32) -> (i32, i32) {
    %c0_i32 = arith.constant 0 : i32
    %c0_i32_0 = arith.constant 0 : i32
    return %arg0, %c0_i32 : i32, i32
  }
}

module attributes {stable_mosaic.version = 14 : i64} {
  func.func @body(%arg0: i32, %arg1: memref<2x10000x128xf32, #tpu.memory_space<vmem>>, %arg2: memref<128x16xf32, #tpu.memory_space<vmem>>, %arg3: memref<1x16xf32, #tpu.memory_space<vmem>>, %arg4: memref<10000x16xf32, #tpu.memory_space<vmem>>) attributes {dimension_semantics = [#tpu.dimension_semantics<arbitrary>], iteration_bounds = array<i64: 1>, scalar_prefetch = 0 : i64, scratch_operands = 0 : i64, tpu.core_type = #tpu.core_type<tc>, window_params = [{transform_indices = @transform_0, window_bounds = array<i64: 2, 10000, 128>}, {pipeline_mode = #tpu.pipeline_mode<synchronous>, transform_indices = @transform_1, window_bounds = array<i64: 128, 16>}, {pipeline_mode = #tpu.pipeline_mode<synchronous>, transform_indices = @transform_2, window_bounds = array<i64: 1, 16>}, {transform_indices = @transform_3, window_bounds = array<i64: 10000, 16>}]} {
    %get3A = arith.constant 0 : index
    %get3A_0 = arith.constant 0 : index
    %get3A_1 = arith.constant 0 : index
    %get3A_2 = vector.load %arg1[%get3A, %get3A_0, %get3A_1] : memref<2x10000x128xf32, #tpu.memory_space<vmem>>, vector<1x10000x128xf32>
    %get3A_3 = vector.shape_cast %get3A_2 : vector<1x10000x128xf32> to vector<10000x128xf32>
    %get3A_4 = arith.constant 1 : index
    %get3A_5 = arith.constant 0 : index
    %get3A_6 = arith.constant 0 : index
    %get3A_7 = vector.load %arg1[%get3A_4, %get3A_5, %get3A_6] : memref<2x10000x128xf32, #tpu.memory_space<vmem>>, vector<1x10000x128xf32>
    %get3A_8 = vector.shape_cast %get3A_7 : vector<1x10000x128xf32> to vector<10000x128xf32>
    %add3A = arith.addf %get3A_3, %get3A_8 : vector<10000x128xf32>
    %get3A_9 = arith.constant 0 : index
    %get3A_10 = arith.constant 0 : index
    %get3A_11 = vector.load %arg2[%get3A_9, %get3A_10] : memref<128x16xf32, #tpu.memory_space<vmem>>, vector<128x16xf32>
    %dot_general3A = arith.constant dense<0.000000e+00> : vector<10000x16xf32>
    %dot_general3A_12 = tpu.matmul %add3A, %get3A_11, %dot_general3A {dimension_numbers = #tpu.dot_dimension_numbers<[1], [0], [0], [1], [0, 0, 1, 1], [], []>, transpose_lhs_hint = false} : vector<10000x128xf32>, vector<128x16xf32>, vector<10000x16xf32> -> vector<10000x16xf32>
    %get3A_13 = arith.constant 0 : index
    %get3A_14 = arith.constant 0 : index
    %get3A_15 = vector.load %arg3[%get3A_13, %get3A_14] : memref<1x16xf32, #tpu.memory_space<vmem>>, vector<1x16xf32>
    %add3A_16 = vector.broadcast %get3A_15 : vector<1x16xf32> to vector<10000x16xf32>
    %add3A_17 = arith.addf %dot_general3A_12, %add3A_16 : vector<10000x16xf32>
    %reduce_max3A = arith.constant dense<0xFF800000> : vector<10000xf32>
    %reduce_max3A_18 = vector.multi_reduction <maximumf>, %add3A_17, %reduce_max3A [1] : vector<10000x16xf32> to vector<10000xf32>
    %broadcast_in_dim3A = vector.shape_cast %reduce_max3A_18 : vector<10000xf32> to vector<10000x1xf32>
    %sub3A = vector.broadcast %broadcast_in_dim3A : vector<10000x1xf32> to vector<10000x16xf32>
    %sub3A_19 = arith.subf %add3A_17, %sub3A : vector<10000x16xf32>
    %exp3A = math.exp %sub3A_19 : vector<10000x16xf32>
    %reduce_sum3A = arith.constant dense<0.000000e+00> : vector<10000xf32>
    %reduce_sum3A_20 = vector.multi_reduction <add>, %exp3A, %reduce_sum3A [1] : vector<10000x16xf32> to vector<10000xf32>
    %broadcast_in_dim3A_21 = vector.shape_cast %reduce_sum3A_20 : vector<10000xf32> to vector<10000x1xf32>
    %sub3A_22 = vector.broadcast %broadcast_in_dim3A : vector<10000x1xf32> to vector<10000x16xf32>
    %sub3A_23 = arith.subf %add3A_17, %sub3A_22 : vector<10000x16xf32>
    %log3A = math.log %broadcast_in_dim3A_21 : vector<10000x1xf32>
    %sub3A_24 = vector.broadcast %log3A : vector<10000x1xf32> to vector<10000x16xf32>
    %sub3A_25 = arith.subf %sub3A_23, %sub3A_24 : vector<10000x16xf32>
    %swap3A = arith.constant 0 : index
    %swap3A_26 = arith.constant 0 : index
    %swap3A_27 = vector.load %arg4[%swap3A, %swap3A_26] : memref<10000x16xf32, #tpu.memory_space<vmem>>, vector<10000x16xf32>
    tpu.vector_store %arg4[%swap3A, %swap3A_26], %sub3A_25 {strides = array<i32>} : memref<10000x16xf32, #tpu.memory_space<vmem>>, vector<10000x16xf32>,
    return
  }
  func.func @transform_0(%arg0: i32) -> (i32, i32, i32) {
    %c0_i32 = arith.constant 0 : i32
    %c0_i32_0 = arith.constant 0 : i32
    %c0_i32_1 = arith.constant 0 : i32
    return %c0_i32, %arg0, %c0_i32_0 : i32, i32, i32
  }
  func.func @transform_1(%arg0: i32) -> (i32, i32) {
    %c0_i32 = arith.constant 0 : i32
    %c0_i32_0 = arith.constant 0 : i32
    %c0_i32_1 = arith.constant 0 : i32
    return %c0_i32, %c0_i32_0 : i32, i32
  }
  func.func @transform_2(%arg0: i32) -> (i32, i32) {
    %c0_i32 = arith.constant 0 : i32
    %c0_i32_0 = arith.constant 0 : i32
    %c0_i32_1 = arith.constant 0 : i32
    return %c0_i32, %c0_i32_0 : i32, i32
  }
  func.func @transform_3(%arg0: i32) -> (i32, i32) {
    %c0_i32 = arith.constant 0 : i32
    %c0_i32_0 = arith.constant 0 : i32
    return %arg0, %c0_i32 : i32, i32
  }
}

</mosaic_0001>

<sc_bundles>
// kernel: kernel.6.cloned.1.call-start
scs
__scs_entry_jumppad:
0x0: {  	(pc) =	sbr.rel $0x88, $3  }
0x1: {  	(tag) =	ssettag $0x0;
	lr =	simm.s32 $0x1  }
0x2: {  	[smem:$0x3F9B] =	sst lr;
	_ =	strace $0xD0000000  }
0x3: {  	_ = 	snop  }
0x4: {  	_ = 	snop  }
0x5: {  	_ = 	snop  }
0x6: {  	_ = 	snop  }
0x7: {  	_ = 	snop  }
__scs_overlays_trampoline_lowered:
0x8: {  	[smem:$0x3FAA] =	sst s0  }
0x9: {  	[smem:$0x3FAB] =	sst s1  }
0xa: {  	[smem:$0x3FAC] =	sst s2  }
0xb: {  	[smem:$0x3FAD] =	sst s3  }
0xc: {  	[smem:$0x3FAE] =	sst s4  }
0xd: {  	[smem:$0x3FAF] =	sst s5  }
0xe: {  	[smem:$0x3FB0] =	sst s6  }
0xf: {  	[smem:$0x3FB1] =	sst s7  }
0x10: {  	[smem:$0x3FB2] =	sst s8  }
0x11: {  	[smem:$0x3FB3] =	sst s9;
	s0 =	simm.s32 @!p0 $0x0  }
0x12: {  	s1 =	sld [smem:$0x3F99];
	s0 =	simm.s32 @p0 $0x1  }
0x13: {  	[smem:$0x3FB4] =	sst s0;
	s0 =	simm.s32 @!p1 $0x0  }
0x14: {  	s2 =	sld [smem:$0x3F98];
	s0 =	simm.s32 @p1 $0x1  }
0x15: {  	[smem:$0x3FB5] =	sst s0;
	s0 =	simm.s32 @!p2 $0x0  }
0x16: {  	s3 =	sld [smem:$0x3FDB];
	s0 =	simm.s32 @p2 $0x1  }
0x17: {  	s4 =	simm.s32 $0x1BF5;
	[smem:$0x3FB7] =	sst s0  }
0x18: {  	s0 =	sld [smem:$0x3F9A];
	_ =	swait.ge [sflag:s4], $0x0  }
0x19: {  	s7 =	sld [smem:$0x3F9B]  }
0x1a: {  	s8 =	sadd.s32 $0xFFFFE003, lr  }
0x1b: {  	s9 =	sadd.s32 $0xFFFFFEF7, lr;
	s5 =	simm.s32 $0xFFFFFFFF;
	p2 =	slt.u32 s8, $0xFFFFF086  }
0x1c: {  	p1 =	slt.u32 s9, $0xF7A;
	s5 =	simm.s32 @!p2 $0x0  }
0x1d: {  	s5 =	simm.s32 @p1 $0x1;
	p0 =	seq.s32 s7, s2  }
0x1e: {  	s7 =	smul.u32 @!p0 $0xF7A, s2;
	p2 =	seq.s32 @!p0 s5, $0x0  }
0x1f: {  	s9 =	smul.u32 $0xF7A, s1;
	s8 =	simm.s32 @!p0 $0x1BF5;
	p2 =	por !p2, p0  }
0x20: {  	[sflag:s8] =	ssyncset.s32 @!p0 $0xFFFFF086;
	s6 =	sadd.s32 @!p0 s3, s7;
	s7 =	simm.s32 @!p0 $0x108  }
0x21: {  	s3 =	sadd.s32 s3, s9;
	s6 =	sadd.s32 @!p0 $0x88, s6;
	s7 =	simm.s32 @p2 $0x1082  }
0x22: {  	[simem:s7], [sflag:s8] =	dma.local @!p0 [hbm:s6], $0xF7A  }
0x23: {  	s9 =	sor.u32 $0xD0000000, s2;
	s6 =	simm.s32 $0x108;
	_ =	swait.ge @!p0 [sflag:s8], $0x0  }
0x24: {  	s3 =	sadd.s32 $0x88, s3;
	s6 =	simm.s32 @!p1 $0x1082;
	[sflag:s4] =	ssyncset.s32 $0xFFFFF086  }
0x25: {  	[simem:s6], [sflag:s4] =	dma.local [hbm:s3], $0xF7A  }
0x26: {  	[smem:$0x3F9B] =	sst s1;
	(tag) =	ssettag s2;
	_ =	strace s9  }
0x27: {  	s1 =	sld [smem:$0x3FAB]  }
0x28: {  	s2 =	sld [smem:$0x3FAC]  }
0x29: {  	s4 =	sld [smem:$0x3FAE]  }
0x2a: {  	p0 =	seq.s32 s5, $0x0;
	s5 =	sld [smem:$0x3FAF]  }
0x2b: {  	s6 =	sld [smem:$0x3FB0]  }
0x2c: {  	s7 =	sld [smem:$0x3FB1]  }
0x2d: {  	s3 =	simm.s32 $0x108;
	s8 =	sld [smem:$0x3FB2]  }
0x2e: {  	s3 =	simm.s32 @!p0 $0x1082;
	s9 =	sld [smem:$0x3FB3]  }
0x2f: {  	lr =	sadd.s32 s0, s3;
	s0 =	sld [smem:$0x3FAA]  }
0x30: {  	s3 =	sld [smem:$0x3FAD]  }
0x31: {  	[smem:$0x3FB6] =	sst s10  }
0x32: {  	s10 =	sld [smem:$0x3FB4];
	_ =	sdelay $0x3  }
0x33: {  	p0 =	seq.s32 s10, $0x1;
	s10 =	sld [smem:$0x3FB6];
	_ =	sdelay $0x3  }
0x34: {  	[smem:$0x3FB6] =	sst s10  }
0x35: {  	s10 =	sld [smem:$0x3FB5];
	_ =	sdelay $0x3  }
0x36: {  	p1 =	seq.s32 s10, $0x1;
	s10 =	sld [smem:$0x3FB6];
	_ =	sdelay $0x3  }
0x37: {  	[smem:$0x3FB6] =	sst s10  }
0x38: {  	s10 =	sld [smem:$0x3FB7]  }
0x39: {  	_ = 	snop;
	(pc) =	sbr.ind lr, $3  }
0x3a: {  	_ = 	snop  }
0x3b: {  	_ = 	snop  }
0x3c: {  	p2 =	seq.s32 s10, $0x1;
	s10 =	sld [smem:$0x3FB6]  }
0x3d: {  	_ =	shalt  }
0x3e: {  	_ =	shalt  }
0x3f: {  	_ =	shalt  }
0x40: {  	_ =	shalt  }
0x41: {  	_ =	shalt  }
0x42: {  	_ =	shalt  }
0x43: {  	_ =	shalt  }
0x44: {  	_ =	shalt  }
0x45: {  	_ =	shalt  }
0x46: {  	_ =	shalt  }
0x47: {  	_ =	shalt  }
0x48: {  	_ =	shalt  }
0x49: {  	_ =	shalt  }
0x4a: {  	_ =	shalt  }
0x4b: {  	_ =	shalt  }
0x4c: {  	_ =	shalt  }
0x4d: {  	_ =	shalt  }
0x4e: {  	_ =	shalt  }
0x4f: {  	_ =	shalt  }
0x50: {  	_ =	shalt  }
0x51: {  	_ =	shalt  }
0x52: {  	_ =	shalt  }
0x53: {  	_ =	shalt  }
0x54: {  	_ =	shalt  }
0x55: {  	_ =	shalt  }
0x56: {  	_ =	shalt  }
0x57: {  	_ =	shalt  }
0x58: {  	_ =	shalt  }
0x59: {  	_ =	shalt  }
0x5a: {  	_ =	shalt  }
0x5b: {  	_ =	shalt  }
0x5c: {  	_ =	shalt  }
0x5d: {  	_ =	shalt  }
0x5e: {  	_ =	shalt  }
0x5f: {  	_ =	shalt  }
0x60: {  	_ =	shalt  }
0x61: {  	_ =	shalt  }
0x62: {  	_ =	shalt  }
0x63: {  	_ =	shalt  }
0x64: {  	_ =	shalt  }
0x65: {  	_ =	shalt  }
0x66: {  	_ =	shalt  }
0x67: {  	_ =	shalt  }
0x68: {  	_ =	shalt  }
0x69: {  	_ =	shalt  }
0x6a: {  	_ =	shalt  }
0x6b: {  	_ =	shalt  }
0x6c: {  	_ =	shalt  }
0x6d: {  	_ =	shalt  }
0x6e: {  	_ =	shalt  }
0x6f: {  	_ =	shalt  }
0x70: {  	_ =	shalt  }
0x71: {  	_ =	shalt  }
0x72: {  	_ =	shalt  }
0x73: {  	_ =	shalt  }
0x74: {  	_ =	shalt  }
0x75: {  	_ =	shalt  }
0x76: {  	_ =	shalt  }
0x77: {  	_ =	shalt  }
0x78: {  	_ =	shalt  }
0x79: {  	_ =	shalt  }
0x7a: {  	_ =	shalt  }
0x7b: {  	_ =	shalt  }
0x7c: {  	_ =	shalt  }
0x7d: {  	_ =	shalt  }
0x7e: {  	_ =	shalt  }
0x7f: {  	_ =	shalt  }
0x80: {  	_ =	shalt  }
0x81: {  	_ =	shalt  }
0x82: {  	_ =	shalt  }
0x83: {  	_ =	shalt  }
0x84: {  	_ =	shalt  }
0x85: {  	_ =	shalt  }
0x86: {  	_ =	shalt  }
0x87: {  	_ =	shalt  }
.Lfunc_end0:
.L_simem_size_0:
called_computation_lowered:
.L_overlay_start_0:
0x88: {  	s2 =	sld [smem:$0x3FD9]  }
0x89: {  	s3 =	sld [smem:$0x3FFE];
	_ =	sdelay $0x1  }
0x8a: {  	s1 =	srdreg.scid  }
0x8b: {  	s0 =	sand.u32 $0x1, s1  }
0x8c: {  	s17 =	sshll.u32 s0, $0xA;
	s2 =	sadd.s32 s3, s2  }
0x8d: {  	s2 =	sadd.s32 s2, s17  }
0x8e: {  	[smem:$0x3FC2] =	sst s2  }
0x8f: {  	_ = 	snop  }
0x90: {  	s2 =	sld [smem:$0x3FC9];
	(tm) =	ssettm $0x1  }
0x91: {  	s18 =	sld [smem:$0x3FFB];
	_ =	sdelay $0x3  }
0x92: {  	_ =	strace s18  }
0x93: {  	s3 =	sld [smem:$0x3FFC];
	_ =	sdelay $0x3  }
0x94: {  	_ =	strace s3  }
0x95: {  	s3 =	sld [smem:$0x3FFD];
	_ =	sdelay $0x3  }
0x96: {  	_ =	strace s3  }
0x97: {  	_ =	strace $0x8FFFFFFF  }
0x98: {  	s19 =	sld [smem:$0x3FDB];
	_ =	sdelay $0x1  }
0x99: {  	s4 =	simm.s32 $_scs_section_size  }
0x9a: {  	s5 =	simm.s32 $_size__tile_overlayer_lowered;
	s6 =	simm.s32 $_tile_overlayer_lowered  }
0x9b: {  	s22 =	simm.s32 $0x1BFF;
	s21 =	sshll.u32 s6, $0x1;
	s3 =	sadd.s32 s4, s19  }
0x9c: {  	s7 =	simm.s32 $0x0;
	s20 =	sshll.u32 s5, $0x1;
	s5 =	sadd.s32 s21, s3  }
0x9d: {  	[timem:s7], [sflag:s22] =	dma.local [hbm:s5], s20  }
0x9e: {  	_ =	swait.ge [sflag:s22], s20  }
0x9f: {  	s4 =	ssub.s32 $0x0, s20;
	[sflag:s22] =	ssyncset.done $0x0  }
0xa0: {  	[sflag:s22] =	ssyncadd.s32 s4;
	_ =	sdelay $0x1  }
0xa1: {  	s23 =	simm.s32 $0x1B8B  }
0xa2: {  	_ =	swait.ge [sflag:s23], $0x1  }
0xa3: {  	[sflag:s23] =	ssyncset.done $0x0  }
0xa4: {  	s25 =	simm.s32 $0x1B8E;
	s24 =	sld [smem:$0x3FFE];
	[sflag:s23] =	ssyncadd.s32 $0xFFFFFFFF  }
0xa5: {  	s26 =	simm.s32 $execute0_lowered;
	[smem:$0x3FD2] =	sst s25  }
0xa6: {  	s5 =	sshll.u32 s26, $0x1;
	_ =	strace $0x80000046;
	[dreg:$0x1] =	wrdreg $0xFFFFFFFF  }
0xa7: {  	s28 =	simm.s32 $_size_execute0_lowered;
	s3 =	sadd.s32 s3, s5;
	[dreg:$0x0] =	wrdreg $0x0  }
0xa8: {  	s5 =	sshll.u32 s28, $0x1;
	[dreg:$0x2] =	wrdreg s3  }
0xa9: {  	[dreg:$0x3] =	wrdreg s5  }
0xaa: {  	[dreg:$0x4] =	wrdreg $0xC0  }
0xab: {  	_ =	task [dreg:s7], $0x5FFFF  }
0xac: {  	[dreg:$0x1] =	wrdreg $0xFFFFFFFF  }
0xad: {  	[dreg:$0x0] =	wrdreg $0x60  }
0xae: {  	[dreg:$0x2] =	wrdreg s24  }
0xaf: {  	[dreg:$0x3] =	wrdreg s2  }
0xb0: {  	[dreg:$0x4] =	wrdreg $0xB8000  }
0xb1: {  	[dreg:$0x5] =	wrdreg $0x9  }
0xb2: {  	_ =	task.clear_ibuf [dreg:s7], $0x6FFFF;
	_ =	strace $0x90000046  }
0xb3: {  	s29 =	simm.s32 $0x9;
	_ =	strace $0x80000048  }
0xb4: {  	_ =	swait.ge [sflag:s29], $0x1  }
0xb5: {  	[sflag:s29] =	ssyncadd.s32 $0xFFFFFFFF  }
0xb6: {  	_ =	strace $0x90000048  }
0xb7: {  	_ =	sfence  }
0xb8: {  	s30 =	sld [smem:$0x0];
	_ =	sdelay $0x2  }
0xb9: {  	s31 =	sshll.u32 s1, $0xD;
	s1 =	sshrl.u32 s1, $0x2  }
0xba: {  	s3 =	sand.u32 $0x4000, s31;
	s1 =	sadd.s32 s1, s30  }
0xbb: {  	s0 =	sor.u32 s3, s0;
	s1 =	sshll.u32 s1, $0x11  }
0xbc: {  	s0 =	sor.u32 s1, s0  }
0xbd: {  	s0 =	sadd.s32 $0x8F2B, s0  }
0xbe: {  	[sflag:s0] =	ssyncadd.remote.s32 $0x1  }
0xbf: {  	_ =	sfence.sel $0xFFFF  }
0xc0: {  	[dreg:$0x0] =	wrdreg $0xFFFFFFFF;
	(pc) =	sbr.abs _section_cstart, $3  }
0xc1: {  	[dreg:$0x1] =	wrdreg $0xFFFFFFFF  }
0xc2: {  	_ =	task.clear_ibuf [dreg:s7], $0x2FFFF;
	_ =	strace $0x9FFFFFFF  }
0xc3: {  	(tm) =	ssettm $0x7FFFFFFF  }
tec
execute0_lowered:
.L_overlay_start_1:
0x0: {  	(tag) =	ssettag $0x1  }
0x1: {  	s0 =	rddreg [dreg:$0x0]  }
0x2: {  	s1 =	rddreg [dreg:$0x1];
	s2 =	srdreg.scid  }
0x3: {  	s3 =	rddreg [dreg:$0x2];
	s10 =	stileid.u32;
	s2 =	sand.u32 $0x1, s2  }
0x4: {  	s4 =	simm.s32 $0x0;
	s5 =	sshll.u32 s10, $0xC;
	s6 =	sshll.u32 s2, $0xB  }
0x5: {  	s28 =	simm.s32 $0x2100;
	s29 =	simm.s32 $0x3080;
	s5 =	sor.u32 s6, s5  }
0x6: {  	s30 =	simm.s32 $0x0;
	[smem:$0x7FF] =	sst s4;
	s5 =	sadd.s32 s5, s0  }
0x7: {  	s7 =	smul.u32 $0x4F000, s10;
	s17 =	sadd.s32 $0x128400, s3;
	s21 =	sadd.s32 $0x1600, s5  }
0x8: {  	_ =	strace $0x80000047;
	s22 =	sadd.s32 $0x11600, s5;
	[dreg:$0x4] =	wrdreg s21  }
0x9: {  	s7 =	sshrl.u32 s7, $0x2;
	s23 =	sadd.s32 $0x1800, s5;
	[dreg:$0x5] =	wrdreg s22  }
0xa: {  	s7 =	sadd.s32 s7, s3;
	s24 =	sadd.s32 $0x11800, s5;
	[dreg:$0x6] =	wrdreg s23  }
0xb: {  	s14 =	smul.u32 $0x13C00, s10;
	s25 =	sadd.s32 $0x2800, s7;
	[dreg:$0x7] =	wrdreg s24  }
0xc: {  	p0 =	seq.s32 s10, $0xF;
	s26 =	sadd.s32 $0x5000, s7;
	[dreg:$0x8] =	wrdreg s25  }
0xd: {  	s10 =	simm.s32 $0x2180;
	s31 =	sadd.s32 $0x7800, s7;
	[dreg:$0x9] =	wrdreg s26  }
0xe: {  	s20 =	ssub.s32 $0x2, s2;
	s9 =	sadd.s32 $0xA000, s7;
	[dreg:$0xa] =	wrdreg s31  }
0xf: {  	s2 =	smul.u32 $0x138800, s2;
	s11 =	sadd.s32 $0xC800, s7;
	[dreg:$0xb] =	wrdreg s9  }
0x10: {  	s8 =	sshrl.u32 s20, $0x1;
	s12 =	sadd.s32 $0xF000, s7;
	[dreg:$0xc] =	wrdreg s11  }
0x11: {  	s0 =	sadd.s32 $0x21600, s0;
	s13 =	sadd.s32 $0x11800, s7;
	[dreg:$0xd] =	wrdreg s12  }
0x12: {  	s6 =	ssub.s32 s20, s8;
	s15 =	sadd.s32 $0x11A00, s5;
	[dreg:$0xe] =	wrdreg s13  }
0x13: {  	s16 =	sshrl.u32 s2, $0x3;
	s18 =	sadd.s32 $0x1C00, s5;
	[dreg:$0x10] =	wrdreg s15  }
0x14: {  	s2 =	sadd.s32 s14, s2;
	s9 =	sadd.s32 $0x1A00, s5;
	[dreg:$0x11] =	wrdreg s18  }
0x15: {  	s19 =	sadd.s32 s0, s16;
	s5 =	sadd.s32 $0x11C00, s5;
	[dreg:$0xf] =	wrdreg s9  }
0x16: {  	s8 =	simm.s32 $0x50;
	s20 =	sadd.s32 $0x25080, s19;
	[dreg:$0x12] =	wrdreg s5  }
0x17: {  	s14 =	simm.s32 $0x9000;
	s21 =	sadd.s32 $0x12AC00, s3;
	[dreg:$0x13] =	wrdreg s20  }
0x18: {  	s2 =	sshrl.u32 s2, $0x3;
	s22 =	sadd.s32 $0x12D400, s3;
	[dreg:$0x14] =	wrdreg s21  }
0x19: {  	s16 =	simm.s32 $0x4;
	s0 =	sadd.s32 s0, s2;
	[dreg:$0x15] =	wrdreg s22  }
0x1a: {  	s23 =	sadd.s32 $0x12FC00, s3;
	s24 =	sadd.s32 $0x132400, s3;
	[dreg:$0x16] =	wrdreg s0  }
0x1b: {  	s25 =	smax.u32 s6, $0x1;
	s26 =	sadd.s32 $0x134C00, s3;
	[dreg:$0x17] =	wrdreg s23  }
0x1c: {  	s31 =	sadd.s32 $0x137400, s3;
	s2 =	simm.s32 $0x1000;
	[dreg:$0x18] =	wrdreg s24  }
0x1d: {  	s6 =	simm.s32 $0x3000;
	s11 =	simm.s32 $0x6800;
	[dreg:$0x19] =	wrdreg s25  }
.Ltmp0:
0x1e: {  	s12 =	simm.s32 $0x1;
	[dreg:$0x1a] =	wrdreg s26;
	(pc) =	sbr.rel .LBB2_1-.Ltmp0, $4  }
0x1f: {  	s19 =	simm.s32 $0x3;
	[dreg:$0x1b] =	wrdreg s31;
	s0 =	simm.s32 $0x8  }
0x20: {  	s5 =	simm.s32 $0x2000;
	s9 =	simm.s32 $0x4000;
	s20 =	simm.s32 $0x5  }
0x21: {  	s21 =	simm.s32 $0x7;
	s22 =	simm.s32 $0x1F00;
	s23 =	simm.s32 $0x6  }
0x22: {  	v0 =	vimm.f32 $0.0e+00;
	s24 =	simm.s32 $0x2;
	s25 =	simm.s32 $0x1F80;
	s26 =	simm.s32 $0x2080  }
.LBB2_23:
0x23: {  	_ =	swait.ge [sflag:s12], $0x2800  }
0x24: {  	[sflag:s12] =	ssyncset.done $0x0  }
0x25: {  	s13 =	simm.s32 $0x3D80;
	[sflag:s12] =	ssyncadd.s32 $0xFFFFD800  }
0x26: {  	[spmem:s3] =	stream.indirect.scatter.add.f32 [tilespmem:s9], [sflag:$0x4], $0x80, s13, s8, $0xb8;
	[tilespmem:$0x1F080] =	vst v63  }
0x27: {  	_ =	swait.ge [sflag:s24], $0x2800  }
0x28: {  	[sflag:s24] =	ssyncset.done $0x0  }
0x29: {  	s18 =	simm.s32 $0x3E00;
	[sflag:s24] =	ssyncadd.s32 $0xFFFFD800  }
0x2a: {  	[spmem:s3] =	stream.indirect.scatter.add.f32 [tilespmem:s11], [sflag:$0x5], $0x80, s18, s8, $0xb8;
	[tilespmem:$0x1F080] =	vst v63  }
0x2b: {  	_ =	swait.ge [sflag:s16], $0x2800  }
0x2c: {  	[sflag:s16] =	ssyncset.done $0x0  }
0x2d: {  	[sflag:s16] =	ssyncadd.s32 $0xFFFFD800  }
0x2e: {  	_ =	swait.ge [sflag:s20], $0x2800  }
0x2f: {  	[sflag:s20] =	ssyncset.done $0x0  }
0x30: {  	[sflag:s20] =	ssyncadd.s32 $0xFFFFD800  }
0x31: {  	_ =	swait.ge [sflag:s23], $0x2800  }
0x32: {  	[sflag:s23] =	ssyncset.done $0x0  }
0x33: {  	[sflag:s23] =	ssyncadd.s32 $0xFFFFD800  }
0x34: {  	[bflag:$0x0] =	sbarrier.arrive $0xFFFF  }
0x35: {  	s15 =	simm.s32 @p0 $0x1FC8;
	s13 =	sshrl.u32 @p0 s17, $0x3;
	s18 =	rddreg [dreg:$0x13]  }
0x36: {  	[hbm:s18], [sflag:s15] =	dma.local @p0 [spmem:s13], $0x2080  }
0x37: {  	s13 =	simm.s32 @p0 $0x8  }
0x38: {  	s15 =	stileid.u32;
	_ =	swait.ge @p0 [sflag:s13], $0x2080  }
0x39: {  	s15 =	sshll.u32 @!p0 s15, $0x6;
	[sflag:s13] =	ssyncset.done @p0 $0x0;
	s18 =	rddreg [dreg:$0x16]  }
0x3a: {  	[sflag:s13] =	ssyncadd.s32 @p0 $0xFFFFDF80;
	s13 =	sor.u32 @!p0 $0x1C08, s15;
	s15 =	sshrl.u32 @!p0 s7, $0x3  }
0x3b: {  	[hbm:s18], [sflag:s13] =	dma.local @!p0 [spmem:s15], $0x2780  }
0x3c: {  	s13 =	simm.s32 @!p0 $0x8  }
0x3d: {  	_ =	swait.ge @!p0 [sflag:s13], $0x2780  }
0x3e: {  	s30 =	sadd.s32 $0x1, s30;
	s31 =	rddreg [dreg:$0x19]  }
0x3f: {  	p1 =	sne.s32 s30, s31  }
.Ltmp1:
0x40: {  	_ = 	snop;
	(pc) =	sbr.rel @!p1 .LBB2_24-.Ltmp1, $3  }
0x41: {  	_ =	sdelay $0x1  }
0x42: {  	[sflag:s13] =	ssyncset.done @!p0 $0x0  }
0x43: {  	[sflag:s13] =	ssyncadd.s32 @!p0 $0xFFFFD880  }
.LBB2_1:
0x44: {  	s13 =	rddreg [dreg:$0x4]  }
0x45: {  	[tilespmem:s4], [sflag:$0x8] =	stream.linear.gather [hbm4b:s13+s4], $0x1000, $0x38;
	[tilespmem:$0x1F080] =	vst v63  }
0x46: {  	_ =	swait.ge [sflag:s0], $0x1000  }
0x47: {  	[sflag:s0] =	ssyncset.done $0x0  }
0x48: {  	s31 =	rddreg [dreg:$0x5];
	[sflag:s0] =	ssyncadd.s32 $0xFFFFF000  }
0x49: {  	[tilespmem:s2], [sflag:$0x8] =	stream.linear.gather [hbm4b:s31+s4], $0x1000, $0x38;
	[tilespmem:$0x1F080] =	vst v63  }
0x4a: {  	_ =	swait.ge [sflag:s0], $0x1000  }
0x4b: {  	[sflag:s0] =	ssyncset.done $0x0  }
0x4c: {  	s15 =	rddreg [dreg:$0x6];
	[sflag:s0] =	ssyncadd.s32 $0xFFFFF000  }
0x4d: {  	[tilespmem:s5], [sflag:$0x7] =	stream.linear.gather [hbm4b:s15+s4], $0x1000, $0x38;
	[tilespmem:$0x1F080] =	vst v63  }
0x4e: {  	s18 =	rddreg [dreg:$0x7]  }
0x4f: {  	[tilespmem:s6], [sflag:$0x7] =	stream.linear.gather [hbm4b:s18+s4], $0x1000, $0x38;
	[tilespmem:$0x1F080] =	vst v63  }
0x50: {  	_ = 	snop  }
0x51: {  	[tilespmem:s9], [sflag:$0x1] =	stream.indirect.gather [hbm4b:s1+s8], $0x80, s4, s8, $0xb8;
	[tilespmem:$0x1F080] =	vst v63  }
0x52: {  	s13 =	simm.s32 $0x0;
	s31 =	simm.s32 $0x80;
	s15 =	simm.s32 $0x200  }
0x53: {  	[tilespmem:s11], [sflag:$0x2] =	stream.indirect.gather [hbm4b:s1+s8], $0x80, s31, s8, $0xb8;
	[tilespmem:$0x1F080] =	vst v63  }
.LBB2_2:
0x54: {  	p1 =	sne.s32 s15, $0x9E00;
	[tilespmem:s13+$0x9070] =	vst v0  }
0x55: {  	[tilespmem:s13+$0x9000] =	vst v0  }
0x56: {  	[tilespmem:s13+$0x9010] =	vst v0  }
.Ltmp2:
0x57: {  	[tilespmem:s13+$0x9020] =	vst v0;
	(pc) =	sbr.rel @p1 .LBB2_2-.Ltmp2, $4  }
0x58: {  	[tilespmem:s13+$0x9030] =	vst v0  }
0x59: {  	[tilespmem:s13+$0x9040] =	vst v0  }
0x5a: {  	[tilespmem:s13+$0x9050] =	vst v0  }
0x5b: {  	[tilespmem:s13+$0x9060] =	vst v0;
	s13 =	sshra.s32 s15, $0x2;
	s15 =	sadd.s32 $0x200, s15  }
0x5c: {  	[tilespmem:s13+$0x9070] =	vst v0  }
0x5d: {  	[tilespmem:s13+$0x9000] =	vst v0  }
0x5e: {  	[tilespmem:s13+$0x9010] =	vst v0  }
0x5f: {  	[tilespmem:s13+$0x9020] =	vst v0  }
0x60: {  	[tilespmem:s13+$0x9030] =	vst v0  }
0x61: {  	[tilespmem:s13+$0x9040] =	vst v0  }
0x62: {  	[tilespmem:s13+$0x9050] =	vst v0  }
0x63: {  	[tilespmem:s13+$0x9060] =	vst v0;
	s13 =	simm.s32 @p0 $0x9000  }
0x64: {  	[spmem:s17] =	stream.linear.scatter @p0 [tilespmem:s13], [sflag:$0x4], $0x2800, $0x38;
	[tilespmem:$0x1F080] =	vst v63  }
0x65: {  	s15 =	rddreg [dreg:$0x14]  }
0x66: {  	[spmem:s15] =	stream.linear.scatter @p0 [tilespmem:s13], [sflag:$0x4], $0x2800, $0x38;
	[tilespmem:$0x1F080] =	vst v63  }
0x67: {  	s15 =	rddreg [dreg:$0x15]  }
0x68: {  	[spmem:s15] =	stream.linear.scatter @p0 [tilespmem:s13], [sflag:$0x4], $0x2800, $0x38;
	[tilespmem:$0x1F080] =	vst v63  }
0x69: {  	s15 =	rddreg [dreg:$0x17]  }
0x6a: {  	[spmem:s15] =	stream.linear.scatter @p0 [tilespmem:s13], [sflag:$0x4], $0x2800, $0x38;
	[tilespmem:$0x1F080] =	vst v63  }
0x6b: {  	s15 =	rddreg [dreg:$0x18]  }
0x6c: {  	[spmem:s15] =	stream.linear.scatter @p0 [tilespmem:s13], [sflag:$0x4], $0x2800, $0x38;
	[tilespmem:$0x1F080] =	vst v63  }
0x6d: {  	s15 =	rddreg [dreg:$0x1a]  }
0x6e: {  	[spmem:s15] =	stream.linear.scatter @p0 [tilespmem:s13], [sflag:$0x4], $0x2800, $0x38;
	[tilespmem:$0x1F080] =	vst v63  }
0x6f: {  	s15 =	rddreg [dreg:$0x1b]  }
0x70: {  	[spmem:s15] =	stream.linear.scatter @p0 [tilespmem:s13], [sflag:$0x4], $0x1400, $0x38;
	[tilespmem:$0x1F080] =	vst v63  }
0x71: {  	s13 =	simm.s32 @p0 $0x4  }
0x72: {  	_ =	swait.ge @p0 [sflag:s13], $0x2800  }
0x73: {  	[sflag:s13] =	ssyncset.done @p0 $0x0  }
0x74: {  	[sflag:s13] =	ssyncadd.s32 @p0 $0xFFFFD800  }
0x75: {  	_ =	swait.ge @p0 [sflag:s13], $0x2800  }
0x76: {  	[sflag:s13] =	ssyncset.done @p0 $0x0  }
0x77: {  	[sflag:s13] =	ssyncadd.s32 @p0 $0xFFFFD800  }
0x78: {  	_ =	swait.ge @p0 [sflag:s13], $0x2800  }
0x79: {  	[sflag:s13] =	ssyncset.done @p0 $0x0  }
0x7a: {  	[sflag:s13] =	ssyncadd.s32 @p0 $0xFFFFD800  }
0x7b: {  	_ =	swait.ge @p0 [sflag:s13], $0x2800  }
0x7c: {  	[sflag:s13] =	ssyncset.done @p0 $0x0  }
0x7d: {  	[sflag:s13] =	ssyncadd.s32 @p0 $0xFFFFD800  }
0x7e: {  	_ =	swait.ge @p0 [sflag:s13], $0x2800  }
0x7f: {  	[sflag:s13] =	ssyncset.done @p0 $0x0  }
0x80: {  	[sflag:s13] =	ssyncadd.s32 @p0 $0xFFFFD800  }
0x81: {  	_ =	swait.ge @p0 [sflag:s13], $0x2800  }
0x82: {  	[sflag:s13] =	ssyncset.done @p0 $0x0  }
0x83: {  	[sflag:s13] =	ssyncadd.s32 @p0 $0xFFFFD800  }
0x84: {  	_ =	swait.ge @p0 [sflag:s13], $0x1400  }
0x85: {  	[sflag:s13] =	ssyncset.done @p0 $0x0  }
0x86: {  	[sflag:s13] =	ssyncadd.s32 @p0 $0xFFFFEC00;
	s13 =	simm.s32 @!p0 $0x9000  }
0x87: {  	[spmem:s7] =	stream.linear.scatter @!p0 [tilespmem:s13], [sflag:$0x4], $0x2800, $0x38;
	[tilespmem:$0x1F080] =	vst v63  }
0x88: {  	s15 =	rddreg [dreg:$0x8]  }
0x89: {  	[spmem:s15] =	stream.linear.scatter @!p0 [tilespmem:s13], [sflag:$0x4], $0x2800, $0x38;
	[tilespmem:$0x1F080] =	vst v63  }
0x8a: {  	s15 =	rddreg [dreg:$0x9]  }
0x8b: {  	[spmem:s15] =	stream.linear.scatter @!p0 [tilespmem:s13], [sflag:$0x4], $0x2800, $0x38;
	[tilespmem:$0x1F080] =	vst v63  }
0x8c: {  	s15 =	rddreg [dreg:$0xa]  }
0x8d: {  	[spmem:s15] =	stream.linear.scatter @!p0 [tilespmem:s13], [sflag:$0x4], $0x2800, $0x38;
	[tilespmem:$0x1F080] =	vst v63  }
0x8e: {  	s15 =	rddreg [dreg:$0xb]  }
0x8f: {  	[spmem:s15] =	stream.linear.scatter @!p0 [tilespmem:s13], [sflag:$0x4], $0x2800, $0x38;
	[tilespmem:$0x1F080] =	vst v63  }
0x90: {  	s15 =	rddreg [dreg:$0xc]  }
0x91: {  	[spmem:s15] =	stream.linear.scatter @!p0 [tilespmem:s13], [sflag:$0x4], $0x2800, $0x38;
	[tilespmem:$0x1F080] =	vst v63  }
0x92: {  	s15 =	rddreg [dreg:$0xd]  }
0x93: {  	[spmem:s15] =	stream.linear.scatter @!p0 [tilespmem:s13], [sflag:$0x4], $0x2800, $0x38;
	[tilespmem:$0x1F080] =	vst v63  }
0x94: {  	s15 =	rddreg [dreg:$0xe]  }
0x95: {  	[spmem:s15] =	stream.linear.scatter @!p0 [tilespmem:s13], [sflag:$0x4], $0x2400, $0x38;
	[tilespmem:$0x1F080] =	vst v63  }
0x96: {  	s13 =	simm.s32 @!p0 $0x4  }
0x97: {  	_ =	swait.ge @!p0 [sflag:s13], $0x2800  }
0x98: {  	[sflag:s13] =	ssyncset.done @!p0 $0x0  }
0x99: {  	[sflag:s13] =	ssyncadd.s32 @!p0 $0xFFFFD800  }
0x9a: {  	_ =	swait.ge @!p0 [sflag:s13], $0x2800  }
0x9b: {  	[sflag:s13] =	ssyncset.done @!p0 $0x0  }
0x9c: {  	[sflag:s13] =	ssyncadd.s32 @!p0 $0xFFFFD800  }
0x9d: {  	_ =	swait.ge @!p0 [sflag:s13], $0x2800  }
0x9e: {  	[sflag:s13] =	ssyncset.done @!p0 $0x0  }
0x9f: {  	[sflag:s13] =	ssyncadd.s32 @!p0 $0xFFFFD800  }
0xa0: {  	_ =	swait.ge @!p0 [sflag:s13], $0x2800  }
0xa1: {  	[sflag:s13] =	ssyncset.done @!p0 $0x0  }
0xa2: {  	[sflag:s13] =	ssyncadd.s32 @!p0 $0xFFFFD800  }
0xa3: {  	_ =	swait.ge @!p0 [sflag:s13], $0x2800  }
0xa4: {  	[sflag:s13] =	ssyncset.done @!p0 $0x0  }
0xa5: {  	[sflag:s13] =	ssyncadd.s32 @!p0 $0xFFFFD800  }
0xa6: {  	_ =	swait.ge @!p0 [sflag:s13], $0x2800  }
0xa7: {  	[sflag:s13] =	ssyncset.done @!p0 $0x0  }
0xa8: {  	[sflag:s13] =	ssyncadd.s32 @!p0 $0xFFFFD800  }
0xa9: {  	_ =	swait.ge @!p0 [sflag:s13], $0x2800  }
0xaa: {  	[sflag:s13] =	ssyncset.done @!p0 $0x0  }
0xab: {  	[sflag:s13] =	ssyncadd.s32 @!p0 $0xFFFFD800  }
0xac: {  	_ =	swait.ge @!p0 [sflag:s13], $0x2400  }
0xad: {  	[sflag:s13] =	ssyncset.done @!p0 $0x0  }
0xae: {  	[sflag:s13] =	ssyncadd.s32 @!p0 $0xFFFFDC00  }
0xaf: {  	[bflag:$0x0] =	sbarrier.arrive $0xFFFF  }
0xb0: {  	_ =	swait.ge [sflag:s12], $0x2800  }
0xb1: {  	[sflag:s12] =	ssyncset.done $0x0  }
0xb2: {  	[sflag:s12] =	ssyncadd.s32 $0xFFFFD800  }
0xb3: {  	[spmem:s3] =	stream.indirect.scatter.add.f32 [tilespmem:s9], [sflag:$0x4], $0x80, s2, s8, $0xb8;
	[tilespmem:$0x1F080] =	vst v63  }
0xb4: {  	s18 =	simm.s32 $0x100;
	s31 =	simm.s32 $0x2  }
0xb5: {  	[tilespmem:s14], [sflag:$0x3] =	stream.indirect.gather [hbm4b:s1+s8], $0x80, s18, s8, $0xb8;
	[tilespmem:$0x1F080] =	vst v63  }
0xb6: {  	_ =	swait.ge [sflag:s31], $0x2800  }
0xb7: {  	[sflag:s31] =	ssyncset.done $0x0  }
0xb8: {  	s15 =	simm.s32 $0x1080;
	[sflag:s31] =	ssyncadd.s32 $0xFFFFD800  }
0xb9: {  	[spmem:s3] =	stream.indirect.scatter.add.f32 [tilespmem:s11], [sflag:$0x5], $0x80, s15, s8, $0xb8;
	[tilespmem:$0x1F080] =	vst v63  }
.Ltmp3:
0xba: {  	_ = 	snop;
	(pc) =	sbr.rel .LBB2_4-.Ltmp3, $4  }
0xbb: {  	_ =	swait.ge [sflag:s16], $0x2800  }
0xbc: {  	s13 =	simm.s32 $0x200;
	[sflag:s16] =	ssyncset.done $0x0  }
0xbd: {  	s18 =	simm.s32 $0x180;
	s15 =	simm.s32 $0x1100;
	[sflag:s16] =	ssyncadd.s32 $0xFFFFD800  }
0xbe: {  	[tilespmem:s9], [sflag:$0x1] =	stream.indirect.gather [hbm4b:s1+s8], $0x80, s18, s8, $0xb8;
	[tilespmem:$0x1F080] =	vst v63  }
.LBB2_6:
0xbf: {  	_ =	swait.ge [sflag:s19], $0x2800  }
0xc0: {  	[sflag:s19] =	ssyncset.done $0x0  }
0xc1: {  	[sflag:s19] =	ssyncadd.s32 $0xFFFFD800  }
0xc2: {  	[spmem:s3] =	stream.indirect.scatter.add.f32 [tilespmem:s14], [sflag:$0x6], $0x80, s15, s8, $0xb8;
	[tilespmem:$0x1F080] =	vst v63  }
0xc3: {  	_ =	swait.ge [sflag:s20], $0x2800  }
0xc4: {  	[sflag:s20] =	ssyncset.done $0x0  }
0xc5: {  	[sflag:s20] =	ssyncadd.s32 $0xFFFFD800  }
0xc6: {  	[tilespmem:s11], [sflag:$0x2] =	stream.indirect.gather [hbm4b:s1+s8], $0x80, s13, s8, $0xb8;
	[tilespmem:$0x1F080] =	vst v63  }
.LBB2_7:
0xc7: {  	s31 =	sadd.s32 $0x1, s31  }
0xc8: {  	p1 =	sne.s32 s31, $0x1E  }
.Ltmp4:
0xc9: {  	_ = 	snop;
	(pc) =	sbr.rel @!p1 .LBB2_8-.Ltmp4, $2  }
0xca: {  	_ =	sdelay $0x2  }
0xcb: {  	s13 =	sadd.s32 $0x80, s13;
	s15 =	sadd.s32 $0x80, s15  }
.LBB2_4:
0xcc: {  	s18 =	smul.u32 $0xAB, s31;
	_ =	sdelay $0x1  }
0xcd: {  	s18 =	sshrl.u32 s18, $0x9  }
0xce: {  	s18 =	sand.u32 $0x7F, s18  }
0xcf: {  	s18 =	smul.u32 $0x3, s18;
	_ =	sdelay $0x1  }
0xd0: {  	s18 =	ssub.s32 s31, s18  }
0xd1: {  	s18 =	sand.u32 $0xFF, s18  }
0xd2: {  	p1 =	seq.s32 s18, $0x2  }
.Ltmp5:
0xd3: {  	_ = 	snop;
	(pc) =	sbr.rel @p1 .LBB2_6-.Ltmp5, $1  }
0xd4: {  	_ =	sdelay $0x3  }
0xd5: {  	p1 =	seq.s32 s18, $0x1  }
0xd6: {  	_ =	swait.ge @p1 [sflag:s24], $0x2800  }
0xd7: {  	[sflag:s24] =	ssyncset.done @p1 $0x0  }
0xd8: {  	[sflag:s24] =	ssyncadd.s32 @p1 $0xFFFFD800  }
0xd9: {  	[spmem:s3] =	stream.indirect.scatter.add.f32 @p1 [tilespmem:s11], [sflag:$0x5], $0x80, s15, s8, $0xb8;
	[tilespmem:$0x1F080] =	vst v63  }
0xda: {  	_ =	swait.ge @p1 [sflag:s16], $0x2800  }
0xdb: {  	[sflag:s16] =	ssyncset.done @p1 $0x0  }
0xdc: {  	[sflag:s16] =	ssyncadd.s32 @p1 $0xFFFFD800  }
0xdd: {  	[tilespmem:s9], [sflag:$0x1] =	stream.indirect.gather @p1 [hbm4b:s1+s8], $0x80, s13, s8, $0xb8;
	[tilespmem:$0x1F080] =	vst v63  }
0xde: {  	_ =	swait.ge @!p1 [sflag:s12], $0x2800  }
0xdf: {  	[sflag:s12] =	ssyncset.done @!p1 $0x0  }
0xe0: {  	[sflag:s12] =	ssyncadd.s32 @!p1 $0xFFFFD800  }
0xe1: {  	[spmem:s3] =	stream.indirect.scatter.add.f32 @!p1 [tilespmem:s9], [sflag:$0x4], $0x80, s15, s8, $0xb8;
	[tilespmem:$0x1F080] =	vst v63  }
.Ltmp6:
0xe2: {  	_ = 	snop;
	(pc) =	sbr.rel .LBB2_7-.Ltmp6, $4  }
0xe3: {  	_ =	swait.ge @!p1 [sflag:s23], $0x2800  }
0xe4: {  	[sflag:s23] =	ssyncset.done @!p1 $0x0  }
0xe5: {  	[sflag:s23] =	ssyncadd.s32 @!p1 $0xFFFFD800  }
0xe6: {  	[tilespmem:s14], [sflag:$0x3] =	stream.indirect.gather @!p1 [hbm4b:s1+s8], $0x80, s13, s8, $0xb8;
	[tilespmem:$0x1F080] =	vst v63  }
.LBB2_8:
0xe7: {  	_ =	swait.ge [sflag:s21], $0x1000  }
0xe8: {  	[sflag:s21] =	ssyncset.done $0x0  }
0xe9: {  	[sflag:s21] =	ssyncadd.s32 $0xFFFFF000  }
0xea: {  	_ =	swait.ge [sflag:s21], $0x1000  }
0xeb: {  	[sflag:s21] =	ssyncset.done $0x0  }
0xec: {  	[sflag:s21] =	ssyncadd.s32 $0xFFFFF000  }
0xed: {  	_ =	swait.ge [sflag:s12], $0x2800  }
0xee: {  	[sflag:s12] =	ssyncset.done $0x0  }
0xef: {  	[sflag:s12] =	ssyncadd.s32 $0xFFFFD800  }
0xf0: {  	[spmem:s3] =	stream.indirect.scatter.add.f32 [tilespmem:s9], [sflag:$0x4], $0x80, s22, s8, $0xb8;
	[tilespmem:$0x1F080] =	vst v63  }
0xf1: {  	_ =	swait.ge [sflag:s23], $0x2800  }
0xf2: {  	[sflag:s23] =	ssyncset.done $0x0  }
0xf3: {  	[sflag:s23] =	ssyncadd.s32 $0xFFFFD800  }
0xf4: {  	[tilespmem:s14], [sflag:$0x3] =	stream.indirect.gather [hbm4b:s1+s8], $0x80, s5, s8, $0xb8;
	[tilespmem:$0x1F080] =	vst v63  }
0xf5: {  	_ =	swait.ge [sflag:s24], $0x2800  }
0xf6: {  	[sflag:s24] =	ssyncset.done $0x0  }
0xf7: {  	s31 =	simm.s32 $0x4;
	[sflag:s24] =	ssyncadd.s32 $0xFFFFD800  }
0xf8: {  	[spmem:s3] =	stream.indirect.scatter.add.f32 [tilespmem:s11], [sflag:$0x5], $0x80, s25, s8, $0xb8;
	[tilespmem:$0x1F080] =	vst v63  }
0xf9: {  	_ =	swait.ge [sflag:s31], $0x2800  }
0xfa: {  	[sflag:s31] =	ssyncset.done $0x0  }
0xfb: {  	[sflag:s31] =	ssyncadd.s32 $0xFFFFD800  }
0xfc: {  	[tilespmem:s9], [sflag:$0x1] =	stream.indirect.gather [hbm4b:s1+s8], $0x80, s26, s8, $0xb8;
	[tilespmem:$0x1F080] =	vst v63  }
0xfd: {  	_ =	swait.ge [sflag:s19], $0x2800  }
0xfe: {  	[sflag:s19] =	ssyncset.done $0x0  }
0xff: {  	[sflag:s19] =	ssyncadd.s32 $0xFFFFD800  }
0x100: {  	[spmem:s3] =	stream.indirect.scatter.add.f32 [tilespmem:s14], [sflag:$0x6], $0x80, s6, s8, $0xb8;
	[tilespmem:$0x1F080] =	vst v63  }
0x101: {  	_ =	swait.ge [sflag:s20], $0x2800  }
0x102: {  	[sflag:s20] =	ssyncset.done $0x0  }
0x103: {  	[sflag:s20] =	ssyncadd.s32 $0xFFFFD800  }
0x104: {  	[tilespmem:s11], [sflag:$0x2] =	stream.indirect.gather [hbm4b:s1+s8], $0x80, s28, s8, $0xb8;
	[tilespmem:$0x1F080] =	vst v63  }
0x105: {  	_ =	swait.ge [sflag:s12], $0x2800  }
0x106: {  	[sflag:s12] =	ssyncset.done $0x0  }
0x107: {  	[sflag:s12] =	ssyncadd.s32 $0xFFFFD800  }
0x108: {  	[spmem:s3] =	stream.indirect.scatter.add.f32 [tilespmem:s9], [sflag:$0x4], $0x80, s29, s8, $0xb8;
	[tilespmem:$0x1F080] =	vst v63  }
0x109: {  	_ =	swait.ge [sflag:s23], $0x2800  }
0x10a: {  	[sflag:s23] =	ssyncset.done $0x0  }
0x10b: {  	[sflag:s23] =	ssyncadd.s32 $0xFFFFD800  }
0x10c: {  	[tilespmem:s14], [sflag:$0x3] =	stream.indirect.gather [hbm4b:s1+s8], $0x80, s10, s8, $0xb8;
	[tilespmem:$0x1F080] =	vst v63  }
.Ltmp7:
0x10d: {  	_ = 	snop;
	(pc) =	sbr.rel .LBB2_9-.Ltmp7, $4  }
0x10e: {  	s13 =	rddreg [dreg:$0xf]  }
0x10f: {  	[tilespmem:s4], [sflag:$0x7] =	stream.linear.gather [hbm4b:s13+s4], $0x1000, $0x38;
	[tilespmem:$0x1F080] =	vst v63  }
0x110: {  	s15 =	simm.s32 $0x2200;
	s18 =	rddreg [dreg:$0x10];
	s13 =	simm.s32 $0x3100  }
0x111: {  	[tilespmem:s2], [sflag:$0x7] =	stream.linear.gather [hbm4b:s18+s4], $0x1000, $0x38;
	[tilespmem:$0x1F080] =	vst v63  }
.LBB2_11:
0x112: {  	_ =	swait.ge [sflag:s19], $0x2800  }
0x113: {  	[sflag:s19] =	ssyncset.done $0x0  }
0x114: {  	[sflag:s19] =	ssyncadd.s32 $0xFFFFD800  }
0x115: {  	[spmem:s3] =	stream.indirect.scatter.add.f32 [tilespmem:s14], [sflag:$0x6], $0x80, s13, s8, $0xb8;
	[tilespmem:$0x1F080] =	vst v63  }
0x116: {  	_ =	swait.ge [sflag:s20], $0x2800  }
0x117: {  	[sflag:s20] =	ssyncset.done $0x0  }
0x118: {  	[sflag:s20] =	ssyncadd.s32 $0xFFFFD800  }
0x119: {  	[tilespmem:s11], [sflag:$0x2] =	stream.indirect.gather [hbm4b:s1+s8], $0x80, s15, s8, $0xb8;
	[tilespmem:$0x1F080] =	vst v63  }
.LBB2_12:
0x11a: {  	s31 =	sadd.s32 $0x1, s31  }
0x11b: {  	p1 =	sne.s32 s31, $0x20  }
.Ltmp8:
0x11c: {  	_ = 	snop;
	(pc) =	sbr.rel @!p1 .LBB2_13-.Ltmp8, $2  }
0x11d: {  	_ =	sdelay $0x2  }
0x11e: {  	s13 =	sadd.s32 $0x80, s13;
	s15 =	sadd.s32 $0x80, s15  }
.LBB2_9:
0x11f: {  	s18 =	smul.u32 $0xAB, s31;
	_ =	sdelay $0x1  }
0x120: {  	s18 =	sshrl.u32 s18, $0x9  }
0x121: {  	s18 =	sand.u32 $0x7F, s18  }
0x122: {  	s18 =	smul.u32 $0x3, s18;
	_ =	sdelay $0x1  }
0x123: {  	s18 =	ssub.s32 s31, s18  }
0x124: {  	s18 =	sand.u32 $0xFF, s18  }
0x125: {  	p1 =	seq.s32 s18, $0x2  }
.Ltmp9:
0x126: {  	_ = 	snop;
	(pc) =	sbr.rel @p1 .LBB2_11-.Ltmp9, $1  }
0x127: {  	_ =	sdelay $0x3  }
0x128: {  	p1 =	seq.s32 s18, $0x1  }
0x129: {  	_ =	swait.ge @p1 [sflag:s24], $0x2800  }
0x12a: {  	[sflag:s24] =	ssyncset.done @p1 $0x0  }
0x12b: {  	[sflag:s24] =	ssyncadd.s32 @p1 $0xFFFFD800  }
0x12c: {  	[spmem:s3] =	stream.indirect.scatter.add.f32 @p1 [tilespmem:s11], [sflag:$0x5], $0x80, s13, s8, $0xb8;
	[tilespmem:$0x1F080] =	vst v63  }
0x12d: {  	_ =	swait.ge @p1 [sflag:s16], $0x2800  }
0x12e: {  	[sflag:s16] =	ssyncset.done @p1 $0x0  }
0x12f: {  	[sflag:s16] =	ssyncadd.s32 @p1 $0xFFFFD800  }
0x130: {  	[tilespmem:s9], [sflag:$0x1] =	stream.indirect.gather @p1 [hbm4b:s1+s8], $0x80, s15, s8, $0xb8;
	[tilespmem:$0x1F080] =	vst v63  }
0x131: {  	_ =	swait.ge @!p1 [sflag:s12], $0x2800  }
0x132: {  	[sflag:s12] =	ssyncset.done @!p1 $0x0  }
0x133: {  	[sflag:s12] =	ssyncadd.s32 @!p1 $0xFFFFD800  }
0x134: {  	[spmem:s3] =	stream.indirect.scatter.add.f32 @!p1 [tilespmem:s9], [sflag:$0x4], $0x80, s13, s8, $0xb8;
	[tilespmem:$0x1F080] =	vst v63  }
.Ltmp10:
0x135: {  	_ = 	snop;
	(pc) =	sbr.rel .LBB2_12-.Ltmp10, $4  }
0x136: {  	_ =	swait.ge @!p1 [sflag:s23], $0x2800  }
0x137: {  	[sflag:s23] =	ssyncset.done @!p1 $0x0  }
0x138: {  	[sflag:s23] =	ssyncadd.s32 @!p1 $0xFFFFD800  }
0x139: {  	[tilespmem:s14], [sflag:$0x3] =	stream.indirect.gather @!p1 [hbm4b:s1+s8], $0x80, s15, s8, $0xb8;
	[tilespmem:$0x1F080] =	vst v63  }
.LBB2_13:
0x13a: {  	_ =	swait.ge [sflag:s21], $0x1000  }
0x13b: {  	[sflag:s21] =	ssyncset.done $0x0  }
0x13c: {  	[sflag:s21] =	ssyncadd.s32 $0xFFFFF000  }
0x13d: {  	_ =	swait.ge [sflag:s21], $0x1000  }
0x13e: {  	[sflag:s21] =	ssyncset.done $0x0  }
0x13f: {  	s31 =	simm.s32 $0x3;
	[sflag:s21] =	ssyncadd.s32 $0xFFFFF000  }
0x140: {  	_ =	swait.ge [sflag:s31], $0x2800  }
0x141: {  	[sflag:s31] =	ssyncset.done $0x0  }
0x142: {  	s13 =	simm.s32 $0x3F00;
	[sflag:s31] =	ssyncadd.s32 $0xFFFFD800  }
0x143: {  	[spmem:s3] =	stream.indirect.scatter.add.f32 [tilespmem:s14], [sflag:$0x6], $0x80, s13, s8, $0xb8;
	[tilespmem:$0x1F080] =	vst v63  }
0x144: {  	_ =	swait.ge [sflag:s20], $0x2800  }
0x145: {  	[sflag:s20] =	ssyncset.done $0x0  }
0x146: {  	[sflag:s20] =	ssyncadd.s32 $0xFFFFD800  }
0x147: {  	[tilespmem:s11], [sflag:$0x2] =	stream.indirect.gather [hbm4b:s1+s8], $0x80, s4, s8, $0xb8;
	[tilespmem:$0x1F080] =	vst v63  }
0x148: {  	_ =	swait.ge [sflag:s12], $0x2800  }
0x149: {  	[sflag:s12] =	ssyncset.done $0x0  }
0x14a: {  	s18 =	simm.s32 $0x3F80;
	[sflag:s12] =	ssyncadd.s32 $0xFFFFD800  }
0x14b: {  	[spmem:s3] =	stream.indirect.scatter.add.f32 [tilespmem:s9], [sflag:$0x4], $0x80, s18, s8, $0xb8;
	[tilespmem:$0x1F080] =	vst v63  }
0x14c: {  	_ =	swait.ge [sflag:s23], $0x2800  }
0x14d: {  	[sflag:s23] =	ssyncset.done $0x0  }
0x14e: {  	s15 =	simm.s32 $0x80;
	[sflag:s23] =	ssyncadd.s32 $0xFFFFD800  }
0x14f: {  	[tilespmem:s14], [sflag:$0x3] =	stream.indirect.gather [hbm4b:s1+s8], $0x80, s15, s8, $0xb8;
	[tilespmem:$0x1F080] =	vst v63  }
0x150: {  	_ =	swait.ge [sflag:s24], $0x2800  }
0x151: {  	[sflag:s24] =	ssyncset.done $0x0  }
0x152: {  	[sflag:s24] =	ssyncadd.s32 $0xFFFFD800  }
0x153: {  	[spmem:s3] =	stream.indirect.scatter.add.f32 [tilespmem:s11], [sflag:$0x5], $0x80, s2, s8, $0xb8;
	[tilespmem:$0x1F080] =	vst v63  }
0x154: {  	_ =	swait.ge [sflag:s16], $0x2800  }
0x155: {  	[sflag:s16] =	ssyncset.done $0x0  }
0x156: {  	s18 =	simm.s32 $0x100;
	[sflag:s16] =	ssyncadd.s32 $0xFFFFD800  }
0x157: {  	[tilespmem:s9], [sflag:$0x1] =	stream.indirect.gather [hbm4b:s1+s8], $0x80, s18, s8, $0xb8;
	[tilespmem:$0x1F080] =	vst v63  }
0x158: {  	_ =	swait.ge [sflag:s31], $0x2800  }
0x159: {  	[sflag:s31] =	ssyncset.done $0x0  }
0x15a: {  	s15 =	simm.s32 $0x1080;
	[sflag:s31] =	ssyncadd.s32 $0xFFFFD800  }
0x15b: {  	[spmem:s3] =	stream.indirect.scatter.add.f32 [tilespmem:s14], [sflag:$0x6], $0x80, s15, s8, $0xb8;
	[tilespmem:$0x1F080] =	vst v63  }
0x15c: {  	_ =	swait.ge [sflag:s20], $0x2800  }
0x15d: {  	[sflag:s20] =	ssyncset.done $0x0  }
0x15e: {  	s18 =	simm.s32 $0x180;
	[sflag:s20] =	ssyncadd.s32 $0xFFFFD800  }
0x15f: {  	[tilespmem:s11], [sflag:$0x2] =	stream.indirect.gather [hbm4b:s1+s8], $0x80, s18, s8, $0xb8;
	[tilespmem:$0x1F080] =	vst v63  }
.Ltmp11:
0x160: {  	_ = 	snop;
	(pc) =	sbr.rel .LBB2_14-.Ltmp11, $4  }
0x161: {  	s15 =	rddreg [dreg:$0x11]  }
0x162: {  	[tilespmem:s5], [sflag:$0x7] =	stream.linear.gather [hbm4b:s15+s4], $0xE80, $0x38;
	[tilespmem:$0x1F080] =	vst v63  }
0x163: {  	s13 =	simm.s32 $0x200;
	s18 =	rddreg [dreg:$0x12];
	s15 =	simm.s32 $0x1100  }
0x164: {  	[tilespmem:s6], [sflag:$0x7] =	stream.linear.gather [hbm4b:s18+s4], $0xE80, $0x38;
	[tilespmem:$0x1F080] =	vst v63  }
.LBB2_16:
0x165: {  	_ =	swait.ge [sflag:s19], $0x2800  }
0x166: {  	[sflag:s19] =	ssyncset.done $0x0  }
0x167: {  	[sflag:s19] =	ssyncadd.s32 $0xFFFFD800  }
0x168: {  	[spmem:s3] =	stream.indirect.scatter.add.f32 [tilespmem:s14], [sflag:$0x6], $0x80, s15, s8, $0xb8;
	[tilespmem:$0x1F080] =	vst v63  }
0x169: {  	_ =	swait.ge [sflag:s20], $0x2800  }
0x16a: {  	[sflag:s20] =	ssyncset.done $0x0  }
0x16b: {  	[sflag:s20] =	ssyncadd.s32 $0xFFFFD800  }
0x16c: {  	[tilespmem:s11], [sflag:$0x2] =	stream.indirect.gather [hbm4b:s1+s8], $0x80, s13, s8, $0xb8;
	[tilespmem:$0x1F080] =	vst v63  }
.LBB2_17:
0x16d: {  	s31 =	sadd.s32 $0x1, s31  }
0x16e: {  	p1 =	sne.s32 s31, $0x1F  }
.Ltmp12:
0x16f: {  	_ = 	snop;
	(pc) =	sbr.rel @!p1 .LBB2_18-.Ltmp12, $2  }
0x170: {  	_ =	sdelay $0x2  }
0x171: {  	s13 =	sadd.s32 $0x80, s13;
	s15 =	sadd.s32 $0x80, s15  }
.LBB2_14:
0x172: {  	s18 =	smul.u32 $0xAB, s31;
	_ =	sdelay $0x1  }
0x173: {  	s18 =	sshrl.u32 s18, $0x9  }
0x174: {  	s18 =	sand.u32 $0x7F, s18  }
0x175: {  	s18 =	smul.u32 $0x3, s18;
	_ =	sdelay $0x1  }
0x176: {  	s18 =	ssub.s32 s31, s18  }
0x177: {  	s18 =	sand.u32 $0xFF, s18  }
0x178: {  	p1 =	seq.s32 s18, $0x2  }
.Ltmp13:
0x179: {  	_ = 	snop;
	(pc) =	sbr.rel @p1 .LBB2_16-.Ltmp13, $1  }
0x17a: {  	_ =	sdelay $0x3  }
0x17b: {  	p1 =	seq.s32 s18, $0x1  }
0x17c: {  	_ =	swait.ge @p1 [sflag:s24], $0x2800  }
0x17d: {  	[sflag:s24] =	ssyncset.done @p1 $0x0  }
0x17e: {  	[sflag:s24] =	ssyncadd.s32 @p1 $0xFFFFD800  }
0x17f: {  	[spmem:s3] =	stream.indirect.scatter.add.f32 @p1 [tilespmem:s11], [sflag:$0x5], $0x80, s15, s8, $0xb8;
	[tilespmem:$0x1F080] =	vst v63  }
0x180: {  	_ =	swait.ge @p1 [sflag:s16], $0x2800  }
0x181: {  	[sflag:s16] =	ssyncset.done @p1 $0x0  }
0x182: {  	[sflag:s16] =	ssyncadd.s32 @p1 $0xFFFFD800  }
0x183: {  	[tilespmem:s9], [sflag:$0x1] =	stream.indirect.gather @p1 [hbm4b:s1+s8], $0x80, s13, s8, $0xb8;
	[tilespmem:$0x1F080] =	vst v63  }
0x184: {  	_ =	swait.ge @!p1 [sflag:s12], $0x2800  }
0x185: {  	[sflag:s12] =	ssyncset.done @!p1 $0x0  }
0x186: {  	[sflag:s12] =	ssyncadd.s32 @!p1 $0xFFFFD800  }
0x187: {  	[spmem:s3] =	stream.indirect.scatter.add.f32 @!p1 [tilespmem:s9], [sflag:$0x4], $0x80, s15, s8, $0xb8;
	[tilespmem:$0x1F080] =	vst v63  }
.Ltmp14:
0x188: {  	_ = 	snop;
	(pc) =	sbr.rel .LBB2_17-.Ltmp14, $4  }
0x189: {  	_ =	swait.ge @!p1 [sflag:s23], $0x2800  }
0x18a: {  	[sflag:s23] =	ssyncset.done @!p1 $0x0  }
0x18b: {  	[sflag:s23] =	ssyncadd.s32 @!p1 $0xFFFFD800  }
0x18c: {  	[tilespmem:s14], [sflag:$0x3] =	stream.indirect.gather @!p1 [hbm4b:s1+s8], $0x80, s13, s8, $0xb8;
	[tilespmem:$0x1F080] =	vst v63  }
.LBB2_18:
0x18d: {  	_ =	swait.ge [sflag:s21], $0xE80  }
0x18e: {  	[sflag:s21] =	ssyncset.done $0x0  }
0x18f: {  	[sflag:s21] =	ssyncadd.s32 $0xFFFFF180  }
0x190: {  	_ =	swait.ge [sflag:s21], $0xE80  }
0x191: {  	[sflag:s21] =	ssyncset.done $0x0  }
0x192: {  	s31 =	simm.s32 $0x2;
	[sflag:s21] =	ssyncadd.s32 $0xFFFFF180  }
0x193: {  	_ =	swait.ge [sflag:s31], $0x2800  }
0x194: {  	[sflag:s31] =	ssyncset.done $0x0  }
0x195: {  	[sflag:s31] =	ssyncadd.s32 $0xFFFFD800  }
0x196: {  	[spmem:s3] =	stream.indirect.scatter.add.f32 [tilespmem:s11], [sflag:$0x5], $0x80, s22, s8, $0xb8;
	[tilespmem:$0x1F080] =	vst v63  }
0x197: {  	_ =	swait.ge [sflag:s16], $0x2800  }
0x198: {  	[sflag:s16] =	ssyncset.done $0x0  }
0x199: {  	[sflag:s16] =	ssyncadd.s32 $0xFFFFD800  }
0x19a: {  	[tilespmem:s9], [sflag:$0x1] =	stream.indirect.gather [hbm4b:s1+s8], $0x80, s5, s8, $0xb8;
	[tilespmem:$0x1F080] =	vst v63  }
0x19b: {  	_ =	swait.ge [sflag:s19], $0x2800  }
0x19c: {  	[sflag:s19] =	ssyncset.done $0x0  }
0x19d: {  	[sflag:s19] =	ssyncadd.s32 $0xFFFFD800  }
0x19e: {  	[spmem:s3] =	stream.indirect.scatter.add.f32 [tilespmem:s14], [sflag:$0x6], $0x80, s25, s8, $0xb8;
	[tilespmem:$0x1F080] =	vst v63  }
0x19f: {  	_ =	swait.ge [sflag:s20], $0x2800  }
0x1a0: {  	[sflag:s20] =	ssyncset.done $0x0  }
0x1a1: {  	[sflag:s20] =	ssyncadd.s32 $0xFFFFD800  }
0x1a2: {  	[tilespmem:s11], [sflag:$0x2] =	stream.indirect.gather [hbm4b:s1+s8], $0x80, s26, s8, $0xb8;
	[tilespmem:$0x1F080] =	vst v63  }
0x1a3: {  	_ =	swait.ge [sflag:s12], $0x2800  }
0x1a4: {  	[sflag:s12] =	ssyncset.done $0x0  }
0x1a5: {  	[sflag:s12] =	ssyncadd.s32 $0xFFFFD800  }
0x1a6: {  	[spmem:s3] =	stream.indirect.scatter.add.f32 [tilespmem:s9], [sflag:$0x4], $0x80, s6, s8, $0xb8;
	[tilespmem:$0x1F080] =	vst v63  }
0x1a7: {  	_ =	swait.ge [sflag:s23], $0x2800  }
0x1a8: {  	[sflag:s23] =	ssyncset.done $0x0  }
0x1a9: {  	[sflag:s23] =	ssyncadd.s32 $0xFFFFD800  }
0x1aa: {  	[tilespmem:s14], [sflag:$0x3] =	stream.indirect.gather [hbm4b:s1+s8], $0x80, s28, s8, $0xb8;
	[tilespmem:$0x1F080] =	vst v63  }
0x1ab: {  	_ =	swait.ge [sflag:s31], $0x2800  }
0x1ac: {  	[sflag:s31] =	ssyncset.done $0x0  }
0x1ad: {  	[sflag:s31] =	ssyncadd.s32 $0xFFFFD800  }
0x1ae: {  	[spmem:s3] =	stream.indirect.scatter.add.f32 [tilespmem:s11], [sflag:$0x5], $0x80, s29, s8, $0xb8;
	[tilespmem:$0x1F080] =	vst v63  }
.Ltmp15:
0x1af: {  	_ = 	snop;
	(pc) =	sbr.rel .LBB2_19-.Ltmp15, $4  }
0x1b0: {  	_ =	swait.ge [sflag:s16], $0x2800  }
0x1b1: {  	[sflag:s16] =	ssyncset.done $0x0  }
0x1b2: {  	s13 =	simm.s32 $0x2200;
	s15 =	simm.s32 $0x3100;
	[sflag:s16] =	ssyncadd.s32 $0xFFFFD800  }
0x1b3: {  	[tilespmem:s9], [sflag:$0x1] =	stream.indirect.gather [hbm4b:s1+s8], $0x80, s10, s8, $0xb8;
	[tilespmem:$0x1F080] =	vst v63  }
.LBB2_21:
0x1b4: {  	_ =	swait.ge [sflag:s19], $0x2800  }
0x1b5: {  	[sflag:s19] =	ssyncset.done $0x0  }
0x1b6: {  	[sflag:s19] =	ssyncadd.s32 $0xFFFFD800  }
0x1b7: {  	[spmem:s3] =	stream.indirect.scatter.add.f32 [tilespmem:s14], [sflag:$0x6], $0x80, s15, s8, $0xb8;
	[tilespmem:$0x1F080] =	vst v63  }
0x1b8: {  	_ =	swait.ge [sflag:s20], $0x2800  }
0x1b9: {  	[sflag:s20] =	ssyncset.done $0x0  }
0x1ba: {  	[sflag:s20] =	ssyncadd.s32 $0xFFFFD800  }
0x1bb: {  	[tilespmem:s11], [sflag:$0x2] =	stream.indirect.gather [hbm4b:s1+s8], $0x80, s13, s8, $0xb8;
	[tilespmem:$0x1F080] =	vst v63  }
.LBB2_22:
0x1bc: {  	s31 =	sadd.s32 $0x1, s31  }
0x1bd: {  	p1 =	sne.s32 s31, $0x1B  }
.Ltmp16:
0x1be: {  	_ = 	snop;
	(pc) =	sbr.rel @!p1 .LBB2_23-.Ltmp16, $2  }
0x1bf: {  	_ =	sdelay $0x2  }
0x1c0: {  	s13 =	sadd.s32 $0x80, s13;
	s15 =	sadd.s32 $0x80, s15  }
.LBB2_19:
0x1c1: {  	s18 =	smul.u32 $0xAB, s31;
	_ =	sdelay $0x1  }
0x1c2: {  	s18 =	sshrl.u32 s18, $0x9  }
0x1c3: {  	s18 =	sand.u32 $0x7F, s18  }
0x1c4: {  	s18 =	smul.u32 $0x3, s18;
	_ =	sdelay $0x1  }
0x1c5: {  	s18 =	ssub.s32 s31, s18  }
0x1c6: {  	s18 =	sand.u32 $0xFF, s18  }
0x1c7: {  	p1 =	seq.s32 s18, $0x2  }
.Ltmp17:
0x1c8: {  	_ = 	snop;
	(pc) =	sbr.rel @p1 .LBB2_21-.Ltmp17, $1  }
0x1c9: {  	_ =	sdelay $0x3  }
0x1ca: {  	p1 =	seq.s32 s18, $0x1  }
0x1cb: {  	_ =	swait.ge @p1 [sflag:s24], $0x2800  }
0x1cc: {  	[sflag:s24] =	ssyncset.done @p1 $0x0  }
0x1cd: {  	[sflag:s24] =	ssyncadd.s32 @p1 $0xFFFFD800  }
0x1ce: {  	[spmem:s3] =	stream.indirect.scatter.add.f32 @p1 [tilespmem:s11], [sflag:$0x5], $0x80, s15, s8, $0xb8;
	[tilespmem:$0x1F080] =	vst v63  }
0x1cf: {  	_ =	swait.ge @p1 [sflag:s16], $0x2800  }
0x1d0: {  	[sflag:s16] =	ssyncset.done @p1 $0x0  }
0x1d1: {  	[sflag:s16] =	ssyncadd.s32 @p1 $0xFFFFD800  }
0x1d2: {  	[tilespmem:s9], [sflag:$0x1] =	stream.indirect.gather @p1 [hbm4b:s1+s8], $0x80, s13, s8, $0xb8;
	[tilespmem:$0x1F080] =	vst v63  }
0x1d3: {  	_ =	swait.ge @!p1 [sflag:s12], $0x2800  }
0x1d4: {  	[sflag:s12] =	ssyncset.done @!p1 $0x0  }
0x1d5: {  	[sflag:s12] =	ssyncadd.s32 @!p1 $0xFFFFD800  }
0x1d6: {  	[spmem:s3] =	stream.indirect.scatter.add.f32 @!p1 [tilespmem:s9], [sflag:$0x4], $0x80, s15, s8, $0xb8;
	[tilespmem:$0x1F080] =	vst v63  }
.Ltmp18:
0x1d7: {  	_ = 	snop;
	(pc) =	sbr.rel .LBB2_22-.Ltmp18, $4  }
0x1d8: {  	_ =	swait.ge @!p1 [sflag:s23], $0x2800  }
0x1d9: {  	[sflag:s23] =	ssyncset.done @!p1 $0x0  }
0x1da: {  	[sflag:s23] =	ssyncadd.s32 @!p1 $0xFFFFD800  }
0x1db: {  	[tilespmem:s14], [sflag:$0x3] =	stream.indirect.gather @!p1 [hbm4b:s1+s8], $0x80, s13, s8, $0xb8;
	[tilespmem:$0x1F080] =	vst v63  }
.LBB2_24:
0x1dc: {  	_ =	sfence.sel $0x180000  }
0x1dd: {  	[bflag:$0x0] =	sbarrier.arrive $0xFFFF  }
0x1de: {  	_ =	strace $0x90000047  }
0x1df: {  	s0 =	stileid.u32;
	[bflag:$0x2] =	sbarrier.arrive $0xFFFF  }
0x1e0: {  	p0 =	sne.s32 s0, $0x0;
	s0 =	rddreg [dreg:$0x3]  }
0x1e1: {  	s0 =	sadd.s32 @!p0 $0x100000, s0  }
0x1e2: {  	[sflag:s0] =	ssyncadd.tile.s32 @!p0 $0x1;
	_ =	shalt  }
.Lfunc_end2:
_tile_overlayer_lowered:
.L_overlay_start_2:
0x1e3: {  	(tag) =	ssettag $0x2  }
0x1e4: {  	s0 =	rddreg [dreg:$0x0];
	s2 =	stileid.u32  }
0x1e5: {  	s1 =	rddreg [dreg:$0x1];
	p0 =	sne.s32 s2, $0x0  }
0x1e6: {  	s3 =	rddreg [dreg:$0x2];
	[bflag:$0x3] =	sbarrier.arrive $0xFFFF;
	s2 =	simm.s32 @!p0 $0x1C08  }
0x1e7: {  	[timem:s3], [sflag:s2] =	dma.local @!p0 [hbm:s0], s1  }
0x1e8: {  	s0 =	simm.s32 @!p0 $0x8  }
0x1e9: {  	_ =	swait.ge @!p0 [sflag:s0], s1  }
0x1ea: {  	s1 =	ssub.s32 @!p0 $0x0, s1;
	[sflag:s0] =	ssyncset.done @!p0 $0x0  }
0x1eb: {  	[sflag:s0] =	ssyncadd.s32 @!p0 s1  }
0x1ec: {  	[bflag:$0x3] =	sbarrier.arrive $0xFFFF  }
0x1ed: {  	_ =	shalt  }

// kernel: kernel.9.cloned.1.call-start
scs
__scs_entry_jumppad:
0x0: {  	(pc) =	sbr.rel $0x88, $3  }
0x1: {  	(tag) =	ssettag $0x0;
	lr =	simm.s32 $0x1  }
0x2: {  	[smem:$0x3F9B] =	sst lr;
	_ =	strace $0xD0000000  }
0x3: {  	_ = 	snop  }
0x4: {  	_ = 	snop  }
0x5: {  	_ = 	snop  }
0x6: {  	_ = 	snop  }
0x7: {  	_ = 	snop  }
__scs_overlays_trampoline_lowered:
0x8: {  	[smem:$0x3FAA] =	sst s0  }
0x9: {  	[smem:$0x3FAB] =	sst s1  }
0xa: {  	[smem:$0x3FAC] =	sst s2  }
0xb: {  	[smem:$0x3FAD] =	sst s3  }
0xc: {  	[smem:$0x3FAE] =	sst s4  }
0xd: {  	[smem:$0x3FAF] =	sst s5  }
0xe: {  	[smem:$0x3FB0] =	sst s6  }
0xf: {  	[smem:$0x3FB1] =	sst s7  }
0x10: {  	[smem:$0x3FB2] =	sst s8  }
0x11: {  	[smem:$0x3FB3] =	sst s9;
	s0 =	simm.s32 @!p0 $0x0  }
0x12: {  	s1 =	sld [smem:$0x3F99];
	s0 =	simm.s32 @p0 $0x1  }
0x13: {  	[smem:$0x3FB4] =	sst s0;
	s0 =	simm.s32 @!p1 $0x0  }
0x14: {  	s2 =	sld [smem:$0x3F98];
	s0 =	simm.s32 @p1 $0x1  }
0x15: {  	[smem:$0x3FB5] =	sst s0;
	s0 =	simm.s32 @!p2 $0x0  }
0x16: {  	s3 =	sld [smem:$0x3FDB];
	s0 =	simm.s32 @p2 $0x1  }
0x17: {  	s4 =	simm.s32 $0x1BF5;
	[smem:$0x3FB7] =	sst s0  }
0x18: {  	s0 =	sld [smem:$0x3F9A];
	_ =	swait.ge [sflag:s4], $0x0  }
0x19: {  	s7 =	sld [smem:$0x3F9B]  }
0x1a: {  	s8 =	sadd.s32 $0xFFFFE003, lr  }
0x1b: {  	s9 =	sadd.s32 $0xFFFFFEF7, lr;
	s5 =	simm.s32 $0xFFFFFFFF;
	p2 =	slt.u32 s8, $0xFFFFF086  }
0x1c: {  	p1 =	slt.u32 s9, $0xF7A;
	s5 =	simm.s32 @!p2 $0x0  }
0x1d: {  	s5 =	simm.s32 @p1 $0x1;
	p0 =	seq.s32 s7, s2  }
0x1e: {  	s7 =	smul.u32 @!p0 $0xF7A, s2;
	p2 =	seq.s32 @!p0 s5, $0x0  }
0x1f: {  	s9 =	smul.u32 $0xF7A, s1;
	s8 =	simm.s32 @!p0 $0x1BF5;
	p2 =	por !p2, p0  }
0x20: {  	[sflag:s8] =	ssyncset.s32 @!p0 $0xFFFFF086;
	s6 =	sadd.s32 @!p0 s3, s7;
	s7 =	simm.s32 @!p0 $0x108  }
0x21: {  	s3 =	sadd.s32 s3, s9;
	s6 =	sadd.s32 @!p0 $0x88, s6;
	s7 =	simm.s32 @p2 $0x1082  }
0x22: {  	[simem:s7], [sflag:s8] =	dma.local @!p0 [hbm:s6], $0xF7A  }
0x23: {  	s9 =	sor.u32 $0xD0000000, s2;
	s6 =	simm.s32 $0x108;
	_ =	swait.ge @!p0 [sflag:s8], $0x0  }
0x24: {  	s3 =	sadd.s32 $0x88, s3;
	s6 =	simm.s32 @!p1 $0x1082;
	[sflag:s4] =	ssyncset.s32 $0xFFFFF086  }
0x25: {  	[simem:s6], [sflag:s4] =	dma.local [hbm:s3], $0xF7A  }
0x26: {  	[smem:$0x3F9B] =	sst s1;
	(tag) =	ssettag s2;
	_ =	strace s9  }
0x27: {  	s1 =	sld [smem:$0x3FAB]  }
0x28: {  	s2 =	sld [smem:$0x3FAC]  }
0x29: {  	s4 =	sld [smem:$0x3FAE]  }
0x2a: {  	p0 =	seq.s32 s5, $0x0;
	s5 =	sld [smem:$0x3FAF]  }
0x2b: {  	s6 =	sld [smem:$0x3FB0]  }
0x2c: {  	s7 =	sld [smem:$0x3FB1]  }
0x2d: {  	s3 =	simm.s32 $0x108;
	s8 =	sld [smem:$0x3FB2]  }
0x2e: {  	s3 =	simm.s32 @!p0 $0x1082;
	s9 =	sld [smem:$0x3FB3]  }
0x2f: {  	lr =	sadd.s32 s0, s3;
	s0 =	sld [smem:$0x3FAA]  }
0x30: {  	s3 =	sld [smem:$0x3FAD]  }
0x31: {  	[smem:$0x3FB6] =	sst s10  }
0x32: {  	s10 =	sld [smem:$0x3FB4];
	_ =	sdelay $0x3  }
0x33: {  	p0 =	seq.s32 s10, $0x1;
	s10 =	sld [smem:$0x3FB6];
	_ =	sdelay $0x3  }
0x34: {  	[smem:$0x3FB6] =	sst s10  }
0x35: {  	s10 =	sld [smem:$0x3FB5];
	_ =	sdelay $0x3  }
0x36: {  	p1 =	seq.s32 s10, $0x1;
	s10 =	sld [smem:$0x3FB6];
	_ =	sdelay $0x3  }
0x37: {  	[smem:$0x3FB6] =	sst s10  }
0x38: {  	s10 =	sld [smem:$0x3FB7]  }
0x39: {  	_ = 	snop;
	(pc) =	sbr.ind lr, $3  }
0x3a: {  	_ = 	snop  }
0x3b: {  	_ = 	snop  }
0x3c: {  	p2 =	seq.s32 s10, $0x1;
	s10 =	sld [smem:$0x3FB6]  }
0x3d: {  	_ =	shalt  }
0x3e: {  	_ =	shalt  }
0x3f: {  	_ =	shalt  }
0x40: {  	_ =	shalt  }
0x41: {  	_ =	shalt  }
0x42: {  	_ =	shalt  }
0x43: {  	_ =	shalt  }
0x44: {  	_ =	shalt  }
0x45: {  	_ =	shalt  }
0x46: {  	_ =	shalt  }
0x47: {  	_ =	shalt  }
0x48: {  	_ =	shalt  }
0x49: {  	_ =	shalt  }
0x4a: {  	_ =	shalt  }
0x4b: {  	_ =	shalt  }
0x4c: {  	_ =	shalt  }
0x4d: {  	_ =	shalt  }
0x4e: {  	_ =	shalt  }
0x4f: {  	_ =	shalt  }
0x50: {  	_ =	shalt  }
0x51: {  	_ =	shalt  }
0x52: {  	_ =	shalt  }
0x53: {  	_ =	shalt  }
0x54: {  	_ =	shalt  }
0x55: {  	_ =	shalt  }
0x56: {  	_ =	shalt  }
0x57: {  	_ =	shalt  }
0x58: {  	_ =	shalt  }
0x59: {  	_ =	shalt  }
0x5a: {  	_ =	shalt  }
0x5b: {  	_ =	shalt  }
0x5c: {  	_ =	shalt  }
0x5d: {  	_ =	shalt  }
0x5e: {  	_ =	shalt  }
0x5f: {  	_ =	shalt  }
0x60: {  	_ =	shalt  }
0x61: {  	_ =	shalt  }
0x62: {  	_ =	shalt  }
0x63: {  	_ =	shalt  }
0x64: {  	_ =	shalt  }
0x65: {  	_ =	shalt  }
0x66: {  	_ =	shalt  }
0x67: {  	_ =	shalt  }
0x68: {  	_ =	shalt  }
0x69: {  	_ =	shalt  }
0x6a: {  	_ =	shalt  }
0x6b: {  	_ =	shalt  }
0x6c: {  	_ =	shalt  }
0x6d: {  	_ =	shalt  }
0x6e: {  	_ =	shalt  }
0x6f: {  	_ =	shalt  }
0x70: {  	_ =	shalt  }
0x71: {  	_ =	shalt  }
0x72: {  	_ =	shalt  }
0x73: {  	_ =	shalt  }
0x74: {  	_ =	shalt  }
0x75: {  	_ =	shalt  }
0x76: {  	_ =	shalt  }
0x77: {  	_ =	shalt  }
0x78: {  	_ =	shalt  }
0x79: {  	_ =	shalt  }
0x7a: {  	_ =	shalt  }
0x7b: {  	_ =	shalt  }
0x7c: {  	_ =	shalt  }
0x7d: {  	_ =	shalt  }
0x7e: {  	_ =	shalt  }
0x7f: {  	_ =	shalt  }
0x80: {  	_ =	shalt  }
0x81: {  	_ =	shalt  }
0x82: {  	_ =	shalt  }
0x83: {  	_ =	shalt  }
0x84: {  	_ =	shalt  }
0x85: {  	_ =	shalt  }
0x86: {  	_ =	shalt  }
0x87: {  	_ =	shalt  }
.Lfunc_end0:
.L_simem_size_0:
called_computation.1_lowered:
.L_overlay_start_0:
0x88: {  	s2 =	sld [smem:$0x3FD9]  }
0x89: {  	s3 =	sld [smem:$0x3FFE];
	_ =	sdelay $0x1  }
0x8a: {  	s1 =	srdreg.scid  }
0x8b: {  	s0 =	sand.u32 $0x1, s1  }
0x8c: {  	s16 =	sshll.u32 s0, $0xA;
	s2 =	sadd.s32 s3, s2  }
0x8d: {  	s2 =	sadd.s32 s2, s16  }
0x8e: {  	[smem:$0x3FC2] =	sst s2  }
0x8f: {  	_ = 	snop  }
0x90: {  	(tm) =	ssettm $0x1  }
0x91: {  	s17 =	sld [smem:$0x3FFB];
	_ =	sdelay $0x3  }
0x92: {  	_ =	strace s17  }
0x93: {  	s2 =	sld [smem:$0x3FFC];
	_ =	sdelay $0x3  }
0x94: {  	_ =	strace s2  }
0x95: {  	s2 =	sld [smem:$0x3FFD];
	_ =	sdelay $0x3  }
0x96: {  	_ =	strace s2  }
0x97: {  	_ =	strace $0x8FFFFFFF  }
0x98: {  	s18 =	sld [smem:$0x3FDB];
	_ =	sdelay $0x1  }
0x99: {  	s19 =	simm.s32 $_scs_section_size  }
0x9a: {  	s4 =	simm.s32 $_size__tile_overlayer_lowered;
	s5 =	simm.s32 $_tile_overlayer_lowered  }
0x9b: {  	s22 =	simm.s32 $0x1BFF;
	s21 =	sshll.u32 s5, $0x1;
	s2 =	sadd.s32 s19, s18  }
0x9c: {  	s6 =	simm.s32 $0x0;
	s20 =	sshll.u32 s4, $0x1;
	s4 =	sadd.s32 s21, s2  }
0x9d: {  	[timem:s6], [sflag:s22] =	dma.local [hbm:s4], s20  }
0x9e: {  	_ =	swait.ge [sflag:s22], s20  }
0x9f: {  	s3 =	ssub.s32 $0x0, s20;
	[sflag:s22] =	ssyncset.done $0x0  }
0xa0: {  	[sflag:s22] =	ssyncadd.s32 s3;
	_ =	sdelay $0x1  }
0xa1: {  	s23 =	simm.s32 $0x1B8B  }
0xa2: {  	_ =	swait.ge [sflag:s23], $0x1  }
0xa3: {  	[sflag:s23] =	ssyncset.done $0x0  }
0xa4: {  	s25 =	simm.s32 $0x1B8E;
	s24 =	sld [smem:$0x3FFE];
	[sflag:s23] =	ssyncadd.s32 $0xFFFFFFFF  }
0xa5: {  	s26 =	simm.s32 $execute0_lowered;
	[smem:$0x3FD2] =	sst s25  }
0xa6: {  	s4 =	sshll.u32 s26, $0x1;
	_ =	strace $0x80000049;
	[dreg:$0x1] =	wrdreg $0xFFFFFFFF  }
0xa7: {  	s28 =	simm.s32 $_size_execute0_lowered;
	s2 =	sadd.s32 s2, s4;
	[dreg:$0x0] =	wrdreg $0x0  }
0xa8: {  	s4 =	sshll.u32 s28, $0x1;
	[dreg:$0x2] =	wrdreg s2  }
0xa9: {  	[dreg:$0x3] =	wrdreg s4  }
0xaa: {  	[dreg:$0x4] =	wrdreg $0xC0  }
0xab: {  	_ =	task [dreg:s6], $0x5FFFF  }
0xac: {  	[dreg:$0x1] =	wrdreg $0xFFFFFFFF  }
0xad: {  	[dreg:$0x0] =	wrdreg $0x60  }
0xae: {  	[dreg:$0x2] =	wrdreg s24  }
0xaf: {  	[dreg:$0x3] =	wrdreg $0xB8000  }
0xb0: {  	[dreg:$0x4] =	wrdreg $0x9  }
0xb1: {  	_ =	task.clear_ibuf [dreg:s6], $0x5FFFF;
	_ =	strace $0x90000049  }
0xb2: {  	s29 =	simm.s32 $0x9;
	_ =	strace $0x8000004B  }
0xb3: {  	_ =	swait.ge [sflag:s29], $0x1  }
0xb4: {  	[sflag:s29] =	ssyncadd.s32 $0xFFFFFFFF  }
0xb5: {  	_ =	strace $0x9000004B  }
0xb6: {  	_ =	sfence  }
0xb7: {  	s30 =	sld [smem:$0x0];
	_ =	sdelay $0x2  }
0xb8: {  	s31 =	sshll.u32 s1, $0xD;
	s1 =	sshrl.u32 s1, $0x2  }
0xb9: {  	s3 =	sand.u32 $0x4000, s31;
	s1 =	sadd.s32 s1, s30  }
0xba: {  	s0 =	sor.u32 s3, s0;
	s1 =	sshll.u32 s1, $0x11  }
0xbb: {  	s0 =	sor.u32 s1, s0  }
0xbc: {  	s0 =	sadd.s32 $0x8F2B, s0  }
0xbd: {  	[sflag:s0] =	ssyncadd.remote.s32 $0x1  }
0xbe: {  	_ =	sfence.sel $0xFFFF  }
0xbf: {  	[dreg:$0x0] =	wrdreg $0xFFFFFFFF;
	(pc) =	sbr.abs _section_cstart, $3  }
0xc0: {  	[dreg:$0x1] =	wrdreg $0xFFFFFFFF  }
0xc1: {  	_ =	task.clear_ibuf [dreg:s6], $0x2FFFF;
	_ =	strace $0x9FFFFFFF  }
0xc2: {  	(tm) =	ssettm $0x7FFFFFFF  }
0xc3: {  	_ =	shalt  }
tec
execute0_lowered:
.L_overlay_start_1:
0x0: {  	(tag) =	ssettag $0x1  }
0x1: {  	s0 =	rddreg [dreg:$0x0]  }
0x2: {  	s1 =	rddreg [dreg:$0x1];
	s3 =	simm.s32 $0x0  }
0x3: {  	s2 =	srdreg.scid;
	s10 =	stileid.u32;
	s28 =	simm.s32 $0x2100  }
0x4: {  	s29 =	simm.s32 $0x3080;
	[smem:$0x7FF] =	sst s3;
	s2 =	sand.u32 $0x1, s2  }
0x5: {  	s4 =	sshll.u32 s10, $0xC;
	s5 =	sshll.u32 s2, $0xB;
	s21 =	ssub.s32 $0x2, s2  }
0x6: {  	s6 =	smul.u32 $0x4F000, s10;
	s4 =	sor.u32 s5, s4;
	s7 =	sshrl.u32 s21, $0x1  }
0x7: {  	s8 =	sadd.s32 s4, s0;
	s5 =	ssub.s32 s21, s7;
	s21 =	sadd.s32 $0x12AC00, s1  }
0x8: {  	_ =	strace $0x8000004A;
	s22 =	sadd.s32 $0x1600, s8;
	[dreg:$0x13] =	wrdreg s21  }
0x9: {  	s30 =	simm.s32 $0x0;
	s23 =	sadd.s32 $0x11600, s8;
	[dreg:$0x3] =	wrdreg s22  }
0xa: {  	s6 =	sshrl.u32 s6, $0x2;
	s24 =	sadd.s32 $0x1800, s8;
	[dreg:$0x4] =	wrdreg s23  }
0xb: {  	s7 =	sadd.s32 s6, s1;
	s25 =	sadd.s32 $0x11800, s8;
	[dreg:$0x5] =	wrdreg s24  }
0xc: {  	s17 =	sadd.s32 $0x128400, s1;
	s26 =	sadd.s32 $0x2800, s7;
	[dreg:$0x6] =	wrdreg s25  }
0xd: {  	s15 =	smul.u32 $0x13C00, s10;
	s31 =	sadd.s32 $0x5000, s7;
	[dreg:$0x7] =	wrdreg s26  }
0xe: {  	p0 =	seq.s32 s10, $0xF;
	s9 =	sadd.s32 $0x7800, s7;
	[dreg:$0x8] =	wrdreg s31  }
0xf: {  	s10 =	simm.s32 $0x2180;
	s11 =	sadd.s32 $0xA000, s7;
	[dreg:$0x9] =	wrdreg s9  }
0x10: {  	s2 =	smul.u32 $0x138800, s2;
	s12 =	sadd.s32 $0xC800, s7;
	[dreg:$0xa] =	wrdreg s11  }
0x11: {  	s4 =	sadd.s32 $0x21600, s0;
	s13 =	sadd.s32 $0xF000, s7;
	[dreg:$0xb] =	wrdreg s12  }
0x12: {  	s0 =	sadd.s32 $0x48800, s0;
	s14 =	sadd.s32 $0x11800, s7;
	[dreg:$0xc] =	wrdreg s13  }
0x13: {  	s18 =	sshrl.u32 s2, $0x3;
	s16 =	sadd.s32 $0x11A00, s8;
	[dreg:$0xd] =	wrdreg s14  }
0x14: {  	s2 =	sadd.s32 s15, s2;
	s19 =	sadd.s32 $0x1C00, s8;
	[dreg:$0xf] =	wrdreg s16  }
0x15: {  	s20 =	sadd.s32 s0, s18;
	s9 =	sadd.s32 $0x1A00, s8;
	[dreg:$0x10] =	wrdreg s19  }
0x16: {  	s2 =	sshrl.u32 s2, $0x3;
	s8 =	sadd.s32 $0x11C00, s8;
	[dreg:$0xe] =	wrdreg s9  }
0x17: {  	s21 =	simm.s32 $0x7;
	s6 =	sadd.s32 $0x25080, s20;
	[dreg:$0x11] =	wrdreg s8  }
0x18: {  	s22 =	sadd.s32 $0x12D400, s1;
	s0 =	sadd.s32 s0, s2;
	[dreg:$0x12] =	wrdreg s6  }
0x19: {  	s23 =	sadd.s32 $0x12FC00, s1;
	s24 =	sadd.s32 $0x132400, s1;
	[dreg:$0x14] =	wrdreg s22  }
0x1a: {  	s25 =	smax.u32 s5, $0x1;
	s26 =	sadd.s32 $0x134C00, s1;
	[dreg:$0x15] =	wrdreg s0  }
0x1b: {  	s31 =	sadd.s32 $0x137400, s1;
	s2 =	simm.s32 $0x1000;
	[dreg:$0x16] =	wrdreg s23  }
0x1c: {  	s5 =	simm.s32 $0x2000;
	s11 =	simm.s32 $0x6800;
	[dreg:$0x17] =	wrdreg s24  }
0x1d: {  	s12 =	simm.s32 $0x1;
	s14 =	simm.s32 $0x9000;
	[dreg:$0x18] =	wrdreg s25  }
.Ltmp0:
0x1e: {  	s16 =	simm.s32 $0x4;
	[dreg:$0x19] =	wrdreg s26;
	(pc) =	sbr.rel .LBB2_1-.Ltmp0, $4  }
0x1f: {  	s19 =	simm.s32 $0x3;
	s20 =	simm.s32 $0x5;
	[dreg:$0x1a] =	wrdreg s31  }
0x20: {  	s0 =	simm.s32 $0x8;
	s6 =	simm.s32 $0x3000;
	s8 =	simm.s32 $0x50  }
0x21: {  	s9 =	simm.s32 $0x4000;
	s22 =	simm.s32 $0x1F00;
	s23 =	simm.s32 $0x6  }
0x22: {  	v0 =	vimm.f32 $0.0e+00;
	s24 =	simm.s32 $0x2;
	s25 =	simm.s32 $0x1F80;
	s26 =	simm.s32 $0x2080  }
.LBB2_23:
0x23: {  	_ =	swait.ge [sflag:s12], $0x2800  }
0x24: {  	[sflag:s12] =	ssyncset.done $0x0  }
0x25: {  	s13 =	simm.s32 $0x3D80;
	[sflag:s12] =	ssyncadd.s32 $0xFFFFD800  }
0x26: {  	[spmem:s1] =	stream.indirect.scatter.add.f32 [tilespmem:s9], [sflag:$0x4], $0x80, s13, s8, $0xb8;
	[tilespmem:$0x1F080] =	vst v63  }
0x27: {  	_ =	swait.ge [sflag:s24], $0x2800  }
0x28: {  	[sflag:s24] =	ssyncset.done $0x0  }
0x29: {  	s18 =	simm.s32 $0x3E00;
	[sflag:s24] =	ssyncadd.s32 $0xFFFFD800  }
0x2a: {  	[spmem:s1] =	stream.indirect.scatter.add.f32 [tilespmem:s11], [sflag:$0x5], $0x80, s18, s8, $0xb8;
	[tilespmem:$0x1F080] =	vst v63  }
0x2b: {  	_ =	swait.ge [sflag:s16], $0x2800  }
0x2c: {  	[sflag:s16] =	ssyncset.done $0x0  }
0x2d: {  	[sflag:s16] =	ssyncadd.s32 $0xFFFFD800  }
0x2e: {  	_ =	swait.ge [sflag:s20], $0x2800  }
0x2f: {  	[sflag:s20] =	ssyncset.done $0x0  }
0x30: {  	[sflag:s20] =	ssyncadd.s32 $0xFFFFD800  }
0x31: {  	_ =	swait.ge [sflag:s23], $0x2800  }
0x32: {  	[sflag:s23] =	ssyncset.done $0x0  }
0x33: {  	[sflag:s23] =	ssyncadd.s32 $0xFFFFD800  }
0x34: {  	[bflag:$0x0] =	sbarrier.arrive $0xFFFF  }
0x35: {  	s15 =	simm.s32 @p0 $0x1FC8;
	s13 =	sshrl.u32 @p0 s17, $0x3;
	s18 =	rddreg [dreg:$0x12]  }
0x36: {  	[hbm:s18], [sflag:s15] =	dma.local @p0 [spmem:s13], $0x2080  }
0x37: {  	s13 =	simm.s32 @p0 $0x8  }
0x38: {  	s15 =	stileid.u32;
	_ =	swait.ge @p0 [sflag:s13], $0x2080  }
0x39: {  	s15 =	sshll.u32 @!p0 s15, $0x6;
	[sflag:s13] =	ssyncset.done @p0 $0x0;
	s18 =	rddreg [dreg:$0x15]  }
0x3a: {  	[sflag:s13] =	ssyncadd.s32 @p0 $0xFFFFDF80;
	s13 =	sor.u32 @!p0 $0x1C08, s15;
	s15 =	sshrl.u32 @!p0 s7, $0x3  }
0x3b: {  	[hbm:s18], [sflag:s13] =	dma.local @!p0 [spmem:s15], $0x2780  }
0x3c: {  	s13 =	simm.s32 @!p0 $0x8  }
0x3d: {  	_ =	swait.ge @!p0 [sflag:s13], $0x2780  }
0x3e: {  	s30 =	sadd.s32 $0x1, s30;
	s31 =	rddreg [dreg:$0x18]  }
0x3f: {  	p1 =	sne.s32 s30, s31  }
.Ltmp1:
0x40: {  	_ = 	snop;
	(pc) =	sbr.rel @!p1 .LBB2_24-.Ltmp1, $3  }
0x41: {  	_ =	sdelay $0x1  }
0x42: {  	[sflag:s13] =	ssyncset.done @!p0 $0x0  }
0x43: {  	[sflag:s13] =	ssyncadd.s32 @!p0 $0xFFFFD880  }
.LBB2_1:
0x44: {  	s13 =	rddreg [dreg:$0x3]  }
0x45: {  	[tilespmem:s3], [sflag:$0x8] =	stream.linear.gather [hbm4b:s13+s3], $0x1000, $0x38;
	[tilespmem:$0x1F080] =	vst v63  }
0x46: {  	_ =	swait.ge [sflag:s0], $0x1000  }
0x47: {  	[sflag:s0] =	ssyncset.done $0x0  }
0x48: {  	s31 =	rddreg [dreg:$0x4];
	[sflag:s0] =	ssyncadd.s32 $0xFFFFF000  }
0x49: {  	[tilespmem:s2], [sflag:$0x8] =	stream.linear.gather [hbm4b:s31+s3], $0x1000, $0x38;
	[tilespmem:$0x1F080] =	vst v63  }
0x4a: {  	_ =	swait.ge [sflag:s0], $0x1000  }
0x4b: {  	[sflag:s0] =	ssyncset.done $0x0  }
0x4c: {  	s15 =	rddreg [dreg:$0x5];
	[sflag:s0] =	ssyncadd.s32 $0xFFFFF000  }
0x4d: {  	[tilespmem:s5], [sflag:$0x7] =	stream.linear.gather [hbm4b:s15+s3], $0x1000, $0x38;
	[tilespmem:$0x1F080] =	vst v63  }
0x4e: {  	s18 =	rddreg [dreg:$0x6]  }
0x4f: {  	[tilespmem:s6], [sflag:$0x7] =	stream.linear.gather [hbm4b:s18+s3], $0x1000, $0x38;
	[tilespmem:$0x1F080] =	vst v63  }
0x50: {  	_ = 	snop  }
0x51: {  	[tilespmem:s9], [sflag:$0x1] =	stream.indirect.gather [hbm4b:s4+s8], $0x80, s3, s8, $0xb8;
	[tilespmem:$0x1F080] =	vst v63  }
0x52: {  	s13 =	simm.s32 $0x0;
	s31 =	simm.s32 $0x80;
	s15 =	simm.s32 $0x200  }
0x53: {  	[tilespmem:s11], [sflag:$0x2] =	stream.indirect.gather [hbm4b:s4+s8], $0x80, s31, s8, $0xb8;
	[tilespmem:$0x1F080] =	vst v63  }
.LBB2_2:
0x54: {  	p1 =	sne.s32 s15, $0x9E00;
	[tilespmem:s13+$0x9070] =	vst v0  }
0x55: {  	[tilespmem:s13+$0x9000] =	vst v0  }
0x56: {  	[tilespmem:s13+$0x9010] =	vst v0  }
.Ltmp2:
0x57: {  	[tilespmem:s13+$0x9020] =	vst v0;
	(pc) =	sbr.rel @p1 .LBB2_2-.Ltmp2, $4  }
0x58: {  	[tilespmem:s13+$0x9030] =	vst v0  }
0x59: {  	[tilespmem:s13+$0x9040] =	vst v0  }
0x5a: {  	[tilespmem:s13+$0x9050] =	vst v0  }
0x5b: {  	[tilespmem:s13+$0x9060] =	vst v0;
	s13 =	sshra.s32 s15, $0x2;
	s15 =	sadd.s32 $0x200, s15  }
0x5c: {  	[tilespmem:s13+$0x9070] =	vst v0  }
0x5d: {  	[tilespmem:s13+$0x9000] =	vst v0  }
0x5e: {  	[tilespmem:s13+$0x9010] =	vst v0  }
0x5f: {  	[tilespmem:s13+$0x9020] =	vst v0  }
0x60: {  	[tilespmem:s13+$0x9030] =	vst v0  }
0x61: {  	[tilespmem:s13+$0x9040] =	vst v0  }
0x62: {  	[tilespmem:s13+$0x9050] =	vst v0  }
0x63: {  	[tilespmem:s13+$0x9060] =	vst v0;
	s13 =	simm.s32 @p0 $0x9000  }
0x64: {  	[spmem:s17] =	stream.linear.scatter @p0 [tilespmem:s13], [sflag:$0x4], $0x2800, $0x38;
	[tilespmem:$0x1F080] =	vst v63  }
0x65: {  	s15 =	rddreg [dreg:$0x13]  }
0x66: {  	[spmem:s15] =	stream.linear.scatter @p0 [tilespmem:s13], [sflag:$0x4], $0x2800, $0x38;
	[tilespmem:$0x1F080] =	vst v63  }
0x67: {  	s15 =	rddreg [dreg:$0x14]  }
0x68: {  	[spmem:s15] =	stream.linear.scatter @p0 [tilespmem:s13], [sflag:$0x4], $0x2800, $0x38;
	[tilespmem:$0x1F080] =	vst v63  }
0x69: {  	s15 =	rddreg [dreg:$0x16]  }
0x6a: {  	[spmem:s15] =	stream.linear.scatter @p0 [tilespmem:s13], [sflag:$0x4], $0x2800, $0x38;
	[tilespmem:$0x1F080] =	vst v63  }
0x6b: {  	s15 =	rddreg [dreg:$0x17]  }
0x6c: {  	[spmem:s15] =	stream.linear.scatter @p0 [tilespmem:s13], [sflag:$0x4], $0x2800, $0x38;
	[tilespmem:$0x1F080] =	vst v63  }
0x6d: {  	s15 =	rddreg [dreg:$0x19]  }
0x6e: {  	[spmem:s15] =	stream.linear.scatter @p0 [tilespmem:s13], [sflag:$0x4], $0x2800, $0x38;
	[tilespmem:$0x1F080] =	vst v63  }
0x6f: {  	s15 =	rddreg [dreg:$0x1a]  }
0x70: {  	[spmem:s15] =	stream.linear.scatter @p0 [tilespmem:s13], [sflag:$0x4], $0x1400, $0x38;
	[tilespmem:$0x1F080] =	vst v63  }
0x71: {  	s13 =	simm.s32 @p0 $0x4  }
0x72: {  	_ =	swait.ge @p0 [sflag:s13], $0x2800  }
0x73: {  	[sflag:s13] =	ssyncset.done @p0 $0x0  }
0x74: {  	[sflag:s13] =	ssyncadd.s32 @p0 $0xFFFFD800  }
0x75: {  	_ =	swait.ge @p0 [sflag:s13], $0x2800  }
0x76: {  	[sflag:s13] =	ssyncset.done @p0 $0x0  }
0x77: {  	[sflag:s13] =	ssyncadd.s32 @p0 $0xFFFFD800  }
0x78: {  	_ =	swait.ge @p0 [sflag:s13], $0x2800  }
0x79: {  	[sflag:s13] =	ssyncset.done @p0 $0x0  }
0x7a: {  	[sflag:s13] =	ssyncadd.s32 @p0 $0xFFFFD800  }
0x7b: {  	_ =	swait.ge @p0 [sflag:s13], $0x2800  }
0x7c: {  	[sflag:s13] =	ssyncset.done @p0 $0x0  }
0x7d: {  	[sflag:s13] =	ssyncadd.s32 @p0 $0xFFFFD800  }
0x7e: {  	_ =	swait.ge @p0 [sflag:s13], $0x2800  }
0x7f: {  	[sflag:s13] =	ssyncset.done @p0 $0x0  }
0x80: {  	[sflag:s13] =	ssyncadd.s32 @p0 $0xFFFFD800  }
0x81: {  	_ =	swait.ge @p0 [sflag:s13], $0x2800  }
0x82: {  	[sflag:s13] =	ssyncset.done @p0 $0x0  }
0x83: {  	[sflag:s13] =	ssyncadd.s32 @p0 $0xFFFFD800  }
0x84: {  	_ =	swait.ge @p0 [sflag:s13], $0x1400  }
0x85: {  	[sflag:s13] =	ssyncset.done @p0 $0x0  }
0x86: {  	[sflag:s13] =	ssyncadd.s32 @p0 $0xFFFFEC00;
	s13 =	simm.s32 @!p0 $0x9000  }
0x87: {  	[spmem:s7] =	stream.linear.scatter @!p0 [tilespmem:s13], [sflag:$0x4], $0x2800, $0x38;
	[tilespmem:$0x1F080] =	vst v63  }
0x88: {  	s15 =	rddreg [dreg:$0x7]  }
0x89: {  	[spmem:s15] =	stream.linear.scatter @!p0 [tilespmem:s13], [sflag:$0x4], $0x2800, $0x38;
	[tilespmem:$0x1F080] =	vst v63  }
0x8a: {  	s15 =	rddreg [dreg:$0x8]  }
0x8b: {  	[spmem:s15] =	stream.linear.scatter @!p0 [tilespmem:s13], [sflag:$0x4], $0x2800, $0x38;
	[tilespmem:$0x1F080] =	vst v63  }
0x8c: {  	s15 =	rddreg [dreg:$0x9]  }
0x8d: {  	[spmem:s15] =	stream.linear.scatter @!p0 [tilespmem:s13], [sflag:$0x4], $0x2800, $0x38;
	[tilespmem:$0x1F080] =	vst v63  }
0x8e: {  	s15 =	rddreg [dreg:$0xa]  }
0x8f: {  	[spmem:s15] =	stream.linear.scatter @!p0 [tilespmem:s13], [sflag:$0x4], $0x2800, $0x38;
	[tilespmem:$0x1F080] =	vst v63  }
0x90: {  	s15 =	rddreg [dreg:$0xb]  }
0x91: {  	[spmem:s15] =	stream.linear.scatter @!p0 [tilespmem:s13], [sflag:$0x4], $0x2800, $0x38;
	[tilespmem:$0x1F080] =	vst v63  }
0x92: {  	s15 =	rddreg [dreg:$0xc]  }
0x93: {  	[spmem:s15] =	stream.linear.scatter @!p0 [tilespmem:s13], [sflag:$0x4], $0x2800, $0x38;
	[tilespmem:$0x1F080] =	vst v63  }
0x94: {  	s15 =	rddreg [dreg:$0xd]  }
0x95: {  	[spmem:s15] =	stream.linear.scatter @!p0 [tilespmem:s13], [sflag:$0x4], $0x2400, $0x38;
	[tilespmem:$0x1F080] =	vst v63  }
0x96: {  	s13 =	simm.s32 @!p0 $0x4  }
0x97: {  	_ =	swait.ge @!p0 [sflag:s13], $0x2800  }
0x98: {  	[sflag:s13] =	ssyncset.done @!p0 $0x0  }
0x99: {  	[sflag:s13] =	ssyncadd.s32 @!p0 $0xFFFFD800  }
0x9a: {  	_ =	swait.ge @!p0 [sflag:s13], $0x2800  }
0x9b: {  	[sflag:s13] =	ssyncset.done @!p0 $0x0  }
0x9c: {  	[sflag:s13] =	ssyncadd.s32 @!p0 $0xFFFFD800  }
0x9d: {  	_ =	swait.ge @!p0 [sflag:s13], $0x2800  }
0x9e: {  	[sflag:s13] =	ssyncset.done @!p0 $0x0  }
0x9f: {  	[sflag:s13] =	ssyncadd.s32 @!p0 $0xFFFFD800  }
0xa0: {  	_ =	swait.ge @!p0 [sflag:s13], $0x2800  }
0xa1: {  	[sflag:s13] =	ssyncset.done @!p0 $0x0  }
0xa2: {  	[sflag:s13] =	ssyncadd.s32 @!p0 $0xFFFFD800  }
0xa3: {  	_ =	swait.ge @!p0 [sflag:s13], $0x2800  }
0xa4: {  	[sflag:s13] =	ssyncset.done @!p0 $0x0  }
0xa5: {  	[sflag:s13] =	ssyncadd.s32 @!p0 $0xFFFFD800  }
0xa6: {  	_ =	swait.ge @!p0 [sflag:s13], $0x2800  }
0xa7: {  	[sflag:s13] =	ssyncset.done @!p0 $0x0  }
0xa8: {  	[sflag:s13] =	ssyncadd.s32 @!p0 $0xFFFFD800  }
0xa9: {  	_ =	swait.ge @!p0 [sflag:s13], $0x2800  }
0xaa: {  	[sflag:s13] =	ssyncset.done @!p0 $0x0  }
0xab: {  	[sflag:s13] =	ssyncadd.s32 @!p0 $0xFFFFD800  }
0xac: {  	_ =	swait.ge @!p0 [sflag:s13], $0x2400  }
0xad: {  	[sflag:s13] =	ssyncset.done @!p0 $0x0  }
0xae: {  	[sflag:s13] =	ssyncadd.s32 @!p0 $0xFFFFDC00  }
0xaf: {  	[bflag:$0x0] =	sbarrier.arrive $0xFFFF  }
0xb0: {  	_ =	swait.ge [sflag:s12], $0x2800  }
0xb1: {  	[sflag:s12] =	ssyncset.done $0x0  }
0xb2: {  	[sflag:s12] =	ssyncadd.s32 $0xFFFFD800  }
0xb3: {  	[spmem:s1] =	stream.indirect.scatter.add.f32 [tilespmem:s9], [sflag:$0x4], $0x80, s2, s8, $0xb8;
	[tilespmem:$0x1F080] =	vst v63  }
0xb4: {  	s18 =	simm.s32 $0x100;
	s31 =	simm.s32 $0x2  }
0xb5: {  	[tilespmem:s14], [sflag:$0x3] =	stream.indirect.gather [hbm4b:s4+s8], $0x80, s18, s8, $0xb8;
	[tilespmem:$0x1F080] =	vst v63  }
0xb6: {  	_ =	swait.ge [sflag:s31], $0x2800  }
0xb7: {  	[sflag:s31] =	ssyncset.done $0x0  }
0xb8: {  	s15 =	simm.s32 $0x1080;
	[sflag:s31] =	ssyncadd.s32 $0xFFFFD800  }
0xb9: {  	[spmem:s1] =	stream.indirect.scatter.add.f32 [tilespmem:s11], [sflag:$0x5], $0x80, s15, s8, $0xb8;
	[tilespmem:$0x1F080] =	vst v63  }
.Ltmp3:
0xba: {  	_ = 	snop;
	(pc) =	sbr.rel .LBB2_4-.Ltmp3, $4  }
0xbb: {  	_ =	swait.ge [sflag:s16], $0x2800  }
0xbc: {  	s13 =	simm.s32 $0x200;
	[sflag:s16] =	ssyncset.done $0x0  }
0xbd: {  	s18 =	simm.s32 $0x180;
	s15 =	simm.s32 $0x1100;
	[sflag:s16] =	ssyncadd.s32 $0xFFFFD800  }
0xbe: {  	[tilespmem:s9], [sflag:$0x1] =	stream.indirect.gather [hbm4b:s4+s8], $0x80, s18, s8, $0xb8;
	[tilespmem:$0x1F080] =	vst v63  }
.LBB2_6:
0xbf: {  	_ =	swait.ge [sflag:s19], $0x2800  }
0xc0: {  	[sflag:s19] =	ssyncset.done $0x0  }
0xc1: {  	[sflag:s19] =	ssyncadd.s32 $0xFFFFD800  }
0xc2: {  	[spmem:s1] =	stream.indirect.scatter.add.f32 [tilespmem:s14], [sflag:$0x6], $0x80, s15, s8, $0xb8;
	[tilespmem:$0x1F080] =	vst v63  }
0xc3: {  	_ =	swait.ge [sflag:s20], $0x2800  }
0xc4: {  	[sflag:s20] =	ssyncset.done $0x0  }
0xc5: {  	[sflag:s20] =	ssyncadd.s32 $0xFFFFD800  }
0xc6: {  	[tilespmem:s11], [sflag:$0x2] =	stream.indirect.gather [hbm4b:s4+s8], $0x80, s13, s8, $0xb8;
	[tilespmem:$0x1F080] =	vst v63  }
.LBB2_7:
0xc7: {  	s31 =	sadd.s32 $0x1, s31  }
0xc8: {  	p1 =	sne.s32 s31, $0x1E  }
.Ltmp4:
0xc9: {  	_ = 	snop;
	(pc) =	sbr.rel @!p1 .LBB2_8-.Ltmp4, $2  }
0xca: {  	_ =	sdelay $0x2  }
0xcb: {  	s13 =	sadd.s32 $0x80, s13;
	s15 =	sadd.s32 $0x80, s15  }
.LBB2_4:
0xcc: {  	s18 =	smul.u32 $0xAB, s31;
	_ =	sdelay $0x1  }
0xcd: {  	s18 =	sshrl.u32 s18, $0x9  }
0xce: {  	s18 =	sand.u32 $0x7F, s18  }
0xcf: {  	s18 =	smul.u32 $0x3, s18;
	_ =	sdelay $0x1  }
0xd0: {  	s18 =	ssub.s32 s31, s18  }
0xd1: {  	s18 =	sand.u32 $0xFF, s18  }
0xd2: {  	p1 =	seq.s32 s18, $0x2  }
.Ltmp5:
0xd3: {  	_ = 	snop;
	(pc) =	sbr.rel @p1 .LBB2_6-.Ltmp5, $1  }
0xd4: {  	_ =	sdelay $0x3  }
0xd5: {  	p1 =	seq.s32 s18, $0x1  }
0xd6: {  	_ =	swait.ge @p1 [sflag:s24], $0x2800  }
0xd7: {  	[sflag:s24] =	ssyncset.done @p1 $0x0  }
0xd8: {  	[sflag:s24] =	ssyncadd.s32 @p1 $0xFFFFD800  }
0xd9: {  	[spmem:s1] =	stream.indirect.scatter.add.f32 @p1 [tilespmem:s11], [sflag:$0x5], $0x80, s15, s8, $0xb8;
	[tilespmem:$0x1F080] =	vst v63  }
0xda: {  	_ =	swait.ge @p1 [sflag:s16], $0x2800  }
0xdb: {  	[sflag:s16] =	ssyncset.done @p1 $0x0  }
0xdc: {  	[sflag:s16] =	ssyncadd.s32 @p1 $0xFFFFD800  }
0xdd: {  	[tilespmem:s9], [sflag:$0x1] =	stream.indirect.gather @p1 [hbm4b:s4+s8], $0x80, s13, s8, $0xb8;
	[tilespmem:$0x1F080] =	vst v63  }
0xde: {  	_ =	swait.ge @!p1 [sflag:s12], $0x2800  }
0xdf: {  	[sflag:s12] =	ssyncset.done @!p1 $0x0  }
0xe0: {  	[sflag:s12] =	ssyncadd.s32 @!p1 $0xFFFFD800  }
0xe1: {  	[spmem:s1] =	stream.indirect.scatter.add.f32 @!p1 [tilespmem:s9], [sflag:$0x4], $0x80, s15, s8, $0xb8;
	[tilespmem:$0x1F080] =	vst v63  }
.Ltmp6:
0xe2: {  	_ = 	snop;
	(pc) =	sbr.rel .LBB2_7-.Ltmp6, $4  }
0xe3: {  	_ =	swait.ge @!p1 [sflag:s23], $0x2800  }
0xe4: {  	[sflag:s23] =	ssyncset.done @!p1 $0x0  }
0xe5: {  	[sflag:s23] =	ssyncadd.s32 @!p1 $0xFFFFD800  }
0xe6: {  	[tilespmem:s14], [sflag:$0x3] =	stream.indirect.gather @!p1 [hbm4b:s4+s8], $0x80, s13, s8, $0xb8;
	[tilespmem:$0x1F080] =	vst v63  }
.LBB2_8:
0xe7: {  	_ =	swait.ge [sflag:s21], $0x1000  }
0xe8: {  	[sflag:s21] =	ssyncset.done $0x0  }
0xe9: {  	[sflag:s21] =	ssyncadd.s32 $0xFFFFF000  }
0xea: {  	_ =	swait.ge [sflag:s21], $0x1000  }
0xeb: {  	[sflag:s21] =	ssyncset.done $0x0  }
0xec: {  	[sflag:s21] =	ssyncadd.s32 $0xFFFFF000  }
0xed: {  	_ =	swait.ge [sflag:s12], $0x2800  }
0xee: {  	[sflag:s12] =	ssyncset.done $0x0  }
0xef: {  	[sflag:s12] =	ssyncadd.s32 $0xFFFFD800  }
0xf0: {  	[spmem:s1] =	stream.indirect.scatter.add.f32 [tilespmem:s9], [sflag:$0x4], $0x80, s22, s8, $0xb8;
	[tilespmem:$0x1F080] =	vst v63  }
0xf1: {  	_ =	swait.ge [sflag:s23], $0x2800  }
0xf2: {  	[sflag:s23] =	ssyncset.done $0x0  }
0xf3: {  	[sflag:s23] =	ssyncadd.s32 $0xFFFFD800  }
0xf4: {  	[tilespmem:s14], [sflag:$0x3] =	stream.indirect.gather [hbm4b:s4+s8], $0x80, s5, s8, $0xb8;
	[tilespmem:$0x1F080] =	vst v63  }
0xf5: {  	_ =	swait.ge [sflag:s24], $0x2800  }
0xf6: {  	[sflag:s24] =	ssyncset.done $0x0  }
0xf7: {  	s31 =	simm.s32 $0x4;
	[sflag:s24] =	ssyncadd.s32 $0xFFFFD800  }
0xf8: {  	[spmem:s1] =	stream.indirect.scatter.add.f32 [tilespmem:s11], [sflag:$0x5], $0x80, s25, s8, $0xb8;
	[tilespmem:$0x1F080] =	vst v63  }
0xf9: {  	_ =	swait.ge [sflag:s31], $0x2800  }
0xfa: {  	[sflag:s31] =	ssyncset.done $0x0  }
0xfb: {  	[sflag:s31] =	ssyncadd.s32 $0xFFFFD800  }
0xfc: {  	[tilespmem:s9], [sflag:$0x1] =	stream.indirect.gather [hbm4b:s4+s8], $0x80, s26, s8, $0xb8;
	[tilespmem:$0x1F080] =	vst v63  }
0xfd: {  	_ =	swait.ge [sflag:s19], $0x2800  }
0xfe: {  	[sflag:s19] =	ssyncset.done $0x0  }
0xff: {  	[sflag:s19] =	ssyncadd.s32 $0xFFFFD800  }
0x100: {  	[spmem:s1] =	stream.indirect.scatter.add.f32 [tilespmem:s14], [sflag:$0x6], $0x80, s6, s8, $0xb8;
	[tilespmem:$0x1F080] =	vst v63  }
0x101: {  	_ =	swait.ge [sflag:s20], $0x2800  }
0x102: {  	[sflag:s20] =	ssyncset.done $0x0  }
0x103: {  	[sflag:s20] =	ssyncadd.s32 $0xFFFFD800  }
0x104: {  	[tilespmem:s11], [sflag:$0x2] =	stream.indirect.gather [hbm4b:s4+s8], $0x80, s28, s8, $0xb8;
	[tilespmem:$0x1F080] =	vst v63  }
0x105: {  	_ =	swait.ge [sflag:s12], $0x2800  }
0x106: {  	[sflag:s12] =	ssyncset.done $0x0  }
0x107: {  	[sflag:s12] =	ssyncadd.s32 $0xFFFFD800  }
0x108: {  	[spmem:s1] =	stream.indirect.scatter.add.f32 [tilespmem:s9], [sflag:$0x4], $0x80, s29, s8, $0xb8;
	[tilespmem:$0x1F080] =	vst v63  }
0x109: {  	_ =	swait.ge [sflag:s23], $0x2800  }
0x10a: {  	[sflag:s23] =	ssyncset.done $0x0  }
0x10b: {  	[sflag:s23] =	ssyncadd.s32 $0xFFFFD800  }
0x10c: {  	[tilespmem:s14], [sflag:$0x3] =	stream.indirect.gather [hbm4b:s4+s8], $0x80, s10, s8, $0xb8;
	[tilespmem:$0x1F080] =	vst v63  }
.Ltmp7:
0x10d: {  	_ = 	snop;
	(pc) =	sbr.rel .LBB2_9-.Ltmp7, $4  }
0x10e: {  	s13 =	rddreg [dreg:$0xe]  }
0x10f: {  	[tilespmem:s3], [sflag:$0x7] =	stream.linear.gather [hbm4b:s13+s3], $0x1000, $0x38;
	[tilespmem:$0x1F080] =	vst v63  }
0x110: {  	s15 =	simm.s32 $0x2200;
	s18 =	rddreg [dreg:$0xf];
	s13 =	simm.s32 $0x3100  }
0x111: {  	[tilespmem:s2], [sflag:$0x7] =	stream.linear.gather [hbm4b:s18+s3], $0x1000, $0x38;
	[tilespmem:$0x1F080] =	vst v63  }
.LBB2_11:
0x112: {  	_ =	swait.ge [sflag:s19], $0x2800  }
0x113: {  	[sflag:s19] =	ssyncset.done $0x0  }
0x114: {  	[sflag:s19] =	ssyncadd.s32 $0xFFFFD800  }
0x115: {  	[spmem:s1] =	stream.indirect.scatter.add.f32 [tilespmem:s14], [sflag:$0x6], $0x80, s13, s8, $0xb8;
	[tilespmem:$0x1F080] =	vst v63  }
0x116: {  	_ =	swait.ge [sflag:s20], $0x2800  }
0x117: {  	[sflag:s20] =	ssyncset.done $0x0  }
0x118: {  	[sflag:s20] =	ssyncadd.s32 $0xFFFFD800  }
0x119: {  	[tilespmem:s11], [sflag:$0x2] =	stream.indirect.gather [hbm4b:s4+s8], $0x80, s15, s8, $0xb8;
	[tilespmem:$0x1F080] =	vst v63  }
.LBB2_12:
0x11a: {  	s31 =	sadd.s32 $0x1, s31  }
0x11b: {  	p1 =	sne.s32 s31, $0x20  }
.Ltmp8:
0x11c: {  	_ = 	snop;
	(pc) =	sbr.rel @!p1 .LBB2_13-.Ltmp8, $2  }
0x11d: {  	_ =	sdelay $0x2  }
0x11e: {  	s13 =	sadd.s32 $0x80, s13;
	s15 =	sadd.s32 $0x80, s15  }
.LBB2_9:
0x11f: {  	s18 =	smul.u32 $0xAB, s31;
	_ =	sdelay $0x1  }
0x120: {  	s18 =	sshrl.u32 s18, $0x9  }
0x121: {  	s18 =	sand.u32 $0x7F, s18  }
0x122: {  	s18 =	smul.u32 $0x3, s18;
	_ =	sdelay $0x1  }
0x123: {  	s18 =	ssub.s32 s31, s18  }
0x124: {  	s18 =	sand.u32 $0xFF, s18  }
0x125: {  	p1 =	seq.s32 s18, $0x2  }
.Ltmp9:
0x126: {  	_ = 	snop;
	(pc) =	sbr.rel @p1 .LBB2_11-.Ltmp9, $1  }
0x127: {  	_ =	sdelay $0x3  }
0x128: {  	p1 =	seq.s32 s18, $0x1  }
0x129: {  	_ =	swait.ge @p1 [sflag:s24], $0x2800  }
0x12a: {  	[sflag:s24] =	ssyncset.done @p1 $0x0  }
0x12b: {  	[sflag:s24] =	ssyncadd.s32 @p1 $0xFFFFD800  }
0x12c: {  	[spmem:s1] =	stream.indirect.scatter.add.f32 @p1 [tilespmem:s11], [sflag:$0x5], $0x80, s13, s8, $0xb8;
	[tilespmem:$0x1F080] =	vst v63  }
0x12d: {  	_ =	swait.ge @p1 [sflag:s16], $0x2800  }
0x12e: {  	[sflag:s16] =	ssyncset.done @p1 $0x0  }
0x12f: {  	[sflag:s16] =	ssyncadd.s32 @p1 $0xFFFFD800  }
0x130: {  	[tilespmem:s9], [sflag:$0x1] =	stream.indirect.gather @p1 [hbm4b:s4+s8], $0x80, s15, s8, $0xb8;
	[tilespmem:$0x1F080] =	vst v63  }
0x131: {  	_ =	swait.ge @!p1 [sflag:s12], $0x2800  }
0x132: {  	[sflag:s12] =	ssyncset.done @!p1 $0x0  }
0x133: {  	[sflag:s12] =	ssyncadd.s32 @!p1 $0xFFFFD800  }
0x134: {  	[spmem:s1] =	stream.indirect.scatter.add.f32 @!p1 [tilespmem:s9], [sflag:$0x4], $0x80, s13, s8, $0xb8;
	[tilespmem:$0x1F080] =	vst v63  }
.Ltmp10:
0x135: {  	_ = 	snop;
	(pc) =	sbr.rel .LBB2_12-.Ltmp10, $4  }
0x136: {  	_ =	swait.ge @!p1 [sflag:s23], $0x2800  }
0x137: {  	[sflag:s23] =	ssyncset.done @!p1 $0x0  }
0x138: {  	[sflag:s23] =	ssyncadd.s32 @!p1 $0xFFFFD800  }
0x139: {  	[tilespmem:s14], [sflag:$0x3] =	stream.indirect.gather @!p1 [hbm4b:s4+s8], $0x80, s15, s8, $0xb8;
	[tilespmem:$0x1F080] =	vst v63  }
.LBB2_13:
0x13a: {  	_ =	swait.ge [sflag:s21], $0x1000  }
0x13b: {  	[sflag:s21] =	ssyncset.done $0x0  }
0x13c: {  	[sflag:s21] =	ssyncadd.s32 $0xFFFFF000  }
0x13d: {  	_ =	swait.ge [sflag:s21], $0x1000  }
0x13e: {  	[sflag:s21] =	ssyncset.done $0x0  }
0x13f: {  	s31 =	simm.s32 $0x3;
	[sflag:s21] =	ssyncadd.s32 $0xFFFFF000  }
0x140: {  	_ =	swait.ge [sflag:s31], $0x2800  }
0x141: {  	[sflag:s31] =	ssyncset.done $0x0  }
0x142: {  	s13 =	simm.s32 $0x3F00;
	[sflag:s31] =	ssyncadd.s32 $0xFFFFD800  }
0x143: {  	[spmem:s1] =	stream.indirect.scatter.add.f32 [tilespmem:s14], [sflag:$0x6], $0x80, s13, s8, $0xb8;
	[tilespmem:$0x1F080] =	vst v63  }
0x144: {  	_ =	swait.ge [sflag:s20], $0x2800  }
0x145: {  	[sflag:s20] =	ssyncset.done $0x0  }
0x146: {  	[sflag:s20] =	ssyncadd.s32 $0xFFFFD800  }
0x147: {  	[tilespmem:s11], [sflag:$0x2] =	stream.indirect.gather [hbm4b:s4+s8], $0x80, s3, s8, $0xb8;
	[tilespmem:$0x1F080] =	vst v63  }
0x148: {  	_ =	swait.ge [sflag:s12], $0x2800  }
0x149: {  	[sflag:s12] =	ssyncset.done $0x0  }
0x14a: {  	s18 =	simm.s32 $0x3F80;
	[sflag:s12] =	ssyncadd.s32 $0xFFFFD800  }
0x14b: {  	[spmem:s1] =	stream.indirect.scatter.add.f32 [tilespmem:s9], [sflag:$0x4], $0x80, s18, s8, $0xb8;
	[tilespmem:$0x1F080] =	vst v63  }
0x14c: {  	_ =	swait.ge [sflag:s23], $0x2800  }
0x14d: {  	[sflag:s23] =	ssyncset.done $0x0  }
0x14e: {  	s15 =	simm.s32 $0x80;
	[sflag:s23] =	ssyncadd.s32 $0xFFFFD800  }
0x14f: {  	[tilespmem:s14], [sflag:$0x3] =	stream.indirect.gather [hbm4b:s4+s8], $0x80, s15, s8, $0xb8;
	[tilespmem:$0x1F080] =	vst v63  }
0x150: {  	_ =	swait.ge [sflag:s24], $0x2800  }
0x151: {  	[sflag:s24] =	ssyncset.done $0x0  }
0x152: {  	[sflag:s24] =	ssyncadd.s32 $0xFFFFD800  }
0x153: {  	[spmem:s1] =	stream.indirect.scatter.add.f32 [tilespmem:s11], [sflag:$0x5], $0x80, s2, s8, $0xb8;
	[tilespmem:$0x1F080] =	vst v63  }
0x154: {  	_ =	swait.ge [sflag:s16], $0x2800  }
0x155: {  	[sflag:s16] =	ssyncset.done $0x0  }
0x156: {  	s18 =	simm.s32 $0x100;
	[sflag:s16] =	ssyncadd.s32 $0xFFFFD800  }
0x157: {  	[tilespmem:s9], [sflag:$0x1] =	stream.indirect.gather [hbm4b:s4+s8], $0x80, s18, s8, $0xb8;
	[tilespmem:$0x1F080] =	vst v63  }
0x158: {  	_ =	swait.ge [sflag:s31], $0x2800  }
0x159: {  	[sflag:s31] =	ssyncset.done $0x0  }
0x15a: {  	s15 =	simm.s32 $0x1080;
	[sflag:s31] =	ssyncadd.s32 $0xFFFFD800  }
0x15b: {  	[spmem:s1] =	stream.indirect.scatter.add.f32 [tilespmem:s14], [sflag:$0x6], $0x80, s15, s8, $0xb8;
	[tilespmem:$0x1F080] =	vst v63  }
0x15c: {  	_ =	swait.ge [sflag:s20], $0x2800  }
0x15d: {  	[sflag:s20] =	ssyncset.done $0x0  }
0x15e: {  	s18 =	simm.s32 $0x180;
	[sflag:s20] =	ssyncadd.s32 $0xFFFFD800  }
0x15f: {  	[tilespmem:s11], [sflag:$0x2] =	stream.indirect.gather [hbm4b:s4+s8], $0x80, s18, s8, $0xb8;
	[tilespmem:$0x1F080] =	vst v63  }
.Ltmp11:
0x160: {  	_ = 	snop;
	(pc) =	sbr.rel .LBB2_14-.Ltmp11, $4  }
0x161: {  	s15 =	rddreg [dreg:$0x10]  }
0x162: {  	[tilespmem:s5], [sflag:$0x7] =	stream.linear.gather [hbm4b:s15+s3], $0xE80, $0x38;
	[tilespmem:$0x1F080] =	vst v63  }
0x163: {  	s13 =	simm.s32 $0x200;
	s18 =	rddreg [dreg:$0x11];
	s15 =	simm.s32 $0x1100  }
0x164: {  	[tilespmem:s6], [sflag:$0x7] =	stream.linear.gather [hbm4b:s18+s3], $0xE80, $0x38;
	[tilespmem:$0x1F080] =	vst v63  }
.LBB2_16:
0x165: {  	_ =	swait.ge [sflag:s19], $0x2800  }
0x166: {  	[sflag:s19] =	ssyncset.done $0x0  }
0x167: {  	[sflag:s19] =	ssyncadd.s32 $0xFFFFD800  }
0x168: {  	[spmem:s1] =	stream.indirect.scatter.add.f32 [tilespmem:s14], [sflag:$0x6], $0x80, s15, s8, $0xb8;
	[tilespmem:$0x1F080] =	vst v63  }
0x169: {  	_ =	swait.ge [sflag:s20], $0x2800  }
0x16a: {  	[sflag:s20] =	ssyncset.done $0x0  }
0x16b: {  	[sflag:s20] =	ssyncadd.s32 $0xFFFFD800  }
0x16c: {  	[tilespmem:s11], [sflag:$0x2] =	stream.indirect.gather [hbm4b:s4+s8], $0x80, s13, s8, $0xb8;
	[tilespmem:$0x1F080] =	vst v63  }
.LBB2_17:
0x16d: {  	s31 =	sadd.s32 $0x1, s31  }
0x16e: {  	p1 =	sne.s32 s31, $0x1F  }
.Ltmp12:
0x16f: {  	_ = 	snop;
	(pc) =	sbr.rel @!p1 .LBB2_18-.Ltmp12, $2  }
0x170: {  	_ =	sdelay $0x2  }
0x171: {  	s13 =	sadd.s32 $0x80, s13;
	s15 =	sadd.s32 $0x80, s15  }
.LBB2_14:
0x172: {  	s18 =	smul.u32 $0xAB, s31;
	_ =	sdelay $0x1  }
0x173: {  	s18 =	sshrl.u32 s18, $0x9  }
0x174: {  	s18 =	sand.u32 $0x7F, s18  }
0x175: {  	s18 =	smul.u32 $0x3, s18;
	_ =	sdelay $0x1  }
0x176: {  	s18 =	ssub.s32 s31, s18  }
0x177: {  	s18 =	sand.u32 $0xFF, s18  }
0x178: {  	p1 =	seq.s32 s18, $0x2  }
.Ltmp13:
0x179: {  	_ = 	snop;
	(pc) =	sbr.rel @p1 .LBB2_16-.Ltmp13, $1  }
0x17a: {  	_ =	sdelay $0x3  }
0x17b: {  	p1 =	seq.s32 s18, $0x1  }
0x17c: {  	_ =	swait.ge @p1 [sflag:s24], $0x2800  }
0x17d: {  	[sflag:s24] =	ssyncset.done @p1 $0x0  }
0x17e: {  	[sflag:s24] =	ssyncadd.s32 @p1 $0xFFFFD800  }
0x17f: {  	[spmem:s1] =	stream.indirect.scatter.add.f32 @p1 [tilespmem:s11], [sflag:$0x5], $0x80, s15, s8, $0xb8;
	[tilespmem:$0x1F080] =	vst v63  }
0x180: {  	_ =	swait.ge @p1 [sflag:s16], $0x2800  }
0x181: {  	[sflag:s16] =	ssyncset.done @p1 $0x0  }
0x182: {  	[sflag:s16] =	ssyncadd.s32 @p1 $0xFFFFD800  }
0x183: {  	[tilespmem:s9], [sflag:$0x1] =	stream.indirect.gather @p1 [hbm4b:s4+s8], $0x80, s13, s8, $0xb8;
	[tilespmem:$0x1F080] =	vst v63  }
0x184: {  	_ =	swait.ge @!p1 [sflag:s12], $0x2800  }
0x185: {  	[sflag:s12] =	ssyncset.done @!p1 $0x0  }
0x186: {  	[sflag:s12] =	ssyncadd.s32 @!p1 $0xFFFFD800  }
0x187: {  	[spmem:s1] =	stream.indirect.scatter.add.f32 @!p1 [tilespmem:s9], [sflag:$0x4], $0x80, s15, s8, $0xb8;
	[tilespmem:$0x1F080] =	vst v63  }
.Ltmp14:
0x188: {  	_ = 	snop;
	(pc) =	sbr.rel .LBB2_17-.Ltmp14, $4  }
0x189: {  	_ =	swait.ge @!p1 [sflag:s23], $0x2800  }
0x18a: {  	[sflag:s23] =	ssyncset.done @!p1 $0x0  }
0x18b: {  	[sflag:s23] =	ssyncadd.s32 @!p1 $0xFFFFD800  }
0x18c: {  	[tilespmem:s14], [sflag:$0x3] =	stream.indirect.gather @!p1 [hbm4b:s4+s8], $0x80, s13, s8, $0xb8;
	[tilespmem:$0x1F080] =	vst v63  }
.LBB2_18:
0x18d: {  	_ =	swait.ge [sflag:s21], $0xE80  }
0x18e: {  	[sflag:s21] =	ssyncset.done $0x0  }
0x18f: {  	[sflag:s21] =	ssyncadd.s32 $0xFFFFF180  }
0x190: {  	_ =	swait.ge [sflag:s21], $0xE80  }
0x191: {  	[sflag:s21] =	ssyncset.done $0x0  }
0x192: {  	s31 =	simm.s32 $0x2;
	[sflag:s21] =	ssyncadd.s32 $0xFFFFF180  }
0x193: {  	_ =	swait.ge [sflag:s31], $0x2800  }
0x194: {  	[sflag:s31] =	ssyncset.done $0x0  }
0x195: {  	[sflag:s31] =	ssyncadd.s32 $0xFFFFD800  }
0x196: {  	[spmem:s1] =	stream.indirect.scatter.add.f32 [tilespmem:s11], [sflag:$0x5], $0x80, s22, s8, $0xb8;
	[tilespmem:$0x1F080] =	vst v63  }
0x197: {  	_ =	swait.ge [sflag:s16], $0x2800  }
0x198: {  	[sflag:s16] =	ssyncset.done $0x0  }
0x199: {  	[sflag:s16] =	ssyncadd.s32 $0xFFFFD800  }
0x19a: {  	[tilespmem:s9], [sflag:$0x1] =	stream.indirect.gather [hbm4b:s4+s8], $0x80, s5, s8, $0xb8;
	[tilespmem:$0x1F080] =	vst v63  }
0x19b: {  	_ =	swait.ge [sflag:s19], $0x2800  }
0x19c: {  	[sflag:s19] =	ssyncset.done $0x0  }
0x19d: {  	[sflag:s19] =	ssyncadd.s32 $0xFFFFD800  }
0x19e: {  	[spmem:s1] =	stream.indirect.scatter.add.f32 [tilespmem:s14], [sflag:$0x6], $0x80, s25, s8, $0xb8;
	[tilespmem:$0x1F080] =	vst v63  }
0x19f: {  	_ =	swait.ge [sflag:s20], $0x2800  }
0x1a0: {  	[sflag:s20] =	ssyncset.done $0x0  }
0x1a1: {  	[sflag:s20] =	ssyncadd.s32 $0xFFFFD800  }
0x1a2: {  	[tilespmem:s11], [sflag:$0x2] =	stream.indirect.gather [hbm4b:s4+s8], $0x80, s26, s8, $0xb8;
	[tilespmem:$0x1F080] =	vst v63  }
0x1a3: {  	_ =	swait.ge [sflag:s12], $0x2800  }
0x1a4: {  	[sflag:s12] =	ssyncset.done $0x0  }
0x1a5: {  	[sflag:s12] =	ssyncadd.s32 $0xFFFFD800  }
0x1a6: {  	[spmem:s1] =	stream.indirect.scatter.add.f32 [tilespmem:s9], [sflag:$0x4], $0x80, s6, s8, $0xb8;
	[tilespmem:$0x1F080] =	vst v63  }
0x1a7: {  	_ =	swait.ge [sflag:s23], $0x2800  }
0x1a8: {  	[sflag:s23] =	ssyncset.done $0x0  }
0x1a9: {  	[sflag:s23] =	ssyncadd.s32 $0xFFFFD800  }
0x1aa: {  	[tilespmem:s14], [sflag:$0x3] =	stream.indirect.gather [hbm4b:s4+s8], $0x80, s28, s8, $0xb8;
	[tilespmem:$0x1F080] =	vst v63  }
0x1ab: {  	_ =	swait.ge [sflag:s31], $0x2800  }
0x1ac: {  	[sflag:s31] =	ssyncset.done $0x0  }
0x1ad: {  	[sflag:s31] =	ssyncadd.s32 $0xFFFFD800  }
0x1ae: {  	[spmem:s1] =	stream.indirect.scatter.add.f32 [tilespmem:s11], [sflag:$0x5], $0x80, s29, s8, $0xb8;
	[tilespmem:$0x1F080] =	vst v63  }
.Ltmp15:
0x1af: {  	_ = 	snop;
	(pc) =	sbr.rel .LBB2_19-.Ltmp15, $4  }
0x1b0: {  	_ =	swait.ge [sflag:s16], $0x2800  }
0x1b1: {  	[sflag:s16] =	ssyncset.done $0x0  }
0x1b2: {  	s13 =	simm.s32 $0x2200;
	s15 =	simm.s32 $0x3100;
	[sflag:s16] =	ssyncadd.s32 $0xFFFFD800  }
0x1b3: {  	[tilespmem:s9], [sflag:$0x1] =	stream.indirect.gather [hbm4b:s4+s8], $0x80, s10, s8, $0xb8;
	[tilespmem:$0x1F080] =	vst v63  }
.LBB2_21:
0x1b4: {  	_ =	swait.ge [sflag:s19], $0x2800  }
0x1b5: {  	[sflag:s19] =	ssyncset.done $0x0  }
0x1b6: {  	[sflag:s19] =	ssyncadd.s32 $0xFFFFD800  }
0x1b7: {  	[spmem:s1] =	stream.indirect.scatter.add.f32 [tilespmem:s14], [sflag:$0x6], $0x80, s15, s8, $0xb8;
	[tilespmem:$0x1F080] =	vst v63  }
0x1b8: {  	_ =	swait.ge [sflag:s20], $0x2800  }
0x1b9: {  	[sflag:s20] =	ssyncset.done $0x0  }
0x1ba: {  	[sflag:s20] =	ssyncadd.s32 $0xFFFFD800  }
0x1bb: {  	[tilespmem:s11], [sflag:$0x2] =	stream.indirect.gather [hbm4b:s4+s8], $0x80, s13, s8, $0xb8;
	[tilespmem:$0x1F080] =	vst v63  }
.LBB2_22:
0x1bc: {  	s31 =	sadd.s32 $0x1, s31  }
0x1bd: {  	p1 =	sne.s32 s31, $0x1B  }
.Ltmp16:
0x1be: {  	_ = 	snop;
	(pc) =	sbr.rel @!p1 .LBB2_23-.Ltmp16, $2  }
0x1bf: {  	_ =	sdelay $0x2  }
0x1c0: {  	s13 =	sadd.s32 $0x80, s13;
	s15 =	sadd.s32 $0x80, s15  }
.LBB2_19:
0x1c1: {  	s18 =	smul.u32 $0xAB, s31;
	_ =	sdelay $0x1  }
0x1c2: {  	s18 =	sshrl.u32 s18, $0x9  }
0x1c3: {  	s18 =	sand.u32 $0x7F, s18  }
0x1c4: {  	s18 =	smul.u32 $0x3, s18;
	_ =	sdelay $0x1  }
0x1c5: {  	s18 =	ssub.s32 s31, s18  }
0x1c6: {  	s18 =	sand.u32 $0xFF, s18  }
0x1c7: {  	p1 =	seq.s32 s18, $0x2  }
.Ltmp17:
0x1c8: {  	_ = 	snop;
	(pc) =	sbr.rel @p1 .LBB2_21-.Ltmp17, $1  }
0x1c9: {  	_ =	sdelay $0x3  }
0x1ca: {  	p1 =	seq.s32 s18, $0x1  }
0x1cb: {  	_ =	swait.ge @p1 [sflag:s24], $0x2800  }
0x1cc: {  	[sflag:s24] =	ssyncset.done @p1 $0x0  }
0x1cd: {  	[sflag:s24] =	ssyncadd.s32 @p1 $0xFFFFD800  }
0x1ce: {  	[spmem:s1] =	stream.indirect.scatter.add.f32 @p1 [tilespmem:s11], [sflag:$0x5], $0x80, s15, s8, $0xb8;
	[tilespmem:$0x1F080] =	vst v63  }
0x1cf: {  	_ =	swait.ge @p1 [sflag:s16], $0x2800  }
0x1d0: {  	[sflag:s16] =	ssyncset.done @p1 $0x0  }
0x1d1: {  	[sflag:s16] =	ssyncadd.s32 @p1 $0xFFFFD800  }
0x1d2: {  	[tilespmem:s9], [sflag:$0x1] =	stream.indirect.gather @p1 [hbm4b:s4+s8], $0x80, s13, s8, $0xb8;
	[tilespmem:$0x1F080] =	vst v63  }
0x1d3: {  	_ =	swait.ge @!p1 [sflag:s12], $0x2800  }
0x1d4: {  	[sflag:s12] =	ssyncset.done @!p1 $0x0  }
0x1d5: {  	[sflag:s12] =	ssyncadd.s32 @!p1 $0xFFFFD800  }
0x1d6: {  	[spmem:s1] =	stream.indirect.scatter.add.f32 @!p1 [tilespmem:s9], [sflag:$0x4], $0x80, s15, s8, $0xb8;
	[tilespmem:$0x1F080] =	vst v63  }
.Ltmp18:
0x1d7: {  	_ = 	snop;
	(pc) =	sbr.rel .LBB2_22-.Ltmp18, $4  }
0x1d8: {  	_ =	swait.ge @!p1 [sflag:s23], $0x2800  }
0x1d9: {  	[sflag:s23] =	ssyncset.done @!p1 $0x0  }
0x1da: {  	[sflag:s23] =	ssyncadd.s32 @!p1 $0xFFFFD800  }
0x1db: {  	[tilespmem:s14], [sflag:$0x3] =	stream.indirect.gather @!p1 [hbm4b:s4+s8], $0x80, s13, s8, $0xb8;
	[tilespmem:$0x1F080] =	vst v63  }
.LBB2_24:
0x1dc: {  	_ =	sfence.sel $0x180000  }
0x1dd: {  	[bflag:$0x0] =	sbarrier.arrive $0xFFFF  }
0x1de: {  	_ =	strace $0x9000004A  }
0x1df: {  	s0 =	stileid.u32;
	[bflag:$0x2] =	sbarrier.arrive $0xFFFF  }
0x1e0: {  	p0 =	sne.s32 s0, $0x0;
	s0 =	rddreg [dreg:$0x2]  }
0x1e1: {  	s0 =	sadd.s32 @!p0 $0x100000, s0  }
0x1e2: {  	[sflag:s0] =	ssyncadd.tile.s32 @!p0 $0x1;
	_ =	shalt  }
.Lfunc_end2:
_tile_overlayer_lowered:
.L_overlay_start_2:
0x1e3: {  	(tag) =	ssettag $0x2  }
0x1e4: {  	s0 =	rddreg [dreg:$0x0];
	s2 =	stileid.u32  }
0x1e5: {  	s1 =	rddreg [dreg:$0x1];
	p0 =	sne.s32 s2, $0x0  }
0x1e6: {  	s3 =	rddreg [dreg:$0x2];
	[bflag:$0x3] =	sbarrier.arrive $0xFFFF;
	s2 =	simm.s32 @!p0 $0x1C08  }
0x1e7: {  	[timem:s3], [sflag:s2] =	dma.local @!p0 [hbm:s0], s1  }
0x1e8: {  	s0 =	simm.s32 @!p0 $0x8  }
0x1e9: {  	_ =	swait.ge @!p0 [sflag:s0], s1  }
0x1ea: {  	s1 =	ssub.s32 @!p0 $0x0, s1;
	[sflag:s0] =	ssyncset.done @!p0 $0x0  }
0x1eb: {  	[sflag:s0] =	ssyncadd.s32 @!p0 s1  }
0x1ec: {  	[bflag:$0x3] =	sbarrier.arrive $0xFFFF  }
0x1ed: {  	_ =	shalt  }

</sc_bundles>
